<compile_context>
chip_gen: v7x
topology: tpu7x:2x2x1
jax: 0.10.2.dev20260603
libtpu: 0.0.44.dev20260713+nightly
codegen_flags: <defaults>
</compile_context>

<pallas_src>
import functools

import jax
import jax.numpy as jnp
from jax import lax
from jax.experimental import pallas as pl
from jax.experimental.pallas import tpu as pltpu
from jax.experimental.pallas import tpu_sc as plsc

_info = plsc.get_sparse_core_info()
_NC, _NS, _NL = _info.num_cores, _info.num_subcores, _info.num_lanes
_NW = _NC * _NS

_TAIL = 16


def _make_gather(n_batch: int, n_seq: int, n_tab: int, d: int):
    n_rows = n_batch * n_seq
    rows_per_w = n_rows // _NW
    w_per_batch = _NW // n_batch
    chunk = _NL
    n_chunks = rows_per_w // chunk
    tail0 = n_tab - _TAIL
    mesh = plsc.VectorSubcoreMesh(core_axis_name="c", subcore_axis_name="s")

    @functools.partial(
        pl.kernel,
        mesh=mesh,
        compiler_params=pltpu.CompilerParams(needs_layout_passes=False),
        out_type=jax.ShapeDtypeStruct((n_batch, n_seq, d), jnp.float32),
        scratch_types=[
            pltpu.VMEM((n_chunks, chunk), jnp.int32),
            pltpu.VMEM((n_chunks, chunk), jnp.int32),
            pltpu.VMEM((_TAIL, d), jnp.float32),
        ] + [pltpu.VMEM((chunk, d), jnp.float32)] * 6
          + [pltpu.SemaphoreType.DMA] * 12,
    )
    def gather_kernel(table_hbm, tail_hbm, idx_hbm, out_hbm, idx_v, idx_clp,
                      tl, *bufs):
        rows = bufs[:6]
        gsem = bufs[6:12]
        ssem = bufs[12:18]
        wid = lax.axis_index("s") * _NC + lax.axis_index("c")
        batch = wid // w_per_batch
        base = (wid % w_per_batch) * rows_per_w

        pltpu.sync_copy(idx_hbm.at[wid], idx_v)
        pltpu.sync_copy(tail_hbm, tl)

        @pl.loop(0, n_chunks)
        def _(c):
            idx_clp[c, :] = jnp.minimum(idx_v[c, :], tail0 - 1)

        NB = 6

        def gather(c):
            return pltpu.async_copy(
                table_hbm.at[0].at[idx_clp.at[c]], rows[c % NB],
                gsem[c % NB])

        def store(c):
            return pltpu.async_copy(
                rows[c % NB],
                out_hbm.at[batch, pl.ds(base + c * chunk, chunk)],
                ssem[c % NB])

        LOOKAHEAD = 3
        pend_g = {c: gather(c) for c in range(LOOKAHEAD)}
        pend_s = {}
        for c in range(n_chunks):
            nxt = c + LOOKAHEAD
            if nxt < n_chunks:
                prev = nxt - NB
                if prev in pend_s:
                    pend_s.pop(prev).wait()
                pend_g[nxt] = gather(nxt)
            pend_g.pop(c).wait()
            pend_s[c] = store(c)
        for c in sorted(pend_s):
            pend_s[c].wait()

        @pl.loop(0, n_chunks)
        def _(c):
            idxv = idx_v[c, :]
            cnt = plsc.all_reduce_population_count(idxv >= tail0)

            @pl.when(cnt[0] > 0)
            def _():
                for r in range(chunk):
                    iv = idxv[r]

                    @pl.when(iv >= tail0)
                    def _():
                        pltpu.sync_copy(
                            tl.at[pl.ds(iv - tail0, 1)],
                            out_hbm.at[batch,
                                       pl.ds(base + c * chunk + r, 1)])

    return gather_kernel


def kernel(x_len, index, pe):
    if index is None:
        return pe[:, :x_len, :]
    b, s, _ = index.shape
    n = b * s
    n_tab = pe.shape[1]
    tail = pe[0, n_tab - _TAIL:, :]
    idx_3d = index.reshape(_NW, n // (_NW * _NL), _NL).astype(jnp.int32)
    return _make_gather(b, s, n_tab, pe.shape[2])(pe, tail, idx_3d)

# --- scband reference (transcript-rebuilt; emitter-appended) ---
"""Pipeline reference for scband-positional-encoding-56023553409791 (READ-ONLY COPY).

The authoritative reference and input builder live on the scoring server;
editing this copy changes nothing except your own understanding.
"""

import jax, jax.numpy as jnp
import numpy as np
import math

D_MODEL = 1024
MAX_LEN = 4097

def _build_pe():
    position = jnp.arange(0, MAX_LEN, dtype=jnp.float32)[:, None]
    div_term = jnp.exp(jnp.arange(0, D_MODEL, 2, dtype=jnp.float32) * (-math.log(10000.0) / D_MODEL))
    pe = jnp.zeros((MAX_LEN, D_MODEL), dtype=jnp.float32)
    pe = pe.at[:, 0::2].set(jnp.sin(position * div_term))
    pe = pe.at[:, 1::2].set(jnp.cos(position * div_term))
    return pe[None, :, :]  # [1, max_len, d_model], matches torch buffer layout

def setup_inputs(seed: int = 0) -> dict:
    key = jax.random.key(seed)
    index = jax.random.randint(jax.random.fold_in(key, 1), (4, 4096, 1), 0, MAX_LEN, dtype=jnp.int64)
    return {"x_len": 4096, "index": index, "pe": _build_pe()}

def reference(x_len, index, pe):
    if index is None:
        return pe[:, :x_len, :]
    p = pe[0]  # squeeze(0)
    return p[index[..., 0]]  # gather rows of positional table -> [4, 4096, 1024]

if __name__ == "__main__":
    import jax
    _d = setup_inputs()
    print(jax.jit(kernel)(*tuple(_d.values())))

</pallas_src>

<mosaic_0001>
#map = affine_map<(d0, d1) -> (0, 0, 0)>
#map1 = affine_map<(d0, d1) -> (0, 0)>
module attributes {stable_mosaic.version = 14 : i64} {
  func.func @gather_kernel(%arg0: i32, %arg1: i32, %arg2: memref<1x4097x1024xf32, #tpu.memory_space<hbm>>, %arg3: memref<16x1024xf32, #tpu.memory_space<hbm>>, %arg4: memref<32x32x16xi32, #tpu.memory_space<hbm>>, %arg5: memref<4x4096x1024xf32, #tpu.memory_space<hbm>>, %arg6: memref<32x16xi32, #tpu.memory_space<vmem>>, %arg7: memref<32x16xi32, #tpu.memory_space<vmem>>, %arg8: memref<16x1024xf32, #tpu.memory_space<vmem>>, %arg9: memref<16x1024xf32, #tpu.memory_space<vmem>>, %arg10: memref<16x1024xf32, #tpu.memory_space<vmem>>, %arg11: memref<16x1024xf32, #tpu.memory_space<vmem>>, %arg12: memref<16x1024xf32, #tpu.memory_space<vmem>>, %arg13: memref<16x1024xf32, #tpu.memory_space<vmem>>, %arg14: memref<16x1024xf32, #tpu.memory_space<vmem>>, %arg15: memref<!tpu.dma_semaphore, #tpu.memory_space<semaphore_mem>>, %arg16: memref<!tpu.dma_semaphore, #tpu.memory_space<semaphore_mem>>, %arg17: memref<!tpu.dma_semaphore, #tpu.memory_space<semaphore_mem>>, %arg18: memref<!tpu.dma_semaphore, #tpu.memory_space<semaphore_mem>>, %arg19: memref<!tpu.dma_semaphore, #tpu.memory_space<semaphore_mem>>, %arg20: memref<!tpu.dma_semaphore, #tpu.memory_space<semaphore_mem>>, %arg21: memref<!tpu.dma_semaphore, #tpu.memory_space<semaphore_mem>>, %arg22: memref<!tpu.dma_semaphore, #tpu.memory_space<semaphore_mem>>, %arg23: memref<!tpu.dma_semaphore, #tpu.memory_space<semaphore_mem>>, %arg24: memref<!tpu.dma_semaphore, #tpu.memory_space<semaphore_mem>>, %arg25: memref<!tpu.dma_semaphore, #tpu.memory_space<semaphore_mem>>, %arg26: memref<!tpu.dma_semaphore, #tpu.memory_space<semaphore_mem>>) attributes {dimension_semantics = [#tpu.dimension_semantics<core_parallel>, #tpu.dimension_semantics<subcore_parallel>], iteration_bounds = array<i64: 2, 16>, scalar_prefetch = 0 : i64, scratch_operands = 21 : i64, tpu.core_type = #tpu.core_type<sc_vector_subcore>, window_params = [{transform_indices = #map}, {transform_indices = #map1}, {transform_indices = #map}, {transform_indices = #map}]} {
    %mul3A = arith.constant 2 : i32
    %mul3A_0 = arith.muli %arg1, %mul3A : i32
    %add3A = arith.addi %mul3A_0, %arg0 : i32
    %jit3A = arith.constant 8 : i32
    %div3A = arith.divsi %add3A, %jit3A : i32
    %sign3A = arith.constant 0 : i32
    %sign3A_1 = arith.cmpi sgt, %add3A, %sign3A : i32
    %sign3A_2 = arith.extui %sign3A_1 : i1 to i32
    %sign3A_3 = arith.constant 0 : i32
    %sign3A_4 = arith.cmpi slt, %add3A, %sign3A_3 : i32
    %sign3A_5 = arith.extui %sign3A_4 : i1 to i32
    %sign3A_6 = arith.subi %sign3A_2, %sign3A_5 : i32
    %sign3A_7 = arith.constant 0 : i32
    %sign3A_8 = arith.cmpi sgt, %jit3A, %sign3A_7 : i32
    %sign3A_9 = arith.extui %sign3A_8 : i1 to i32
    %sign3A_10 = arith.constant 0 : i32
    %sign3A_11 = arith.cmpi slt, %jit3A, %sign3A_10 : i32
    %sign3A_12 = arith.extui %sign3A_11 : i1 to i32
    %sign3A_13 = arith.subi %sign3A_9, %sign3A_12 : i32
    %ne3A = arith.cmpi ne, %sign3A_6, %sign3A_13 : i32
    %rem3A = arith.remsi %add3A, %jit3A : i32
    %ne3A_14 = arith.constant 0 : i32
    %ne3A_15 = arith.cmpi ne, %rem3A, %ne3A_14 : i32
    %and3A = arith.andi %ne3A, %ne3A_15 : i1
    %sub3A = arith.constant 1 : i32
    %sub3A_16 = arith.subi %div3A, %sub3A : i32
    %select_n3A = arith.select %and3A, %sub3A_16, %div3A : i32
    %jit3A_17 = arith.constant 8 : i32
    %eq3A = arith.constant 0 : i32
    %eq3A_18 = arith.cmpi eq, %jit3A_17, %eq3A : i32
    %jit3A_19 = arith.constant 1 : i32
    %select_n3A_20 = arith.select %eq3A_18, %jit3A_19, %jit3A_17 : i32
    %rem3A_21 = arith.remsi %add3A, %select_n3A_20 : i32
    %ne3A_22 = arith.constant 0 : i32
    %ne3A_23 = arith.cmpi ne, %rem3A_21, %ne3A_22 : i32
    %lt3A = arith.constant 0 : i32
    %lt3A_24 = arith.cmpi slt, %rem3A_21, %lt3A : i32
    %lt3A_25 = arith.constant 0 : i32
    %lt3A_26 = arith.cmpi slt, %select_n3A_20, %lt3A_25 : i32
    %ne3A_27 = arith.xori %lt3A_24, %lt3A_26 : i1
    %and3A_28 = arith.andi %ne3A_27, %ne3A_23 : i1
    %add3A_29 = arith.addi %rem3A_21, %select_n3A_20 : i32
    %select_n3A_30 = arith.select %and3A_28, %add3A_29, %rem3A_21 : i32
    %mul3A_31 = arith.constant 512 : i32
    %mul3A_32 = arith.muli %select_n3A_30, %mul3A_31 : i32
    "tpu.region"() ({
      %run_scoped3A = tpu.sem_alloc : memref<!tpu.dma_semaphore, #tpu.memory_space<semaphore_mem>>
      %dma_start3A_1256 = arith.constant 0 : i32
      %dma_start3A_1257 = arith.constant 0 : i32
      %dma_start3A_1258 = tpu.memref_slice %arg4[%add3A, %dma_start3A_1256, %dma_start3A_1257] : memref<32x32x16xi32, #tpu.memory_space<hbm>> -> memref<1x32x16xi32, #tpu.memory_space<hbm>>
      %dma_start3A_1259 = tpu.memref_squeeze %dma_start3A_1258 : memref<1x32x16xi32, #tpu.memory_space<hbm>> -> memref<32x16xi32, #tpu.memory_space<hbm>>
      %dma_start3A_1260 = arith.constant 0 : i32
      %dma_start3A_1261 = arith.constant 0 : i32
      %dma_start3A_1262 = tpu.memref_slice %arg4[%add3A, %dma_start3A_1260, %dma_start3A_1261] : memref<32x32x16xi32, #tpu.memory_space<hbm>> -> memref<1x32x16xi32, #tpu.memory_space<hbm>>
      %dma_start3A_1263 = tpu.memref_squeeze %dma_start3A_1262 : memref<1x32x16xi32, #tpu.memory_space<hbm>> -> memref<32x16xi32, #tpu.memory_space<hbm>>
      tpu.enqueue_dma source(%dma_start3A_1263 : memref<32x16xi32, #tpu.memory_space<hbm>>) target(%arg6 : memref<32x16xi32, #tpu.memory_space<vmem>>) target_semaphore(%run_scoped3A : memref<!tpu.dma_semaphore, #tpu.memory_space<semaphore_mem>>)
      %dma_wait3A_1264 = arith.constant 0 : i32
      %dma_wait3A_1265 = arith.constant 0 : i32
      %dma_wait3A_1266 = tpu.memref_slice %arg4[%add3A, %dma_wait3A_1264, %dma_wait3A_1265] : memref<32x32x16xi32, #tpu.memory_space<hbm>> -> memref<1x32x16xi32, #tpu.memory_space<hbm>>
      %dma_wait3A_1267 = tpu.memref_squeeze %dma_wait3A_1266 : memref<1x32x16xi32, #tpu.memory_space<hbm>> -> memref<32x16xi32, #tpu.memory_space<hbm>>
      %dma_wait3A_1268 = arith.constant 0 : i32
      %dma_wait3A_1269 = arith.constant 0 : i32
      %dma_wait3A_1270 = tpu.memref_slice %arg4[%add3A, %dma_wait3A_1268, %dma_wait3A_1269] : memref<32x32x16xi32, #tpu.memory_space<hbm>> -> memref<1x32x16xi32, #tpu.memory_space<hbm>>
      %dma_wait3A_1271 = tpu.memref_squeeze %dma_wait3A_1270 : memref<1x32x16xi32, #tpu.memory_space<hbm>> -> memref<32x16xi32, #tpu.memory_space<hbm>>
      tpu.wait_dma2 semaphore(%run_scoped3A : memref<!tpu.dma_semaphore, #tpu.memory_space<semaphore_mem>>) src(%dma_wait3A_1271 : memref<32x16xi32, #tpu.memory_space<hbm>>) dst(%arg6 : memref<32x16xi32, #tpu.memory_space<vmem>>)
      tpu.yield
    }) : () -> ()
    "tpu.region"() ({
      %run_scoped3A = tpu.sem_alloc : memref<!tpu.dma_semaphore, #tpu.memory_space<semaphore_mem>>
      tpu.enqueue_dma source(%arg3 : memref<16x1024xf32, #tpu.memory_space<hbm>>) target(%arg8 : memref<16x1024xf32, #tpu.memory_space<vmem>>) target_semaphore(%run_scoped3A : memref<!tpu.dma_semaphore, #tpu.memory_space<semaphore_mem>>)
      tpu.wait_dma2 semaphore(%run_scoped3A : memref<!tpu.dma_semaphore, #tpu.memory_space<semaphore_mem>>) src(%arg3 : memref<16x1024xf32, #tpu.memory_space<hbm>>) dst(%arg8 : memref<16x1024xf32, #tpu.memory_space<vmem>>)
      tpu.yield
    }) : () -> ()
    %scan3A = arith.constant 0 : i32
    %scan3A_33 = arith.constant 32 : i32
    %scan3A_34 = arith.addi %scan3A, %scan3A_33 : i32
    %scan3A_35 = arith.constant 1 : i32
    scf.for %scan3A_1256 = %scan3A to %scan3A_34 step %scan3A_35  : i32 {
      %mul3A_1257 = arith.constant 1 : i32
      %mul3A_1258 = arith.muli %scan3A_1256, %mul3A_1257 : i32
      %add3A_1259 = arith.constant 0 : i32
      %add3A_1260 = arith.addi %add3A_1259, %mul3A_1258 : i32
      %get3A = arith.index_cast %add3A_1260 : i32 to index
      %get3A_1261 = arith.constant 0 : index
      %get3A_1262 = tpu.vector_load %arg6[%get3A, %get3A_1261] {strides = array<i32>} : memref<32x16xi32, #tpu.memory_space<vmem>>, vector<16xi32>,
      %min3A = arith.constant 4080 : i32
      %min3A_1263 = vector.broadcast %min3A : i32 to vector<16xi32>
      %min3A_1264 = arith.minsi %get3A_1262, %min3A_1263 : vector<16xi32>
      %swap3A = arith.index_cast %add3A_1260 : i32 to index
      %swap3A_1265 = arith.constant 0 : index
      %swap3A_1266 = tpu.vector_load %arg7[%swap3A, %swap3A_1265] {strides = array<i32>} : memref<32x16xi32, #tpu.memory_space<vmem>>, vector<16xi32>,
      tpu.vector_store %arg7[%swap3A, %swap3A_1265], %min3A_1264 {strides = array<i32>} : memref<32x16xi32, #tpu.memory_space<vmem>>, vector<16xi32>,
    }
    %scan3A_36 = arith.constant 32 : i32
    %dma_start3A = arith.constant 0 : i32
    %dma_start3A_37 = arith.constant 0 : i32
    %dma_start3A_38 = arith.constant 0 : i32
    %dma_start3A_39 = tpu.memref_slice %arg7[%dma_start3A_37, %dma_start3A_38] : memref<32x16xi32, #tpu.memory_space<vmem>> -> memref<1x16xi32, #tpu.memory_space<vmem>>
    %dma_start3A_40 = tpu.memref_squeeze %dma_start3A_39 : memref<1x16xi32, #tpu.memory_space<vmem>> -> memref<16xi32, #tpu.memory_space<vmem>>
    %dma_start3A_41 = arith.constant 0 : i32
    %dma_start3A_42 = arith.constant 0 : i32
    %dma_start3A_43 = tpu.memref_slice %arg2[%dma_start3A, %dma_start3A_41, %dma_start3A_42] : memref<1x4097x1024xf32, #tpu.memory_space<hbm>> -> memref<1x4097x1024xf32, #tpu.memory_space<hbm>>
    %dma_start3A_44 = tpu.memref_squeeze %dma_start3A_43 : memref<1x4097x1024xf32, #tpu.memory_space<hbm>> -> memref<4097x1024xf32, #tpu.memory_space<hbm>>
    %dma_start3A_45 = arith.constant 0 : i32
    %dma_start3A_46 = arith.constant 0 : i32
    %dma_start3A_47 = tpu.memref_slice %dma_start3A_44[%dma_start3A_45, %dma_start3A_46] : memref<4097x1024xf32, #tpu.memory_space<hbm>> -> memref<4097x1024xf32, #tpu.memory_space<hbm>>
    tpu.enqueue_indirect_dma source(%dma_start3A_47 : memref<4097x1024xf32, #tpu.memory_space<hbm>>) target(%arg9 : memref<16x1024xf32, #tpu.memory_space<vmem>>) offsets(%dma_start3A_40 : memref<16xi32, #tpu.memory_space<vmem>>) semaphore(%arg15 : memref<!tpu.dma_semaphore, #tpu.memory_space<semaphore_mem>>)
    %dma_start3A_48 = arith.constant 0 : i32
    %dma_start3A_49 = arith.constant 1 : i32
    %dma_start3A_50 = arith.constant 0 : i32
    %dma_start3A_51 = tpu.memref_slice %arg7[%dma_start3A_49, %dma_start3A_50] : memref<32x16xi32, #tpu.memory_space<vmem>> -> memref<1x16xi32, #tpu.memory_space<vmem>>
    %dma_start3A_52 = tpu.memref_squeeze %dma_start3A_51 : memref<1x16xi32, #tpu.memory_space<vmem>> -> memref<16xi32, #tpu.memory_space<vmem>>
    %dma_start3A_53 = arith.constant 0 : i32
    %dma_start3A_54 = arith.constant 0 : i32
    %dma_start3A_55 = tpu.memref_slice %arg2[%dma_start3A_48, %dma_start3A_53, %dma_start3A_54] : memref<1x4097x1024xf32, #tpu.memory_space<hbm>> -> memref<1x4097x1024xf32, #tpu.memory_space<hbm>>
    %dma_start3A_56 = tpu.memref_squeeze %dma_start3A_55 : memref<1x4097x1024xf32, #tpu.memory_space<hbm>> -> memref<4097x1024xf32, #tpu.memory_space<hbm>>
    %dma_start3A_57 = arith.constant 0 : i32
    %dma_start3A_58 = arith.constant 0 : i32
    %dma_start3A_59 = tpu.memref_slice %dma_start3A_56[%dma_start3A_57, %dma_start3A_58] : memref<4097x1024xf32, #tpu.memory_space<hbm>> -> memref<4097x1024xf32, #tpu.memory_space<hbm>>
    tpu.enqueue_indirect_dma source(%dma_start3A_59 : memref<4097x1024xf32, #tpu.memory_space<hbm>>) target(%arg10 : memref<16x1024xf32, #tpu.memory_space<vmem>>) offsets(%dma_start3A_52 : memref<16xi32, #tpu.memory_space<vmem>>) semaphore(%arg16 : memref<!tpu.dma_semaphore, #tpu.memory_space<semaphore_mem>>)
    %dma_start3A_60 = arith.constant 0 : i32
    %dma_start3A_61 = arith.constant 2 : i32
    %dma_start3A_62 = arith.constant 0 : i32
    %dma_start3A_63 = tpu.memref_slice %arg7[%dma_start3A_61, %dma_start3A_62] : memref<32x16xi32, #tpu.memory_space<vmem>> -> memref<1x16xi32, #tpu.memory_space<vmem>>
    %dma_start3A_64 = tpu.memref_squeeze %dma_start3A_63 : memref<1x16xi32, #tpu.memory_space<vmem>> -> memref<16xi32, #tpu.memory_space<vmem>>
    %dma_start3A_65 = arith.constant 0 : i32
    %dma_start3A_66 = arith.constant 0 : i32
    %dma_start3A_67 = tpu.memref_slice %arg2[%dma_start3A_60, %dma_start3A_65, %dma_start3A_66] : memref<1x4097x1024xf32, #tpu.memory_space<hbm>> -> memref<1x4097x1024xf32, #tpu.memory_space<hbm>>
    %dma_start3A_68 = tpu.memref_squeeze %dma_start3A_67 : memref<1x4097x1024xf32, #tpu.memory_space<hbm>> -> memref<4097x1024xf32, #tpu.memory_space<hbm>>
    %dma_start3A_69 = arith.constant 0 : i32
    %dma_start3A_70 = arith.constant 0 : i32
    %dma_start3A_71 = tpu.memref_slice %dma_start3A_68[%dma_start3A_69, %dma_start3A_70] : memref<4097x1024xf32, #tpu.memory_space<hbm>> -> memref<4097x1024xf32, #tpu.memory_space<hbm>>
    tpu.enqueue_indirect_dma source(%dma_start3A_71 : memref<4097x1024xf32, #tpu.memory_space<hbm>>) target(%arg11 : memref<16x1024xf32, #tpu.memory_space<vmem>>) offsets(%dma_start3A_64 : memref<16xi32, #tpu.memory_space<vmem>>) semaphore(%arg17 : memref<!tpu.dma_semaphore, #tpu.memory_space<semaphore_mem>>)
    %dma_start3A_72 = arith.constant 0 : i32
    %dma_start3A_73 = arith.constant 3 : i32
    %dma_start3A_74 = arith.constant 0 : i32
    %dma_start3A_75 = tpu.memref_slice %arg7[%dma_start3A_73, %dma_start3A_74] : memref<32x16xi32, #tpu.memory_space<vmem>> -> memref<1x16xi32, #tpu.memory_space<vmem>>
    %dma_start3A_76 = tpu.memref_squeeze %dma_start3A_75 : memref<1x16xi32, #tpu.memory_space<vmem>> -> memref<16xi32, #tpu.memory_space<vmem>>
    %dma_start3A_77 = arith.constant 0 : i32
    %dma_start3A_78 = arith.constant 0 : i32
    %dma_start3A_79 = tpu.memref_slice %arg2[%dma_start3A_72, %dma_start3A_77, %dma_start3A_78] : memref<1x4097x1024xf32, #tpu.memory_space<hbm>> -> memref<1x4097x1024xf32, #tpu.memory_space<hbm>>
    %dma_start3A_80 = tpu.memref_squeeze %dma_start3A_79 : memref<1x4097x1024xf32, #tpu.memory_space<hbm>> -> memref<4097x1024xf32, #tpu.memory_space<hbm>>
    %dma_start3A_81 = arith.constant 0 : i32
    %dma_start3A_82 = arith.constant 0 : i32
    %dma_start3A_83 = tpu.memref_slice %dma_start3A_80[%dma_start3A_81, %dma_start3A_82] : memref<4097x1024xf32, #tpu.memory_space<hbm>> -> memref<4097x1024xf32, #tpu.memory_space<hbm>>
    tpu.enqueue_indirect_dma source(%dma_start3A_83 : memref<4097x1024xf32, #tpu.memory_space<hbm>>) target(%arg12 : memref<16x1024xf32, #tpu.memory_space<vmem>>) offsets(%dma_start3A_76 : memref<16xi32, #tpu.memory_space<vmem>>) semaphore(%arg18 : memref<!tpu.dma_semaphore, #tpu.memory_space<semaphore_mem>>)
    %dma_wait3A = arith.constant 0 : i32
    %dma_wait3A_84 = arith.constant 0 : i32
    %dma_wait3A_85 = arith.constant 0 : i32
    %dma_wait3A_86 = tpu.memref_slice %arg7[%dma_wait3A_84, %dma_wait3A_85] : memref<32x16xi32, #tpu.memory_space<vmem>> -> memref<1x16xi32, #tpu.memory_space<vmem>>
    %dma_wait3A_87 = tpu.memref_squeeze %dma_wait3A_86 : memref<1x16xi32, #tpu.memory_space<vmem>> -> memref<16xi32, #tpu.memory_space<vmem>>
    %dma_wait3A_88 = arith.constant 0 : i32
    %dma_wait3A_89 = arith.constant 0 : i32
    %dma_wait3A_90 = tpu.memref_slice %arg2[%dma_wait3A, %dma_wait3A_88, %dma_wait3A_89] : memref<1x4097x1024xf32, #tpu.memory_space<hbm>> -> memref<1x4097x1024xf32, #tpu.memory_space<hbm>>
    %dma_wait3A_91 = tpu.memref_squeeze %dma_wait3A_90 : memref<1x4097x1024xf32, #tpu.memory_space<hbm>> -> memref<4097x1024xf32, #tpu.memory_space<hbm>>
    %dma_wait3A_92 = arith.constant 0 : i32
    %dma_wait3A_93 = arith.constant 0 : i32
    %dma_wait3A_94 = tpu.memref_slice %dma_wait3A_91[%dma_wait3A_92, %dma_wait3A_93] : memref<4097x1024xf32, #tpu.memory_space<hbm>> -> memref<4097x1024xf32, #tpu.memory_space<hbm>>
    tpu.wait_indirect_dma semaphore(%arg15 : memref<!tpu.dma_semaphore, #tpu.memory_space<semaphore_mem>>) src(%dma_wait3A_94 : memref<4097x1024xf32, #tpu.memory_space<hbm>>) dst(%arg9 : memref<16x1024xf32, #tpu.memory_space<vmem>>)
    %add3A_95 = arith.constant 0 : i32
    %add3A_96 = arith.addi %mul3A_32, %add3A_95 : i32
    %dma_start3A_97 = arith.constant 0 : i32
    %dma_start3A_98 = tpu.memref_slice %arg5[%select_n3A, %add3A_96, %dma_start3A_97] : memref<4x4096x1024xf32, #tpu.memory_space<hbm>> -> memref<1x16x1024xf32, #tpu.memory_space<hbm>>
    %dma_start3A_99 = tpu.memref_squeeze %dma_start3A_98 : memref<1x16x1024xf32, #tpu.memory_space<hbm>> -> memref<16x1024xf32, #tpu.memory_space<hbm>>
    %dma_start3A_100 = arith.constant 0 : i32
    %dma_start3A_101 = tpu.memref_slice %arg5[%select_n3A, %add3A_96, %dma_start3A_100] : memref<4x4096x1024xf32, #tpu.memory_space<hbm>> -> memref<1x16x1024xf32, #tpu.memory_space<hbm>>
    %dma_start3A_102 = tpu.memref_squeeze %dma_start3A_101 : memref<1x16x1024xf32, #tpu.memory_space<hbm>> -> memref<16x1024xf32, #tpu.memory_space<hbm>>
    tpu.enqueue_dma source(%arg9 : memref<16x1024xf32, #tpu.memory_space<vmem>>) target(%dma_start3A_102 : memref<16x1024xf32, #tpu.memory_space<hbm>>) target_semaphore(%arg21 : memref<!tpu.dma_semaphore, #tpu.memory_space<semaphore_mem>>)
    %dma_start3A_103 = arith.constant 0 : i32
    %dma_start3A_104 = arith.constant 4 : i32
    %dma_start3A_105 = arith.constant 0 : i32
    %dma_start3A_106 = tpu.memref_slice %arg7[%dma_start3A_104, %dma_start3A_105] : memref<32x16xi32, #tpu.memory_space<vmem>> -> memref<1x16xi32, #tpu.memory_space<vmem>>
    %dma_start3A_107 = tpu.memref_squeeze %dma_start3A_106 : memref<1x16xi32, #tpu.memory_space<vmem>> -> memref<16xi32, #tpu.memory_space<vmem>>
    %dma_start3A_108 = arith.constant 0 : i32
    %dma_start3A_109 = arith.constant 0 : i32
    %dma_start3A_110 = tpu.memref_slice %arg2[%dma_start3A_103, %dma_start3A_108, %dma_start3A_109] : memref<1x4097x1024xf32, #tpu.memory_space<hbm>> -> memref<1x4097x1024xf32, #tpu.memory_space<hbm>>
    %dma_start3A_111 = tpu.memref_squeeze %dma_start3A_110 : memref<1x4097x1024xf32, #tpu.memory_space<hbm>> -> memref<4097x1024xf32, #tpu.memory_space<hbm>>
    %dma_start3A_112 = arith.constant 0 : i32
    %dma_start3A_113 = arith.constant 0 : i32
    %dma_start3A_114 = tpu.memref_slice %dma_start3A_111[%dma_start3A_112, %dma_start3A_113] : memref<4097x1024xf32, #tpu.memory_space<hbm>> -> memref<4097x1024xf32, #tpu.memory_space<hbm>>
    tpu.enqueue_indirect_dma source(%dma_start3A_114 : memref<4097x1024xf32, #tpu.memory_space<hbm>>) target(%arg13 : memref<16x1024xf32, #tpu.memory_space<vmem>>) offsets(%dma_start3A_107 : memref<16xi32, #tpu.memory_space<vmem>>) semaphore(%arg19 : memref<!tpu.dma_semaphore, #tpu.memory_space<semaphore_mem>>)
    %dma_wait3A_115 = arith.constant 0 : i32
    %dma_wait3A_116 = arith.constant 1 : i32
    %dma_wait3A_117 = arith.constant 0 : i32
    %dma_wait3A_118 = tpu.memref_slice %arg7[%dma_wait3A_116, %dma_wait3A_117] : memref<32x16xi32, #tpu.memory_space<vmem>> -> memref<1x16xi32, #tpu.memory_space<vmem>>
    %dma_wait3A_119 = tpu.memref_squeeze %dma_wait3A_118 : memref<1x16xi32, #tpu.memory_space<vmem>> -> memref<16xi32, #tpu.memory_space<vmem>>
    %dma_wait3A_120 = arith.constant 0 : i32
    %dma_wait3A_121 = arith.constant 0 : i32
    %dma_wait3A_122 = tpu.memref_slice %arg2[%dma_wait3A_115, %dma_wait3A_120, %dma_wait3A_121] : memref<1x4097x1024xf32, #tpu.memory_space<hbm>> -> memref<1x4097x1024xf32, #tpu.memory_space<hbm>>
    %dma_wait3A_123 = tpu.memref_squeeze %dma_wait3A_122 : memref<1x4097x1024xf32, #tpu.memory_space<hbm>> -> memref<4097x1024xf32, #tpu.memory_space<hbm>>
    %dma_wait3A_124 = arith.constant 0 : i32
    %dma_wait3A_125 = arith.constant 0 : i32
    %dma_wait3A_126 = tpu.memref_slice %dma_wait3A_123[%dma_wait3A_124, %dma_wait3A_125] : memref<4097x1024xf32, #tpu.memory_space<hbm>> -> memref<4097x1024xf32, #tpu.memory_space<hbm>>
    tpu.wait_indirect_dma semaphore(%arg16 : memref<!tpu.dma_semaphore, #tpu.memory_space<semaphore_mem>>) src(%dma_wait3A_126 : memref<4097x1024xf32, #tpu.memory_space<hbm>>) dst(%arg10 : memref<16x1024xf32, #tpu.memory_space<vmem>>)
    %add3A_127 = arith.constant 16 : i32
    %add3A_128 = arith.addi %mul3A_32, %add3A_127 : i32
    %dma_start3A_129 = arith.constant 0 : i32
    %dma_start3A_130 = tpu.memref_slice %arg5[%select_n3A, %add3A_128, %dma_start3A_129] : memref<4x4096x1024xf32, #tpu.memory_space<hbm>> -> memref<1x16x1024xf32, #tpu.memory_space<hbm>>
    %dma_start3A_131 = tpu.memref_squeeze %dma_start3A_130 : memref<1x16x1024xf32, #tpu.memory_space<hbm>> -> memref<16x1024xf32, #tpu.memory_space<hbm>>
    %dma_start3A_132 = arith.constant 0 : i32
    %dma_start3A_133 = tpu.memref_slice %arg5[%select_n3A, %add3A_128, %dma_start3A_132] : memref<4x4096x1024xf32, #tpu.memory_space<hbm>> -> memref<1x16x1024xf32, #tpu.memory_space<hbm>>
    %dma_start3A_134 = tpu.memref_squeeze %dma_start3A_133 : memref<1x16x1024xf32, #tpu.memory_space<hbm>> -> memref<16x1024xf32, #tpu.memory_space<hbm>>
    tpu.enqueue_dma source(%arg10 : memref<16x1024xf32, #tpu.memory_space<vmem>>) target(%dma_start3A_134 : memref<16x1024xf32, #tpu.memory_space<hbm>>) target_semaphore(%arg22 : memref<!tpu.dma_semaphore, #tpu.memory_space<semaphore_mem>>)
    %dma_start3A_135 = arith.constant 0 : i32
    %dma_start3A_136 = arith.constant 5 : i32
    %dma_start3A_137 = arith.constant 0 : i32
    %dma_start3A_138 = tpu.memref_slice %arg7[%dma_start3A_136, %dma_start3A_137] : memref<32x16xi32, #tpu.memory_space<vmem>> -> memref<1x16xi32, #tpu.memory_space<vmem>>
    %dma_start3A_139 = tpu.memref_squeeze %dma_start3A_138 : memref<1x16xi32, #tpu.memory_space<vmem>> -> memref<16xi32, #tpu.memory_space<vmem>>
    %dma_start3A_140 = arith.constant 0 : i32
    %dma_start3A_141 = arith.constant 0 : i32
    %dma_start3A_142 = tpu.memref_slice %arg2[%dma_start3A_135, %dma_start3A_140, %dma_start3A_141] : memref<1x4097x1024xf32, #tpu.memory_space<hbm>> -> memref<1x4097x1024xf32, #tpu.memory_space<hbm>>
    %dma_start3A_143 = tpu.memref_squeeze %dma_start3A_142 : memref<1x4097x1024xf32, #tpu.memory_space<hbm>> -> memref<4097x1024xf32, #tpu.memory_space<hbm>>
    %dma_start3A_144 = arith.constant 0 : i32
    %dma_start3A_145 = arith.constant 0 : i32
    %dma_start3A_146 = tpu.memref_slice %dma_start3A_143[%dma_start3A_144, %dma_start3A_145] : memref<4097x1024xf32, #tpu.memory_space<hbm>> -> memref<4097x1024xf32, #tpu.memory_space<hbm>>
    tpu.enqueue_indirect_dma source(%dma_start3A_146 : memref<4097x1024xf32, #tpu.memory_space<hbm>>) target(%arg14 : memref<16x1024xf32, #tpu.memory_space<vmem>>) offsets(%dma_start3A_139 : memref<16xi32, #tpu.memory_space<vmem>>) semaphore(%arg20 : memref<!tpu.dma_semaphore, #tpu.memory_space<semaphore_mem>>)
    %dma_wait3A_147 = arith.constant 0 : i32
    %dma_wait3A_148 = arith.constant 2 : i32
    %dma_wait3A_149 = arith.constant 0 : i32
    %dma_wait3A_150 = tpu.memref_slice %arg7[%dma_wait3A_148, %dma_wait3A_149] : memref<32x16xi32, #tpu.memory_space<vmem>> -> memref<1x16xi32, #tpu.memory_space<vmem>>
    %dma_wait3A_151 = tpu.memref_squeeze %dma_wait3A_150 : memref<1x16xi32, #tpu.memory_space<vmem>> -> memref<16xi32, #tpu.memory_space<vmem>>
    %dma_wait3A_152 = arith.constant 0 : i32
    %dma_wait3A_153 = arith.constant 0 : i32
    %dma_wait3A_154 = tpu.memref_slice %arg2[%dma_wait3A_147, %dma_wait3A_152, %dma_wait3A_153] : memref<1x4097x1024xf32, #tpu.memory_space<hbm>> -> memref<1x4097x1024xf32, #tpu.memory_space<hbm>>
    %dma_wait3A_155 = tpu.memref_squeeze %dma_wait3A_154 : memref<1x4097x1024xf32, #tpu.memory_space<hbm>> -> memref<4097x1024xf32, #tpu.memory_space<hbm>>
    %dma_wait3A_156 = arith.constant 0 : i32
    %dma_wait3A_157 = arith.constant 0 : i32
    %dma_wait3A_158 = tpu.memref_slice %dma_wait3A_155[%dma_wait3A_156, %dma_wait3A_157] : memref<4097x1024xf32, #tpu.memory_space<hbm>> -> memref<4097x1024xf32, #tpu.memory_space<hbm>>
    tpu.wait_indirect_dma semaphore(%arg17 : memref<!tpu.dma_semaphore, #tpu.memory_space<semaphore_mem>>) src(%dma_wait3A_158 : memref<4097x1024xf32, #tpu.memory_space<hbm>>) dst(%arg11 : memref<16x1024xf32, #tpu.memory_space<vmem>>)
    %add3A_159 = arith.constant 32 : i32
    %add3A_160 = arith.addi %mul3A_32, %add3A_159 : i32
    %dma_start3A_161 = arith.constant 0 : i32
    %dma_start3A_162 = tpu.memref_slice %arg5[%select_n3A, %add3A_160, %dma_start3A_161] : memref<4x4096x1024xf32, #tpu.memory_space<hbm>> -> memref<1x16x1024xf32, #tpu.memory_space<hbm>>
    %dma_start3A_163 = tpu.memref_squeeze %dma_start3A_162 : memref<1x16x1024xf32, #tpu.memory_space<hbm>> -> memref<16x1024xf32, #tpu.memory_space<hbm>>
    %dma_start3A_164 = arith.constant 0 : i32
    %dma_start3A_165 = tpu.memref_slice %arg5[%select_n3A, %add3A_160, %dma_start3A_164] : memref<4x4096x1024xf32, #tpu.memory_space<hbm>> -> memref<1x16x1024xf32, #tpu.memory_space<hbm>>
    %dma_start3A_166 = tpu.memref_squeeze %dma_start3A_165 : memref<1x16x1024xf32, #tpu.memory_space<hbm>> -> memref<16x1024xf32, #tpu.memory_space<hbm>>
    tpu.enqueue_dma source(%arg11 : memref<16x1024xf32, #tpu.memory_space<vmem>>) target(%dma_start3A_166 : memref<16x1024xf32, #tpu.memory_space<hbm>>) target_semaphore(%arg23 : memref<!tpu.dma_semaphore, #tpu.memory_space<semaphore_mem>>)
    %dma_wait3A_167 = arith.constant 0 : i32
    %dma_wait3A_168 = tpu.memref_slice %arg5[%select_n3A, %add3A_96, %dma_wait3A_167] : memref<4x4096x1024xf32, #tpu.memory_space<hbm>> -> memref<1x16x1024xf32, #tpu.memory_space<hbm>>
    %dma_wait3A_169 = tpu.memref_squeeze %dma_wait3A_168 : memref<1x16x1024xf32, #tpu.memory_space<hbm>> -> memref<16x1024xf32, #tpu.memory_space<hbm>>
    %dma_wait3A_170 = arith.constant 0 : i32
    %dma_wait3A_171 = tpu.memref_slice %arg5[%select_n3A, %add3A_96, %dma_wait3A_170] : memref<4x4096x1024xf32, #tpu.memory_space<hbm>> -> memref<1x16x1024xf32, #tpu.memory_space<hbm>>
    %dma_wait3A_172 = tpu.memref_squeeze %dma_wait3A_171 : memref<1x16x1024xf32, #tpu.memory_space<hbm>> -> memref<16x1024xf32, #tpu.memory_space<hbm>>
    tpu.wait_dma2 semaphore(%arg21 : memref<!tpu.dma_semaphore, #tpu.memory_space<semaphore_mem>>) src(%arg9 : memref<16x1024xf32, #tpu.memory_space<vmem>>) dst(%dma_wait3A_172 : memref<16x1024xf32, #tpu.memory_space<hbm>>)
    %dma_start3A_173 = arith.constant 0 : i32
    %dma_start3A_174 = arith.constant 6 : i32
    %dma_start3A_175 = arith.constant 0 : i32
    %dma_start3A_176 = tpu.memref_slice %arg7[%dma_start3A_174, %dma_start3A_175] : memref<32x16xi32, #tpu.memory_space<vmem>> -> memref<1x16xi32, #tpu.memory_space<vmem>>
    %dma_start3A_177 = tpu.memref_squeeze %dma_start3A_176 : memref<1x16xi32, #tpu.memory_space<vmem>> -> memref<16xi32, #tpu.memory_space<vmem>>
    %dma_start3A_178 = arith.constant 0 : i32
    %dma_start3A_179 = arith.constant 0 : i32
    %dma_start3A_180 = tpu.memref_slice %arg2[%dma_start3A_173, %dma_start3A_178, %dma_start3A_179] : memref<1x4097x1024xf32, #tpu.memory_space<hbm>> -> memref<1x4097x1024xf32, #tpu.memory_space<hbm>>
    %dma_start3A_181 = tpu.memref_squeeze %dma_start3A_180 : memref<1x4097x1024xf32, #tpu.memory_space<hbm>> -> memref<4097x1024xf32, #tpu.memory_space<hbm>>
    %dma_start3A_182 = arith.constant 0 : i32
    %dma_start3A_183 = arith.constant 0 : i32
    %dma_start3A_184 = tpu.memref_slice %dma_start3A_181[%dma_start3A_182, %dma_start3A_183] : memref<4097x1024xf32, #tpu.memory_space<hbm>> -> memref<4097x1024xf32, #tpu.memory_space<hbm>>
    tpu.enqueue_indirect_dma source(%dma_start3A_184 : memref<4097x1024xf32, #tpu.memory_space<hbm>>) target(%arg9 : memref<16x1024xf32, #tpu.memory_space<vmem>>) offsets(%dma_start3A_177 : memref<16xi32, #tpu.memory_space<vmem>>) semaphore(%arg15 : memref<!tpu.dma_semaphore, #tpu.memory_space<semaphore_mem>>)
    %dma_wait3A_185 = arith.constant 0 : i32
    %dma_wait3A_186 = arith.constant 3 : i32
    %dma_wait3A_187 = arith.constant 0 : i32
    %dma_wait3A_188 = tpu.memref_slice %arg7[%dma_wait3A_186, %dma_wait3A_187] : memref<32x16xi32, #tpu.memory_space<vmem>> -> memref<1x16xi32, #tpu.memory_space<vmem>>
    %dma_wait3A_189 = tpu.memref_squeeze %dma_wait3A_188 : memref<1x16xi32, #tpu.memory_space<vmem>> -> memref<16xi32, #tpu.memory_space<vmem>>
    %dma_wait3A_190 = arith.constant 0 : i32
    %dma_wait3A_191 = arith.constant 0 : i32
    %dma_wait3A_192 = tpu.memref_slice %arg2[%dma_wait3A_185, %dma_wait3A_190, %dma_wait3A_191] : memref<1x4097x1024xf32, #tpu.memory_space<hbm>> -> memref<1x4097x1024xf32, #tpu.memory_space<hbm>>
    %dma_wait3A_193 = tpu.memref_squeeze %dma_wait3A_192 : memref<1x4097x1024xf32, #tpu.memory_space<hbm>> -> memref<4097x1024xf32, #tpu.memory_space<hbm>>
    %dma_wait3A_194 = arith.constant 0 : i32
    %dma_wait3A_195 = arith.constant 0 : i32
    %dma_wait3A_196 = tpu.memref_slice %dma_wait3A_193[%dma_wait3A_194, %dma_wait3A_195] : memref<4097x1024xf32, #tpu.memory_space<hbm>> -> memref<4097x1024xf32, #tpu.memory_space<hbm>>
    tpu.wait_indirect_dma semaphore(%arg18 : memref<!tpu.dma_semaphore, #tpu.memory_space<semaphore_mem>>) src(%dma_wait3A_196 : memref<4097x1024xf32, #tpu.memory_space<hbm>>) dst(%arg12 : memref<16x1024xf32, #tpu.memory_space<vmem>>)
    %add3A_197 = arith.constant 48 : i32
    %add3A_198 = arith.addi %mul3A_32, %add3A_197 : i32
    %dma_start3A_199 = arith.constant 0 : i32
    %dma_start3A_200 = tpu.memref_slice %arg5[%select_n3A, %add3A_198, %dma_start3A_199] : memref<4x4096x1024xf32, #tpu.memory_space<hbm>> -> memref<1x16x1024xf32, #tpu.memory_space<hbm>>
    %dma_start3A_201 = tpu.memref_squeeze %dma_start3A_200 : memref<1x16x1024xf32, #tpu.memory_space<hbm>> -> memref<16x1024xf32, #tpu.memory_space<hbm>>
    %dma_start3A_202 = arith.constant 0 : i32
    %dma_start3A_203 = tpu.memref_slice %arg5[%select_n3A, %add3A_198, %dma_start3A_202] : memref<4x4096x1024xf32, #tpu.memory_space<hbm>> -> memref<1x16x1024xf32, #tpu.memory_space<hbm>>
    %dma_start3A_204 = tpu.memref_squeeze %dma_start3A_203 : memref<1x16x1024xf32, #tpu.memory_space<hbm>> -> memref<16x1024xf32, #tpu.memory_space<hbm>>
    tpu.enqueue_dma source(%arg12 : memref<16x1024xf32, #tpu.memory_space<vmem>>) target(%dma_start3A_204 : memref<16x1024xf32, #tpu.memory_space<hbm>>) target_semaphore(%arg24 : memref<!tpu.dma_semaphore, #tpu.memory_space<semaphore_mem>>)
    %dma_wait3A_205 = arith.constant 0 : i32
    %dma_wait3A_206 = tpu.memref_slice %arg5[%select_n3A, %add3A_128, %dma_wait3A_205] : memref<4x4096x1024xf32, #tpu.memory_space<hbm>> -> memref<1x16x1024xf32, #tpu.memory_space<hbm>>
    %dma_wait3A_207 = tpu.memref_squeeze %dma_wait3A_206 : memref<1x16x1024xf32, #tpu.memory_space<hbm>> -> memref<16x1024xf32, #tpu.memory_space<hbm>>
    %dma_wait3A_208 = arith.constant 0 : i32
    %dma_wait3A_209 = tpu.memref_slice %arg5[%select_n3A, %add3A_128, %dma_wait3A_208] : memref<4x4096x1024xf32, #tpu.memory_space<hbm>> -> memref<1x16x1024xf32, #tpu.memory_space<hbm>>
    %dma_wait3A_210 = tpu.memref_squeeze %dma_wait3A_209 : memref<1x16x1024xf32, #tpu.memory_space<hbm>> -> memref<16x1024xf32, #tpu.memory_space<hbm>>
    tpu.wait_dma2 semaphore(%arg22 : memref<!tpu.dma_semaphore, #tpu.memory_space<semaphore_mem>>) src(%arg10 : memref<16x1024xf32, #tpu.memory_space<vmem>>) dst(%dma_wait3A_210 : memref<16x1024xf32, #tpu.memory_space<hbm>>)
    %dma_start3A_211 = arith.constant 0 : i32
    %dma_start3A_212 = arith.constant 7 : i32
    %dma_start3A_213 = arith.constant 0 : i32
    %dma_start3A_214 = tpu.memref_slice %arg7[%dma_start3A_212, %dma_start3A_213] : memref<32x16xi32, #tpu.memory_space<vmem>> -> memref<1x16xi32, #tpu.memory_space<vmem>>
    %dma_start3A_215 = tpu.memref_squeeze %dma_start3A_214 : memref<1x16xi32, #tpu.memory_space<vmem>> -> memref<16xi32, #tpu.memory_space<vmem>>
    %dma_start3A_216 = arith.constant 0 : i32
    %dma_start3A_217 = arith.constant 0 : i32
    %dma_start3A_218 = tpu.memref_slice %arg2[%dma_start3A_211, %dma_start3A_216, %dma_start3A_217] : memref<1x4097x1024xf32, #tpu.memory_space<hbm>> -> memref<1x4097x1024xf32, #tpu.memory_space<hbm>>
    %dma_start3A_219 = tpu.memref_squeeze %dma_start3A_218 : memref<1x4097x1024xf32, #tpu.memory_space<hbm>> -> memref<4097x1024xf32, #tpu.memory_space<hbm>>
    %dma_start3A_220 = arith.constant 0 : i32
    %dma_start3A_221 = arith.constant 0 : i32
    %dma_start3A_222 = tpu.memref_slice %dma_start3A_219[%dma_start3A_220, %dma_start3A_221] : memref<4097x1024xf32, #tpu.memory_space<hbm>> -> memref<4097x1024xf32, #tpu.memory_space<hbm>>
    tpu.enqueue_indirect_dma source(%dma_start3A_222 : memref<4097x1024xf32, #tpu.memory_space<hbm>>) target(%arg10 : memref<16x1024xf32, #tpu.memory_space<vmem>>) offsets(%dma_start3A_215 : memref<16xi32, #tpu.memory_space<vmem>>) semaphore(%arg16 : memref<!tpu.dma_semaphore, #tpu.memory_space<semaphore_mem>>)
    %dma_wait3A_223 = arith.constant 0 : i32
    %dma_wait3A_224 = arith.constant 4 : i32
    %dma_wait3A_225 = arith.constant 0 : i32
    %dma_wait3A_226 = tpu.memref_slice %arg7[%dma_wait3A_224, %dma_wait3A_225] : memref<32x16xi32, #tpu.memory_space<vmem>> -> memref<1x16xi32, #tpu.memory_space<vmem>>
    %dma_wait3A_227 = tpu.memref_squeeze %dma_wait3A_226 : memref<1x16xi32, #tpu.memory_space<vmem>> -> memref<16xi32, #tpu.memory_space<vmem>>
    %dma_wait3A_228 = arith.constant 0 : i32
    %dma_wait3A_229 = arith.constant 0 : i32
    %dma_wait3A_230 = tpu.memref_slice %arg2[%dma_wait3A_223, %dma_wait3A_228, %dma_wait3A_229] : memref<1x4097x1024xf32, #tpu.memory_space<hbm>> -> memref<1x4097x1024xf32, #tpu.memory_space<hbm>>
    %dma_wait3A_231 = tpu.memref_squeeze %dma_wait3A_230 : memref<1x4097x1024xf32, #tpu.memory_space<hbm>> -> memref<4097x1024xf32, #tpu.memory_space<hbm>>
    %dma_wait3A_232 = arith.constant 0 : i32
    %dma_wait3A_233 = arith.constant 0 : i32
    %dma_wait3A_234 = tpu.memref_slice %dma_wait3A_231[%dma_wait3A_232, %dma_wait3A_233] : memref<4097x1024xf32, #tpu.memory_space<hbm>> -> memref<4097x1024xf32, #tpu.memory_space<hbm>>
    tpu.wait_indirect_dma semaphore(%arg19 : memref<!tpu.dma_semaphore, #tpu.memory_space<semaphore_mem>>) src(%dma_wait3A_234 : memref<4097x1024xf32, #tpu.memory_space<hbm>>) dst(%arg13 : memref<16x1024xf32, #tpu.memory_space<vmem>>)
    %add3A_235 = arith.constant 64 : i32
    %add3A_236 = arith.addi %mul3A_32, %add3A_235 : i32
    %dma_start3A_237 = arith.constant 0 : i32
    %dma_start3A_238 = tpu.memref_slice %arg5[%select_n3A, %add3A_236, %dma_start3A_237] : memref<4x4096x1024xf32, #tpu.memory_space<hbm>> -> memref<1x16x1024xf32, #tpu.memory_space<hbm>>
    %dma_start3A_239 = tpu.memref_squeeze %dma_start3A_238 : memref<1x16x1024xf32, #tpu.memory_space<hbm>> -> memref<16x1024xf32, #tpu.memory_space<hbm>>
    %dma_start3A_240 = arith.constant 0 : i32
    %dma_start3A_241 = tpu.memref_slice %arg5[%select_n3A, %add3A_236, %dma_start3A_240] : memref<4x4096x1024xf32, #tpu.memory_space<hbm>> -> memref<1x16x1024xf32, #tpu.memory_space<hbm>>
    %dma_start3A_242 = tpu.memref_squeeze %dma_start3A_241 : memref<1x16x1024xf32, #tpu.memory_space<hbm>> -> memref<16x1024xf32, #tpu.memory_space<hbm>>
    tpu.enqueue_dma source(%arg13 : memref<16x1024xf32, #tpu.memory_space<vmem>>) target(%dma_start3A_242 : memref<16x1024xf32, #tpu.memory_space<hbm>>) target_semaphore(%arg25 : memref<!tpu.dma_semaphore, #tpu.memory_space<semaphore_mem>>)
    %dma_wait3A_243 = arith.constant 0 : i32
    %dma_wait3A_244 = tpu.memref_slice %arg5[%select_n3A, %add3A_160, %dma_wait3A_243] : memref<4x4096x1024xf32, #tpu.memory_space<hbm>> -> memref<1x16x1024xf32, #tpu.memory_space<hbm>>
    %dma_wait3A_245 = tpu.memref_squeeze %dma_wait3A_244 : memref<1x16x1024xf32, #tpu.memory_space<hbm>> -> memref<16x1024xf32, #tpu.memory_space<hbm>>
    %dma_wait3A_246 = arith.constant 0 : i32
    %dma_wait3A_247 = tpu.memref_slice %arg5[%select_n3A, %add3A_160, %dma_wait3A_246] : memref<4x4096x1024xf32, #tpu.memory_space<hbm>> -> memref<1x16x1024xf32, #tpu.memory_space<hbm>>
    %dma_wait3A_248 = tpu.memref_squeeze %dma_wait3A_247 : memref<1x16x1024xf32, #tpu.memory_space<hbm>> -> memref<16x1024xf32, #tpu.memory_space<hbm>>
    tpu.wait_dma2 semaphore(%arg23 : memref<!tpu.dma_semaphore, #tpu.memory_space<semaphore_mem>>) src(%arg11 : memref<16x1024xf32, #tpu.memory_space<vmem>>) dst(%dma_wait3A_248 : memref<16x1024xf32, #tpu.memory_space<hbm>>)
    %dma_start3A_249 = arith.constant 0 : i32
    %dma_start3A_250 = arith.constant 8 : i32
    %dma_start3A_251 = arith.constant 0 : i32
    %dma_start3A_252 = tpu.memref_slice %arg7[%dma_start3A_250, %dma_start3A_251] : memref<32x16xi32, #tpu.memory_space<vmem>> -> memref<1x16xi32, #tpu.memory_space<vmem>>
    %dma_start3A_253 = tpu.memref_squeeze %dma_start3A_252 : memref<1x16xi32, #tpu.memory_space<vmem>> -> memref<16xi32, #tpu.memory_space<vmem>>
    %dma_start3A_254 = arith.constant 0 : i32
    %dma_start3A_255 = arith.constant 0 : i32
    %dma_start3A_256 = tpu.memref_slice %arg2[%dma_start3A_249, %dma_start3A_254, %dma_start3A_255] : memref<1x4097x1024xf32, #tpu.memory_space<hbm>> -> memref<1x4097x1024xf32, #tpu.memory_space<hbm>>
    %dma_start3A_257 = tpu.memref_squeeze %dma_start3A_256 : memref<1x4097x1024xf32, #tpu.memory_space<hbm>> -> memref<4097x1024xf32, #tpu.memory_space<hbm>>
    %dma_start3A_258 = arith.constant 0 : i32
    %dma_start3A_259 = arith.constant 0 : i32
    %dma_start3A_260 = tpu.memref_slice %dma_start3A_257[%dma_start3A_258, %dma_start3A_259] : memref<4097x1024xf32, #tpu.memory_space<hbm>> -> memref<4097x1024xf32, #tpu.memory_space<hbm>>
    tpu.enqueue_indirect_dma source(%dma_start3A_260 : memref<4097x1024xf32, #tpu.memory_space<hbm>>) target(%arg11 : memref<16x1024xf32, #tpu.memory_space<vmem>>) offsets(%dma_start3A_253 : memref<16xi32, #tpu.memory_space<vmem>>) semaphore(%arg17 : memref<!tpu.dma_semaphore, #tpu.memory_space<semaphore_mem>>)
    %dma_wait3A_261 = arith.constant 0 : i32
    %dma_wait3A_262 = arith.constant 5 : i32
    %dma_wait3A_263 = arith.constant 0 : i32
    %dma_wait3A_264 = tpu.memref_slice %arg7[%dma_wait3A_262, %dma_wait3A_263] : memref<32x16xi32, #tpu.memory_space<vmem>> -> memref<1x16xi32, #tpu.memory_space<vmem>>
    %dma_wait3A_265 = tpu.memref_squeeze %dma_wait3A_264 : memref<1x16xi32, #tpu.memory_space<vmem>> -> memref<16xi32, #tpu.memory_space<vmem>>
    %dma_wait3A_266 = arith.constant 0 : i32
    %dma_wait3A_267 = arith.constant 0 : i32
    %dma_wait3A_268 = tpu.memref_slice %arg2[%dma_wait3A_261, %dma_wait3A_266, %dma_wait3A_267] : memref<1x4097x1024xf32, #tpu.memory_space<hbm>> -> memref<1x4097x1024xf32, #tpu.memory_space<hbm>>
    %dma_wait3A_269 = tpu.memref_squeeze %dma_wait3A_268 : memref<1x4097x1024xf32, #tpu.memory_space<hbm>> -> memref<4097x1024xf32, #tpu.memory_space<hbm>>
    %dma_wait3A_270 = arith.constant 0 : i32
    %dma_wait3A_271 = arith.constant 0 : i32
    %dma_wait3A_272 = tpu.memref_slice %dma_wait3A_269[%dma_wait3A_270, %dma_wait3A_271] : memref<4097x1024xf32, #tpu.memory_space<hbm>> -> memref<4097x1024xf32, #tpu.memory_space<hbm>>
    tpu.wait_indirect_dma semaphore(%arg20 : memref<!tpu.dma_semaphore, #tpu.memory_space<semaphore_mem>>) src(%dma_wait3A_272 : memref<4097x1024xf32, #tpu.memory_space<hbm>>) dst(%arg14 : memref<16x1024xf32, #tpu.memory_space<vmem>>)
    %add3A_273 = arith.constant 80 : i32
    %add3A_274 = arith.addi %mul3A_32, %add3A_273 : i32
    %dma_start3A_275 = arith.constant 0 : i32
    %dma_start3A_276 = tpu.memref_slice %arg5[%select_n3A, %add3A_274, %dma_start3A_275] : memref<4x4096x1024xf32, #tpu.memory_space<hbm>> -> memref<1x16x1024xf32, #tpu.memory_space<hbm>>
    %dma_start3A_277 = tpu.memref_squeeze %dma_start3A_276 : memref<1x16x1024xf32, #tpu.memory_space<hbm>> -> memref<16x1024xf32, #tpu.memory_space<hbm>>
    %dma_start3A_278 = arith.constant 0 : i32
    %dma_start3A_279 = tpu.memref_slice %arg5[%select_n3A, %add3A_274, %dma_start3A_278] : memref<4x4096x1024xf32, #tpu.memory_space<hbm>> -> memref<1x16x1024xf32, #tpu.memory_space<hbm>>
    %dma_start3A_280 = tpu.memref_squeeze %dma_start3A_279 : memref<1x16x1024xf32, #tpu.memory_space<hbm>> -> memref<16x1024xf32, #tpu.memory_space<hbm>>
    tpu.enqueue_dma source(%arg14 : memref<16x1024xf32, #tpu.memory_space<vmem>>) target(%dma_start3A_280 : memref<16x1024xf32, #tpu.memory_space<hbm>>) target_semaphore(%arg26 : memref<!tpu.dma_semaphore, #tpu.memory_space<semaphore_mem>>)
    %dma_wait3A_281 = arith.constant 0 : i32
    %dma_wait3A_282 = tpu.memref_slice %arg5[%select_n3A, %add3A_198, %dma_wait3A_281] : memref<4x4096x1024xf32, #tpu.memory_space<hbm>> -> memref<1x16x1024xf32, #tpu.memory_space<hbm>>
    %dma_wait3A_283 = tpu.memref_squeeze %dma_wait3A_282 : memref<1x16x1024xf32, #tpu.memory_space<hbm>> -> memref<16x1024xf32, #tpu.memory_space<hbm>>
    %dma_wait3A_284 = arith.constant 0 : i32
    %dma_wait3A_285 = tpu.memref_slice %arg5[%select_n3A, %add3A_198, %dma_wait3A_284] : memref<4x4096x1024xf32, #tpu.memory_space<hbm>> -> memref<1x16x1024xf32, #tpu.memory_space<hbm>>
    %dma_wait3A_286 = tpu.memref_squeeze %dma_wait3A_285 : memref<1x16x1024xf32, #tpu.memory_space<hbm>> -> memref<16x1024xf32, #tpu.memory_space<hbm>>
    tpu.wait_dma2 semaphore(%arg24 : memref<!tpu.dma_semaphore, #tpu.memory_space<semaphore_mem>>) src(%arg12 : memref<16x1024xf32, #tpu.memory_space<vmem>>) dst(%dma_wait3A_286 : memref<16x1024xf32, #tpu.memory_space<hbm>>)
    %dma_start3A_287 = arith.constant 0 : i32
    %dma_start3A_288 = arith.constant 9 : i32
    %dma_start3A_289 = arith.constant 0 : i32
    %dma_start3A_290 = tpu.memref_slice %arg7[%dma_start3A_288, %dma_start3A_289] : memref<32x16xi32, #tpu.memory_space<vmem>> -> memref<1x16xi32, #tpu.memory_space<vmem>>
    %dma_start3A_291 = tpu.memref_squeeze %dma_start3A_290 : memref<1x16xi32, #tpu.memory_space<vmem>> -> memref<16xi32, #tpu.memory_space<vmem>>
    %dma_start3A_292 = arith.constant 0 : i32
    %dma_start3A_293 = arith.constant 0 : i32
    %dma_start3A_294 = tpu.memref_slice %arg2[%dma_start3A_287, %dma_start3A_292, %dma_start3A_293] : memref<1x4097x1024xf32, #tpu.memory_space<hbm>> -> memref<1x4097x1024xf32, #tpu.memory_space<hbm>>
    %dma_start3A_295 = tpu.memref_squeeze %dma_start3A_294 : memref<1x4097x1024xf32, #tpu.memory_space<hbm>> -> memref<4097x1024xf32, #tpu.memory_space<hbm>>
    %dma_start3A_296 = arith.constant 0 : i32
    %dma_start3A_297 = arith.constant 0 : i32
    %dma_start3A_298 = tpu.memref_slice %dma_start3A_295[%dma_start3A_296, %dma_start3A_297] : memref<4097x1024xf32, #tpu.memory_space<hbm>> -> memref<4097x1024xf32, #tpu.memory_space<hbm>>
    tpu.enqueue_indirect_dma source(%dma_start3A_298 : memref<4097x1024xf32, #tpu.memory_space<hbm>>) target(%arg12 : memref<16x1024xf32, #tpu.memory_space<vmem>>) offsets(%dma_start3A_291 : memref<16xi32, #tpu.memory_space<vmem>>) semaphore(%arg18 : memref<!tpu.dma_semaphore, #tpu.memory_space<semaphore_mem>>)
    %dma_wait3A_299 = arith.constant 0 : i32
    %dma_wait3A_300 = arith.constant 6 : i32
    %dma_wait3A_301 = arith.constant 0 : i32
    %dma_wait3A_302 = tpu.memref_slice %arg7[%dma_wait3A_300, %dma_wait3A_301] : memref<32x16xi32, #tpu.memory_space<vmem>> -> memref<1x16xi32, #tpu.memory_space<vmem>>
    %dma_wait3A_303 = tpu.memref_squeeze %dma_wait3A_302 : memref<1x16xi32, #tpu.memory_space<vmem>> -> memref<16xi32, #tpu.memory_space<vmem>>
    %dma_wait3A_304 = arith.constant 0 : i32
    %dma_wait3A_305 = arith.constant 0 : i32
    %dma_wait3A_306 = tpu.memref_slice %arg2[%dma_wait3A_299, %dma_wait3A_304, %dma_wait3A_305] : memref<1x4097x1024xf32, #tpu.memory_space<hbm>> -> memref<1x4097x1024xf32, #tpu.memory_space<hbm>>
    %dma_wait3A_307 = tpu.memref_squeeze %dma_wait3A_306 : memref<1x4097x1024xf32, #tpu.memory_space<hbm>> -> memref<4097x1024xf32, #tpu.memory_space<hbm>>
    %dma_wait3A_308 = arith.constant 0 : i32
    %dma_wait3A_309 = arith.constant 0 : i32
    %dma_wait3A_310 = tpu.memref_slice %dma_wait3A_307[%dma_wait3A_308, %dma_wait3A_309] : memref<4097x1024xf32, #tpu.memory_space<hbm>> -> memref<4097x1024xf32, #tpu.memory_space<hbm>>
    tpu.wait_indirect_dma semaphore(%arg15 : memref<!tpu.dma_semaphore, #tpu.memory_space<semaphore_mem>>) src(%dma_wait3A_310 : memref<4097x1024xf32, #tpu.memory_space<hbm>>) dst(%arg9 : memref<16x1024xf32, #tpu.memory_space<vmem>>)
    %add3A_311 = arith.constant 96 : i32
    %add3A_312 = arith.addi %mul3A_32, %add3A_311 : i32
    %dma_start3A_313 = arith.constant 0 : i32
    %dma_start3A_314 = tpu.memref_slice %arg5[%select_n3A, %add3A_312, %dma_start3A_313] : memref<4x4096x1024xf32, #tpu.memory_space<hbm>> -> memref<1x16x1024xf32, #tpu.memory_space<hbm>>
    %dma_start3A_315 = tpu.memref_squeeze %dma_start3A_314 : memref<1x16x1024xf32, #tpu.memory_space<hbm>> -> memref<16x1024xf32, #tpu.memory_space<hbm>>
    %dma_start3A_316 = arith.constant 0 : i32
    %dma_start3A_317 = tpu.memref_slice %arg5[%select_n3A, %add3A_312, %dma_start3A_316] : memref<4x4096x1024xf32, #tpu.memory_space<hbm>> -> memref<1x16x1024xf32, #tpu.memory_space<hbm>>
    %dma_start3A_318 = tpu.memref_squeeze %dma_start3A_317 : memref<1x16x1024xf32, #tpu.memory_space<hbm>> -> memref<16x1024xf32, #tpu.memory_space<hbm>>
    tpu.enqueue_dma source(%arg9 : memref<16x1024xf32, #tpu.memory_space<vmem>>) target(%dma_start3A_318 : memref<16x1024xf32, #tpu.memory_space<hbm>>) target_semaphore(%arg21 : memref<!tpu.dma_semaphore, #tpu.memory_space<semaphore_mem>>)
    %dma_wait3A_319 = arith.constant 0 : i32
    %dma_wait3A_320 = tpu.memref_slice %arg5[%select_n3A, %add3A_236, %dma_wait3A_319] : memref<4x4096x1024xf32, #tpu.memory_space<hbm>> -> memref<1x16x1024xf32, #tpu.memory_space<hbm>>
    %dma_wait3A_321 = tpu.memref_squeeze %dma_wait3A_320 : memref<1x16x1024xf32, #tpu.memory_space<hbm>> -> memref<16x1024xf32, #tpu.memory_space<hbm>>
    %dma_wait3A_322 = arith.constant 0 : i32
    %dma_wait3A_323 = tpu.memref_slice %arg5[%select_n3A, %add3A_236, %dma_wait3A_322] : memref<4x4096x1024xf32, #tpu.memory_space<hbm>> -> memref<1x16x1024xf32, #tpu.memory_space<hbm>>
    %dma_wait3A_324 = tpu.memref_squeeze %dma_wait3A_323 : memref<1x16x1024xf32, #tpu.memory_space<hbm>> -> memref<16x1024xf32, #tpu.memory_space<hbm>>
    tpu.wait_dma2 semaphore(%arg25 : memref<!tpu.dma_semaphore, #tpu.memory_space<semaphore_mem>>) src(%arg13 : memref<16x1024xf32, #tpu.memory_space<vmem>>) dst(%dma_wait3A_324 : memref<16x1024xf32, #tpu.memory_space<hbm>>)
    %dma_start3A_325 = arith.constant 0 : i32
    %dma_start3A_326 = arith.constant 10 : i32
    %dma_start3A_327 = arith.constant 0 : i32
    %dma_start3A_328 = tpu.memref_slice %arg7[%dma_start3A_326, %dma_start3A_327] : memref<32x16xi32, #tpu.memory_space<vmem>> -> memref<1x16xi32, #tpu.memory_space<vmem>>
    %dma_start3A_329 = tpu.memref_squeeze %dma_start3A_328 : memref<1x16xi32, #tpu.memory_space<vmem>> -> memref<16xi32, #tpu.memory_space<vmem>>
    %dma_start3A_330 = arith.constant 0 : i32
    %dma_start3A_331 = arith.constant 0 : i32
    %dma_start3A_332 = tpu.memref_slice %arg2[%dma_start3A_325, %dma_start3A_330, %dma_start3A_331] : memref<1x4097x1024xf32, #tpu.memory_space<hbm>> -> memref<1x4097x1024xf32, #tpu.memory_space<hbm>>
    %dma_start3A_333 = tpu.memref_squeeze %dma_start3A_332 : memref<1x4097x1024xf32, #tpu.memory_space<hbm>> -> memref<4097x1024xf32, #tpu.memory_space<hbm>>
    %dma_start3A_334 = arith.constant 0 : i32
    %dma_start3A_335 = arith.constant 0 : i32
    %dma_start3A_336 = tpu.memref_slice %dma_start3A_333[%dma_start3A_334, %dma_start3A_335] : memref<4097x1024xf32, #tpu.memory_space<hbm>> -> memref<4097x1024xf32, #tpu.memory_space<hbm>>
    tpu.enqueue_indirect_dma source(%dma_start3A_336 : memref<4097x1024xf32, #tpu.memory_space<hbm>>) target(%arg13 : memref<16x1024xf32, #tpu.memory_space<vmem>>) offsets(%dma_start3A_329 : memref<16xi32, #tpu.memory_space<vmem>>) semaphore(%arg19 : memref<!tpu.dma_semaphore, #tpu.memory_space<semaphore_mem>>)
    %dma_wait3A_337 = arith.constant 0 : i32
    %dma_wait3A_338 = arith.constant 7 : i32
    %dma_wait3A_339 = arith.constant 0 : i32
    %dma_wait3A_340 = tpu.memref_slice %arg7[%dma_wait3A_338, %dma_wait3A_339] : memref<32x16xi32, #tpu.memory_space<vmem>> -> memref<1x16xi32, #tpu.memory_space<vmem>>
    %dma_wait3A_341 = tpu.memref_squeeze %dma_wait3A_340 : memref<1x16xi32, #tpu.memory_space<vmem>> -> memref<16xi32, #tpu.memory_space<vmem>>
    %dma_wait3A_342 = arith.constant 0 : i32
    %dma_wait3A_343 = arith.constant 0 : i32
    %dma_wait3A_344 = tpu.memref_slice %arg2[%dma_wait3A_337, %dma_wait3A_342, %dma_wait3A_343] : memref<1x4097x1024xf32, #tpu.memory_space<hbm>> -> memref<1x4097x1024xf32, #tpu.memory_space<hbm>>
    %dma_wait3A_345 = tpu.memref_squeeze %dma_wait3A_344 : memref<1x4097x1024xf32, #tpu.memory_space<hbm>> -> memref<4097x1024xf32, #tpu.memory_space<hbm>>
    %dma_wait3A_346 = arith.constant 0 : i32
    %dma_wait3A_347 = arith.constant 0 : i32
    %dma_wait3A_348 = tpu.memref_slice %dma_wait3A_345[%dma_wait3A_346, %dma_wait3A_347] : memref<4097x1024xf32, #tpu.memory_space<hbm>> -> memref<4097x1024xf32, #tpu.memory_space<hbm>>
    tpu.wait_indirect_dma semaphore(%arg16 : memref<!tpu.dma_semaphore, #tpu.memory_space<semaphore_mem>>) src(%dma_wait3A_348 : memref<4097x1024xf32, #tpu.memory_space<hbm>>) dst(%arg10 : memref<16x1024xf32, #tpu.memory_space<vmem>>)
    %add3A_349 = arith.constant 112 : i32
    %add3A_350 = arith.addi %mul3A_32, %add3A_349 : i32
    %dma_start3A_351 = arith.constant 0 : i32
    %dma_start3A_352 = tpu.memref_slice %arg5[%select_n3A, %add3A_350, %dma_start3A_351] : memref<4x4096x1024xf32, #tpu.memory_space<hbm>> -> memref<1x16x1024xf32, #tpu.memory_space<hbm>>
    %dma_start3A_353 = tpu.memref_squeeze %dma_start3A_352 : memref<1x16x1024xf32, #tpu.memory_space<hbm>> -> memref<16x1024xf32, #tpu.memory_space<hbm>>
    %dma_start3A_354 = arith.constant 0 : i32
    %dma_start3A_355 = tpu.memref_slice %arg5[%select_n3A, %add3A_350, %dma_start3A_354] : memref<4x4096x1024xf32, #tpu.memory_space<hbm>> -> memref<1x16x1024xf32, #tpu.memory_space<hbm>>
    %dma_start3A_356 = tpu.memref_squeeze %dma_start3A_355 : memref<1x16x1024xf32, #tpu.memory_space<hbm>> -> memref<16x1024xf32, #tpu.memory_space<hbm>>
    tpu.enqueue_dma source(%arg10 : memref<16x1024xf32, #tpu.memory_space<vmem>>) target(%dma_start3A_356 : memref<16x1024xf32, #tpu.memory_space<hbm>>) target_semaphore(%arg22 : memref<!tpu.dma_semaphore, #tpu.memory_space<semaphore_mem>>)
    %dma_wait3A_357 = arith.constant 0 : i32
    %dma_wait3A_358 = tpu.memref_slice %arg5[%select_n3A, %add3A_274, %dma_wait3A_357] : memref<4x4096x1024xf32, #tpu.memory_space<hbm>> -> memref<1x16x1024xf32, #tpu.memory_space<hbm>>
    %dma_wait3A_359 = tpu.memref_squeeze %dma_wait3A_358 : memref<1x16x1024xf32, #tpu.memory_space<hbm>> -> memref<16x1024xf32, #tpu.memory_space<hbm>>
    %dma_wait3A_360 = arith.constant 0 : i32
    %dma_wait3A_361 = tpu.memref_slice %arg5[%select_n3A, %add3A_274, %dma_wait3A_360] : memref<4x4096x1024xf32, #tpu.memory_space<hbm>> -> memref<1x16x1024xf32, #tpu.memory_space<hbm>>
    %dma_wait3A_362 = tpu.memref_squeeze %dma_wait3A_361 : memref<1x16x1024xf32, #tpu.memory_space<hbm>> -> memref<16x1024xf32, #tpu.memory_space<hbm>>
    tpu.wait_dma2 semaphore(%arg26 : memref<!tpu.dma_semaphore, #tpu.memory_space<semaphore_mem>>) src(%arg14 : memref<16x1024xf32, #tpu.memory_space<vmem>>) dst(%dma_wait3A_362 : memref<16x1024xf32, #tpu.memory_space<hbm>>)
    %dma_start3A_363 = arith.constant 0 : i32
    %dma_start3A_364 = arith.constant 11 : i32
    %dma_start3A_365 = arith.constant 0 : i32
    %dma_start3A_366 = tpu.memref_slice %arg7[%dma_start3A_364, %dma_start3A_365] : memref<32x16xi32, #tpu.memory_space<vmem>> -> memref<1x16xi32, #tpu.memory_space<vmem>>
    %dma_start3A_367 = tpu.memref_squeeze %dma_start3A_366 : memref<1x16xi32, #tpu.memory_space<vmem>> -> memref<16xi32, #tpu.memory_space<vmem>>
    %dma_start3A_368 = arith.constant 0 : i32
    %dma_start3A_369 = arith.constant 0 : i32
    %dma_start3A_370 = tpu.memref_slice %arg2[%dma_start3A_363, %dma_start3A_368, %dma_start3A_369] : memref<1x4097x1024xf32, #tpu.memory_space<hbm>> -> memref<1x4097x1024xf32, #tpu.memory_space<hbm>>
    %dma_start3A_371 = tpu.memref_squeeze %dma_start3A_370 : memref<1x4097x1024xf32, #tpu.memory_space<hbm>> -> memref<4097x1024xf32, #tpu.memory_space<hbm>>
    %dma_start3A_372 = arith.constant 0 : i32
    %dma_start3A_373 = arith.constant 0 : i32
    %dma_start3A_374 = tpu.memref_slice %dma_start3A_371[%dma_start3A_372, %dma_start3A_373] : memref<4097x1024xf32, #tpu.memory_space<hbm>> -> memref<4097x1024xf32, #tpu.memory_space<hbm>>
    tpu.enqueue_indirect_dma source(%dma_start3A_374 : memref<4097x1024xf32, #tpu.memory_space<hbm>>) target(%arg14 : memref<16x1024xf32, #tpu.memory_space<vmem>>) offsets(%dma_start3A_367 : memref<16xi32, #tpu.memory_space<vmem>>) semaphore(%arg20 : memref<!tpu.dma_semaphore, #tpu.memory_space<semaphore_mem>>)
    %dma_wait3A_375 = arith.constant 0 : i32
    %dma_wait3A_376 = arith.constant 8 : i32
    %dma_wait3A_377 = arith.constant 0 : i32
    %dma_wait3A_378 = tpu.memref_slice %arg7[%dma_wait3A_376, %dma_wait3A_377] : memref<32x16xi32, #tpu.memory_space<vmem>> -> memref<1x16xi32, #tpu.memory_space<vmem>>
    %dma_wait3A_379 = tpu.memref_squeeze %dma_wait3A_378 : memref<1x16xi32, #tpu.memory_space<vmem>> -> memref<16xi32, #tpu.memory_space<vmem>>
    %dma_wait3A_380 = arith.constant 0 : i32
    %dma_wait3A_381 = arith.constant 0 : i32
    %dma_wait3A_382 = tpu.memref_slice %arg2[%dma_wait3A_375, %dma_wait3A_380, %dma_wait3A_381] : memref<1x4097x1024xf32, #tpu.memory_space<hbm>> -> memref<1x4097x1024xf32, #tpu.memory_space<hbm>>
    %dma_wait3A_383 = tpu.memref_squeeze %dma_wait3A_382 : memref<1x4097x1024xf32, #tpu.memory_space<hbm>> -> memref<4097x1024xf32, #tpu.memory_space<hbm>>
    %dma_wait3A_384 = arith.constant 0 : i32
    %dma_wait3A_385 = arith.constant 0 : i32
    %dma_wait3A_386 = tpu.memref_slice %dma_wait3A_383[%dma_wait3A_384, %dma_wait3A_385] : memref<4097x1024xf32, #tpu.memory_space<hbm>> -> memref<4097x1024xf32, #tpu.memory_space<hbm>>
    tpu.wait_indirect_dma semaphore(%arg17 : memref<!tpu.dma_semaphore, #tpu.memory_space<semaphore_mem>>) src(%dma_wait3A_386 : memref<4097x1024xf32, #tpu.memory_space<hbm>>) dst(%arg11 : memref<16x1024xf32, #tpu.memory_space<vmem>>)
    %add3A_387 = arith.constant 128 : i32
    %add3A_388 = arith.addi %mul3A_32, %add3A_387 : i32
    %dma_start3A_389 = arith.constant 0 : i32
    %dma_start3A_390 = tpu.memref_slice %arg5[%select_n3A, %add3A_388, %dma_start3A_389] : memref<4x4096x1024xf32, #tpu.memory_space<hbm>> -> memref<1x16x1024xf32, #tpu.memory_space<hbm>>
    %dma_start3A_391 = tpu.memref_squeeze %dma_start3A_390 : memref<1x16x1024xf32, #tpu.memory_space<hbm>> -> memref<16x1024xf32, #tpu.memory_space<hbm>>
    %dma_start3A_392 = arith.constant 0 : i32
    %dma_start3A_393 = tpu.memref_slice %arg5[%select_n3A, %add3A_388, %dma_start3A_392] : memref<4x4096x1024xf32, #tpu.memory_space<hbm>> -> memref<1x16x1024xf32, #tpu.memory_space<hbm>>
    %dma_start3A_394 = tpu.memref_squeeze %dma_start3A_393 : memref<1x16x1024xf32, #tpu.memory_space<hbm>> -> memref<16x1024xf32, #tpu.memory_space<hbm>>
    tpu.enqueue_dma source(%arg11 : memref<16x1024xf32, #tpu.memory_space<vmem>>) target(%dma_start3A_394 : memref<16x1024xf32, #tpu.memory_space<hbm>>) target_semaphore(%arg23 : memref<!tpu.dma_semaphore, #tpu.memory_space<semaphore_mem>>)
    %dma_wait3A_395 = arith.constant 0 : i32
    %dma_wait3A_396 = tpu.memref_slice %arg5[%select_n3A, %add3A_312, %dma_wait3A_395] : memref<4x4096x1024xf32, #tpu.memory_space<hbm>> -> memref<1x16x1024xf32, #tpu.memory_space<hbm>>
    %dma_wait3A_397 = tpu.memref_squeeze %dma_wait3A_396 : memref<1x16x1024xf32, #tpu.memory_space<hbm>> -> memref<16x1024xf32, #tpu.memory_space<hbm>>
    %dma_wait3A_398 = arith.constant 0 : i32
    %dma_wait3A_399 = tpu.memref_slice %arg5[%select_n3A, %add3A_312, %dma_wait3A_398] : memref<4x4096x1024xf32, #tpu.memory_space<hbm>> -> memref<1x16x1024xf32, #tpu.memory_space<hbm>>
    %dma_wait3A_400 = tpu.memref_squeeze %dma_wait3A_399 : memref<1x16x1024xf32, #tpu.memory_space<hbm>> -> memref<16x1024xf32, #tpu.memory_space<hbm>>
    tpu.wait_dma2 semaphore(%arg21 : memref<!tpu.dma_semaphore, #tpu.memory_space<semaphore_mem>>) src(%arg9 : memref<16x1024xf32, #tpu.memory_space<vmem>>) dst(%dma_wait3A_400 : memref<16x1024xf32, #tpu.memory_space<hbm>>)
    %dma_start3A_401 = arith.constant 0 : i32
    %dma_start3A_402 = arith.constant 12 : i32
    %dma_start3A_403 = arith.constant 0 : i32
    %dma_start3A_404 = tpu.memref_slice %arg7[%dma_start3A_402, %dma_start3A_403] : memref<32x16xi32, #tpu.memory_space<vmem>> -> memref<1x16xi32, #tpu.memory_space<vmem>>
    %dma_start3A_405 = tpu.memref_squeeze %dma_start3A_404 : memref<1x16xi32, #tpu.memory_space<vmem>> -> memref<16xi32, #tpu.memory_space<vmem>>
    %dma_start3A_406 = arith.constant 0 : i32
    %dma_start3A_407 = arith.constant 0 : i32
    %dma_start3A_408 = tpu.memref_slice %arg2[%dma_start3A_401, %dma_start3A_406, %dma_start3A_407] : memref<1x4097x1024xf32, #tpu.memory_space<hbm>> -> memref<1x4097x1024xf32, #tpu.memory_space<hbm>>
    %dma_start3A_409 = tpu.memref_squeeze %dma_start3A_408 : memref<1x4097x1024xf32, #tpu.memory_space<hbm>> -> memref<4097x1024xf32, #tpu.memory_space<hbm>>
    %dma_start3A_410 = arith.constant 0 : i32
    %dma_start3A_411 = arith.constant 0 : i32
    %dma_start3A_412 = tpu.memref_slice %dma_start3A_409[%dma_start3A_410, %dma_start3A_411] : memref<4097x1024xf32, #tpu.memory_space<hbm>> -> memref<4097x1024xf32, #tpu.memory_space<hbm>>
    tpu.enqueue_indirect_dma source(%dma_start3A_412 : memref<4097x1024xf32, #tpu.memory_space<hbm>>) target(%arg9 : memref<16x1024xf32, #tpu.memory_space<vmem>>) offsets(%dma_start3A_405 : memref<16xi32, #tpu.memory_space<vmem>>) semaphore(%arg15 : memref<!tpu.dma_semaphore, #tpu.memory_space<semaphore_mem>>)
    %dma_wait3A_413 = arith.constant 0 : i32
    %dma_wait3A_414 = arith.constant 9 : i32
    %dma_wait3A_415 = arith.constant 0 : i32
    %dma_wait3A_416 = tpu.memref_slice %arg7[%dma_wait3A_414, %dma_wait3A_415] : memref<32x16xi32, #tpu.memory_space<vmem>> -> memref<1x16xi32, #tpu.memory_space<vmem>>
    %dma_wait3A_417 = tpu.memref_squeeze %dma_wait3A_416 : memref<1x16xi32, #tpu.memory_space<vmem>> -> memref<16xi32, #tpu.memory_space<vmem>>
    %dma_wait3A_418 = arith.constant 0 : i32
    %dma_wait3A_419 = arith.constant 0 : i32
    %dma_wait3A_420 = tpu.memref_slice %arg2[%dma_wait3A_413, %dma_wait3A_418, %dma_wait3A_419] : memref<1x4097x1024xf32, #tpu.memory_space<hbm>> -> memref<1x4097x1024xf32, #tpu.memory_space<hbm>>
    %dma_wait3A_421 = tpu.memref_squeeze %dma_wait3A_420 : memref<1x4097x1024xf32, #tpu.memory_space<hbm>> -> memref<4097x1024xf32, #tpu.memory_space<hbm>>
    %dma_wait3A_422 = arith.constant 0 : i32
    %dma_wait3A_423 = arith.constant 0 : i32
    %dma_wait3A_424 = tpu.memref_slice %dma_wait3A_421[%dma_wait3A_422, %dma_wait3A_423] : memref<4097x1024xf32, #tpu.memory_space<hbm>> -> memref<4097x1024xf32, #tpu.memory_space<hbm>>
    tpu.wait_indirect_dma semaphore(%arg18 : memref<!tpu.dma_semaphore, #tpu.memory_space<semaphore_mem>>) src(%dma_wait3A_424 : memref<4097x1024xf32, #tpu.memory_space<hbm>>) dst(%arg12 : memref<16x1024xf32, #tpu.memory_space<vmem>>)
    %add3A_425 = arith.constant 144 : i32
    %add3A_426 = arith.addi %mul3A_32, %add3A_425 : i32
    %dma_start3A_427 = arith.constant 0 : i32
    %dma_start3A_428 = tpu.memref_slice %arg5[%select_n3A, %add3A_426, %dma_start3A_427] : memref<4x4096x1024xf32, #tpu.memory_space<hbm>> -> memref<1x16x1024xf32, #tpu.memory_space<hbm>>
    %dma_start3A_429 = tpu.memref_squeeze %dma_start3A_428 : memref<1x16x1024xf32, #tpu.memory_space<hbm>> -> memref<16x1024xf32, #tpu.memory_space<hbm>>
    %dma_start3A_430 = arith.constant 0 : i32
    %dma_start3A_431 = tpu.memref_slice %arg5[%select_n3A, %add3A_426, %dma_start3A_430] : memref<4x4096x1024xf32, #tpu.memory_space<hbm>> -> memref<1x16x1024xf32, #tpu.memory_space<hbm>>
    %dma_start3A_432 = tpu.memref_squeeze %dma_start3A_431 : memref<1x16x1024xf32, #tpu.memory_space<hbm>> -> memref<16x1024xf32, #tpu.memory_space<hbm>>
    tpu.enqueue_dma source(%arg12 : memref<16x1024xf32, #tpu.memory_space<vmem>>) target(%dma_start3A_432 : memref<16x1024xf32, #tpu.memory_space<hbm>>) target_semaphore(%arg24 : memref<!tpu.dma_semaphore, #tpu.memory_space<semaphore_mem>>)
    %dma_wait3A_433 = arith.constant 0 : i32
    %dma_wait3A_434 = tpu.memref_slice %arg5[%select_n3A, %add3A_350, %dma_wait3A_433] : memref<4x4096x1024xf32, #tpu.memory_space<hbm>> -> memref<1x16x1024xf32, #tpu.memory_space<hbm>>
    %dma_wait3A_435 = tpu.memref_squeeze %dma_wait3A_434 : memref<1x16x1024xf32, #tpu.memory_space<hbm>> -> memref<16x1024xf32, #tpu.memory_space<hbm>>
    %dma_wait3A_436 = arith.constant 0 : i32
    %dma_wait3A_437 = tpu.memref_slice %arg5[%select_n3A, %add3A_350, %dma_wait3A_436] : memref<4x4096x1024xf32, #tpu.memory_space<hbm>> -> memref<1x16x1024xf32, #tpu.memory_space<hbm>>
    %dma_wait3A_438 = tpu.memref_squeeze %dma_wait3A_437 : memref<1x16x1024xf32, #tpu.memory_space<hbm>> -> memref<16x1024xf32, #tpu.memory_space<hbm>>
    tpu.wait_dma2 semaphore(%arg22 : memref<!tpu.dma_semaphore, #tpu.memory_space<semaphore_mem>>) src(%arg10 : memref<16x1024xf32, #tpu.memory_space<vmem>>) dst(%dma_wait3A_438 : memref<16x1024xf32, #tpu.memory_space<hbm>>)
    %dma_start3A_439 = arith.constant 0 : i32
    %dma_start3A_440 = arith.constant 13 : i32
    %dma_start3A_441 = arith.constant 0 : i32
    %dma_start3A_442 = tpu.memref_slice %arg7[%dma_start3A_440, %dma_start3A_441] : memref<32x16xi32, #tpu.memory_space<vmem>> -> memref<1x16xi32, #tpu.memory_space<vmem>>
    %dma_start3A_443 = tpu.memref_squeeze %dma_start3A_442 : memref<1x16xi32, #tpu.memory_space<vmem>> -> memref<16xi32, #tpu.memory_space<vmem>>
    %dma_start3A_444 = arith.constant 0 : i32
    %dma_start3A_445 = arith.constant 0 : i32
    %dma_start3A_446 = tpu.memref_slice %arg2[%dma_start3A_439, %dma_start3A_444, %dma_start3A_445] : memref<1x4097x1024xf32, #tpu.memory_space<hbm>> -> memref<1x4097x1024xf32, #tpu.memory_space<hbm>>
    %dma_start3A_447 = tpu.memref_squeeze %dma_start3A_446 : memref<1x4097x1024xf32, #tpu.memory_space<hbm>> -> memref<4097x1024xf32, #tpu.memory_space<hbm>>
    %dma_start3A_448 = arith.constant 0 : i32
    %dma_start3A_449 = arith.constant 0 : i32
    %dma_start3A_450 = tpu.memref_slice %dma_start3A_447[%dma_start3A_448, %dma_start3A_449] : memref<4097x1024xf32, #tpu.memory_space<hbm>> -> memref<4097x1024xf32, #tpu.memory_space<hbm>>
    tpu.enqueue_indirect_dma source(%dma_start3A_450 : memref<4097x1024xf32, #tpu.memory_space<hbm>>) target(%arg10 : memref<16x1024xf32, #tpu.memory_space<vmem>>) offsets(%dma_start3A_443 : memref<16xi32, #tpu.memory_space<vmem>>) semaphore(%arg16 : memref<!tpu.dma_semaphore, #tpu.memory_space<semaphore_mem>>)
    %dma_wait3A_451 = arith.constant 0 : i32
    %dma_wait3A_452 = arith.constant 10 : i32
    %dma_wait3A_453 = arith.constant 0 : i32
    %dma_wait3A_454 = tpu.memref_slice %arg7[%dma_wait3A_452, %dma_wait3A_453] : memref<32x16xi32, #tpu.memory_space<vmem>> -> memref<1x16xi32, #tpu.memory_space<vmem>>
    %dma_wait3A_455 = tpu.memref_squeeze %dma_wait3A_454 : memref<1x16xi32, #tpu.memory_space<vmem>> -> memref<16xi32, #tpu.memory_space<vmem>>
    %dma_wait3A_456 = arith.constant 0 : i32
    %dma_wait3A_457 = arith.constant 0 : i32
    %dma_wait3A_458 = tpu.memref_slice %arg2[%dma_wait3A_451, %dma_wait3A_456, %dma_wait3A_457] : memref<1x4097x1024xf32, #tpu.memory_space<hbm>> -> memref<1x4097x1024xf32, #tpu.memory_space<hbm>>
    %dma_wait3A_459 = tpu.memref_squeeze %dma_wait3A_458 : memref<1x4097x1024xf32, #tpu.memory_space<hbm>> -> memref<4097x1024xf32, #tpu.memory_space<hbm>>
    %dma_wait3A_460 = arith.constant 0 : i32
    %dma_wait3A_461 = arith.constant 0 : i32
    %dma_wait3A_462 = tpu.memref_slice %dma_wait3A_459[%dma_wait3A_460, %dma_wait3A_461] : memref<4097x1024xf32, #tpu.memory_space<hbm>> -> memref<4097x1024xf32, #tpu.memory_space<hbm>>
    tpu.wait_indirect_dma semaphore(%arg19 : memref<!tpu.dma_semaphore, #tpu.memory_space<semaphore_mem>>) src(%dma_wait3A_462 : memref<4097x1024xf32, #tpu.memory_space<hbm>>) dst(%arg13 : memref<16x1024xf32, #tpu.memory_space<vmem>>)
    %add3A_463 = arith.constant 160 : i32
    %add3A_464 = arith.addi %mul3A_32, %add3A_463 : i32
    %dma_start3A_465 = arith.constant 0 : i32
    %dma_start3A_466 = tpu.memref_slice %arg5[%select_n3A, %add3A_464, %dma_start3A_465] : memref<4x4096x1024xf32, #tpu.memory_space<hbm>> -> memref<1x16x1024xf32, #tpu.memory_space<hbm>>
    %dma_start3A_467 = tpu.memref_squeeze %dma_start3A_466 : memref<1x16x1024xf32, #tpu.memory_space<hbm>> -> memref<16x1024xf32, #tpu.memory_space<hbm>>
    %dma_start3A_468 = arith.constant 0 : i32
    %dma_start3A_469 = tpu.memref_slice %arg5[%select_n3A, %add3A_464, %dma_start3A_468] : memref<4x4096x1024xf32, #tpu.memory_space<hbm>> -> memref<1x16x1024xf32, #tpu.memory_space<hbm>>
    %dma_start3A_470 = tpu.memref_squeeze %dma_start3A_469 : memref<1x16x1024xf32, #tpu.memory_space<hbm>> -> memref<16x1024xf32, #tpu.memory_space<hbm>>
    tpu.enqueue_dma source(%arg13 : memref<16x1024xf32, #tpu.memory_space<vmem>>) target(%dma_start3A_470 : memref<16x1024xf32, #tpu.memory_space<hbm>>) target_semaphore(%arg25 : memref<!tpu.dma_semaphore, #tpu.memory_space<semaphore_mem>>)
    %dma_wait3A_471 = arith.constant 0 : i32
    %dma_wait3A_472 = tpu.memref_slice %arg5[%select_n3A, %add3A_388, %dma_wait3A_471] : memref<4x4096x1024xf32, #tpu.memory_space<hbm>> -> memref<1x16x1024xf32, #tpu.memory_space<hbm>>
    %dma_wait3A_473 = tpu.memref_squeeze %dma_wait3A_472 : memref<1x16x1024xf32, #tpu.memory_space<hbm>> -> memref<16x1024xf32, #tpu.memory_space<hbm>>
    %dma_wait3A_474 = arith.constant 0 : i32
    %dma_wait3A_475 = tpu.memref_slice %arg5[%select_n3A, %add3A_388, %dma_wait3A_474] : memref<4x4096x1024xf32, #tpu.memory_space<hbm>> -> memref<1x16x1024xf32, #tpu.memory_space<hbm>>
    %dma_wait3A_476 = tpu.memref_squeeze %dma_wait3A_475 : memref<1x16x1024xf32, #tpu.memory_space<hbm>> -> memref<16x1024xf32, #tpu.memory_space<hbm>>
    tpu.wait_dma2 semaphore(%arg23 : memref<!tpu.dma_semaphore, #tpu.memory_space<semaphore_mem>>) src(%arg11 : memref<16x1024xf32, #tpu.memory_space<vmem>>) dst(%dma_wait3A_476 : memref<16x1024xf32, #tpu.memory_space<hbm>>)
    %dma_start3A_477 = arith.constant 0 : i32
    %dma_start3A_478 = arith.constant 14 : i32
    %dma_start3A_479 = arith.constant 0 : i32
    %dma_start3A_480 = tpu.memref_slice %arg7[%dma_start3A_478, %dma_start3A_479] : memref<32x16xi32, #tpu.memory_space<vmem>> -> memref<1x16xi32, #tpu.memory_space<vmem>>
    %dma_start3A_481 = tpu.memref_squeeze %dma_start3A_480 : memref<1x16xi32, #tpu.memory_space<vmem>> -> memref<16xi32, #tpu.memory_space<vmem>>
    %dma_start3A_482 = arith.constant 0 : i32
    %dma_start3A_483 = arith.constant 0 : i32
    %dma_start3A_484 = tpu.memref_slice %arg2[%dma_start3A_477, %dma_start3A_482, %dma_start3A_483] : memref<1x4097x1024xf32, #tpu.memory_space<hbm>> -> memref<1x4097x1024xf32, #tpu.memory_space<hbm>>
    %dma_start3A_485 = tpu.memref_squeeze %dma_start3A_484 : memref<1x4097x1024xf32, #tpu.memory_space<hbm>> -> memref<4097x1024xf32, #tpu.memory_space<hbm>>
    %dma_start3A_486 = arith.constant 0 : i32
    %dma_start3A_487 = arith.constant 0 : i32
    %dma_start3A_488 = tpu.memref_slice %dma_start3A_485[%dma_start3A_486, %dma_start3A_487] : memref<4097x1024xf32, #tpu.memory_space<hbm>> -> memref<4097x1024xf32, #tpu.memory_space<hbm>>
    tpu.enqueue_indirect_dma source(%dma_start3A_488 : memref<4097x1024xf32, #tpu.memory_space<hbm>>) target(%arg11 : memref<16x1024xf32, #tpu.memory_space<vmem>>) offsets(%dma_start3A_481 : memref<16xi32, #tpu.memory_space<vmem>>) semaphore(%arg17 : memref<!tpu.dma_semaphore, #tpu.memory_space<semaphore_mem>>)
    %dma_wait3A_489 = arith.constant 0 : i32
    %dma_wait3A_490 = arith.constant 11 : i32
    %dma_wait3A_491 = arith.constant 0 : i32
    %dma_wait3A_492 = tpu.memref_slice %arg7[%dma_wait3A_490, %dma_wait3A_491] : memref<32x16xi32, #tpu.memory_space<vmem>> -> memref<1x16xi32, #tpu.memory_space<vmem>>
    %dma_wait3A_493 = tpu.memref_squeeze %dma_wait3A_492 : memref<1x16xi32, #tpu.memory_space<vmem>> -> memref<16xi32, #tpu.memory_space<vmem>>
    %dma_wait3A_494 = arith.constant 0 : i32
    %dma_wait3A_495 = arith.constant 0 : i32
    %dma_wait3A_496 = tpu.memref_slice %arg2[%dma_wait3A_489, %dma_wait3A_494, %dma_wait3A_495] : memref<1x4097x1024xf32, #tpu.memory_space<hbm>> -> memref<1x4097x1024xf32, #tpu.memory_space<hbm>>
    %dma_wait3A_497 = tpu.memref_squeeze %dma_wait3A_496 : memref<1x4097x1024xf32, #tpu.memory_space<hbm>> -> memref<4097x1024xf32, #tpu.memory_space<hbm>>
    %dma_wait3A_498 = arith.constant 0 : i32
    %dma_wait3A_499 = arith.constant 0 : i32
    %dma_wait3A_500 = tpu.memref_slice %dma_wait3A_497[%dma_wait3A_498, %dma_wait3A_499] : memref<4097x1024xf32, #tpu.memory_space<hbm>> -> memref<4097x1024xf32, #tpu.memory_space<hbm>>
    tpu.wait_indirect_dma semaphore(%arg20 : memref<!tpu.dma_semaphore, #tpu.memory_space<semaphore_mem>>) src(%dma_wait3A_500 : memref<4097x1024xf32, #tpu.memory_space<hbm>>) dst(%arg14 : memref<16x1024xf32, #tpu.memory_space<vmem>>)
    %add3A_501 = arith.constant 176 : i32
    %add3A_502 = arith.addi %mul3A_32, %add3A_501 : i32
    %dma_start3A_503 = arith.constant 0 : i32
    %dma_start3A_504 = tpu.memref_slice %arg5[%select_n3A, %add3A_502, %dma_start3A_503] : memref<4x4096x1024xf32, #tpu.memory_space<hbm>> -> memref<1x16x1024xf32, #tpu.memory_space<hbm>>
    %dma_start3A_505 = tpu.memref_squeeze %dma_start3A_504 : memref<1x16x1024xf32, #tpu.memory_space<hbm>> -> memref<16x1024xf32, #tpu.memory_space<hbm>>
    %dma_start3A_506 = arith.constant 0 : i32
    %dma_start3A_507 = tpu.memref_slice %arg5[%select_n3A, %add3A_502, %dma_start3A_506] : memref<4x4096x1024xf32, #tpu.memory_space<hbm>> -> memref<1x16x1024xf32, #tpu.memory_space<hbm>>
    %dma_start3A_508 = tpu.memref_squeeze %dma_start3A_507 : memref<1x16x1024xf32, #tpu.memory_space<hbm>> -> memref<16x1024xf32, #tpu.memory_space<hbm>>
    tpu.enqueue_dma source(%arg14 : memref<16x1024xf32, #tpu.memory_space<vmem>>) target(%dma_start3A_508 : memref<16x1024xf32, #tpu.memory_space<hbm>>) target_semaphore(%arg26 : memref<!tpu.dma_semaphore, #tpu.memory_space<semaphore_mem>>)
    %dma_wait3A_509 = arith.constant 0 : i32
    %dma_wait3A_510 = tpu.memref_slice %arg5[%select_n3A, %add3A_426, %dma_wait3A_509] : memref<4x4096x1024xf32, #tpu.memory_space<hbm>> -> memref<1x16x1024xf32, #tpu.memory_space<hbm>>
    %dma_wait3A_511 = tpu.memref_squeeze %dma_wait3A_510 : memref<1x16x1024xf32, #tpu.memory_space<hbm>> -> memref<16x1024xf32, #tpu.memory_space<hbm>>
    %dma_wait3A_512 = arith.constant 0 : i32
    %dma_wait3A_513 = tpu.memref_slice %arg5[%select_n3A, %add3A_426, %dma_wait3A_512] : memref<4x4096x1024xf32, #tpu.memory_space<hbm>> -> memref<1x16x1024xf32, #tpu.memory_space<hbm>>
    %dma_wait3A_514 = tpu.memref_squeeze %dma_wait3A_513 : memref<1x16x1024xf32, #tpu.memory_space<hbm>> -> memref<16x1024xf32, #tpu.memory_space<hbm>>
    tpu.wait_dma2 semaphore(%arg24 : memref<!tpu.dma_semaphore, #tpu.memory_space<semaphore_mem>>) src(%arg12 : memref<16x1024xf32, #tpu.memory_space<vmem>>) dst(%dma_wait3A_514 : memref<16x1024xf32, #tpu.memory_space<hbm>>)
    %dma_start3A_515 = arith.constant 0 : i32
    %dma_start3A_516 = arith.constant 15 : i32
    %dma_start3A_517 = arith.constant 0 : i32
    %dma_start3A_518 = tpu.memref_slice %arg7[%dma_start3A_516, %dma_start3A_517] : memref<32x16xi32, #tpu.memory_space<vmem>> -> memref<1x16xi32, #tpu.memory_space<vmem>>
    %dma_start3A_519 = tpu.memref_squeeze %dma_start3A_518 : memref<1x16xi32, #tpu.memory_space<vmem>> -> memref<16xi32, #tpu.memory_space<vmem>>
    %dma_start3A_520 = arith.constant 0 : i32
    %dma_start3A_521 = arith.constant 0 : i32
    %dma_start3A_522 = tpu.memref_slice %arg2[%dma_start3A_515, %dma_start3A_520, %dma_start3A_521] : memref<1x4097x1024xf32, #tpu.memory_space<hbm>> -> memref<1x4097x1024xf32, #tpu.memory_space<hbm>>
    %dma_start3A_523 = tpu.memref_squeeze %dma_start3A_522 : memref<1x4097x1024xf32, #tpu.memory_space<hbm>> -> memref<4097x1024xf32, #tpu.memory_space<hbm>>
    %dma_start3A_524 = arith.constant 0 : i32
    %dma_start3A_525 = arith.constant 0 : i32
    %dma_start3A_526 = tpu.memref_slice %dma_start3A_523[%dma_start3A_524, %dma_start3A_525] : memref<4097x1024xf32, #tpu.memory_space<hbm>> -> memref<4097x1024xf32, #tpu.memory_space<hbm>>
    tpu.enqueue_indirect_dma source(%dma_start3A_526 : memref<4097x1024xf32, #tpu.memory_space<hbm>>) target(%arg12 : memref<16x1024xf32, #tpu.memory_space<vmem>>) offsets(%dma_start3A_519 : memref<16xi32, #tpu.memory_space<vmem>>) semaphore(%arg18 : memref<!tpu.dma_semaphore, #tpu.memory_space<semaphore_mem>>)
    %dma_wait3A_527 = arith.constant 0 : i32
    %dma_wait3A_528 = arith.constant 12 : i32
    %dma_wait3A_529 = arith.constant 0 : i32
    %dma_wait3A_530 = tpu.memref_slice %arg7[%dma_wait3A_528, %dma_wait3A_529] : memref<32x16xi32, #tpu.memory_space<vmem>> -> memref<1x16xi32, #tpu.memory_space<vmem>>
    %dma_wait3A_531 = tpu.memref_squeeze %dma_wait3A_530 : memref<1x16xi32, #tpu.memory_space<vmem>> -> memref<16xi32, #tpu.memory_space<vmem>>
    %dma_wait3A_532 = arith.constant 0 : i32
    %dma_wait3A_533 = arith.constant 0 : i32
    %dma_wait3A_534 = tpu.memref_slice %arg2[%dma_wait3A_527, %dma_wait3A_532, %dma_wait3A_533] : memref<1x4097x1024xf32, #tpu.memory_space<hbm>> -> memref<1x4097x1024xf32, #tpu.memory_space<hbm>>
    %dma_wait3A_535 = tpu.memref_squeeze %dma_wait3A_534 : memref<1x4097x1024xf32, #tpu.memory_space<hbm>> -> memref<4097x1024xf32, #tpu.memory_space<hbm>>
    %dma_wait3A_536 = arith.constant 0 : i32
    %dma_wait3A_537 = arith.constant 0 : i32
    %dma_wait3A_538 = tpu.memref_slice %dma_wait3A_535[%dma_wait3A_536, %dma_wait3A_537] : memref<4097x1024xf32, #tpu.memory_space<hbm>> -> memref<4097x1024xf32, #tpu.memory_space<hbm>>
    tpu.wait_indirect_dma semaphore(%arg15 : memref<!tpu.dma_semaphore, #tpu.memory_space<semaphore_mem>>) src(%dma_wait3A_538 : memref<4097x1024xf32, #tpu.memory_space<hbm>>) dst(%arg9 : memref<16x1024xf32, #tpu.memory_space<vmem>>)
    %add3A_539 = arith.constant 192 : i32
    %add3A_540 = arith.addi %mul3A_32, %add3A_539 : i32
    %dma_start3A_541 = arith.constant 0 : i32
    %dma_start3A_542 = tpu.memref_slice %arg5[%select_n3A, %add3A_540, %dma_start3A_541] : memref<4x4096x1024xf32, #tpu.memory_space<hbm>> -> memref<1x16x1024xf32, #tpu.memory_space<hbm>>
    %dma_start3A_543 = tpu.memref_squeeze %dma_start3A_542 : memref<1x16x1024xf32, #tpu.memory_space<hbm>> -> memref<16x1024xf32, #tpu.memory_space<hbm>>
    %dma_start3A_544 = arith.constant 0 : i32
    %dma_start3A_545 = tpu.memref_slice %arg5[%select_n3A, %add3A_540, %dma_start3A_544] : memref<4x4096x1024xf32, #tpu.memory_space<hbm>> -> memref<1x16x1024xf32, #tpu.memory_space<hbm>>
    %dma_start3A_546 = tpu.memref_squeeze %dma_start3A_545 : memref<1x16x1024xf32, #tpu.memory_space<hbm>> -> memref<16x1024xf32, #tpu.memory_space<hbm>>
    tpu.enqueue_dma source(%arg9 : memref<16x1024xf32, #tpu.memory_space<vmem>>) target(%dma_start3A_546 : memref<16x1024xf32, #tpu.memory_space<hbm>>) target_semaphore(%arg21 : memref<!tpu.dma_semaphore, #tpu.memory_space<semaphore_mem>>)
    %dma_wait3A_547 = arith.constant 0 : i32
    %dma_wait3A_548 = tpu.memref_slice %arg5[%select_n3A, %add3A_464, %dma_wait3A_547] : memref<4x4096x1024xf32, #tpu.memory_space<hbm>> -> memref<1x16x1024xf32, #tpu.memory_space<hbm>>
    %dma_wait3A_549 = tpu.memref_squeeze %dma_wait3A_548 : memref<1x16x1024xf32, #tpu.memory_space<hbm>> -> memref<16x1024xf32, #tpu.memory_space<hbm>>
    %dma_wait3A_550 = arith.constant 0 : i32
    %dma_wait3A_551 = tpu.memref_slice %arg5[%select_n3A, %add3A_464, %dma_wait3A_550] : memref<4x4096x1024xf32, #tpu.memory_space<hbm>> -> memref<1x16x1024xf32, #tpu.memory_space<hbm>>
    %dma_wait3A_552 = tpu.memref_squeeze %dma_wait3A_551 : memref<1x16x1024xf32, #tpu.memory_space<hbm>> -> memref<16x1024xf32, #tpu.memory_space<hbm>>
    tpu.wait_dma2 semaphore(%arg25 : memref<!tpu.dma_semaphore, #tpu.memory_space<semaphore_mem>>) src(%arg13 : memref<16x1024xf32, #tpu.memory_space<vmem>>) dst(%dma_wait3A_552 : memref<16x1024xf32, #tpu.memory_space<hbm>>)
    %dma_start3A_553 = arith.constant 0 : i32
    %dma_start3A_554 = arith.constant 16 : i32
    %dma_start3A_555 = arith.constant 0 : i32
    %dma_start3A_556 = tpu.memref_slice %arg7[%dma_start3A_554, %dma_start3A_555] : memref<32x16xi32, #tpu.memory_space<vmem>> -> memref<1x16xi32, #tpu.memory_space<vmem>>
    %dma_start3A_557 = tpu.memref_squeeze %dma_start3A_556 : memref<1x16xi32, #tpu.memory_space<vmem>> -> memref<16xi32, #tpu.memory_space<vmem>>
    %dma_start3A_558 = arith.constant 0 : i32
    %dma_start3A_559 = arith.constant 0 : i32
    %dma_start3A_560 = tpu.memref_slice %arg2[%dma_start3A_553, %dma_start3A_558, %dma_start3A_559] : memref<1x4097x1024xf32, #tpu.memory_space<hbm>> -> memref<1x4097x1024xf32, #tpu.memory_space<hbm>>
    %dma_start3A_561 = tpu.memref_squeeze %dma_start3A_560 : memref<1x4097x1024xf32, #tpu.memory_space<hbm>> -> memref<4097x1024xf32, #tpu.memory_space<hbm>>
    %dma_start3A_562 = arith.constant 0 : i32
    %dma_start3A_563 = arith.constant 0 : i32
    %dma_start3A_564 = tpu.memref_slice %dma_start3A_561[%dma_start3A_562, %dma_start3A_563] : memref<4097x1024xf32, #tpu.memory_space<hbm>> -> memref<4097x1024xf32, #tpu.memory_space<hbm>>
    tpu.enqueue_indirect_dma source(%dma_start3A_564 : memref<4097x1024xf32, #tpu.memory_space<hbm>>) target(%arg13 : memref<16x1024xf32, #tpu.memory_space<vmem>>) offsets(%dma_start3A_557 : memref<16xi32, #tpu.memory_space<vmem>>) semaphore(%arg19 : memref<!tpu.dma_semaphore, #tpu.memory_space<semaphore_mem>>)
    %dma_wait3A_565 = arith.constant 0 : i32
    %dma_wait3A_566 = arith.constant 13 : i32
    %dma_wait3A_567 = arith.constant 0 : i32
    %dma_wait3A_568 = tpu.memref_slice %arg7[%dma_wait3A_566, %dma_wait3A_567] : memref<32x16xi32, #tpu.memory_space<vmem>> -> memref<1x16xi32, #tpu.memory_space<vmem>>
    %dma_wait3A_569 = tpu.memref_squeeze %dma_wait3A_568 : memref<1x16xi32, #tpu.memory_space<vmem>> -> memref<16xi32, #tpu.memory_space<vmem>>
    %dma_wait3A_570 = arith.constant 0 : i32
    %dma_wait3A_571 = arith.constant 0 : i32
    %dma_wait3A_572 = tpu.memref_slice %arg2[%dma_wait3A_565, %dma_wait3A_570, %dma_wait3A_571] : memref<1x4097x1024xf32, #tpu.memory_space<hbm>> -> memref<1x4097x1024xf32, #tpu.memory_space<hbm>>
    %dma_wait3A_573 = tpu.memref_squeeze %dma_wait3A_572 : memref<1x4097x1024xf32, #tpu.memory_space<hbm>> -> memref<4097x1024xf32, #tpu.memory_space<hbm>>
    %dma_wait3A_574 = arith.constant 0 : i32
    %dma_wait3A_575 = arith.constant 0 : i32
    %dma_wait3A_576 = tpu.memref_slice %dma_wait3A_573[%dma_wait3A_574, %dma_wait3A_575] : memref<4097x1024xf32, #tpu.memory_space<hbm>> -> memref<4097x1024xf32, #tpu.memory_space<hbm>>
    tpu.wait_indirect_dma semaphore(%arg16 : memref<!tpu.dma_semaphore, #tpu.memory_space<semaphore_mem>>) src(%dma_wait3A_576 : memref<4097x1024xf32, #tpu.memory_space<hbm>>) dst(%arg10 : memref<16x1024xf32, #tpu.memory_space<vmem>>)
    %add3A_577 = arith.constant 208 : i32
    %add3A_578 = arith.addi %mul3A_32, %add3A_577 : i32
    %dma_start3A_579 = arith.constant 0 : i32
    %dma_start3A_580 = tpu.memref_slice %arg5[%select_n3A, %add3A_578, %dma_start3A_579] : memref<4x4096x1024xf32, #tpu.memory_space<hbm>> -> memref<1x16x1024xf32, #tpu.memory_space<hbm>>
    %dma_start3A_581 = tpu.memref_squeeze %dma_start3A_580 : memref<1x16x1024xf32, #tpu.memory_space<hbm>> -> memref<16x1024xf32, #tpu.memory_space<hbm>>
    %dma_start3A_582 = arith.constant 0 : i32
    %dma_start3A_583 = tpu.memref_slice %arg5[%select_n3A, %add3A_578, %dma_start3A_582] : memref<4x4096x1024xf32, #tpu.memory_space<hbm>> -> memref<1x16x1024xf32, #tpu.memory_space<hbm>>
    %dma_start3A_584 = tpu.memref_squeeze %dma_start3A_583 : memref<1x16x1024xf32, #tpu.memory_space<hbm>> -> memref<16x1024xf32, #tpu.memory_space<hbm>>
    tpu.enqueue_dma source(%arg10 : memref<16x1024xf32, #tpu.memory_space<vmem>>) target(%dma_start3A_584 : memref<16x1024xf32, #tpu.memory_space<hbm>>) target_semaphore(%arg22 : memref<!tpu.dma_semaphore, #tpu.memory_space<semaphore_mem>>)
    %dma_wait3A_585 = arith.constant 0 : i32
    %dma_wait3A_586 = tpu.memref_slice %arg5[%select_n3A, %add3A_502, %dma_wait3A_585] : memref<4x4096x1024xf32, #tpu.memory_space<hbm>> -> memref<1x16x1024xf32, #tpu.memory_space<hbm>>
    %dma_wait3A_587 = tpu.memref_squeeze %dma_wait3A_586 : memref<1x16x1024xf32, #tpu.memory_space<hbm>> -> memref<16x1024xf32, #tpu.memory_space<hbm>>
    %dma_wait3A_588 = arith.constant 0 : i32
    %dma_wait3A_589 = tpu.memref_slice %arg5[%select_n3A, %add3A_502, %dma_wait3A_588] : memref<4x4096x1024xf32, #tpu.memory_space<hbm>> -> memref<1x16x1024xf32, #tpu.memory_space<hbm>>
    %dma_wait3A_590 = tpu.memref_squeeze %dma_wait3A_589 : memref<1x16x1024xf32, #tpu.memory_space<hbm>> -> memref<16x1024xf32, #tpu.memory_space<hbm>>
    tpu.wait_dma2 semaphore(%arg26 : memref<!tpu.dma_semaphore, #tpu.memory_space<semaphore_mem>>) src(%arg14 : memref<16x1024xf32, #tpu.memory_space<vmem>>) dst(%dma_wait3A_590 : memref<16x1024xf32, #tpu.memory_space<hbm>>)
    %dma_start3A_591 = arith.constant 0 : i32
    %dma_start3A_592 = arith.constant 17 : i32
    %dma_start3A_593 = arith.constant 0 : i32
    %dma_start3A_594 = tpu.memref_slice %arg7[%dma_start3A_592, %dma_start3A_593] : memref<32x16xi32, #tpu.memory_space<vmem>> -> memref<1x16xi32, #tpu.memory_space<vmem>>
    %dma_start3A_595 = tpu.memref_squeeze %dma_start3A_594 : memref<1x16xi32, #tpu.memory_space<vmem>> -> memref<16xi32, #tpu.memory_space<vmem>>
    %dma_start3A_596 = arith.constant 0 : i32
    %dma_start3A_597 = arith.constant 0 : i32
    %dma_start3A_598 = tpu.memref_slice %arg2[%dma_start3A_591, %dma_start3A_596, %dma_start3A_597] : memref<1x4097x1024xf32, #tpu.memory_space<hbm>> -> memref<1x4097x1024xf32, #tpu.memory_space<hbm>>
    %dma_start3A_599 = tpu.memref_squeeze %dma_start3A_598 : memref<1x4097x1024xf32, #tpu.memory_space<hbm>> -> memref<4097x1024xf32, #tpu.memory_space<hbm>>
    %dma_start3A_600 = arith.constant 0 : i32
    %dma_start3A_601 = arith.constant 0 : i32
    %dma_start3A_602 = tpu.memref_slice %dma_start3A_599[%dma_start3A_600, %dma_start3A_601] : memref<4097x1024xf32, #tpu.memory_space<hbm>> -> memref<4097x1024xf32, #tpu.memory_space<hbm>>
    tpu.enqueue_indirect_dma source(%dma_start3A_602 : memref<4097x1024xf32, #tpu.memory_space<hbm>>) target(%arg14 : memref<16x1024xf32, #tpu.memory_space<vmem>>) offsets(%dma_start3A_595 : memref<16xi32, #tpu.memory_space<vmem>>) semaphore(%arg20 : memref<!tpu.dma_semaphore, #tpu.memory_space<semaphore_mem>>)
    %dma_wait3A_603 = arith.constant 0 : i32
    %dma_wait3A_604 = arith.constant 14 : i32
    %dma_wait3A_605 = arith.constant 0 : i32
    %dma_wait3A_606 = tpu.memref_slice %arg7[%dma_wait3A_604, %dma_wait3A_605] : memref<32x16xi32, #tpu.memory_space<vmem>> -> memref<1x16xi32, #tpu.memory_space<vmem>>
    %dma_wait3A_607 = tpu.memref_squeeze %dma_wait3A_606 : memref<1x16xi32, #tpu.memory_space<vmem>> -> memref<16xi32, #tpu.memory_space<vmem>>
    %dma_wait3A_608 = arith.constant 0 : i32
    %dma_wait3A_609 = arith.constant 0 : i32
    %dma_wait3A_610 = tpu.memref_slice %arg2[%dma_wait3A_603, %dma_wait3A_608, %dma_wait3A_609] : memref<1x4097x1024xf32, #tpu.memory_space<hbm>> -> memref<1x4097x1024xf32, #tpu.memory_space<hbm>>
    %dma_wait3A_611 = tpu.memref_squeeze %dma_wait3A_610 : memref<1x4097x1024xf32, #tpu.memory_space<hbm>> -> memref<4097x1024xf32, #tpu.memory_space<hbm>>
    %dma_wait3A_612 = arith.constant 0 : i32
    %dma_wait3A_613 = arith.constant 0 : i32
    %dma_wait3A_614 = tpu.memref_slice %dma_wait3A_611[%dma_wait3A_612, %dma_wait3A_613] : memref<4097x1024xf32, #tpu.memory_space<hbm>> -> memref<4097x1024xf32, #tpu.memory_space<hbm>>
    tpu.wait_indirect_dma semaphore(%arg17 : memref<!tpu.dma_semaphore, #tpu.memory_space<semaphore_mem>>) src(%dma_wait3A_614 : memref<4097x1024xf32, #tpu.memory_space<hbm>>) dst(%arg11 : memref<16x1024xf32, #tpu.memory_space<vmem>>)
    %add3A_615 = arith.constant 224 : i32
    %add3A_616 = arith.addi %mul3A_32, %add3A_615 : i32
    %dma_start3A_617 = arith.constant 0 : i32
    %dma_start3A_618 = tpu.memref_slice %arg5[%select_n3A, %add3A_616, %dma_start3A_617] : memref<4x4096x1024xf32, #tpu.memory_space<hbm>> -> memref<1x16x1024xf32, #tpu.memory_space<hbm>>
    %dma_start3A_619 = tpu.memref_squeeze %dma_start3A_618 : memref<1x16x1024xf32, #tpu.memory_space<hbm>> -> memref<16x1024xf32, #tpu.memory_space<hbm>>
    %dma_start3A_620 = arith.constant 0 : i32
    %dma_start3A_621 = tpu.memref_slice %arg5[%select_n3A, %add3A_616, %dma_start3A_620] : memref<4x4096x1024xf32, #tpu.memory_space<hbm>> -> memref<1x16x1024xf32, #tpu.memory_space<hbm>>
    %dma_start3A_622 = tpu.memref_squeeze %dma_start3A_621 : memref<1x16x1024xf32, #tpu.memory_space<hbm>> -> memref<16x1024xf32, #tpu.memory_space<hbm>>
    tpu.enqueue_dma source(%arg11 : memref<16x1024xf32, #tpu.memory_space<vmem>>) target(%dma_start3A_622 : memref<16x1024xf32, #tpu.memory_space<hbm>>) target_semaphore(%arg23 : memref<!tpu.dma_semaphore, #tpu.memory_space<semaphore_mem>>)
    %dma_wait3A_623 = arith.constant 0 : i32
    %dma_wait3A_624 = tpu.memref_slice %arg5[%select_n3A, %add3A_540, %dma_wait3A_623] : memref<4x4096x1024xf32, #tpu.memory_space<hbm>> -> memref<1x16x1024xf32, #tpu.memory_space<hbm>>
    %dma_wait3A_625 = tpu.memref_squeeze %dma_wait3A_624 : memref<1x16x1024xf32, #tpu.memory_space<hbm>> -> memref<16x1024xf32, #tpu.memory_space<hbm>>
    %dma_wait3A_626 = arith.constant 0 : i32
    %dma_wait3A_627 = tpu.memref_slice %arg5[%select_n3A, %add3A_540, %dma_wait3A_626] : memref<4x4096x1024xf32, #tpu.memory_space<hbm>> -> memref<1x16x1024xf32, #tpu.memory_space<hbm>>
    %dma_wait3A_628 = tpu.memref_squeeze %dma_wait3A_627 : memref<1x16x1024xf32, #tpu.memory_space<hbm>> -> memref<16x1024xf32, #tpu.memory_space<hbm>>
    tpu.wait_dma2 semaphore(%arg21 : memref<!tpu.dma_semaphore, #tpu.memory_space<semaphore_mem>>) src(%arg9 : memref<16x1024xf32, #tpu.memory_space<vmem>>) dst(%dma_wait3A_628 : memref<16x1024xf32, #tpu.memory_space<hbm>>)
    %dma_start3A_629 = arith.constant 0 : i32
    %dma_start3A_630 = arith.constant 18 : i32
    %dma_start3A_631 = arith.constant 0 : i32
    %dma_start3A_632 = tpu.memref_slice %arg7[%dma_start3A_630, %dma_start3A_631] : memref<32x16xi32, #tpu.memory_space<vmem>> -> memref<1x16xi32, #tpu.memory_space<vmem>>
    %dma_start3A_633 = tpu.memref_squeeze %dma_start3A_632 : memref<1x16xi32, #tpu.memory_space<vmem>> -> memref<16xi32, #tpu.memory_space<vmem>>
    %dma_start3A_634 = arith.constant 0 : i32
    %dma_start3A_635 = arith.constant 0 : i32
    %dma_start3A_636 = tpu.memref_slice %arg2[%dma_start3A_629, %dma_start3A_634, %dma_start3A_635] : memref<1x4097x1024xf32, #tpu.memory_space<hbm>> -> memref<1x4097x1024xf32, #tpu.memory_space<hbm>>
    %dma_start3A_637 = tpu.memref_squeeze %dma_start3A_636 : memref<1x4097x1024xf32, #tpu.memory_space<hbm>> -> memref<4097x1024xf32, #tpu.memory_space<hbm>>
    %dma_start3A_638 = arith.constant 0 : i32
    %dma_start3A_639 = arith.constant 0 : i32
    %dma_start3A_640 = tpu.memref_slice %dma_start3A_637[%dma_start3A_638, %dma_start3A_639] : memref<4097x1024xf32, #tpu.memory_space<hbm>> -> memref<4097x1024xf32, #tpu.memory_space<hbm>>
    tpu.enqueue_indirect_dma source(%dma_start3A_640 : memref<4097x1024xf32, #tpu.memory_space<hbm>>) target(%arg9 : memref<16x1024xf32, #tpu.memory_space<vmem>>) offsets(%dma_start3A_633 : memref<16xi32, #tpu.memory_space<vmem>>) semaphore(%arg15 : memref<!tpu.dma_semaphore, #tpu.memory_space<semaphore_mem>>)
    %dma_wait3A_641 = arith.constant 0 : i32
    %dma_wait3A_642 = arith.constant 15 : i32
    %dma_wait3A_643 = arith.constant 0 : i32
    %dma_wait3A_644 = tpu.memref_slice %arg7[%dma_wait3A_642, %dma_wait3A_643] : memref<32x16xi32, #tpu.memory_space<vmem>> -> memref<1x16xi32, #tpu.memory_space<vmem>>
    %dma_wait3A_645 = tpu.memref_squeeze %dma_wait3A_644 : memref<1x16xi32, #tpu.memory_space<vmem>> -> memref<16xi32, #tpu.memory_space<vmem>>
    %dma_wait3A_646 = arith.constant 0 : i32
    %dma_wait3A_647 = arith.constant 0 : i32
    %dma_wait3A_648 = tpu.memref_slice %arg2[%dma_wait3A_641, %dma_wait3A_646, %dma_wait3A_647] : memref<1x4097x1024xf32, #tpu.memory_space<hbm>> -> memref<1x4097x1024xf32, #tpu.memory_space<hbm>>
    %dma_wait3A_649 = tpu.memref_squeeze %dma_wait3A_648 : memref<1x4097x1024xf32, #tpu.memory_space<hbm>> -> memref<4097x1024xf32, #tpu.memory_space<hbm>>
    %dma_wait3A_650 = arith.constant 0 : i32
    %dma_wait3A_651 = arith.constant 0 : i32
    %dma_wait3A_652 = tpu.memref_slice %dma_wait3A_649[%dma_wait3A_650, %dma_wait3A_651] : memref<4097x1024xf32, #tpu.memory_space<hbm>> -> memref<4097x1024xf32, #tpu.memory_space<hbm>>
    tpu.wait_indirect_dma semaphore(%arg18 : memref<!tpu.dma_semaphore, #tpu.memory_space<semaphore_mem>>) src(%dma_wait3A_652 : memref<4097x1024xf32, #tpu.memory_space<hbm>>) dst(%arg12 : memref<16x1024xf32, #tpu.memory_space<vmem>>)
    %add3A_653 = arith.constant 240 : i32
    %add3A_654 = arith.addi %mul3A_32, %add3A_653 : i32
    %dma_start3A_655 = arith.constant 0 : i32
    %dma_start3A_656 = tpu.memref_slice %arg5[%select_n3A, %add3A_654, %dma_start3A_655] : memref<4x4096x1024xf32, #tpu.memory_space<hbm>> -> memref<1x16x1024xf32, #tpu.memory_space<hbm>>
    %dma_start3A_657 = tpu.memref_squeeze %dma_start3A_656 : memref<1x16x1024xf32, #tpu.memory_space<hbm>> -> memref<16x1024xf32, #tpu.memory_space<hbm>>
    %dma_start3A_658 = arith.constant 0 : i32
    %dma_start3A_659 = tpu.memref_slice %arg5[%select_n3A, %add3A_654, %dma_start3A_658] : memref<4x4096x1024xf32, #tpu.memory_space<hbm>> -> memref<1x16x1024xf32, #tpu.memory_space<hbm>>
    %dma_start3A_660 = tpu.memref_squeeze %dma_start3A_659 : memref<1x16x1024xf32, #tpu.memory_space<hbm>> -> memref<16x1024xf32, #tpu.memory_space<hbm>>
    tpu.enqueue_dma source(%arg12 : memref<16x1024xf32, #tpu.memory_space<vmem>>) target(%dma_start3A_660 : memref<16x1024xf32, #tpu.memory_space<hbm>>) target_semaphore(%arg24 : memref<!tpu.dma_semaphore, #tpu.memory_space<semaphore_mem>>)
    %dma_wait3A_661 = arith.constant 0 : i32
    %dma_wait3A_662 = tpu.memref_slice %arg5[%select_n3A, %add3A_578, %dma_wait3A_661] : memref<4x4096x1024xf32, #tpu.memory_space<hbm>> -> memref<1x16x1024xf32, #tpu.memory_space<hbm>>
    %dma_wait3A_663 = tpu.memref_squeeze %dma_wait3A_662 : memref<1x16x1024xf32, #tpu.memory_space<hbm>> -> memref<16x1024xf32, #tpu.memory_space<hbm>>
    %dma_wait3A_664 = arith.constant 0 : i32
    %dma_wait3A_665 = tpu.memref_slice %arg5[%select_n3A, %add3A_578, %dma_wait3A_664] : memref<4x4096x1024xf32, #tpu.memory_space<hbm>> -> memref<1x16x1024xf32, #tpu.memory_space<hbm>>
    %dma_wait3A_666 = tpu.memref_squeeze %dma_wait3A_665 : memref<1x16x1024xf32, #tpu.memory_space<hbm>> -> memref<16x1024xf32, #tpu.memory_space<hbm>>
    tpu.wait_dma2 semaphore(%arg22 : memref<!tpu.dma_semaphore, #tpu.memory_space<semaphore_mem>>) src(%arg10 : memref<16x1024xf32, #tpu.memory_space<vmem>>) dst(%dma_wait3A_666 : memref<16x1024xf32, #tpu.memory_space<hbm>>)
    %dma_start3A_667 = arith.constant 0 : i32
    %dma_start3A_668 = arith.constant 19 : i32
    %dma_start3A_669 = arith.constant 0 : i32
    %dma_start3A_670 = tpu.memref_slice %arg7[%dma_start3A_668, %dma_start3A_669] : memref<32x16xi32, #tpu.memory_space<vmem>> -> memref<1x16xi32, #tpu.memory_space<vmem>>
    %dma_start3A_671 = tpu.memref_squeeze %dma_start3A_670 : memref<1x16xi32, #tpu.memory_space<vmem>> -> memref<16xi32, #tpu.memory_space<vmem>>
    %dma_start3A_672 = arith.constant 0 : i32
    %dma_start3A_673 = arith.constant 0 : i32
    %dma_start3A_674 = tpu.memref_slice %arg2[%dma_start3A_667, %dma_start3A_672, %dma_start3A_673] : memref<1x4097x1024xf32, #tpu.memory_space<hbm>> -> memref<1x4097x1024xf32, #tpu.memory_space<hbm>>
    %dma_start3A_675 = tpu.memref_squeeze %dma_start3A_674 : memref<1x4097x1024xf32, #tpu.memory_space<hbm>> -> memref<4097x1024xf32, #tpu.memory_space<hbm>>
    %dma_start3A_676 = arith.constant 0 : i32
    %dma_start3A_677 = arith.constant 0 : i32
    %dma_start3A_678 = tpu.memref_slice %dma_start3A_675[%dma_start3A_676, %dma_start3A_677] : memref<4097x1024xf32, #tpu.memory_space<hbm>> -> memref<4097x1024xf32, #tpu.memory_space<hbm>>
    tpu.enqueue_indirect_dma source(%dma_start3A_678 : memref<4097x1024xf32, #tpu.memory_space<hbm>>) target(%arg10 : memref<16x1024xf32, #tpu.memory_space<vmem>>) offsets(%dma_start3A_671 : memref<16xi32, #tpu.memory_space<vmem>>) semaphore(%arg16 : memref<!tpu.dma_semaphore, #tpu.memory_space<semaphore_mem>>)
    %dma_wait3A_679 = arith.constant 0 : i32
    %dma_wait3A_680 = arith.constant 16 : i32
    %dma_wait3A_681 = arith.constant 0 : i32
    %dma_wait3A_682 = tpu.memref_slice %arg7[%dma_wait3A_680, %dma_wait3A_681] : memref<32x16xi32, #tpu.memory_space<vmem>> -> memref<1x16xi32, #tpu.memory_space<vmem>>
    %dma_wait3A_683 = tpu.memref_squeeze %dma_wait3A_682 : memref<1x16xi32, #tpu.memory_space<vmem>> -> memref<16xi32, #tpu.memory_space<vmem>>
    %dma_wait3A_684 = arith.constant 0 : i32
    %dma_wait3A_685 = arith.constant 0 : i32
    %dma_wait3A_686 = tpu.memref_slice %arg2[%dma_wait3A_679, %dma_wait3A_684, %dma_wait3A_685] : memref<1x4097x1024xf32, #tpu.memory_space<hbm>> -> memref<1x4097x1024xf32, #tpu.memory_space<hbm>>
    %dma_wait3A_687 = tpu.memref_squeeze %dma_wait3A_686 : memref<1x4097x1024xf32, #tpu.memory_space<hbm>> -> memref<4097x1024xf32, #tpu.memory_space<hbm>>
    %dma_wait3A_688 = arith.constant 0 : i32
    %dma_wait3A_689 = arith.constant 0 : i32
    %dma_wait3A_690 = tpu.memref_slice %dma_wait3A_687[%dma_wait3A_688, %dma_wait3A_689] : memref<4097x1024xf32, #tpu.memory_space<hbm>> -> memref<4097x1024xf32, #tpu.memory_space<hbm>>
    tpu.wait_indirect_dma semaphore(%arg19 : memref<!tpu.dma_semaphore, #tpu.memory_space<semaphore_mem>>) src(%dma_wait3A_690 : memref<4097x1024xf32, #tpu.memory_space<hbm>>) dst(%arg13 : memref<16x1024xf32, #tpu.memory_space<vmem>>)
    %add3A_691 = arith.constant 256 : i32
    %add3A_692 = arith.addi %mul3A_32, %add3A_691 : i32
    %dma_start3A_693 = arith.constant 0 : i32
    %dma_start3A_694 = tpu.memref_slice %arg5[%select_n3A, %add3A_692, %dma_start3A_693] : memref<4x4096x1024xf32, #tpu.memory_space<hbm>> -> memref<1x16x1024xf32, #tpu.memory_space<hbm>>
    %dma_start3A_695 = tpu.memref_squeeze %dma_start3A_694 : memref<1x16x1024xf32, #tpu.memory_space<hbm>> -> memref<16x1024xf32, #tpu.memory_space<hbm>>
    %dma_start3A_696 = arith.constant 0 : i32
    %dma_start3A_697 = tpu.memref_slice %arg5[%select_n3A, %add3A_692, %dma_start3A_696] : memref<4x4096x1024xf32, #tpu.memory_space<hbm>> -> memref<1x16x1024xf32, #tpu.memory_space<hbm>>
    %dma_start3A_698 = tpu.memref_squeeze %dma_start3A_697 : memref<1x16x1024xf32, #tpu.memory_space<hbm>> -> memref<16x1024xf32, #tpu.memory_space<hbm>>
    tpu.enqueue_dma source(%arg13 : memref<16x1024xf32, #tpu.memory_space<vmem>>) target(%dma_start3A_698 : memref<16x1024xf32, #tpu.memory_space<hbm>>) target_semaphore(%arg25 : memref<!tpu.dma_semaphore, #tpu.memory_space<semaphore_mem>>)
    %dma_wait3A_699 = arith.constant 0 : i32
    %dma_wait3A_700 = tpu.memref_slice %arg5[%select_n3A, %add3A_616, %dma_wait3A_699] : memref<4x4096x1024xf32, #tpu.memory_space<hbm>> -> memref<1x16x1024xf32, #tpu.memory_space<hbm>>
    %dma_wait3A_701 = tpu.memref_squeeze %dma_wait3A_700 : memref<1x16x1024xf32, #tpu.memory_space<hbm>> -> memref<16x1024xf32, #tpu.memory_space<hbm>>
    %dma_wait3A_702 = arith.constant 0 : i32
    %dma_wait3A_703 = tpu.memref_slice %arg5[%select_n3A, %add3A_616, %dma_wait3A_702] : memref<4x4096x1024xf32, #tpu.memory_space<hbm>> -> memref<1x16x1024xf32, #tpu.memory_space<hbm>>
    %dma_wait3A_704 = tpu.memref_squeeze %dma_wait3A_703 : memref<1x16x1024xf32, #tpu.memory_space<hbm>> -> memref<16x1024xf32, #tpu.memory_space<hbm>>
    tpu.wait_dma2 semaphore(%arg23 : memref<!tpu.dma_semaphore, #tpu.memory_space<semaphore_mem>>) src(%arg11 : memref<16x1024xf32, #tpu.memory_space<vmem>>) dst(%dma_wait3A_704 : memref<16x1024xf32, #tpu.memory_space<hbm>>)
    %dma_start3A_705 = arith.constant 0 : i32
    %dma_start3A_706 = arith.constant 20 : i32
    %dma_start3A_707 = arith.constant 0 : i32
    %dma_start3A_708 = tpu.memref_slice %arg7[%dma_start3A_706, %dma_start3A_707] : memref<32x16xi32, #tpu.memory_space<vmem>> -> memref<1x16xi32, #tpu.memory_space<vmem>>
    %dma_start3A_709 = tpu.memref_squeeze %dma_start3A_708 : memref<1x16xi32, #tpu.memory_space<vmem>> -> memref<16xi32, #tpu.memory_space<vmem>>
    %dma_start3A_710 = arith.constant 0 : i32
    %dma_start3A_711 = arith.constant 0 : i32
    %dma_start3A_712 = tpu.memref_slice %arg2[%dma_start3A_705, %dma_start3A_710, %dma_start3A_711] : memref<1x4097x1024xf32, #tpu.memory_space<hbm>> -> memref<1x4097x1024xf32, #tpu.memory_space<hbm>>
    %dma_start3A_713 = tpu.memref_squeeze %dma_start3A_712 : memref<1x4097x1024xf32, #tpu.memory_space<hbm>> -> memref<4097x1024xf32, #tpu.memory_space<hbm>>
    %dma_start3A_714 = arith.constant 0 : i32
    %dma_start3A_715 = arith.constant 0 : i32
    %dma_start3A_716 = tpu.memref_slice %dma_start3A_713[%dma_start3A_714, %dma_start3A_715] : memref<4097x1024xf32, #tpu.memory_space<hbm>> -> memref<4097x1024xf32, #tpu.memory_space<hbm>>
    tpu.enqueue_indirect_dma source(%dma_start3A_716 : memref<4097x1024xf32, #tpu.memory_space<hbm>>) target(%arg11 : memref<16x1024xf32, #tpu.memory_space<vmem>>) offsets(%dma_start3A_709 : memref<16xi32, #tpu.memory_space<vmem>>) semaphore(%arg17 : memref<!tpu.dma_semaphore, #tpu.memory_space<semaphore_mem>>)
    %dma_wait3A_717 = arith.constant 0 : i32
    %dma_wait3A_718 = arith.constant 17 : i32
    %dma_wait3A_719 = arith.constant 0 : i32
    %dma_wait3A_720 = tpu.memref_slice %arg7[%dma_wait3A_718, %dma_wait3A_719] : memref<32x16xi32, #tpu.memory_space<vmem>> -> memref<1x16xi32, #tpu.memory_space<vmem>>
    %dma_wait3A_721 = tpu.memref_squeeze %dma_wait3A_720 : memref<1x16xi32, #tpu.memory_space<vmem>> -> memref<16xi32, #tpu.memory_space<vmem>>
    %dma_wait3A_722 = arith.constant 0 : i32
    %dma_wait3A_723 = arith.constant 0 : i32
    %dma_wait3A_724 = tpu.memref_slice %arg2[%dma_wait3A_717, %dma_wait3A_722, %dma_wait3A_723] : memref<1x4097x1024xf32, #tpu.memory_space<hbm>> -> memref<1x4097x1024xf32, #tpu.memory_space<hbm>>
    %dma_wait3A_725 = tpu.memref_squeeze %dma_wait3A_724 : memref<1x4097x1024xf32, #tpu.memory_space<hbm>> -> memref<4097x1024xf32, #tpu.memory_space<hbm>>
    %dma_wait3A_726 = arith.constant 0 : i32
    %dma_wait3A_727 = arith.constant 0 : i32
    %dma_wait3A_728 = tpu.memref_slice %dma_wait3A_725[%dma_wait3A_726, %dma_wait3A_727] : memref<4097x1024xf32, #tpu.memory_space<hbm>> -> memref<4097x1024xf32, #tpu.memory_space<hbm>>
    tpu.wait_indirect_dma semaphore(%arg20 : memref<!tpu.dma_semaphore, #tpu.memory_space<semaphore_mem>>) src(%dma_wait3A_728 : memref<4097x1024xf32, #tpu.memory_space<hbm>>) dst(%arg14 : memref<16x1024xf32, #tpu.memory_space<vmem>>)
    %add3A_729 = arith.constant 272 : i32
    %add3A_730 = arith.addi %mul3A_32, %add3A_729 : i32
    %dma_start3A_731 = arith.constant 0 : i32
    %dma_start3A_732 = tpu.memref_slice %arg5[%select_n3A, %add3A_730, %dma_start3A_731] : memref<4x4096x1024xf32, #tpu.memory_space<hbm>> -> memref<1x16x1024xf32, #tpu.memory_space<hbm>>
    %dma_start3A_733 = tpu.memref_squeeze %dma_start3A_732 : memref<1x16x1024xf32, #tpu.memory_space<hbm>> -> memref<16x1024xf32, #tpu.memory_space<hbm>>
    %dma_start3A_734 = arith.constant 0 : i32
    %dma_start3A_735 = tpu.memref_slice %arg5[%select_n3A, %add3A_730, %dma_start3A_734] : memref<4x4096x1024xf32, #tpu.memory_space<hbm>> -> memref<1x16x1024xf32, #tpu.memory_space<hbm>>
    %dma_start3A_736 = tpu.memref_squeeze %dma_start3A_735 : memref<1x16x1024xf32, #tpu.memory_space<hbm>> -> memref<16x1024xf32, #tpu.memory_space<hbm>>
    tpu.enqueue_dma source(%arg14 : memref<16x1024xf32, #tpu.memory_space<vmem>>) target(%dma_start3A_736 : memref<16x1024xf32, #tpu.memory_space<hbm>>) target_semaphore(%arg26 : memref<!tpu.dma_semaphore, #tpu.memory_space<semaphore_mem>>)
    %dma_wait3A_737 = arith.constant 0 : i32
    %dma_wait3A_738 = tpu.memref_slice %arg5[%select_n3A, %add3A_654, %dma_wait3A_737] : memref<4x4096x1024xf32, #tpu.memory_space<hbm>> -> memref<1x16x1024xf32, #tpu.memory_space<hbm>>
    %dma_wait3A_739 = tpu.memref_squeeze %dma_wait3A_738 : memref<1x16x1024xf32, #tpu.memory_space<hbm>> -> memref<16x1024xf32, #tpu.memory_space<hbm>>
    %dma_wait3A_740 = arith.constant 0 : i32
    %dma_wait3A_741 = tpu.memref_slice %arg5[%select_n3A, %add3A_654, %dma_wait3A_740] : memref<4x4096x1024xf32, #tpu.memory_space<hbm>> -> memref<1x16x1024xf32, #tpu.memory_space<hbm>>
    %dma_wait3A_742 = tpu.memref_squeeze %dma_wait3A_741 : memref<1x16x1024xf32, #tpu.memory_space<hbm>> -> memref<16x1024xf32, #tpu.memory_space<hbm>>
    tpu.wait_dma2 semaphore(%arg24 : memref<!tpu.dma_semaphore, #tpu.memory_space<semaphore_mem>>) src(%arg12 : memref<16x1024xf32, #tpu.memory_space<vmem>>) dst(%dma_wait3A_742 : memref<16x1024xf32, #tpu.memory_space<hbm>>)
    %dma_start3A_743 = arith.constant 0 : i32
    %dma_start3A_744 = arith.constant 21 : i32
    %dma_start3A_745 = arith.constant 0 : i32
    %dma_start3A_746 = tpu.memref_slice %arg7[%dma_start3A_744, %dma_start3A_745] : memref<32x16xi32, #tpu.memory_space<vmem>> -> memref<1x16xi32, #tpu.memory_space<vmem>>
    %dma_start3A_747 = tpu.memref_squeeze %dma_start3A_746 : memref<1x16xi32, #tpu.memory_space<vmem>> -> memref<16xi32, #tpu.memory_space<vmem>>
    %dma_start3A_748 = arith.constant 0 : i32
    %dma_start3A_749 = arith.constant 0 : i32
    %dma_start3A_750 = tpu.memref_slice %arg2[%dma_start3A_743, %dma_start3A_748, %dma_start3A_749] : memref<1x4097x1024xf32, #tpu.memory_space<hbm>> -> memref<1x4097x1024xf32, #tpu.memory_space<hbm>>
    %dma_start3A_751 = tpu.memref_squeeze %dma_start3A_750 : memref<1x4097x1024xf32, #tpu.memory_space<hbm>> -> memref<4097x1024xf32, #tpu.memory_space<hbm>>
    %dma_start3A_752 = arith.constant 0 : i32
    %dma_start3A_753 = arith.constant 0 : i32
    %dma_start3A_754 = tpu.memref_slice %dma_start3A_751[%dma_start3A_752, %dma_start3A_753] : memref<4097x1024xf32, #tpu.memory_space<hbm>> -> memref<4097x1024xf32, #tpu.memory_space<hbm>>
    tpu.enqueue_indirect_dma source(%dma_start3A_754 : memref<4097x1024xf32, #tpu.memory_space<hbm>>) target(%arg12 : memref<16x1024xf32, #tpu.memory_space<vmem>>) offsets(%dma_start3A_747 : memref<16xi32, #tpu.memory_space<vmem>>) semaphore(%arg18 : memref<!tpu.dma_semaphore, #tpu.memory_space<semaphore_mem>>)
    %dma_wait3A_755 = arith.constant 0 : i32
    %dma_wait3A_756 = arith.constant 18 : i32
    %dma_wait3A_757 = arith.constant 0 : i32
    %dma_wait3A_758 = tpu.memref_slice %arg7[%dma_wait3A_756, %dma_wait3A_757] : memref<32x16xi32, #tpu.memory_space<vmem>> -> memref<1x16xi32, #tpu.memory_space<vmem>>
    %dma_wait3A_759 = tpu.memref_squeeze %dma_wait3A_758 : memref<1x16xi32, #tpu.memory_space<vmem>> -> memref<16xi32, #tpu.memory_space<vmem>>
    %dma_wait3A_760 = arith.constant 0 : i32
    %dma_wait3A_761 = arith.constant 0 : i32
    %dma_wait3A_762 = tpu.memref_slice %arg2[%dma_wait3A_755, %dma_wait3A_760, %dma_wait3A_761] : memref<1x4097x1024xf32, #tpu.memory_space<hbm>> -> memref<1x4097x1024xf32, #tpu.memory_space<hbm>>
    %dma_wait3A_763 = tpu.memref_squeeze %dma_wait3A_762 : memref<1x4097x1024xf32, #tpu.memory_space<hbm>> -> memref<4097x1024xf32, #tpu.memory_space<hbm>>
    %dma_wait3A_764 = arith.constant 0 : i32
    %dma_wait3A_765 = arith.constant 0 : i32
    %dma_wait3A_766 = tpu.memref_slice %dma_wait3A_763[%dma_wait3A_764, %dma_wait3A_765] : memref<4097x1024xf32, #tpu.memory_space<hbm>> -> memref<4097x1024xf32, #tpu.memory_space<hbm>>
    tpu.wait_indirect_dma semaphore(%arg15 : memref<!tpu.dma_semaphore, #tpu.memory_space<semaphore_mem>>) src(%dma_wait3A_766 : memref<4097x1024xf32, #tpu.memory_space<hbm>>) dst(%arg9 : memref<16x1024xf32, #tpu.memory_space<vmem>>)
    %add3A_767 = arith.constant 288 : i32
    %add3A_768 = arith.addi %mul3A_32, %add3A_767 : i32
    %dma_start3A_769 = arith.constant 0 : i32
    %dma_start3A_770 = tpu.memref_slice %arg5[%select_n3A, %add3A_768, %dma_start3A_769] : memref<4x4096x1024xf32, #tpu.memory_space<hbm>> -> memref<1x16x1024xf32, #tpu.memory_space<hbm>>
    %dma_start3A_771 = tpu.memref_squeeze %dma_start3A_770 : memref<1x16x1024xf32, #tpu.memory_space<hbm>> -> memref<16x1024xf32, #tpu.memory_space<hbm>>
    %dma_start3A_772 = arith.constant 0 : i32
    %dma_start3A_773 = tpu.memref_slice %arg5[%select_n3A, %add3A_768, %dma_start3A_772] : memref<4x4096x1024xf32, #tpu.memory_space<hbm>> -> memref<1x16x1024xf32, #tpu.memory_space<hbm>>
    %dma_start3A_774 = tpu.memref_squeeze %dma_start3A_773 : memref<1x16x1024xf32, #tpu.memory_space<hbm>> -> memref<16x1024xf32, #tpu.memory_space<hbm>>
    tpu.enqueue_dma source(%arg9 : memref<16x1024xf32, #tpu.memory_space<vmem>>) target(%dma_start3A_774 : memref<16x1024xf32, #tpu.memory_space<hbm>>) target_semaphore(%arg21 : memref<!tpu.dma_semaphore, #tpu.memory_space<semaphore_mem>>)
    %dma_wait3A_775 = arith.constant 0 : i32
    %dma_wait3A_776 = tpu.memref_slice %arg5[%select_n3A, %add3A_692, %dma_wait3A_775] : memref<4x4096x1024xf32, #tpu.memory_space<hbm>> -> memref<1x16x1024xf32, #tpu.memory_space<hbm>>
    %dma_wait3A_777 = tpu.memref_squeeze %dma_wait3A_776 : memref<1x16x1024xf32, #tpu.memory_space<hbm>> -> memref<16x1024xf32, #tpu.memory_space<hbm>>
    %dma_wait3A_778 = arith.constant 0 : i32
    %dma_wait3A_779 = tpu.memref_slice %arg5[%select_n3A, %add3A_692, %dma_wait3A_778] : memref<4x4096x1024xf32, #tpu.memory_space<hbm>> -> memref<1x16x1024xf32, #tpu.memory_space<hbm>>
    %dma_wait3A_780 = tpu.memref_squeeze %dma_wait3A_779 : memref<1x16x1024xf32, #tpu.memory_space<hbm>> -> memref<16x1024xf32, #tpu.memory_space<hbm>>
    tpu.wait_dma2 semaphore(%arg25 : memref<!tpu.dma_semaphore, #tpu.memory_space<semaphore_mem>>) src(%arg13 : memref<16x1024xf32, #tpu.memory_space<vmem>>) dst(%dma_wait3A_780 : memref<16x1024xf32, #tpu.memory_space<hbm>>)
    %dma_start3A_781 = arith.constant 0 : i32
    %dma_start3A_782 = arith.constant 22 : i32
    %dma_start3A_783 = arith.constant 0 : i32
    %dma_start3A_784 = tpu.memref_slice %arg7[%dma_start3A_782, %dma_start3A_783] : memref<32x16xi32, #tpu.memory_space<vmem>> -> memref<1x16xi32, #tpu.memory_space<vmem>>
    %dma_start3A_785 = tpu.memref_squeeze %dma_start3A_784 : memref<1x16xi32, #tpu.memory_space<vmem>> -> memref<16xi32, #tpu.memory_space<vmem>>
    %dma_start3A_786 = arith.constant 0 : i32
    %dma_start3A_787 = arith.constant 0 : i32
    %dma_start3A_788 = tpu.memref_slice %arg2[%dma_start3A_781, %dma_start3A_786, %dma_start3A_787] : memref<1x4097x1024xf32, #tpu.memory_space<hbm>> -> memref<1x4097x1024xf32, #tpu.memory_space<hbm>>
    %dma_start3A_789 = tpu.memref_squeeze %dma_start3A_788 : memref<1x4097x1024xf32, #tpu.memory_space<hbm>> -> memref<4097x1024xf32, #tpu.memory_space<hbm>>
    %dma_start3A_790 = arith.constant 0 : i32
    %dma_start3A_791 = arith.constant 0 : i32
    %dma_start3A_792 = tpu.memref_slice %dma_start3A_789[%dma_start3A_790, %dma_start3A_791] : memref<4097x1024xf32, #tpu.memory_space<hbm>> -> memref<4097x1024xf32, #tpu.memory_space<hbm>>
    tpu.enqueue_indirect_dma source(%dma_start3A_792 : memref<4097x1024xf32, #tpu.memory_space<hbm>>) target(%arg13 : memref<16x1024xf32, #tpu.memory_space<vmem>>) offsets(%dma_start3A_785 : memref<16xi32, #tpu.memory_space<vmem>>) semaphore(%arg19 : memref<!tpu.dma_semaphore, #tpu.memory_space<semaphore_mem>>)
    %dma_wait3A_793 = arith.constant 0 : i32
    %dma_wait3A_794 = arith.constant 19 : i32
    %dma_wait3A_795 = arith.constant 0 : i32
    %dma_wait3A_796 = tpu.memref_slice %arg7[%dma_wait3A_794, %dma_wait3A_795] : memref<32x16xi32, #tpu.memory_space<vmem>> -> memref<1x16xi32, #tpu.memory_space<vmem>>
    %dma_wait3A_797 = tpu.memref_squeeze %dma_wait3A_796 : memref<1x16xi32, #tpu.memory_space<vmem>> -> memref<16xi32, #tpu.memory_space<vmem>>
    %dma_wait3A_798 = arith.constant 0 : i32
    %dma_wait3A_799 = arith.constant 0 : i32
    %dma_wait3A_800 = tpu.memref_slice %arg2[%dma_wait3A_793, %dma_wait3A_798, %dma_wait3A_799] : memref<1x4097x1024xf32, #tpu.memory_space<hbm>> -> memref<1x4097x1024xf32, #tpu.memory_space<hbm>>
    %dma_wait3A_801 = tpu.memref_squeeze %dma_wait3A_800 : memref<1x4097x1024xf32, #tpu.memory_space<hbm>> -> memref<4097x1024xf32, #tpu.memory_space<hbm>>
    %dma_wait3A_802 = arith.constant 0 : i32
    %dma_wait3A_803 = arith.constant 0 : i32
    %dma_wait3A_804 = tpu.memref_slice %dma_wait3A_801[%dma_wait3A_802, %dma_wait3A_803] : memref<4097x1024xf32, #tpu.memory_space<hbm>> -> memref<4097x1024xf32, #tpu.memory_space<hbm>>
    tpu.wait_indirect_dma semaphore(%arg16 : memref<!tpu.dma_semaphore, #tpu.memory_space<semaphore_mem>>) src(%dma_wait3A_804 : memref<4097x1024xf32, #tpu.memory_space<hbm>>) dst(%arg10 : memref<16x1024xf32, #tpu.memory_space<vmem>>)
    %add3A_805 = arith.constant 304 : i32
    %add3A_806 = arith.addi %mul3A_32, %add3A_805 : i32
    %dma_start3A_807 = arith.constant 0 : i32
    %dma_start3A_808 = tpu.memref_slice %arg5[%select_n3A, %add3A_806, %dma_start3A_807] : memref<4x4096x1024xf32, #tpu.memory_space<hbm>> -> memref<1x16x1024xf32, #tpu.memory_space<hbm>>
    %dma_start3A_809 = tpu.memref_squeeze %dma_start3A_808 : memref<1x16x1024xf32, #tpu.memory_space<hbm>> -> memref<16x1024xf32, #tpu.memory_space<hbm>>
    %dma_start3A_810 = arith.constant 0 : i32
    %dma_start3A_811 = tpu.memref_slice %arg5[%select_n3A, %add3A_806, %dma_start3A_810] : memref<4x4096x1024xf32, #tpu.memory_space<hbm>> -> memref<1x16x1024xf32, #tpu.memory_space<hbm>>
    %dma_start3A_812 = tpu.memref_squeeze %dma_start3A_811 : memref<1x16x1024xf32, #tpu.memory_space<hbm>> -> memref<16x1024xf32, #tpu.memory_space<hbm>>
    tpu.enqueue_dma source(%arg10 : memref<16x1024xf32, #tpu.memory_space<vmem>>) target(%dma_start3A_812 : memref<16x1024xf32, #tpu.memory_space<hbm>>) target_semaphore(%arg22 : memref<!tpu.dma_semaphore, #tpu.memory_space<semaphore_mem>>)
    %dma_wait3A_813 = arith.constant 0 : i32
    %dma_wait3A_814 = tpu.memref_slice %arg5[%select_n3A, %add3A_730, %dma_wait3A_813] : memref<4x4096x1024xf32, #tpu.memory_space<hbm>> -> memref<1x16x1024xf32, #tpu.memory_space<hbm>>
    %dma_wait3A_815 = tpu.memref_squeeze %dma_wait3A_814 : memref<1x16x1024xf32, #tpu.memory_space<hbm>> -> memref<16x1024xf32, #tpu.memory_space<hbm>>
    %dma_wait3A_816 = arith.constant 0 : i32
    %dma_wait3A_817 = tpu.memref_slice %arg5[%select_n3A, %add3A_730, %dma_wait3A_816] : memref<4x4096x1024xf32, #tpu.memory_space<hbm>> -> memref<1x16x1024xf32, #tpu.memory_space<hbm>>
    %dma_wait3A_818 = tpu.memref_squeeze %dma_wait3A_817 : memref<1x16x1024xf32, #tpu.memory_space<hbm>> -> memref<16x1024xf32, #tpu.memory_space<hbm>>
    tpu.wait_dma2 semaphore(%arg26 : memref<!tpu.dma_semaphore, #tpu.memory_space<semaphore_mem>>) src(%arg14 : memref<16x1024xf32, #tpu.memory_space<vmem>>) dst(%dma_wait3A_818 : memref<16x1024xf32, #tpu.memory_space<hbm>>)
    %dma_start3A_819 = arith.constant 0 : i32
    %dma_start3A_820 = arith.constant 23 : i32
    %dma_start3A_821 = arith.constant 0 : i32
    %dma_start3A_822 = tpu.memref_slice %arg7[%dma_start3A_820, %dma_start3A_821] : memref<32x16xi32, #tpu.memory_space<vmem>> -> memref<1x16xi32, #tpu.memory_space<vmem>>
    %dma_start3A_823 = tpu.memref_squeeze %dma_start3A_822 : memref<1x16xi32, #tpu.memory_space<vmem>> -> memref<16xi32, #tpu.memory_space<vmem>>
    %dma_start3A_824 = arith.constant 0 : i32
    %dma_start3A_825 = arith.constant 0 : i32
    %dma_start3A_826 = tpu.memref_slice %arg2[%dma_start3A_819, %dma_start3A_824, %dma_start3A_825] : memref<1x4097x1024xf32, #tpu.memory_space<hbm>> -> memref<1x4097x1024xf32, #tpu.memory_space<hbm>>
    %dma_start3A_827 = tpu.memref_squeeze %dma_start3A_826 : memref<1x4097x1024xf32, #tpu.memory_space<hbm>> -> memref<4097x1024xf32, #tpu.memory_space<hbm>>
    %dma_start3A_828 = arith.constant 0 : i32
    %dma_start3A_829 = arith.constant 0 : i32
    %dma_start3A_830 = tpu.memref_slice %dma_start3A_827[%dma_start3A_828, %dma_start3A_829] : memref<4097x1024xf32, #tpu.memory_space<hbm>> -> memref<4097x1024xf32, #tpu.memory_space<hbm>>
    tpu.enqueue_indirect_dma source(%dma_start3A_830 : memref<4097x1024xf32, #tpu.memory_space<hbm>>) target(%arg14 : memref<16x1024xf32, #tpu.memory_space<vmem>>) offsets(%dma_start3A_823 : memref<16xi32, #tpu.memory_space<vmem>>) semaphore(%arg20 : memref<!tpu.dma_semaphore, #tpu.memory_space<semaphore_mem>>)
    %dma_wait3A_831 = arith.constant 0 : i32
    %dma_wait3A_832 = arith.constant 20 : i32
    %dma_wait3A_833 = arith.constant 0 : i32
    %dma_wait3A_834 = tpu.memref_slice %arg7[%dma_wait3A_832, %dma_wait3A_833] : memref<32x16xi32, #tpu.memory_space<vmem>> -> memref<1x16xi32, #tpu.memory_space<vmem>>
    %dma_wait3A_835 = tpu.memref_squeeze %dma_wait3A_834 : memref<1x16xi32, #tpu.memory_space<vmem>> -> memref<16xi32, #tpu.memory_space<vmem>>
    %dma_wait3A_836 = arith.constant 0 : i32
    %dma_wait3A_837 = arith.constant 0 : i32
    %dma_wait3A_838 = tpu.memref_slice %arg2[%dma_wait3A_831, %dma_wait3A_836, %dma_wait3A_837] : memref<1x4097x1024xf32, #tpu.memory_space<hbm>> -> memref<1x4097x1024xf32, #tpu.memory_space<hbm>>
    %dma_wait3A_839 = tpu.memref_squeeze %dma_wait3A_838 : memref<1x4097x1024xf32, #tpu.memory_space<hbm>> -> memref<4097x1024xf32, #tpu.memory_space<hbm>>
    %dma_wait3A_840 = arith.constant 0 : i32
    %dma_wait3A_841 = arith.constant 0 : i32
    %dma_wait3A_842 = tpu.memref_slice %dma_wait3A_839[%dma_wait3A_840, %dma_wait3A_841] : memref<4097x1024xf32, #tpu.memory_space<hbm>> -> memref<4097x1024xf32, #tpu.memory_space<hbm>>
    tpu.wait_indirect_dma semaphore(%arg17 : memref<!tpu.dma_semaphore, #tpu.memory_space<semaphore_mem>>) src(%dma_wait3A_842 : memref<4097x1024xf32, #tpu.memory_space<hbm>>) dst(%arg11 : memref<16x1024xf32, #tpu.memory_space<vmem>>)
    %add3A_843 = arith.constant 320 : i32
    %add3A_844 = arith.addi %mul3A_32, %add3A_843 : i32
    %dma_start3A_845 = arith.constant 0 : i32
    %dma_start3A_846 = tpu.memref_slice %arg5[%select_n3A, %add3A_844, %dma_start3A_845] : memref<4x4096x1024xf32, #tpu.memory_space<hbm>> -> memref<1x16x1024xf32, #tpu.memory_space<hbm>>
    %dma_start3A_847 = tpu.memref_squeeze %dma_start3A_846 : memref<1x16x1024xf32, #tpu.memory_space<hbm>> -> memref<16x1024xf32, #tpu.memory_space<hbm>>
    %dma_start3A_848 = arith.constant 0 : i32
    %dma_start3A_849 = tpu.memref_slice %arg5[%select_n3A, %add3A_844, %dma_start3A_848] : memref<4x4096x1024xf32, #tpu.memory_space<hbm>> -> memref<1x16x1024xf32, #tpu.memory_space<hbm>>
    %dma_start3A_850 = tpu.memref_squeeze %dma_start3A_849 : memref<1x16x1024xf32, #tpu.memory_space<hbm>> -> memref<16x1024xf32, #tpu.memory_space<hbm>>
    tpu.enqueue_dma source(%arg11 : memref<16x1024xf32, #tpu.memory_space<vmem>>) target(%dma_start3A_850 : memref<16x1024xf32, #tpu.memory_space<hbm>>) target_semaphore(%arg23 : memref<!tpu.dma_semaphore, #tpu.memory_space<semaphore_mem>>)
    %dma_wait3A_851 = arith.constant 0 : i32
    %dma_wait3A_852 = tpu.memref_slice %arg5[%select_n3A, %add3A_768, %dma_wait3A_851] : memref<4x4096x1024xf32, #tpu.memory_space<hbm>> -> memref<1x16x1024xf32, #tpu.memory_space<hbm>>
    %dma_wait3A_853 = tpu.memref_squeeze %dma_wait3A_852 : memref<1x16x1024xf32, #tpu.memory_space<hbm>> -> memref<16x1024xf32, #tpu.memory_space<hbm>>
    %dma_wait3A_854 = arith.constant 0 : i32
    %dma_wait3A_855 = tpu.memref_slice %arg5[%select_n3A, %add3A_768, %dma_wait3A_854] : memref<4x4096x1024xf32, #tpu.memory_space<hbm>> -> memref<1x16x1024xf32, #tpu.memory_space<hbm>>
    %dma_wait3A_856 = tpu.memref_squeeze %dma_wait3A_855 : memref<1x16x1024xf32, #tpu.memory_space<hbm>> -> memref<16x1024xf32, #tpu.memory_space<hbm>>
    tpu.wait_dma2 semaphore(%arg21 : memref<!tpu.dma_semaphore, #tpu.memory_space<semaphore_mem>>) src(%arg9 : memref<16x1024xf32, #tpu.memory_space<vmem>>) dst(%dma_wait3A_856 : memref<16x1024xf32, #tpu.memory_space<hbm>>)
    %dma_start3A_857 = arith.constant 0 : i32
    %dma_start3A_858 = arith.constant 24 : i32
    %dma_start3A_859 = arith.constant 0 : i32
    %dma_start3A_860 = tpu.memref_slice %arg7[%dma_start3A_858, %dma_start3A_859] : memref<32x16xi32, #tpu.memory_space<vmem>> -> memref<1x16xi32, #tpu.memory_space<vmem>>
    %dma_start3A_861 = tpu.memref_squeeze %dma_start3A_860 : memref<1x16xi32, #tpu.memory_space<vmem>> -> memref<16xi32, #tpu.memory_space<vmem>>
    %dma_start3A_862 = arith.constant 0 : i32
    %dma_start3A_863 = arith.constant 0 : i32
    %dma_start3A_864 = tpu.memref_slice %arg2[%dma_start3A_857, %dma_start3A_862, %dma_start3A_863] : memref<1x4097x1024xf32, #tpu.memory_space<hbm>> -> memref<1x4097x1024xf32, #tpu.memory_space<hbm>>
    %dma_start3A_865 = tpu.memref_squeeze %dma_start3A_864 : memref<1x4097x1024xf32, #tpu.memory_space<hbm>> -> memref<4097x1024xf32, #tpu.memory_space<hbm>>
    %dma_start3A_866 = arith.constant 0 : i32
    %dma_start3A_867 = arith.constant 0 : i32
    %dma_start3A_868 = tpu.memref_slice %dma_start3A_865[%dma_start3A_866, %dma_start3A_867] : memref<4097x1024xf32, #tpu.memory_space<hbm>> -> memref<4097x1024xf32, #tpu.memory_space<hbm>>
    tpu.enqueue_indirect_dma source(%dma_start3A_868 : memref<4097x1024xf32, #tpu.memory_space<hbm>>) target(%arg9 : memref<16x1024xf32, #tpu.memory_space<vmem>>) offsets(%dma_start3A_861 : memref<16xi32, #tpu.memory_space<vmem>>) semaphore(%arg15 : memref<!tpu.dma_semaphore, #tpu.memory_space<semaphore_mem>>)
    %dma_wait3A_869 = arith.constant 0 : i32
    %dma_wait3A_870 = arith.constant 21 : i32
    %dma_wait3A_871 = arith.constant 0 : i32
    %dma_wait3A_872 = tpu.memref_slice %arg7[%dma_wait3A_870, %dma_wait3A_871] : memref<32x16xi32, #tpu.memory_space<vmem>> -> memref<1x16xi32, #tpu.memory_space<vmem>>
    %dma_wait3A_873 = tpu.memref_squeeze %dma_wait3A_872 : memref<1x16xi32, #tpu.memory_space<vmem>> -> memref<16xi32, #tpu.memory_space<vmem>>
    %dma_wait3A_874 = arith.constant 0 : i32
    %dma_wait3A_875 = arith.constant 0 : i32
    %dma_wait3A_876 = tpu.memref_slice %arg2[%dma_wait3A_869, %dma_wait3A_874, %dma_wait3A_875] : memref<1x4097x1024xf32, #tpu.memory_space<hbm>> -> memref<1x4097x1024xf32, #tpu.memory_space<hbm>>
    %dma_wait3A_877 = tpu.memref_squeeze %dma_wait3A_876 : memref<1x4097x1024xf32, #tpu.memory_space<hbm>> -> memref<4097x1024xf32, #tpu.memory_space<hbm>>
    %dma_wait3A_878 = arith.constant 0 : i32
    %dma_wait3A_879 = arith.constant 0 : i32
    %dma_wait3A_880 = tpu.memref_slice %dma_wait3A_877[%dma_wait3A_878, %dma_wait3A_879] : memref<4097x1024xf32, #tpu.memory_space<hbm>> -> memref<4097x1024xf32, #tpu.memory_space<hbm>>
    tpu.wait_indirect_dma semaphore(%arg18 : memref<!tpu.dma_semaphore, #tpu.memory_space<semaphore_mem>>) src(%dma_wait3A_880 : memref<4097x1024xf32, #tpu.memory_space<hbm>>) dst(%arg12 : memref<16x1024xf32, #tpu.memory_space<vmem>>)
    %add3A_881 = arith.constant 336 : i32
    %add3A_882 = arith.addi %mul3A_32, %add3A_881 : i32
    %dma_start3A_883 = arith.constant 0 : i32
    %dma_start3A_884 = tpu.memref_slice %arg5[%select_n3A, %add3A_882, %dma_start3A_883] : memref<4x4096x1024xf32, #tpu.memory_space<hbm>> -> memref<1x16x1024xf32, #tpu.memory_space<hbm>>
    %dma_start3A_885 = tpu.memref_squeeze %dma_start3A_884 : memref<1x16x1024xf32, #tpu.memory_space<hbm>> -> memref<16x1024xf32, #tpu.memory_space<hbm>>
    %dma_start3A_886 = arith.constant 0 : i32
    %dma_start3A_887 = tpu.memref_slice %arg5[%select_n3A, %add3A_882, %dma_start3A_886] : memref<4x4096x1024xf32, #tpu.memory_space<hbm>> -> memref<1x16x1024xf32, #tpu.memory_space<hbm>>
    %dma_start3A_888 = tpu.memref_squeeze %dma_start3A_887 : memref<1x16x1024xf32, #tpu.memory_space<hbm>> -> memref<16x1024xf32, #tpu.memory_space<hbm>>
    tpu.enqueue_dma source(%arg12 : memref<16x1024xf32, #tpu.memory_space<vmem>>) target(%dma_start3A_888 : memref<16x1024xf32, #tpu.memory_space<hbm>>) target_semaphore(%arg24 : memref<!tpu.dma_semaphore, #tpu.memory_space<semaphore_mem>>)
    %dma_wait3A_889 = arith.constant 0 : i32
    %dma_wait3A_890 = tpu.memref_slice %arg5[%select_n3A, %add3A_806, %dma_wait3A_889] : memref<4x4096x1024xf32, #tpu.memory_space<hbm>> -> memref<1x16x1024xf32, #tpu.memory_space<hbm>>
    %dma_wait3A_891 = tpu.memref_squeeze %dma_wait3A_890 : memref<1x16x1024xf32, #tpu.memory_space<hbm>> -> memref<16x1024xf32, #tpu.memory_space<hbm>>
    %dma_wait3A_892 = arith.constant 0 : i32
    %dma_wait3A_893 = tpu.memref_slice %arg5[%select_n3A, %add3A_806, %dma_wait3A_892] : memref<4x4096x1024xf32, #tpu.memory_space<hbm>> -> memref<1x16x1024xf32, #tpu.memory_space<hbm>>
    %dma_wait3A_894 = tpu.memref_squeeze %dma_wait3A_893 : memref<1x16x1024xf32, #tpu.memory_space<hbm>> -> memref<16x1024xf32, #tpu.memory_space<hbm>>
    tpu.wait_dma2 semaphore(%arg22 : memref<!tpu.dma_semaphore, #tpu.memory_space<semaphore_mem>>) src(%arg10 : memref<16x1024xf32, #tpu.memory_space<vmem>>) dst(%dma_wait3A_894 : memref<16x1024xf32, #tpu.memory_space<hbm>>)
    %dma_start3A_895 = arith.constant 0 : i32
    %dma_start3A_896 = arith.constant 25 : i32
    %dma_start3A_897 = arith.constant 0 : i32
    %dma_start3A_898 = tpu.memref_slice %arg7[%dma_start3A_896, %dma_start3A_897] : memref<32x16xi32, #tpu.memory_space<vmem>> -> memref<1x16xi32, #tpu.memory_space<vmem>>
    %dma_start3A_899 = tpu.memref_squeeze %dma_start3A_898 : memref<1x16xi32, #tpu.memory_space<vmem>> -> memref<16xi32, #tpu.memory_space<vmem>>
    %dma_start3A_900 = arith.constant 0 : i32
    %dma_start3A_901 = arith.constant 0 : i32
    %dma_start3A_902 = tpu.memref_slice %arg2[%dma_start3A_895, %dma_start3A_900, %dma_start3A_901] : memref<1x4097x1024xf32, #tpu.memory_space<hbm>> -> memref<1x4097x1024xf32, #tpu.memory_space<hbm>>
    %dma_start3A_903 = tpu.memref_squeeze %dma_start3A_902 : memref<1x4097x1024xf32, #tpu.memory_space<hbm>> -> memref<4097x1024xf32, #tpu.memory_space<hbm>>
    %dma_start3A_904 = arith.constant 0 : i32
    %dma_start3A_905 = arith.constant 0 : i32
    %dma_start3A_906 = tpu.memref_slice %dma_start3A_903[%dma_start3A_904, %dma_start3A_905] : memref<4097x1024xf32, #tpu.memory_space<hbm>> -> memref<4097x1024xf32, #tpu.memory_space<hbm>>
    tpu.enqueue_indirect_dma source(%dma_start3A_906 : memref<4097x1024xf32, #tpu.memory_space<hbm>>) target(%arg10 : memref<16x1024xf32, #tpu.memory_space<vmem>>) offsets(%dma_start3A_899 : memref<16xi32, #tpu.memory_space<vmem>>) semaphore(%arg16 : memref<!tpu.dma_semaphore, #tpu.memory_space<semaphore_mem>>)
    %dma_wait3A_907 = arith.constant 0 : i32
    %dma_wait3A_908 = arith.constant 22 : i32
    %dma_wait3A_909 = arith.constant 0 : i32
    %dma_wait3A_910 = tpu.memref_slice %arg7[%dma_wait3A_908, %dma_wait3A_909] : memref<32x16xi32, #tpu.memory_space<vmem>> -> memref<1x16xi32, #tpu.memory_space<vmem>>
    %dma_wait3A_911 = tpu.memref_squeeze %dma_wait3A_910 : memref<1x16xi32, #tpu.memory_space<vmem>> -> memref<16xi32, #tpu.memory_space<vmem>>
    %dma_wait3A_912 = arith.constant 0 : i32
    %dma_wait3A_913 = arith.constant 0 : i32
    %dma_wait3A_914 = tpu.memref_slice %arg2[%dma_wait3A_907, %dma_wait3A_912, %dma_wait3A_913] : memref<1x4097x1024xf32, #tpu.memory_space<hbm>> -> memref<1x4097x1024xf32, #tpu.memory_space<hbm>>
    %dma_wait3A_915 = tpu.memref_squeeze %dma_wait3A_914 : memref<1x4097x1024xf32, #tpu.memory_space<hbm>> -> memref<4097x1024xf32, #tpu.memory_space<hbm>>
    %dma_wait3A_916 = arith.constant 0 : i32
    %dma_wait3A_917 = arith.constant 0 : i32
    %dma_wait3A_918 = tpu.memref_slice %dma_wait3A_915[%dma_wait3A_916, %dma_wait3A_917] : memref<4097x1024xf32, #tpu.memory_space<hbm>> -> memref<4097x1024xf32, #tpu.memory_space<hbm>>
    tpu.wait_indirect_dma semaphore(%arg19 : memref<!tpu.dma_semaphore, #tpu.memory_space<semaphore_mem>>) src(%dma_wait3A_918 : memref<4097x1024xf32, #tpu.memory_space<hbm>>) dst(%arg13 : memref<16x1024xf32, #tpu.memory_space<vmem>>)
    %add3A_919 = arith.constant 352 : i32
    %add3A_920 = arith.addi %mul3A_32, %add3A_919 : i32
    %dma_start3A_921 = arith.constant 0 : i32
    %dma_start3A_922 = tpu.memref_slice %arg5[%select_n3A, %add3A_920, %dma_start3A_921] : memref<4x4096x1024xf32, #tpu.memory_space<hbm>> -> memref<1x16x1024xf32, #tpu.memory_space<hbm>>
    %dma_start3A_923 = tpu.memref_squeeze %dma_start3A_922 : memref<1x16x1024xf32, #tpu.memory_space<hbm>> -> memref<16x1024xf32, #tpu.memory_space<hbm>>
    %dma_start3A_924 = arith.constant 0 : i32
    %dma_start3A_925 = tpu.memref_slice %arg5[%select_n3A, %add3A_920, %dma_start3A_924] : memref<4x4096x1024xf32, #tpu.memory_space<hbm>> -> memref<1x16x1024xf32, #tpu.memory_space<hbm>>
    %dma_start3A_926 = tpu.memref_squeeze %dma_start3A_925 : memref<1x16x1024xf32, #tpu.memory_space<hbm>> -> memref<16x1024xf32, #tpu.memory_space<hbm>>
    tpu.enqueue_dma source(%arg13 : memref<16x1024xf32, #tpu.memory_space<vmem>>) target(%dma_start3A_926 : memref<16x1024xf32, #tpu.memory_space<hbm>>) target_semaphore(%arg25 : memref<!tpu.dma_semaphore, #tpu.memory_space<semaphore_mem>>)
    %dma_wait3A_927 = arith.constant 0 : i32
    %dma_wait3A_928 = tpu.memref_slice %arg5[%select_n3A, %add3A_844, %dma_wait3A_927] : memref<4x4096x1024xf32, #tpu.memory_space<hbm>> -> memref<1x16x1024xf32, #tpu.memory_space<hbm>>
    %dma_wait3A_929 = tpu.memref_squeeze %dma_wait3A_928 : memref<1x16x1024xf32, #tpu.memory_space<hbm>> -> memref<16x1024xf32, #tpu.memory_space<hbm>>
    %dma_wait3A_930 = arith.constant 0 : i32
    %dma_wait3A_931 = tpu.memref_slice %arg5[%select_n3A, %add3A_844, %dma_wait3A_930] : memref<4x4096x1024xf32, #tpu.memory_space<hbm>> -> memref<1x16x1024xf32, #tpu.memory_space<hbm>>
    %dma_wait3A_932 = tpu.memref_squeeze %dma_wait3A_931 : memref<1x16x1024xf32, #tpu.memory_space<hbm>> -> memref<16x1024xf32, #tpu.memory_space<hbm>>
    tpu.wait_dma2 semaphore(%arg23 : memref<!tpu.dma_semaphore, #tpu.memory_space<semaphore_mem>>) src(%arg11 : memref<16x1024xf32, #tpu.memory_space<vmem>>) dst(%dma_wait3A_932 : memref<16x1024xf32, #tpu.memory_space<hbm>>)
    %dma_start3A_933 = arith.constant 0 : i32
    %dma_start3A_934 = arith.constant 26 : i32
    %dma_start3A_935 = arith.constant 0 : i32
    %dma_start3A_936 = tpu.memref_slice %arg7[%dma_start3A_934, %dma_start3A_935] : memref<32x16xi32, #tpu.memory_space<vmem>> -> memref<1x16xi32, #tpu.memory_space<vmem>>
    %dma_start3A_937 = tpu.memref_squeeze %dma_start3A_936 : memref<1x16xi32, #tpu.memory_space<vmem>> -> memref<16xi32, #tpu.memory_space<vmem>>
    %dma_start3A_938 = arith.constant 0 : i32
    %dma_start3A_939 = arith.constant 0 : i32
    %dma_start3A_940 = tpu.memref_slice %arg2[%dma_start3A_933, %dma_start3A_938, %dma_start3A_939] : memref<1x4097x1024xf32, #tpu.memory_space<hbm>> -> memref<1x4097x1024xf32, #tpu.memory_space<hbm>>
    %dma_start3A_941 = tpu.memref_squeeze %dma_start3A_940 : memref<1x4097x1024xf32, #tpu.memory_space<hbm>> -> memref<4097x1024xf32, #tpu.memory_space<hbm>>
    %dma_start3A_942 = arith.constant 0 : i32
    %dma_start3A_943 = arith.constant 0 : i32
    %dma_start3A_944 = tpu.memref_slice %dma_start3A_941[%dma_start3A_942, %dma_start3A_943] : memref<4097x1024xf32, #tpu.memory_space<hbm>> -> memref<4097x1024xf32, #tpu.memory_space<hbm>>
    tpu.enqueue_indirect_dma source(%dma_start3A_944 : memref<4097x1024xf32, #tpu.memory_space<hbm>>) target(%arg11 : memref<16x1024xf32, #tpu.memory_space<vmem>>) offsets(%dma_start3A_937 : memref<16xi32, #tpu.memory_space<vmem>>) semaphore(%arg17 : memref<!tpu.dma_semaphore, #tpu.memory_space<semaphore_mem>>)
    %dma_wait3A_945 = arith.constant 0 : i32
    %dma_wait3A_946 = arith.constant 23 : i32
    %dma_wait3A_947 = arith.constant 0 : i32
    %dma_wait3A_948 = tpu.memref_slice %arg7[%dma_wait3A_946, %dma_wait3A_947] : memref<32x16xi32, #tpu.memory_space<vmem>> -> memref<1x16xi32, #tpu.memory_space<vmem>>
    %dma_wait3A_949 = tpu.memref_squeeze %dma_wait3A_948 : memref<1x16xi32, #tpu.memory_space<vmem>> -> memref<16xi32, #tpu.memory_space<vmem>>
    %dma_wait3A_950 = arith.constant 0 : i32
    %dma_wait3A_951 = arith.constant 0 : i32
    %dma_wait3A_952 = tpu.memref_slice %arg2[%dma_wait3A_945, %dma_wait3A_950, %dma_wait3A_951] : memref<1x4097x1024xf32, #tpu.memory_space<hbm>> -> memref<1x4097x1024xf32, #tpu.memory_space<hbm>>
    %dma_wait3A_953 = tpu.memref_squeeze %dma_wait3A_952 : memref<1x4097x1024xf32, #tpu.memory_space<hbm>> -> memref<4097x1024xf32, #tpu.memory_space<hbm>>
    %dma_wait3A_954 = arith.constant 0 : i32
    %dma_wait3A_955 = arith.constant 0 : i32
    %dma_wait3A_956 = tpu.memref_slice %dma_wait3A_953[%dma_wait3A_954, %dma_wait3A_955] : memref<4097x1024xf32, #tpu.memory_space<hbm>> -> memref<4097x1024xf32, #tpu.memory_space<hbm>>
    tpu.wait_indirect_dma semaphore(%arg20 : memref<!tpu.dma_semaphore, #tpu.memory_space<semaphore_mem>>) src(%dma_wait3A_956 : memref<4097x1024xf32, #tpu.memory_space<hbm>>) dst(%arg14 : memref<16x1024xf32, #tpu.memory_space<vmem>>)
    %add3A_957 = arith.constant 368 : i32
    %add3A_958 = arith.addi %mul3A_32, %add3A_957 : i32
    %dma_start3A_959 = arith.constant 0 : i32
    %dma_start3A_960 = tpu.memref_slice %arg5[%select_n3A, %add3A_958, %dma_start3A_959] : memref<4x4096x1024xf32, #tpu.memory_space<hbm>> -> memref<1x16x1024xf32, #tpu.memory_space<hbm>>
    %dma_start3A_961 = tpu.memref_squeeze %dma_start3A_960 : memref<1x16x1024xf32, #tpu.memory_space<hbm>> -> memref<16x1024xf32, #tpu.memory_space<hbm>>
    %dma_start3A_962 = arith.constant 0 : i32
    %dma_start3A_963 = tpu.memref_slice %arg5[%select_n3A, %add3A_958, %dma_start3A_962] : memref<4x4096x1024xf32, #tpu.memory_space<hbm>> -> memref<1x16x1024xf32, #tpu.memory_space<hbm>>
    %dma_start3A_964 = tpu.memref_squeeze %dma_start3A_963 : memref<1x16x1024xf32, #tpu.memory_space<hbm>> -> memref<16x1024xf32, #tpu.memory_space<hbm>>
    tpu.enqueue_dma source(%arg14 : memref<16x1024xf32, #tpu.memory_space<vmem>>) target(%dma_start3A_964 : memref<16x1024xf32, #tpu.memory_space<hbm>>) target_semaphore(%arg26 : memref<!tpu.dma_semaphore, #tpu.memory_space<semaphore_mem>>)
    %dma_wait3A_965 = arith.constant 0 : i32
    %dma_wait3A_966 = tpu.memref_slice %arg5[%select_n3A, %add3A_882, %dma_wait3A_965] : memref<4x4096x1024xf32, #tpu.memory_space<hbm>> -> memref<1x16x1024xf32, #tpu.memory_space<hbm>>
    %dma_wait3A_967 = tpu.memref_squeeze %dma_wait3A_966 : memref<1x16x1024xf32, #tpu.memory_space<hbm>> -> memref<16x1024xf32, #tpu.memory_space<hbm>>
    %dma_wait3A_968 = arith.constant 0 : i32
    %dma_wait3A_969 = tpu.memref_slice %arg5[%select_n3A, %add3A_882, %dma_wait3A_968] : memref<4x4096x1024xf32, #tpu.memory_space<hbm>> -> memref<1x16x1024xf32, #tpu.memory_space<hbm>>
    %dma_wait3A_970 = tpu.memref_squeeze %dma_wait3A_969 : memref<1x16x1024xf32, #tpu.memory_space<hbm>> -> memref<16x1024xf32, #tpu.memory_space<hbm>>
    tpu.wait_dma2 semaphore(%arg24 : memref<!tpu.dma_semaphore, #tpu.memory_space<semaphore_mem>>) src(%arg12 : memref<16x1024xf32, #tpu.memory_space<vmem>>) dst(%dma_wait3A_970 : memref<16x1024xf32, #tpu.memory_space<hbm>>)
    %dma_start3A_971 = arith.constant 0 : i32
    %dma_start3A_972 = arith.constant 27 : i32
    %dma_start3A_973 = arith.constant 0 : i32
    %dma_start3A_974 = tpu.memref_slice %arg7[%dma_start3A_972, %dma_start3A_973] : memref<32x16xi32, #tpu.memory_space<vmem>> -> memref<1x16xi32, #tpu.memory_space<vmem>>
    %dma_start3A_975 = tpu.memref_squeeze %dma_start3A_974 : memref<1x16xi32, #tpu.memory_space<vmem>> -> memref<16xi32, #tpu.memory_space<vmem>>
    %dma_start3A_976 = arith.constant 0 : i32
    %dma_start3A_977 = arith.constant 0 : i32
    %dma_start3A_978 = tpu.memref_slice %arg2[%dma_start3A_971, %dma_start3A_976, %dma_start3A_977] : memref<1x4097x1024xf32, #tpu.memory_space<hbm>> -> memref<1x4097x1024xf32, #tpu.memory_space<hbm>>
    %dma_start3A_979 = tpu.memref_squeeze %dma_start3A_978 : memref<1x4097x1024xf32, #tpu.memory_space<hbm>> -> memref<4097x1024xf32, #tpu.memory_space<hbm>>
    %dma_start3A_980 = arith.constant 0 : i32
    %dma_start3A_981 = arith.constant 0 : i32
    %dma_start3A_982 = tpu.memref_slice %dma_start3A_979[%dma_start3A_980, %dma_start3A_981] : memref<4097x1024xf32, #tpu.memory_space<hbm>> -> memref<4097x1024xf32, #tpu.memory_space<hbm>>
    tpu.enqueue_indirect_dma source(%dma_start3A_982 : memref<4097x1024xf32, #tpu.memory_space<hbm>>) target(%arg12 : memref<16x1024xf32, #tpu.memory_space<vmem>>) offsets(%dma_start3A_975 : memref<16xi32, #tpu.memory_space<vmem>>) semaphore(%arg18 : memref<!tpu.dma_semaphore, #tpu.memory_space<semaphore_mem>>)
    %dma_wait3A_983 = arith.constant 0 : i32
    %dma_wait3A_984 = arith.constant 24 : i32
    %dma_wait3A_985 = arith.constant 0 : i32
    %dma_wait3A_986 = tpu.memref_slice %arg7[%dma_wait3A_984, %dma_wait3A_985] : memref<32x16xi32, #tpu.memory_space<vmem>> -> memref<1x16xi32, #tpu.memory_space<vmem>>
    %dma_wait3A_987 = tpu.memref_squeeze %dma_wait3A_986 : memref<1x16xi32, #tpu.memory_space<vmem>> -> memref<16xi32, #tpu.memory_space<vmem>>
    %dma_wait3A_988 = arith.constant 0 : i32
    %dma_wait3A_989 = arith.constant 0 : i32
    %dma_wait3A_990 = tpu.memref_slice %arg2[%dma_wait3A_983, %dma_wait3A_988, %dma_wait3A_989] : memref<1x4097x1024xf32, #tpu.memory_space<hbm>> -> memref<1x4097x1024xf32, #tpu.memory_space<hbm>>
    %dma_wait3A_991 = tpu.memref_squeeze %dma_wait3A_990 : memref<1x4097x1024xf32, #tpu.memory_space<hbm>> -> memref<4097x1024xf32, #tpu.memory_space<hbm>>
    %dma_wait3A_992 = arith.constant 0 : i32
    %dma_wait3A_993 = arith.constant 0 : i32
    %dma_wait3A_994 = tpu.memref_slice %dma_wait3A_991[%dma_wait3A_992, %dma_wait3A_993] : memref<4097x1024xf32, #tpu.memory_space<hbm>> -> memref<4097x1024xf32, #tpu.memory_space<hbm>>
    tpu.wait_indirect_dma semaphore(%arg15 : memref<!tpu.dma_semaphore, #tpu.memory_space<semaphore_mem>>) src(%dma_wait3A_994 : memref<4097x1024xf32, #tpu.memory_space<hbm>>) dst(%arg9 : memref<16x1024xf32, #tpu.memory_space<vmem>>)
    %add3A_995 = arith.constant 384 : i32
    %add3A_996 = arith.addi %mul3A_32, %add3A_995 : i32
    %dma_start3A_997 = arith.constant 0 : i32
    %dma_start3A_998 = tpu.memref_slice %arg5[%select_n3A, %add3A_996, %dma_start3A_997] : memref<4x4096x1024xf32, #tpu.memory_space<hbm>> -> memref<1x16x1024xf32, #tpu.memory_space<hbm>>
    %dma_start3A_999 = tpu.memref_squeeze %dma_start3A_998 : memref<1x16x1024xf32, #tpu.memory_space<hbm>> -> memref<16x1024xf32, #tpu.memory_space<hbm>>
    %dma_start3A_1000 = arith.constant 0 : i32
    %dma_start3A_1001 = tpu.memref_slice %arg5[%select_n3A, %add3A_996, %dma_start3A_1000] : memref<4x4096x1024xf32, #tpu.memory_space<hbm>> -> memref<1x16x1024xf32, #tpu.memory_space<hbm>>
    %dma_start3A_1002 = tpu.memref_squeeze %dma_start3A_1001 : memref<1x16x1024xf32, #tpu.memory_space<hbm>> -> memref<16x1024xf32, #tpu.memory_space<hbm>>
    tpu.enqueue_dma source(%arg9 : memref<16x1024xf32, #tpu.memory_space<vmem>>) target(%dma_start3A_1002 : memref<16x1024xf32, #tpu.memory_space<hbm>>) target_semaphore(%arg21 : memref<!tpu.dma_semaphore, #tpu.memory_space<semaphore_mem>>)
    %dma_wait3A_1003 = arith.constant 0 : i32
    %dma_wait3A_1004 = tpu.memref_slice %arg5[%select_n3A, %add3A_920, %dma_wait3A_1003] : memref<4x4096x1024xf32, #tpu.memory_space<hbm>> -> memref<1x16x1024xf32, #tpu.memory_space<hbm>>
    %dma_wait3A_1005 = tpu.memref_squeeze %dma_wait3A_1004 : memref<1x16x1024xf32, #tpu.memory_space<hbm>> -> memref<16x1024xf32, #tpu.memory_space<hbm>>
    %dma_wait3A_1006 = arith.constant 0 : i32
    %dma_wait3A_1007 = tpu.memref_slice %arg5[%select_n3A, %add3A_920, %dma_wait3A_1006] : memref<4x4096x1024xf32, #tpu.memory_space<hbm>> -> memref<1x16x1024xf32, #tpu.memory_space<hbm>>
    %dma_wait3A_1008 = tpu.memref_squeeze %dma_wait3A_1007 : memref<1x16x1024xf32, #tpu.memory_space<hbm>> -> memref<16x1024xf32, #tpu.memory_space<hbm>>
    tpu.wait_dma2 semaphore(%arg25 : memref<!tpu.dma_semaphore, #tpu.memory_space<semaphore_mem>>) src(%arg13 : memref<16x1024xf32, #tpu.memory_space<vmem>>) dst(%dma_wait3A_1008 : memref<16x1024xf32, #tpu.memory_space<hbm>>)
    %dma_start3A_1009 = arith.constant 0 : i32
    %dma_start3A_1010 = arith.constant 28 : i32
    %dma_start3A_1011 = arith.constant 0 : i32
    %dma_start3A_1012 = tpu.memref_slice %arg7[%dma_start3A_1010, %dma_start3A_1011] : memref<32x16xi32, #tpu.memory_space<vmem>> -> memref<1x16xi32, #tpu.memory_space<vmem>>
    %dma_start3A_1013 = tpu.memref_squeeze %dma_start3A_1012 : memref<1x16xi32, #tpu.memory_space<vmem>> -> memref<16xi32, #tpu.memory_space<vmem>>
    %dma_start3A_1014 = arith.constant 0 : i32
    %dma_start3A_1015 = arith.constant 0 : i32
    %dma_start3A_1016 = tpu.memref_slice %arg2[%dma_start3A_1009, %dma_start3A_1014, %dma_start3A_1015] : memref<1x4097x1024xf32, #tpu.memory_space<hbm>> -> memref<1x4097x1024xf32, #tpu.memory_space<hbm>>
    %dma_start3A_1017 = tpu.memref_squeeze %dma_start3A_1016 : memref<1x4097x1024xf32, #tpu.memory_space<hbm>> -> memref<4097x1024xf32, #tpu.memory_space<hbm>>
    %dma_start3A_1018 = arith.constant 0 : i32
    %dma_start3A_1019 = arith.constant 0 : i32
    %dma_start3A_1020 = tpu.memref_slice %dma_start3A_1017[%dma_start3A_1018, %dma_start3A_1019] : memref<4097x1024xf32, #tpu.memory_space<hbm>> -> memref<4097x1024xf32, #tpu.memory_space<hbm>>
    tpu.enqueue_indirect_dma source(%dma_start3A_1020 : memref<4097x1024xf32, #tpu.memory_space<hbm>>) target(%arg13 : memref<16x1024xf32, #tpu.memory_space<vmem>>) offsets(%dma_start3A_1013 : memref<16xi32, #tpu.memory_space<vmem>>) semaphore(%arg19 : memref<!tpu.dma_semaphore, #tpu.memory_space<semaphore_mem>>)
    %dma_wait3A_1021 = arith.constant 0 : i32
    %dma_wait3A_1022 = arith.constant 25 : i32
    %dma_wait3A_1023 = arith.constant 0 : i32
    %dma_wait3A_1024 = tpu.memref_slice %arg7[%dma_wait3A_1022, %dma_wait3A_1023] : memref<32x16xi32, #tpu.memory_space<vmem>> -> memref<1x16xi32, #tpu.memory_space<vmem>>
    %dma_wait3A_1025 = tpu.memref_squeeze %dma_wait3A_1024 : memref<1x16xi32, #tpu.memory_space<vmem>> -> memref<16xi32, #tpu.memory_space<vmem>>
    %dma_wait3A_1026 = arith.constant 0 : i32
    %dma_wait3A_1027 = arith.constant 0 : i32
    %dma_wait3A_1028 = tpu.memref_slice %arg2[%dma_wait3A_1021, %dma_wait3A_1026, %dma_wait3A_1027] : memref<1x4097x1024xf32, #tpu.memory_space<hbm>> -> memref<1x4097x1024xf32, #tpu.memory_space<hbm>>
    %dma_wait3A_1029 = tpu.memref_squeeze %dma_wait3A_1028 : memref<1x4097x1024xf32, #tpu.memory_space<hbm>> -> memref<4097x1024xf32, #tpu.memory_space<hbm>>
    %dma_wait3A_1030 = arith.constant 0 : i32
    %dma_wait3A_1031 = arith.constant 0 : i32
    %dma_wait3A_1032 = tpu.memref_slice %dma_wait3A_1029[%dma_wait3A_1030, %dma_wait3A_1031] : memref<4097x1024xf32, #tpu.memory_space<hbm>> -> memref<4097x1024xf32, #tpu.memory_space<hbm>>
    tpu.wait_indirect_dma semaphore(%arg16 : memref<!tpu.dma_semaphore, #tpu.memory_space<semaphore_mem>>) src(%dma_wait3A_1032 : memref<4097x1024xf32, #tpu.memory_space<hbm>>) dst(%arg10 : memref<16x1024xf32, #tpu.memory_space<vmem>>)
    %add3A_1033 = arith.constant 400 : i32
    %add3A_1034 = arith.addi %mul3A_32, %add3A_1033 : i32
    %dma_start3A_1035 = arith.constant 0 : i32
    %dma_start3A_1036 = tpu.memref_slice %arg5[%select_n3A, %add3A_1034, %dma_start3A_1035] : memref<4x4096x1024xf32, #tpu.memory_space<hbm>> -> memref<1x16x1024xf32, #tpu.memory_space<hbm>>
    %dma_start3A_1037 = tpu.memref_squeeze %dma_start3A_1036 : memref<1x16x1024xf32, #tpu.memory_space<hbm>> -> memref<16x1024xf32, #tpu.memory_space<hbm>>
    %dma_start3A_1038 = arith.constant 0 : i32
    %dma_start3A_1039 = tpu.memref_slice %arg5[%select_n3A, %add3A_1034, %dma_start3A_1038] : memref<4x4096x1024xf32, #tpu.memory_space<hbm>> -> memref<1x16x1024xf32, #tpu.memory_space<hbm>>
    %dma_start3A_1040 = tpu.memref_squeeze %dma_start3A_1039 : memref<1x16x1024xf32, #tpu.memory_space<hbm>> -> memref<16x1024xf32, #tpu.memory_space<hbm>>
    tpu.enqueue_dma source(%arg10 : memref<16x1024xf32, #tpu.memory_space<vmem>>) target(%dma_start3A_1040 : memref<16x1024xf32, #tpu.memory_space<hbm>>) target_semaphore(%arg22 : memref<!tpu.dma_semaphore, #tpu.memory_space<semaphore_mem>>)
    %dma_wait3A_1041 = arith.constant 0 : i32
    %dma_wait3A_1042 = tpu.memref_slice %arg5[%select_n3A, %add3A_958, %dma_wait3A_1041] : memref<4x4096x1024xf32, #tpu.memory_space<hbm>> -> memref<1x16x1024xf32, #tpu.memory_space<hbm>>
    %dma_wait3A_1043 = tpu.memref_squeeze %dma_wait3A_1042 : memref<1x16x1024xf32, #tpu.memory_space<hbm>> -> memref<16x1024xf32, #tpu.memory_space<hbm>>
    %dma_wait3A_1044 = arith.constant 0 : i32
    %dma_wait3A_1045 = tpu.memref_slice %arg5[%select_n3A, %add3A_958, %dma_wait3A_1044] : memref<4x4096x1024xf32, #tpu.memory_space<hbm>> -> memref<1x16x1024xf32, #tpu.memory_space<hbm>>
    %dma_wait3A_1046 = tpu.memref_squeeze %dma_wait3A_1045 : memref<1x16x1024xf32, #tpu.memory_space<hbm>> -> memref<16x1024xf32, #tpu.memory_space<hbm>>
    tpu.wait_dma2 semaphore(%arg26 : memref<!tpu.dma_semaphore, #tpu.memory_space<semaphore_mem>>) src(%arg14 : memref<16x1024xf32, #tpu.memory_space<vmem>>) dst(%dma_wait3A_1046 : memref<16x1024xf32, #tpu.memory_space<hbm>>)
    %dma_start3A_1047 = arith.constant 0 : i32
    %dma_start3A_1048 = arith.constant 29 : i32
    %dma_start3A_1049 = arith.constant 0 : i32
    %dma_start3A_1050 = tpu.memref_slice %arg7[%dma_start3A_1048, %dma_start3A_1049] : memref<32x16xi32, #tpu.memory_space<vmem>> -> memref<1x16xi32, #tpu.memory_space<vmem>>
    %dma_start3A_1051 = tpu.memref_squeeze %dma_start3A_1050 : memref<1x16xi32, #tpu.memory_space<vmem>> -> memref<16xi32, #tpu.memory_space<vmem>>
    %dma_start3A_1052 = arith.constant 0 : i32
    %dma_start3A_1053 = arith.constant 0 : i32
    %dma_start3A_1054 = tpu.memref_slice %arg2[%dma_start3A_1047, %dma_start3A_1052, %dma_start3A_1053] : memref<1x4097x1024xf32, #tpu.memory_space<hbm>> -> memref<1x4097x1024xf32, #tpu.memory_space<hbm>>
    %dma_start3A_1055 = tpu.memref_squeeze %dma_start3A_1054 : memref<1x4097x1024xf32, #tpu.memory_space<hbm>> -> memref<4097x1024xf32, #tpu.memory_space<hbm>>
    %dma_start3A_1056 = arith.constant 0 : i32
    %dma_start3A_1057 = arith.constant 0 : i32
    %dma_start3A_1058 = tpu.memref_slice %dma_start3A_1055[%dma_start3A_1056, %dma_start3A_1057] : memref<4097x1024xf32, #tpu.memory_space<hbm>> -> memref<4097x1024xf32, #tpu.memory_space<hbm>>
    tpu.enqueue_indirect_dma source(%dma_start3A_1058 : memref<4097x1024xf32, #tpu.memory_space<hbm>>) target(%arg14 : memref<16x1024xf32, #tpu.memory_space<vmem>>) offsets(%dma_start3A_1051 : memref<16xi32, #tpu.memory_space<vmem>>) semaphore(%arg20 : memref<!tpu.dma_semaphore, #tpu.memory_space<semaphore_mem>>)
    %dma_wait3A_1059 = arith.constant 0 : i32
    %dma_wait3A_1060 = arith.constant 26 : i32
    %dma_wait3A_1061 = arith.constant 0 : i32
    %dma_wait3A_1062 = tpu.memref_slice %arg7[%dma_wait3A_1060, %dma_wait3A_1061] : memref<32x16xi32, #tpu.memory_space<vmem>> -> memref<1x16xi32, #tpu.memory_space<vmem>>
    %dma_wait3A_1063 = tpu.memref_squeeze %dma_wait3A_1062 : memref<1x16xi32, #tpu.memory_space<vmem>> -> memref<16xi32, #tpu.memory_space<vmem>>
    %dma_wait3A_1064 = arith.constant 0 : i32
    %dma_wait3A_1065 = arith.constant 0 : i32
    %dma_wait3A_1066 = tpu.memref_slice %arg2[%dma_wait3A_1059, %dma_wait3A_1064, %dma_wait3A_1065] : memref<1x4097x1024xf32, #tpu.memory_space<hbm>> -> memref<1x4097x1024xf32, #tpu.memory_space<hbm>>
    %dma_wait3A_1067 = tpu.memref_squeeze %dma_wait3A_1066 : memref<1x4097x1024xf32, #tpu.memory_space<hbm>> -> memref<4097x1024xf32, #tpu.memory_space<hbm>>
    %dma_wait3A_1068 = arith.constant 0 : i32
    %dma_wait3A_1069 = arith.constant 0 : i32
    %dma_wait3A_1070 = tpu.memref_slice %dma_wait3A_1067[%dma_wait3A_1068, %dma_wait3A_1069] : memref<4097x1024xf32, #tpu.memory_space<hbm>> -> memref<4097x1024xf32, #tpu.memory_space<hbm>>
    tpu.wait_indirect_dma semaphore(%arg17 : memref<!tpu.dma_semaphore, #tpu.memory_space<semaphore_mem>>) src(%dma_wait3A_1070 : memref<4097x1024xf32, #tpu.memory_space<hbm>>) dst(%arg11 : memref<16x1024xf32, #tpu.memory_space<vmem>>)
    %add3A_1071 = arith.constant 416 : i32
    %add3A_1072 = arith.addi %mul3A_32, %add3A_1071 : i32
    %dma_start3A_1073 = arith.constant 0 : i32
    %dma_start3A_1074 = tpu.memref_slice %arg5[%select_n3A, %add3A_1072, %dma_start3A_1073] : memref<4x4096x1024xf32, #tpu.memory_space<hbm>> -> memref<1x16x1024xf32, #tpu.memory_space<hbm>>
    %dma_start3A_1075 = tpu.memref_squeeze %dma_start3A_1074 : memref<1x16x1024xf32, #tpu.memory_space<hbm>> -> memref<16x1024xf32, #tpu.memory_space<hbm>>
    %dma_start3A_1076 = arith.constant 0 : i32
    %dma_start3A_1077 = tpu.memref_slice %arg5[%select_n3A, %add3A_1072, %dma_start3A_1076] : memref<4x4096x1024xf32, #tpu.memory_space<hbm>> -> memref<1x16x1024xf32, #tpu.memory_space<hbm>>
    %dma_start3A_1078 = tpu.memref_squeeze %dma_start3A_1077 : memref<1x16x1024xf32, #tpu.memory_space<hbm>> -> memref<16x1024xf32, #tpu.memory_space<hbm>>
    tpu.enqueue_dma source(%arg11 : memref<16x1024xf32, #tpu.memory_space<vmem>>) target(%dma_start3A_1078 : memref<16x1024xf32, #tpu.memory_space<hbm>>) target_semaphore(%arg23 : memref<!tpu.dma_semaphore, #tpu.memory_space<semaphore_mem>>)
    %dma_wait3A_1079 = arith.constant 0 : i32
    %dma_wait3A_1080 = tpu.memref_slice %arg5[%select_n3A, %add3A_996, %dma_wait3A_1079] : memref<4x4096x1024xf32, #tpu.memory_space<hbm>> -> memref<1x16x1024xf32, #tpu.memory_space<hbm>>
    %dma_wait3A_1081 = tpu.memref_squeeze %dma_wait3A_1080 : memref<1x16x1024xf32, #tpu.memory_space<hbm>> -> memref<16x1024xf32, #tpu.memory_space<hbm>>
    %dma_wait3A_1082 = arith.constant 0 : i32
    %dma_wait3A_1083 = tpu.memref_slice %arg5[%select_n3A, %add3A_996, %dma_wait3A_1082] : memref<4x4096x1024xf32, #tpu.memory_space<hbm>> -> memref<1x16x1024xf32, #tpu.memory_space<hbm>>
    %dma_wait3A_1084 = tpu.memref_squeeze %dma_wait3A_1083 : memref<1x16x1024xf32, #tpu.memory_space<hbm>> -> memref<16x1024xf32, #tpu.memory_space<hbm>>
    tpu.wait_dma2 semaphore(%arg21 : memref<!tpu.dma_semaphore, #tpu.memory_space<semaphore_mem>>) src(%arg9 : memref<16x1024xf32, #tpu.memory_space<vmem>>) dst(%dma_wait3A_1084 : memref<16x1024xf32, #tpu.memory_space<hbm>>)
    %dma_start3A_1085 = arith.constant 0 : i32
    %dma_start3A_1086 = arith.constant 30 : i32
    %dma_start3A_1087 = arith.constant 0 : i32
    %dma_start3A_1088 = tpu.memref_slice %arg7[%dma_start3A_1086, %dma_start3A_1087] : memref<32x16xi32, #tpu.memory_space<vmem>> -> memref<1x16xi32, #tpu.memory_space<vmem>>
    %dma_start3A_1089 = tpu.memref_squeeze %dma_start3A_1088 : memref<1x16xi32, #tpu.memory_space<vmem>> -> memref<16xi32, #tpu.memory_space<vmem>>
    %dma_start3A_1090 = arith.constant 0 : i32
    %dma_start3A_1091 = arith.constant 0 : i32
    %dma_start3A_1092 = tpu.memref_slice %arg2[%dma_start3A_1085, %dma_start3A_1090, %dma_start3A_1091] : memref<1x4097x1024xf32, #tpu.memory_space<hbm>> -> memref<1x4097x1024xf32, #tpu.memory_space<hbm>>
    %dma_start3A_1093 = tpu.memref_squeeze %dma_start3A_1092 : memref<1x4097x1024xf32, #tpu.memory_space<hbm>> -> memref<4097x1024xf32, #tpu.memory_space<hbm>>
    %dma_start3A_1094 = arith.constant 0 : i32
    %dma_start3A_1095 = arith.constant 0 : i32
    %dma_start3A_1096 = tpu.memref_slice %dma_start3A_1093[%dma_start3A_1094, %dma_start3A_1095] : memref<4097x1024xf32, #tpu.memory_space<hbm>> -> memref<4097x1024xf32, #tpu.memory_space<hbm>>
    tpu.enqueue_indirect_dma source(%dma_start3A_1096 : memref<4097x1024xf32, #tpu.memory_space<hbm>>) target(%arg9 : memref<16x1024xf32, #tpu.memory_space<vmem>>) offsets(%dma_start3A_1089 : memref<16xi32, #tpu.memory_space<vmem>>) semaphore(%arg15 : memref<!tpu.dma_semaphore, #tpu.memory_space<semaphore_mem>>)
    %dma_wait3A_1097 = arith.constant 0 : i32
    %dma_wait3A_1098 = arith.constant 27 : i32
    %dma_wait3A_1099 = arith.constant 0 : i32
    %dma_wait3A_1100 = tpu.memref_slice %arg7[%dma_wait3A_1098, %dma_wait3A_1099] : memref<32x16xi32, #tpu.memory_space<vmem>> -> memref<1x16xi32, #tpu.memory_space<vmem>>
    %dma_wait3A_1101 = tpu.memref_squeeze %dma_wait3A_1100 : memref<1x16xi32, #tpu.memory_space<vmem>> -> memref<16xi32, #tpu.memory_space<vmem>>
    %dma_wait3A_1102 = arith.constant 0 : i32
    %dma_wait3A_1103 = arith.constant 0 : i32
    %dma_wait3A_1104 = tpu.memref_slice %arg2[%dma_wait3A_1097, %dma_wait3A_1102, %dma_wait3A_1103] : memref<1x4097x1024xf32, #tpu.memory_space<hbm>> -> memref<1x4097x1024xf32, #tpu.memory_space<hbm>>
    %dma_wait3A_1105 = tpu.memref_squeeze %dma_wait3A_1104 : memref<1x4097x1024xf32, #tpu.memory_space<hbm>> -> memref<4097x1024xf32, #tpu.memory_space<hbm>>
    %dma_wait3A_1106 = arith.constant 0 : i32
    %dma_wait3A_1107 = arith.constant 0 : i32
    %dma_wait3A_1108 = tpu.memref_slice %dma_wait3A_1105[%dma_wait3A_1106, %dma_wait3A_1107] : memref<4097x1024xf32, #tpu.memory_space<hbm>> -> memref<4097x1024xf32, #tpu.memory_space<hbm>>
    tpu.wait_indirect_dma semaphore(%arg18 : memref<!tpu.dma_semaphore, #tpu.memory_space<semaphore_mem>>) src(%dma_wait3A_1108 : memref<4097x1024xf32, #tpu.memory_space<hbm>>) dst(%arg12 : memref<16x1024xf32, #tpu.memory_space<vmem>>)
    %add3A_1109 = arith.constant 432 : i32
    %add3A_1110 = arith.addi %mul3A_32, %add3A_1109 : i32
    %dma_start3A_1111 = arith.constant 0 : i32
    %dma_start3A_1112 = tpu.memref_slice %arg5[%select_n3A, %add3A_1110, %dma_start3A_1111] : memref<4x4096x1024xf32, #tpu.memory_space<hbm>> -> memref<1x16x1024xf32, #tpu.memory_space<hbm>>
    %dma_start3A_1113 = tpu.memref_squeeze %dma_start3A_1112 : memref<1x16x1024xf32, #tpu.memory_space<hbm>> -> memref<16x1024xf32, #tpu.memory_space<hbm>>
    %dma_start3A_1114 = arith.constant 0 : i32
    %dma_start3A_1115 = tpu.memref_slice %arg5[%select_n3A, %add3A_1110, %dma_start3A_1114] : memref<4x4096x1024xf32, #tpu.memory_space<hbm>> -> memref<1x16x1024xf32, #tpu.memory_space<hbm>>
    %dma_start3A_1116 = tpu.memref_squeeze %dma_start3A_1115 : memref<1x16x1024xf32, #tpu.memory_space<hbm>> -> memref<16x1024xf32, #tpu.memory_space<hbm>>
    tpu.enqueue_dma source(%arg12 : memref<16x1024xf32, #tpu.memory_space<vmem>>) target(%dma_start3A_1116 : memref<16x1024xf32, #tpu.memory_space<hbm>>) target_semaphore(%arg24 : memref<!tpu.dma_semaphore, #tpu.memory_space<semaphore_mem>>)
    %dma_wait3A_1117 = arith.constant 0 : i32
    %dma_wait3A_1118 = tpu.memref_slice %arg5[%select_n3A, %add3A_1034, %dma_wait3A_1117] : memref<4x4096x1024xf32, #tpu.memory_space<hbm>> -> memref<1x16x1024xf32, #tpu.memory_space<hbm>>
    %dma_wait3A_1119 = tpu.memref_squeeze %dma_wait3A_1118 : memref<1x16x1024xf32, #tpu.memory_space<hbm>> -> memref<16x1024xf32, #tpu.memory_space<hbm>>
    %dma_wait3A_1120 = arith.constant 0 : i32
    %dma_wait3A_1121 = tpu.memref_slice %arg5[%select_n3A, %add3A_1034, %dma_wait3A_1120] : memref<4x4096x1024xf32, #tpu.memory_space<hbm>> -> memref<1x16x1024xf32, #tpu.memory_space<hbm>>
    %dma_wait3A_1122 = tpu.memref_squeeze %dma_wait3A_1121 : memref<1x16x1024xf32, #tpu.memory_space<hbm>> -> memref<16x1024xf32, #tpu.memory_space<hbm>>
    tpu.wait_dma2 semaphore(%arg22 : memref<!tpu.dma_semaphore, #tpu.memory_space<semaphore_mem>>) src(%arg10 : memref<16x1024xf32, #tpu.memory_space<vmem>>) dst(%dma_wait3A_1122 : memref<16x1024xf32, #tpu.memory_space<hbm>>)
    %dma_start3A_1123 = arith.constant 0 : i32
    %dma_start3A_1124 = arith.constant 31 : i32
    %dma_start3A_1125 = arith.constant 0 : i32
    %dma_start3A_1126 = tpu.memref_slice %arg7[%dma_start3A_1124, %dma_start3A_1125] : memref<32x16xi32, #tpu.memory_space<vmem>> -> memref<1x16xi32, #tpu.memory_space<vmem>>
    %dma_start3A_1127 = tpu.memref_squeeze %dma_start3A_1126 : memref<1x16xi32, #tpu.memory_space<vmem>> -> memref<16xi32, #tpu.memory_space<vmem>>
    %dma_start3A_1128 = arith.constant 0 : i32
    %dma_start3A_1129 = arith.constant 0 : i32
    %dma_start3A_1130 = tpu.memref_slice %arg2[%dma_start3A_1123, %dma_start3A_1128, %dma_start3A_1129] : memref<1x4097x1024xf32, #tpu.memory_space<hbm>> -> memref<1x4097x1024xf32, #tpu.memory_space<hbm>>
    %dma_start3A_1131 = tpu.memref_squeeze %dma_start3A_1130 : memref<1x4097x1024xf32, #tpu.memory_space<hbm>> -> memref<4097x1024xf32, #tpu.memory_space<hbm>>
    %dma_start3A_1132 = arith.constant 0 : i32
    %dma_start3A_1133 = arith.constant 0 : i32
    %dma_start3A_1134 = tpu.memref_slice %dma_start3A_1131[%dma_start3A_1132, %dma_start3A_1133] : memref<4097x1024xf32, #tpu.memory_space<hbm>> -> memref<4097x1024xf32, #tpu.memory_space<hbm>>
    tpu.enqueue_indirect_dma source(%dma_start3A_1134 : memref<4097x1024xf32, #tpu.memory_space<hbm>>) target(%arg10 : memref<16x1024xf32, #tpu.memory_space<vmem>>) offsets(%dma_start3A_1127 : memref<16xi32, #tpu.memory_space<vmem>>) semaphore(%arg16 : memref<!tpu.dma_semaphore, #tpu.memory_space<semaphore_mem>>)
    %dma_wait3A_1135 = arith.constant 0 : i32
    %dma_wait3A_1136 = arith.constant 28 : i32
    %dma_wait3A_1137 = arith.constant 0 : i32
    %dma_wait3A_1138 = tpu.memref_slice %arg7[%dma_wait3A_1136, %dma_wait3A_1137] : memref<32x16xi32, #tpu.memory_space<vmem>> -> memref<1x16xi32, #tpu.memory_space<vmem>>
    %dma_wait3A_1139 = tpu.memref_squeeze %dma_wait3A_1138 : memref<1x16xi32, #tpu.memory_space<vmem>> -> memref<16xi32, #tpu.memory_space<vmem>>
    %dma_wait3A_1140 = arith.constant 0 : i32
    %dma_wait3A_1141 = arith.constant 0 : i32
    %dma_wait3A_1142 = tpu.memref_slice %arg2[%dma_wait3A_1135, %dma_wait3A_1140, %dma_wait3A_1141] : memref<1x4097x1024xf32, #tpu.memory_space<hbm>> -> memref<1x4097x1024xf32, #tpu.memory_space<hbm>>
    %dma_wait3A_1143 = tpu.memref_squeeze %dma_wait3A_1142 : memref<1x4097x1024xf32, #tpu.memory_space<hbm>> -> memref<4097x1024xf32, #tpu.memory_space<hbm>>
    %dma_wait3A_1144 = arith.constant 0 : i32
    %dma_wait3A_1145 = arith.constant 0 : i32
    %dma_wait3A_1146 = tpu.memref_slice %dma_wait3A_1143[%dma_wait3A_1144, %dma_wait3A_1145] : memref<4097x1024xf32, #tpu.memory_space<hbm>> -> memref<4097x1024xf32, #tpu.memory_space<hbm>>
    tpu.wait_indirect_dma semaphore(%arg19 : memref<!tpu.dma_semaphore, #tpu.memory_space<semaphore_mem>>) src(%dma_wait3A_1146 : memref<4097x1024xf32, #tpu.memory_space<hbm>>) dst(%arg13 : memref<16x1024xf32, #tpu.memory_space<vmem>>)
    %add3A_1147 = arith.constant 448 : i32
    %add3A_1148 = arith.addi %mul3A_32, %add3A_1147 : i32
    %dma_start3A_1149 = arith.constant 0 : i32
    %dma_start3A_1150 = tpu.memref_slice %arg5[%select_n3A, %add3A_1148, %dma_start3A_1149] : memref<4x4096x1024xf32, #tpu.memory_space<hbm>> -> memref<1x16x1024xf32, #tpu.memory_space<hbm>>
    %dma_start3A_1151 = tpu.memref_squeeze %dma_start3A_1150 : memref<1x16x1024xf32, #tpu.memory_space<hbm>> -> memref<16x1024xf32, #tpu.memory_space<hbm>>
    %dma_start3A_1152 = arith.constant 0 : i32
    %dma_start3A_1153 = tpu.memref_slice %arg5[%select_n3A, %add3A_1148, %dma_start3A_1152] : memref<4x4096x1024xf32, #tpu.memory_space<hbm>> -> memref<1x16x1024xf32, #tpu.memory_space<hbm>>
    %dma_start3A_1154 = tpu.memref_squeeze %dma_start3A_1153 : memref<1x16x1024xf32, #tpu.memory_space<hbm>> -> memref<16x1024xf32, #tpu.memory_space<hbm>>
    tpu.enqueue_dma source(%arg13 : memref<16x1024xf32, #tpu.memory_space<vmem>>) target(%dma_start3A_1154 : memref<16x1024xf32, #tpu.memory_space<hbm>>) target_semaphore(%arg25 : memref<!tpu.dma_semaphore, #tpu.memory_space<semaphore_mem>>)
    %dma_wait3A_1155 = arith.constant 0 : i32
    %dma_wait3A_1156 = arith.constant 29 : i32
    %dma_wait3A_1157 = arith.constant 0 : i32
    %dma_wait3A_1158 = tpu.memref_slice %arg7[%dma_wait3A_1156, %dma_wait3A_1157] : memref<32x16xi32, #tpu.memory_space<vmem>> -> memref<1x16xi32, #tpu.memory_space<vmem>>
    %dma_wait3A_1159 = tpu.memref_squeeze %dma_wait3A_1158 : memref<1x16xi32, #tpu.memory_space<vmem>> -> memref<16xi32, #tpu.memory_space<vmem>>
    %dma_wait3A_1160 = arith.constant 0 : i32
    %dma_wait3A_1161 = arith.constant 0 : i32
    %dma_wait3A_1162 = tpu.memref_slice %arg2[%dma_wait3A_1155, %dma_wait3A_1160, %dma_wait3A_1161] : memref<1x4097x1024xf32, #tpu.memory_space<hbm>> -> memref<1x4097x1024xf32, #tpu.memory_space<hbm>>
    %dma_wait3A_1163 = tpu.memref_squeeze %dma_wait3A_1162 : memref<1x4097x1024xf32, #tpu.memory_space<hbm>> -> memref<4097x1024xf32, #tpu.memory_space<hbm>>
    %dma_wait3A_1164 = arith.constant 0 : i32
    %dma_wait3A_1165 = arith.constant 0 : i32
    %dma_wait3A_1166 = tpu.memref_slice %dma_wait3A_1163[%dma_wait3A_1164, %dma_wait3A_1165] : memref<4097x1024xf32, #tpu.memory_space<hbm>> -> memref<4097x1024xf32, #tpu.memory_space<hbm>>
    tpu.wait_indirect_dma semaphore(%arg20 : memref<!tpu.dma_semaphore, #tpu.memory_space<semaphore_mem>>) src(%dma_wait3A_1166 : memref<4097x1024xf32, #tpu.memory_space<hbm>>) dst(%arg14 : memref<16x1024xf32, #tpu.memory_space<vmem>>)
    %add3A_1167 = arith.constant 464 : i32
    %add3A_1168 = arith.addi %mul3A_32, %add3A_1167 : i32
    %dma_start3A_1169 = arith.constant 0 : i32
    %dma_start3A_1170 = tpu.memref_slice %arg5[%select_n3A, %add3A_1168, %dma_start3A_1169] : memref<4x4096x1024xf32, #tpu.memory_space<hbm>> -> memref<1x16x1024xf32, #tpu.memory_space<hbm>>
    %dma_start3A_1171 = tpu.memref_squeeze %dma_start3A_1170 : memref<1x16x1024xf32, #tpu.memory_space<hbm>> -> memref<16x1024xf32, #tpu.memory_space<hbm>>
    %dma_start3A_1172 = arith.constant 0 : i32
    %dma_start3A_1173 = tpu.memref_slice %arg5[%select_n3A, %add3A_1168, %dma_start3A_1172] : memref<4x4096x1024xf32, #tpu.memory_space<hbm>> -> memref<1x16x1024xf32, #tpu.memory_space<hbm>>
    %dma_start3A_1174 = tpu.memref_squeeze %dma_start3A_1173 : memref<1x16x1024xf32, #tpu.memory_space<hbm>> -> memref<16x1024xf32, #tpu.memory_space<hbm>>
    tpu.enqueue_dma source(%arg14 : memref<16x1024xf32, #tpu.memory_space<vmem>>) target(%dma_start3A_1174 : memref<16x1024xf32, #tpu.memory_space<hbm>>) target_semaphore(%arg26 : memref<!tpu.dma_semaphore, #tpu.memory_space<semaphore_mem>>)
    %dma_wait3A_1175 = arith.constant 0 : i32
    %dma_wait3A_1176 = arith.constant 30 : i32
    %dma_wait3A_1177 = arith.constant 0 : i32
    %dma_wait3A_1178 = tpu.memref_slice %arg7[%dma_wait3A_1176, %dma_wait3A_1177] : memref<32x16xi32, #tpu.memory_space<vmem>> -> memref<1x16xi32, #tpu.memory_space<vmem>>
    %dma_wait3A_1179 = tpu.memref_squeeze %dma_wait3A_1178 : memref<1x16xi32, #tpu.memory_space<vmem>> -> memref<16xi32, #tpu.memory_space<vmem>>
    %dma_wait3A_1180 = arith.constant 0 : i32
    %dma_wait3A_1181 = arith.constant 0 : i32
    %dma_wait3A_1182 = tpu.memref_slice %arg2[%dma_wait3A_1175, %dma_wait3A_1180, %dma_wait3A_1181] : memref<1x4097x1024xf32, #tpu.memory_space<hbm>> -> memref<1x4097x1024xf32, #tpu.memory_space<hbm>>
    %dma_wait3A_1183 = tpu.memref_squeeze %dma_wait3A_1182 : memref<1x4097x1024xf32, #tpu.memory_space<hbm>> -> memref<4097x1024xf32, #tpu.memory_space<hbm>>
    %dma_wait3A_1184 = arith.constant 0 : i32
    %dma_wait3A_1185 = arith.constant 0 : i32
    %dma_wait3A_1186 = tpu.memref_slice %dma_wait3A_1183[%dma_wait3A_1184, %dma_wait3A_1185] : memref<4097x1024xf32, #tpu.memory_space<hbm>> -> memref<4097x1024xf32, #tpu.memory_space<hbm>>
    tpu.wait_indirect_dma semaphore(%arg15 : memref<!tpu.dma_semaphore, #tpu.memory_space<semaphore_mem>>) src(%dma_wait3A_1186 : memref<4097x1024xf32, #tpu.memory_space<hbm>>) dst(%arg9 : memref<16x1024xf32, #tpu.memory_space<vmem>>)
    %add3A_1187 = arith.constant 480 : i32
    %add3A_1188 = arith.addi %mul3A_32, %add3A_1187 : i32
    %dma_start3A_1189 = arith.constant 0 : i32
    %dma_start3A_1190 = tpu.memref_slice %arg5[%select_n3A, %add3A_1188, %dma_start3A_1189] : memref<4x4096x1024xf32, #tpu.memory_space<hbm>> -> memref<1x16x1024xf32, #tpu.memory_space<hbm>>
    %dma_start3A_1191 = tpu.memref_squeeze %dma_start3A_1190 : memref<1x16x1024xf32, #tpu.memory_space<hbm>> -> memref<16x1024xf32, #tpu.memory_space<hbm>>
    %dma_start3A_1192 = arith.constant 0 : i32
    %dma_start3A_1193 = tpu.memref_slice %arg5[%select_n3A, %add3A_1188, %dma_start3A_1192] : memref<4x4096x1024xf32, #tpu.memory_space<hbm>> -> memref<1x16x1024xf32, #tpu.memory_space<hbm>>
    %dma_start3A_1194 = tpu.memref_squeeze %dma_start3A_1193 : memref<1x16x1024xf32, #tpu.memory_space<hbm>> -> memref<16x1024xf32, #tpu.memory_space<hbm>>
    tpu.enqueue_dma source(%arg9 : memref<16x1024xf32, #tpu.memory_space<vmem>>) target(%dma_start3A_1194 : memref<16x1024xf32, #tpu.memory_space<hbm>>) target_semaphore(%arg21 : memref<!tpu.dma_semaphore, #tpu.memory_space<semaphore_mem>>)
    %dma_wait3A_1195 = arith.constant 0 : i32
    %dma_wait3A_1196 = arith.constant 31 : i32
    %dma_wait3A_1197 = arith.constant 0 : i32
    %dma_wait3A_1198 = tpu.memref_slice %arg7[%dma_wait3A_1196, %dma_wait3A_1197] : memref<32x16xi32, #tpu.memory_space<vmem>> -> memref<1x16xi32, #tpu.memory_space<vmem>>
    %dma_wait3A_1199 = tpu.memref_squeeze %dma_wait3A_1198 : memref<1x16xi32, #tpu.memory_space<vmem>> -> memref<16xi32, #tpu.memory_space<vmem>>
    %dma_wait3A_1200 = arith.constant 0 : i32
    %dma_wait3A_1201 = arith.constant 0 : i32
    %dma_wait3A_1202 = tpu.memref_slice %arg2[%dma_wait3A_1195, %dma_wait3A_1200, %dma_wait3A_1201] : memref<1x4097x1024xf32, #tpu.memory_space<hbm>> -> memref<1x4097x1024xf32, #tpu.memory_space<hbm>>
    %dma_wait3A_1203 = tpu.memref_squeeze %dma_wait3A_1202 : memref<1x4097x1024xf32, #tpu.memory_space<hbm>> -> memref<4097x1024xf32, #tpu.memory_space<hbm>>
    %dma_wait3A_1204 = arith.constant 0 : i32
    %dma_wait3A_1205 = arith.constant 0 : i32
    %dma_wait3A_1206 = tpu.memref_slice %dma_wait3A_1203[%dma_wait3A_1204, %dma_wait3A_1205] : memref<4097x1024xf32, #tpu.memory_space<hbm>> -> memref<4097x1024xf32, #tpu.memory_space<hbm>>
    tpu.wait_indirect_dma semaphore(%arg16 : memref<!tpu.dma_semaphore, #tpu.memory_space<semaphore_mem>>) src(%dma_wait3A_1206 : memref<4097x1024xf32, #tpu.memory_space<hbm>>) dst(%arg10 : memref<16x1024xf32, #tpu.memory_space<vmem>>)
    %add3A_1207 = arith.constant 496 : i32
    %add3A_1208 = arith.addi %mul3A_32, %add3A_1207 : i32
    %dma_start3A_1209 = arith.constant 0 : i32
    %dma_start3A_1210 = tpu.memref_slice %arg5[%select_n3A, %add3A_1208, %dma_start3A_1209] : memref<4x4096x1024xf32, #tpu.memory_space<hbm>> -> memref<1x16x1024xf32, #tpu.memory_space<hbm>>
    %dma_start3A_1211 = tpu.memref_squeeze %dma_start3A_1210 : memref<1x16x1024xf32, #tpu.memory_space<hbm>> -> memref<16x1024xf32, #tpu.memory_space<hbm>>
    %dma_start3A_1212 = arith.constant 0 : i32
    %dma_start3A_1213 = tpu.memref_slice %arg5[%select_n3A, %add3A_1208, %dma_start3A_1212] : memref<4x4096x1024xf32, #tpu.memory_space<hbm>> -> memref<1x16x1024xf32, #tpu.memory_space<hbm>>
    %dma_start3A_1214 = tpu.memref_squeeze %dma_start3A_1213 : memref<1x16x1024xf32, #tpu.memory_space<hbm>> -> memref<16x1024xf32, #tpu.memory_space<hbm>>
    tpu.enqueue_dma source(%arg10 : memref<16x1024xf32, #tpu.memory_space<vmem>>) target(%dma_start3A_1214 : memref<16x1024xf32, #tpu.memory_space<hbm>>) target_semaphore(%arg22 : memref<!tpu.dma_semaphore, #tpu.memory_space<semaphore_mem>>)
    %dma_wait3A_1215 = arith.constant 0 : i32
    %dma_wait3A_1216 = tpu.memref_slice %arg5[%select_n3A, %add3A_1072, %dma_wait3A_1215] : memref<4x4096x1024xf32, #tpu.memory_space<hbm>> -> memref<1x16x1024xf32, #tpu.memory_space<hbm>>
    %dma_wait3A_1217 = tpu.memref_squeeze %dma_wait3A_1216 : memref<1x16x1024xf32, #tpu.memory_space<hbm>> -> memref<16x1024xf32, #tpu.memory_space<hbm>>
    %dma_wait3A_1218 = arith.constant 0 : i32
    %dma_wait3A_1219 = tpu.memref_slice %arg5[%select_n3A, %add3A_1072, %dma_wait3A_1218] : memref<4x4096x1024xf32, #tpu.memory_space<hbm>> -> memref<1x16x1024xf32, #tpu.memory_space<hbm>>
    %dma_wait3A_1220 = tpu.memref_squeeze %dma_wait3A_1219 : memref<1x16x1024xf32, #tpu.memory_space<hbm>> -> memref<16x1024xf32, #tpu.memory_space<hbm>>
    tpu.wait_dma2 semaphore(%arg23 : memref<!tpu.dma_semaphore, #tpu.memory_space<semaphore_mem>>) src(%arg11 : memref<16x1024xf32, #tpu.memory_space<vmem>>) dst(%dma_wait3A_1220 : memref<16x1024xf32, #tpu.memory_space<hbm>>)
    %dma_wait3A_1221 = arith.constant 0 : i32
    %dma_wait3A_1222 = tpu.memref_slice %arg5[%select_n3A, %add3A_1110, %dma_wait3A_1221] : memref<4x4096x1024xf32, #tpu.memory_space<hbm>> -> memref<1x16x1024xf32, #tpu.memory_space<hbm>>
    %dma_wait3A_1223 = tpu.memref_squeeze %dma_wait3A_1222 : memref<1x16x1024xf32, #tpu.memory_space<hbm>> -> memref<16x1024xf32, #tpu.memory_space<hbm>>
    %dma_wait3A_1224 = arith.constant 0 : i32
    %dma_wait3A_1225 = tpu.memref_slice %arg5[%select_n3A, %add3A_1110, %dma_wait3A_1224] : memref<4x4096x1024xf32, #tpu.memory_space<hbm>> -> memref<1x16x1024xf32, #tpu.memory_space<hbm>>
    %dma_wait3A_1226 = tpu.memref_squeeze %dma_wait3A_1225 : memref<1x16x1024xf32, #tpu.memory_space<hbm>> -> memref<16x1024xf32, #tpu.memory_space<hbm>>
    tpu.wait_dma2 semaphore(%arg24 : memref<!tpu.dma_semaphore, #tpu.memory_space<semaphore_mem>>) src(%arg12 : memref<16x1024xf32, #tpu.memory_space<vmem>>) dst(%dma_wait3A_1226 : memref<16x1024xf32, #tpu.memory_space<hbm>>)
    %dma_wait3A_1227 = arith.constant 0 : i32
    %dma_wait3A_1228 = tpu.memref_slice %arg5[%select_n3A, %add3A_1148, %dma_wait3A_1227] : memref<4x4096x1024xf32, #tpu.memory_space<hbm>> -> memref<1x16x1024xf32, #tpu.memory_space<hbm>>
    %dma_wait3A_1229 = tpu.memref_squeeze %dma_wait3A_1228 : memref<1x16x1024xf32, #tpu.memory_space<hbm>> -> memref<16x1024xf32, #tpu.memory_space<hbm>>
    %dma_wait3A_1230 = arith.constant 0 : i32
    %dma_wait3A_1231 = tpu.memref_slice %arg5[%select_n3A, %add3A_1148, %dma_wait3A_1230] : memref<4x4096x1024xf32, #tpu.memory_space<hbm>> -> memref<1x16x1024xf32, #tpu.memory_space<hbm>>
    %dma_wait3A_1232 = tpu.memref_squeeze %dma_wait3A_1231 : memref<1x16x1024xf32, #tpu.memory_space<hbm>> -> memref<16x1024xf32, #tpu.memory_space<hbm>>
    tpu.wait_dma2 semaphore(%arg25 : memref<!tpu.dma_semaphore, #tpu.memory_space<semaphore_mem>>) src(%arg13 : memref<16x1024xf32, #tpu.memory_space<vmem>>) dst(%dma_wait3A_1232 : memref<16x1024xf32, #tpu.memory_space<hbm>>)
    %dma_wait3A_1233 = arith.constant 0 : i32
    %dma_wait3A_1234 = tpu.memref_slice %arg5[%select_n3A, %add3A_1168, %dma_wait3A_1233] : memref<4x4096x1024xf32, #tpu.memory_space<hbm>> -> memref<1x16x1024xf32, #tpu.memory_space<hbm>>
    %dma_wait3A_1235 = tpu.memref_squeeze %dma_wait3A_1234 : memref<1x16x1024xf32, #tpu.memory_space<hbm>> -> memref<16x1024xf32, #tpu.memory_space<hbm>>
    %dma_wait3A_1236 = arith.constant 0 : i32
    %dma_wait3A_1237 = tpu.memref_slice %arg5[%select_n3A, %add3A_1168, %dma_wait3A_1236] : memref<4x4096x1024xf32, #tpu.memory_space<hbm>> -> memref<1x16x1024xf32, #tpu.memory_space<hbm>>
    %dma_wait3A_1238 = tpu.memref_squeeze %dma_wait3A_1237 : memref<1x16x1024xf32, #tpu.memory_space<hbm>> -> memref<16x1024xf32, #tpu.memory_space<hbm>>
    tpu.wait_dma2 semaphore(%arg26 : memref<!tpu.dma_semaphore, #tpu.memory_space<semaphore_mem>>) src(%arg14 : memref<16x1024xf32, #tpu.memory_space<vmem>>) dst(%dma_wait3A_1238 : memref<16x1024xf32, #tpu.memory_space<hbm>>)
    %dma_wait3A_1239 = arith.constant 0 : i32
    %dma_wait3A_1240 = tpu.memref_slice %arg5[%select_n3A, %add3A_1188, %dma_wait3A_1239] : memref<4x4096x1024xf32, #tpu.memory_space<hbm>> -> memref<1x16x1024xf32, #tpu.memory_space<hbm>>
    %dma_wait3A_1241 = tpu.memref_squeeze %dma_wait3A_1240 : memref<1x16x1024xf32, #tpu.memory_space<hbm>> -> memref<16x1024xf32, #tpu.memory_space<hbm>>
    %dma_wait3A_1242 = arith.constant 0 : i32
    %dma_wait3A_1243 = tpu.memref_slice %arg5[%select_n3A, %add3A_1188, %dma_wait3A_1242] : memref<4x4096x1024xf32, #tpu.memory_space<hbm>> -> memref<1x16x1024xf32, #tpu.memory_space<hbm>>
    %dma_wait3A_1244 = tpu.memref_squeeze %dma_wait3A_1243 : memref<1x16x1024xf32, #tpu.memory_space<hbm>> -> memref<16x1024xf32, #tpu.memory_space<hbm>>
    tpu.wait_dma2 semaphore(%arg21 : memref<!tpu.dma_semaphore, #tpu.memory_space<semaphore_mem>>) src(%arg9 : memref<16x1024xf32, #tpu.memory_space<vmem>>) dst(%dma_wait3A_1244 : memref<16x1024xf32, #tpu.memory_space<hbm>>)
    %dma_wait3A_1245 = arith.constant 0 : i32
    %dma_wait3A_1246 = tpu.memref_slice %arg5[%select_n3A, %add3A_1208, %dma_wait3A_1245] : memref<4x4096x1024xf32, #tpu.memory_space<hbm>> -> memref<1x16x1024xf32, #tpu.memory_space<hbm>>
    %dma_wait3A_1247 = tpu.memref_squeeze %dma_wait3A_1246 : memref<1x16x1024xf32, #tpu.memory_space<hbm>> -> memref<16x1024xf32, #tpu.memory_space<hbm>>
    %dma_wait3A_1248 = arith.constant 0 : i32
    %dma_wait3A_1249 = tpu.memref_slice %arg5[%select_n3A, %add3A_1208, %dma_wait3A_1248] : memref<4x4096x1024xf32, #tpu.memory_space<hbm>> -> memref<1x16x1024xf32, #tpu.memory_space<hbm>>
    %dma_wait3A_1250 = tpu.memref_squeeze %dma_wait3A_1249 : memref<1x16x1024xf32, #tpu.memory_space<hbm>> -> memref<16x1024xf32, #tpu.memory_space<hbm>>
    tpu.wait_dma2 semaphore(%arg22 : memref<!tpu.dma_semaphore, #tpu.memory_space<semaphore_mem>>) src(%arg10 : memref<16x1024xf32, #tpu.memory_space<vmem>>) dst(%dma_wait3A_1250 : memref<16x1024xf32, #tpu.memory_space<hbm>>)
    %scan3A_1251 = arith.constant 0 : i32
    %scan3A_1252 = arith.constant 32 : i32
    %scan3A_1253 = arith.addi %scan3A_1251, %scan3A_1252 : i32
    %scan3A_1254 = arith.constant 1 : i32
    scf.for %scan3A_1256 = %scan3A_1251 to %scan3A_1253 step %scan3A_1254  : i32 {
      %mul3A_1257 = arith.constant 1 : i32
      %mul3A_1258 = arith.muli %scan3A_1256, %mul3A_1257 : i32
      %add3A_1259 = arith.constant 0 : i32
      %add3A_1260 = arith.addi %add3A_1259, %mul3A_1258 : i32
      %get3A = arith.index_cast %add3A_1260 : i32 to index
      %get3A_1261 = arith.constant 0 : index
      %get3A_1262 = tpu.vector_load %arg6[%get3A, %get3A_1261] {strides = array<i32>} : memref<32x16xi32, #tpu.memory_space<vmem>>, vector<16xi32>,
      %ge3A = arith.constant 4081 : i32
      %ge3A_1263 = vector.broadcast %ge3A : i32 to vector<16xi32>
      %ge3A_1264 = arith.cmpi sge, %get3A_1262, %ge3A_1263 : vector<16xi32>
      %all_reduce_population_count3A = tpu.all_reduce %ge3A_1264 {dim = 0 : i64, kind = #tpu.reduction_kind<sum>} : vector<16xi1> -> vector<16xi32>
      %slice3A = vector.extract_strided_slice %all_reduce_population_count3A {offsets = [0], sizes = [1], strides = [1]} : vector<16xi32> to vector<1xi32>
      %squeeze3A = vector.extract %slice3A[0] : i32 from vector<1xi32>
      %gt3A = arith.constant 0 : i32
      %gt3A_1265 = arith.cmpi sgt, %squeeze3A, %gt3A : i32
      %convert_element_type3A = arith.extui %gt3A_1265 : i1 to i32
      %cond3A = arith.constant 0 : i32
      %cond3A_1266 = arith.cmpi ne, %convert_element_type3A, %cond3A : i32
      scf.if %cond3A_1266 {
        %slice3A_1267 = vector.extract_strided_slice %get3A_1262 {offsets = [0], sizes = [1], strides = [1]} : vector<16xi32> to vector<1xi32>
        %squeeze3A_1268 = vector.extract %slice3A_1267[0] : i32 from vector<1xi32>
        %ge3A_1269 = arith.constant 4081 : i32
        %ge3A_1270 = arith.cmpi sge, %squeeze3A_1268, %ge3A_1269 : i32
        %convert_element_type3A_1271 = arith.extui %ge3A_1270 : i1 to i32
        %cond3A_1272 = arith.constant 0 : i32
        %cond3A_1273 = arith.cmpi ne, %convert_element_type3A_1271, %cond3A_1272 : i32
        scf.if %cond3A_1273 {
          %sub3A_1379 = arith.constant 4081 : i32
          %sub3A_1380 = arith.subi %squeeze3A_1268, %sub3A_1379 : i32
          %mul3A_1381 = arith.constant 16 : i32
          %mul3A_1382 = arith.muli %add3A_1260, %mul3A_1381 : i32
          %add3A_1383 = arith.addi %mul3A_32, %mul3A_1382 : i32
          %add3A_1384 = arith.constant 0 : i32
          %add3A_1385 = arith.addi %add3A_1383, %add3A_1384 : i32
          "tpu.region"() ({
            %run_scoped3A = tpu.sem_alloc : memref<!tpu.dma_semaphore, #tpu.memory_space<semaphore_mem>>
            %dma_start3A_1386 = arith.constant 0 : i32
            %dma_start3A_1387 = tpu.memref_slice %arg8[%sub3A_1380, %dma_start3A_1386] : memref<16x1024xf32, #tpu.memory_space<vmem>> -> memref<1x1024xf32, #tpu.memory_space<vmem>>
            %dma_start3A_1388 = arith.constant 0 : i32
            %dma_start3A_1389 = tpu.memref_slice %arg5[%select_n3A, %add3A_1385, %dma_start3A_1388] : memref<4x4096x1024xf32, #tpu.memory_space<hbm>> -> memref<1x1x1024xf32, #tpu.memory_space<hbm>>
            %dma_start3A_1390 = tpu.memref_squeeze %dma_start3A_1389 : memref<1x1x1024xf32, #tpu.memory_space<hbm>> -> memref<1x1024xf32, #tpu.memory_space<hbm>>
            %dma_start3A_1391 = arith.constant 0 : i32
            %dma_start3A_1392 = tpu.memref_slice %arg5[%select_n3A, %add3A_1385, %dma_start3A_1391] : memref<4x4096x1024xf32, #tpu.memory_space<hbm>> -> memref<1x1x1024xf32, #tpu.memory_space<hbm>>
            %dma_start3A_1393 = tpu.memref_squeeze %dma_start3A_1392 : memref<1x1x1024xf32, #tpu.memory_space<hbm>> -> memref<1x1024xf32, #tpu.memory_space<hbm>>
            %dma_start3A_1394 = arith.constant 0 : i32
            %dma_start3A_1395 = tpu.memref_slice %arg8[%sub3A_1380, %dma_start3A_1394] : memref<16x1024xf32, #tpu.memory_space<vmem>> -> memref<1x1024xf32, #tpu.memory_space<vmem>>
            tpu.enqueue_dma source(%dma_start3A_1395 : memref<1x1024xf32, #tpu.memory_space<vmem>>) target(%dma_start3A_1393 : memref<1x1024xf32, #tpu.memory_space<hbm>>) target_semaphore(%run_scoped3A : memref<!tpu.dma_semaphore, #tpu.memory_space<semaphore_mem>>)
            %dma_wait3A_1396 = arith.constant 0 : i32
            %dma_wait3A_1397 = tpu.memref_slice %arg8[%sub3A_1380, %dma_wait3A_1396] : memref<16x1024xf32, #tpu.memory_space<vmem>> -> memref<1x1024xf32, #tpu.memory_space<vmem>>
            %dma_wait3A_1398 = arith.constant 0 : i32
            %dma_wait3A_1399 = tpu.memref_slice %arg5[%select_n3A, %add3A_1385, %dma_wait3A_1398] : memref<4x4096x1024xf32, #tpu.memory_space<hbm>> -> memref<1x1x1024xf32, #tpu.memory_space<hbm>>
            %dma_wait3A_1400 = tpu.memref_squeeze %dma_wait3A_1399 : memref<1x1x1024xf32, #tpu.memory_space<hbm>> -> memref<1x1024xf32, #tpu.memory_space<hbm>>
            %dma_wait3A_1401 = arith.constant 0 : i32
            %dma_wait3A_1402 = tpu.memref_slice %arg5[%select_n3A, %add3A_1385, %dma_wait3A_1401] : memref<4x4096x1024xf32, #tpu.memory_space<hbm>> -> memref<1x1x1024xf32, #tpu.memory_space<hbm>>
            %dma_wait3A_1403 = tpu.memref_squeeze %dma_wait3A_1402 : memref<1x1x1024xf32, #tpu.memory_space<hbm>> -> memref<1x1024xf32, #tpu.memory_space<hbm>>
            %dma_wait3A_1404 = arith.constant 0 : i32
            %dma_wait3A_1405 = tpu.memref_slice %arg8[%sub3A_1380, %dma_wait3A_1404] : memref<16x1024xf32, #tpu.memory_space<vmem>> -> memref<1x1024xf32, #tpu.memory_space<vmem>>
            tpu.wait_dma2 semaphore(%run_scoped3A : memref<!tpu.dma_semaphore, #tpu.memory_space<semaphore_mem>>) src(%dma_wait3A_1405 : memref<1x1024xf32, #tpu.memory_space<vmem>>) dst(%dma_wait3A_1403 : memref<1x1024xf32, #tpu.memory_space<hbm>>)
            tpu.yield
          }) : () -> ()
        } else {
        }
        %slice3A_1274 = vector.extract_strided_slice %get3A_1262 {offsets = [1], sizes = [1], strides = [1]} : vector<16xi32> to vector<1xi32>
        %squeeze3A_1275 = vector.extract %slice3A_1274[0] : i32 from vector<1xi32>
        %ge3A_1276 = arith.constant 4081 : i32
        %ge3A_1277 = arith.cmpi sge, %squeeze3A_1275, %ge3A_1276 : i32
        %convert_element_type3A_1278 = arith.extui %ge3A_1277 : i1 to i32
        %cond3A_1279 = arith.constant 0 : i32
        %cond3A_1280 = arith.cmpi ne, %convert_element_type3A_1278, %cond3A_1279 : i32
        scf.if %cond3A_1280 {
          %sub3A_1379 = arith.constant 4081 : i32
          %sub3A_1380 = arith.subi %squeeze3A_1275, %sub3A_1379 : i32
          %mul3A_1381 = arith.constant 16 : i32
          %mul3A_1382 = arith.muli %add3A_1260, %mul3A_1381 : i32
          %add3A_1383 = arith.addi %mul3A_32, %mul3A_1382 : i32
          %add3A_1384 = arith.constant 1 : i32
          %add3A_1385 = arith.addi %add3A_1383, %add3A_1384 : i32
          "tpu.region"() ({
            %run_scoped3A = tpu.sem_alloc : memref<!tpu.dma_semaphore, #tpu.memory_space<semaphore_mem>>
            %dma_start3A_1386 = arith.constant 0 : i32
            %dma_start3A_1387 = tpu.memref_slice %arg8[%sub3A_1380, %dma_start3A_1386] : memref<16x1024xf32, #tpu.memory_space<vmem>> -> memref<1x1024xf32, #tpu.memory_space<vmem>>
            %dma_start3A_1388 = arith.constant 0 : i32
            %dma_start3A_1389 = tpu.memref_slice %arg5[%select_n3A, %add3A_1385, %dma_start3A_1388] : memref<4x4096x1024xf32, #tpu.memory_space<hbm>> -> memref<1x1x1024xf32, #tpu.memory_space<hbm>>
            %dma_start3A_1390 = tpu.memref_squeeze %dma_start3A_1389 : memref<1x1x1024xf32, #tpu.memory_space<hbm>> -> memref<1x1024xf32, #tpu.memory_space<hbm>>
            %dma_start3A_1391 = arith.constant 0 : i32
            %dma_start3A_1392 = tpu.memref_slice %arg5[%select_n3A, %add3A_1385, %dma_start3A_1391] : memref<4x4096x1024xf32, #tpu.memory_space<hbm>> -> memref<1x1x1024xf32, #tpu.memory_space<hbm>>
            %dma_start3A_1393 = tpu.memref_squeeze %dma_start3A_1392 : memref<1x1x1024xf32, #tpu.memory_space<hbm>> -> memref<1x1024xf32, #tpu.memory_space<hbm>>
            %dma_start3A_1394 = arith.constant 0 : i32
            %dma_start3A_1395 = tpu.memref_slice %arg8[%sub3A_1380, %dma_start3A_1394] : memref<16x1024xf32, #tpu.memory_space<vmem>> -> memref<1x1024xf32, #tpu.memory_space<vmem>>
            tpu.enqueue_dma source(%dma_start3A_1395 : memref<1x1024xf32, #tpu.memory_space<vmem>>) target(%dma_start3A_1393 : memref<1x1024xf32, #tpu.memory_space<hbm>>) target_semaphore(%run_scoped3A : memref<!tpu.dma_semaphore, #tpu.memory_space<semaphore_mem>>)
            %dma_wait3A_1396 = arith.constant 0 : i32
            %dma_wait3A_1397 = tpu.memref_slice %arg8[%sub3A_1380, %dma_wait3A_1396] : memref<16x1024xf32, #tpu.memory_space<vmem>> -> memref<1x1024xf32, #tpu.memory_space<vmem>>
            %dma_wait3A_1398 = arith.constant 0 : i32
            %dma_wait3A_1399 = tpu.memref_slice %arg5[%select_n3A, %add3A_1385, %dma_wait3A_1398] : memref<4x4096x1024xf32, #tpu.memory_space<hbm>> -> memref<1x1x1024xf32, #tpu.memory_space<hbm>>
            %dma_wait3A_1400 = tpu.memref_squeeze %dma_wait3A_1399 : memref<1x1x1024xf32, #tpu.memory_space<hbm>> -> memref<1x1024xf32, #tpu.memory_space<hbm>>
            %dma_wait3A_1401 = arith.constant 0 : i32
            %dma_wait3A_1402 = tpu.memref_slice %arg5[%select_n3A, %add3A_1385, %dma_wait3A_1401] : memref<4x4096x1024xf32, #tpu.memory_space<hbm>> -> memref<1x1x1024xf32, #tpu.memory_space<hbm>>
            %dma_wait3A_1403 = tpu.memref_squeeze %dma_wait3A_1402 : memref<1x1x1024xf32, #tpu.memory_space<hbm>> -> memref<1x1024xf32, #tpu.memory_space<hbm>>
            %dma_wait3A_1404 = arith.constant 0 : i32
            %dma_wait3A_1405 = tpu.memref_slice %arg8[%sub3A_1380, %dma_wait3A_1404] : memref<16x1024xf32, #tpu.memory_space<vmem>> -> memref<1x1024xf32, #tpu.memory_space<vmem>>
            tpu.wait_dma2 semaphore(%run_scoped3A : memref<!tpu.dma_semaphore, #tpu.memory_space<semaphore_mem>>) src(%dma_wait3A_1405 : memref<1x1024xf32, #tpu.memory_space<vmem>>) dst(%dma_wait3A_1403 : memref<1x1024xf32, #tpu.memory_space<hbm>>)
            tpu.yield
          }) : () -> ()
        } else {
        }
        %slice3A_1281 = vector.extract_strided_slice %get3A_1262 {offsets = [2], sizes = [1], strides = [1]} : vector<16xi32> to vector<1xi32>
        %squeeze3A_1282 = vector.extract %slice3A_1281[0] : i32 from vector<1xi32>
        %ge3A_1283 = arith.constant 4081 : i32
        %ge3A_1284 = arith.cmpi sge, %squeeze3A_1282, %ge3A_1283 : i32
        %convert_element_type3A_1285 = arith.extui %ge3A_1284 : i1 to i32
        %cond3A_1286 = arith.constant 0 : i32
        %cond3A_1287 = arith.cmpi ne, %convert_element_type3A_1285, %cond3A_1286 : i32
        scf.if %cond3A_1287 {
          %sub3A_1379 = arith.constant 4081 : i32
          %sub3A_1380 = arith.subi %squeeze3A_1282, %sub3A_1379 : i32
          %mul3A_1381 = arith.constant 16 : i32
          %mul3A_1382 = arith.muli %add3A_1260, %mul3A_1381 : i32
          %add3A_1383 = arith.addi %mul3A_32, %mul3A_1382 : i32
          %add3A_1384 = arith.constant 2 : i32
          %add3A_1385 = arith.addi %add3A_1383, %add3A_1384 : i32
          "tpu.region"() ({
            %run_scoped3A = tpu.sem_alloc : memref<!tpu.dma_semaphore, #tpu.memory_space<semaphore_mem>>
            %dma_start3A_1386 = arith.constant 0 : i32
            %dma_start3A_1387 = tpu.memref_slice %arg8[%sub3A_1380, %dma_start3A_1386] : memref<16x1024xf32, #tpu.memory_space<vmem>> -> memref<1x1024xf32, #tpu.memory_space<vmem>>
            %dma_start3A_1388 = arith.constant 0 : i32
            %dma_start3A_1389 = tpu.memref_slice %arg5[%select_n3A, %add3A_1385, %dma_start3A_1388] : memref<4x4096x1024xf32, #tpu.memory_space<hbm>> -> memref<1x1x1024xf32, #tpu.memory_space<hbm>>
            %dma_start3A_1390 = tpu.memref_squeeze %dma_start3A_1389 : memref<1x1x1024xf32, #tpu.memory_space<hbm>> -> memref<1x1024xf32, #tpu.memory_space<hbm>>
            %dma_start3A_1391 = arith.constant 0 : i32
            %dma_start3A_1392 = tpu.memref_slice %arg5[%select_n3A, %add3A_1385, %dma_start3A_1391] : memref<4x4096x1024xf32, #tpu.memory_space<hbm>> -> memref<1x1x1024xf32, #tpu.memory_space<hbm>>
            %dma_start3A_1393 = tpu.memref_squeeze %dma_start3A_1392 : memref<1x1x1024xf32, #tpu.memory_space<hbm>> -> memref<1x1024xf32, #tpu.memory_space<hbm>>
            %dma_start3A_1394 = arith.constant 0 : i32
            %dma_start3A_1395 = tpu.memref_slice %arg8[%sub3A_1380, %dma_start3A_1394] : memref<16x1024xf32, #tpu.memory_space<vmem>> -> memref<1x1024xf32, #tpu.memory_space<vmem>>
            tpu.enqueue_dma source(%dma_start3A_1395 : memref<1x1024xf32, #tpu.memory_space<vmem>>) target(%dma_start3A_1393 : memref<1x1024xf32, #tpu.memory_space<hbm>>) target_semaphore(%run_scoped3A : memref<!tpu.dma_semaphore, #tpu.memory_space<semaphore_mem>>)
            %dma_wait3A_1396 = arith.constant 0 : i32
            %dma_wait3A_1397 = tpu.memref_slice %arg8[%sub3A_1380, %dma_wait3A_1396] : memref<16x1024xf32, #tpu.memory_space<vmem>> -> memref<1x1024xf32, #tpu.memory_space<vmem>>
            %dma_wait3A_1398 = arith.constant 0 : i32
            %dma_wait3A_1399 = tpu.memref_slice %arg5[%select_n3A, %add3A_1385, %dma_wait3A_1398] : memref<4x4096x1024xf32, #tpu.memory_space<hbm>> -> memref<1x1x1024xf32, #tpu.memory_space<hbm>>
            %dma_wait3A_1400 = tpu.memref_squeeze %dma_wait3A_1399 : memref<1x1x1024xf32, #tpu.memory_space<hbm>> -> memref<1x1024xf32, #tpu.memory_space<hbm>>
            %dma_wait3A_1401 = arith.constant 0 : i32
            %dma_wait3A_1402 = tpu.memref_slice %arg5[%select_n3A, %add3A_1385, %dma_wait3A_1401] : memref<4x4096x1024xf32, #tpu.memory_space<hbm>> -> memref<1x1x1024xf32, #tpu.memory_space<hbm>>
            %dma_wait3A_1403 = tpu.memref_squeeze %dma_wait3A_1402 : memref<1x1x1024xf32, #tpu.memory_space<hbm>> -> memref<1x1024xf32, #tpu.memory_space<hbm>>
            %dma_wait3A_1404 = arith.constant 0 : i32
            %dma_wait3A_1405 = tpu.memref_slice %arg8[%sub3A_1380, %dma_wait3A_1404] : memref<16x1024xf32, #tpu.memory_space<vmem>> -> memref<1x1024xf32, #tpu.memory_space<vmem>>
            tpu.wait_dma2 semaphore(%run_scoped3A : memref<!tpu.dma_semaphore, #tpu.memory_space<semaphore_mem>>) src(%dma_wait3A_1405 : memref<1x1024xf32, #tpu.memory_space<vmem>>) dst(%dma_wait3A_1403 : memref<1x1024xf32, #tpu.memory_space<hbm>>)
            tpu.yield
          }) : () -> ()
        } else {
        }
        %slice3A_1288 = vector.extract_strided_slice %get3A_1262 {offsets = [3], sizes = [1], strides = [1]} : vector<16xi32> to vector<1xi32>
        %squeeze3A_1289 = vector.extract %slice3A_1288[0] : i32 from vector<1xi32>
        %ge3A_1290 = arith.constant 4081 : i32
        %ge3A_1291 = arith.cmpi sge, %squeeze3A_1289, %ge3A_1290 : i32
        %convert_element_type3A_1292 = arith.extui %ge3A_1291 : i1 to i32
        %cond3A_1293 = arith.constant 0 : i32
        %cond3A_1294 = arith.cmpi ne, %convert_element_type3A_1292, %cond3A_1293 : i32
        scf.if %cond3A_1294 {
          %sub3A_1379 = arith.constant 4081 : i32
          %sub3A_1380 = arith.subi %squeeze3A_1289, %sub3A_1379 : i32
          %mul3A_1381 = arith.constant 16 : i32
          %mul3A_1382 = arith.muli %add3A_1260, %mul3A_1381 : i32
          %add3A_1383 = arith.addi %mul3A_32, %mul3A_1382 : i32
          %add3A_1384 = arith.constant 3 : i32
          %add3A_1385 = arith.addi %add3A_1383, %add3A_1384 : i32
          "tpu.region"() ({
            %run_scoped3A = tpu.sem_alloc : memref<!tpu.dma_semaphore, #tpu.memory_space<semaphore_mem>>
            %dma_start3A_1386 = arith.constant 0 : i32
            %dma_start3A_1387 = tpu.memref_slice %arg8[%sub3A_1380, %dma_start3A_1386] : memref<16x1024xf32, #tpu.memory_space<vmem>> -> memref<1x1024xf32, #tpu.memory_space<vmem>>
            %dma_start3A_1388 = arith.constant 0 : i32
            %dma_start3A_1389 = tpu.memref_slice %arg5[%select_n3A, %add3A_1385, %dma_start3A_1388] : memref<4x4096x1024xf32, #tpu.memory_space<hbm>> -> memref<1x1x1024xf32, #tpu.memory_space<hbm>>
            %dma_start3A_1390 = tpu.memref_squeeze %dma_start3A_1389 : memref<1x1x1024xf32, #tpu.memory_space<hbm>> -> memref<1x1024xf32, #tpu.memory_space<hbm>>
            %dma_start3A_1391 = arith.constant 0 : i32
            %dma_start3A_1392 = tpu.memref_slice %arg5[%select_n3A, %add3A_1385, %dma_start3A_1391] : memref<4x4096x1024xf32, #tpu.memory_space<hbm>> -> memref<1x1x1024xf32, #tpu.memory_space<hbm>>
            %dma_start3A_1393 = tpu.memref_squeeze %dma_start3A_1392 : memref<1x1x1024xf32, #tpu.memory_space<hbm>> -> memref<1x1024xf32, #tpu.memory_space<hbm>>
            %dma_start3A_1394 = arith.constant 0 : i32
            %dma_start3A_1395 = tpu.memref_slice %arg8[%sub3A_1380, %dma_start3A_1394] : memref<16x1024xf32, #tpu.memory_space<vmem>> -> memref<1x1024xf32, #tpu.memory_space<vmem>>
            tpu.enqueue_dma source(%dma_start3A_1395 : memref<1x1024xf32, #tpu.memory_space<vmem>>) target(%dma_start3A_1393 : memref<1x1024xf32, #tpu.memory_space<hbm>>) target_semaphore(%run_scoped3A : memref<!tpu.dma_semaphore, #tpu.memory_space<semaphore_mem>>)
            %dma_wait3A_1396 = arith.constant 0 : i32
            %dma_wait3A_1397 = tpu.memref_slice %arg8[%sub3A_1380, %dma_wait3A_1396] : memref<16x1024xf32, #tpu.memory_space<vmem>> -> memref<1x1024xf32, #tpu.memory_space<vmem>>
            %dma_wait3A_1398 = arith.constant 0 : i32
            %dma_wait3A_1399 = tpu.memref_slice %arg5[%select_n3A, %add3A_1385, %dma_wait3A_1398] : memref<4x4096x1024xf32, #tpu.memory_space<hbm>> -> memref<1x1x1024xf32, #tpu.memory_space<hbm>>
            %dma_wait3A_1400 = tpu.memref_squeeze %dma_wait3A_1399 : memref<1x1x1024xf32, #tpu.memory_space<hbm>> -> memref<1x1024xf32, #tpu.memory_space<hbm>>
            %dma_wait3A_1401 = arith.constant 0 : i32
            %dma_wait3A_1402 = tpu.memref_slice %arg5[%select_n3A, %add3A_1385, %dma_wait3A_1401] : memref<4x4096x1024xf32, #tpu.memory_space<hbm>> -> memref<1x1x1024xf32, #tpu.memory_space<hbm>>
            %dma_wait3A_1403 = tpu.memref_squeeze %dma_wait3A_1402 : memref<1x1x1024xf32, #tpu.memory_space<hbm>> -> memref<1x1024xf32, #tpu.memory_space<hbm>>
            %dma_wait3A_1404 = arith.constant 0 : i32
            %dma_wait3A_1405 = tpu.memref_slice %arg8[%sub3A_1380, %dma_wait3A_1404] : memref<16x1024xf32, #tpu.memory_space<vmem>> -> memref<1x1024xf32, #tpu.memory_space<vmem>>
            tpu.wait_dma2 semaphore(%run_scoped3A : memref<!tpu.dma_semaphore, #tpu.memory_space<semaphore_mem>>) src(%dma_wait3A_1405 : memref<1x1024xf32, #tpu.memory_space<vmem>>) dst(%dma_wait3A_1403 : memref<1x1024xf32, #tpu.memory_space<hbm>>)
            tpu.yield
          }) : () -> ()
        } else {
        }
        %slice3A_1295 = vector.extract_strided_slice %get3A_1262 {offsets = [4], sizes = [1], strides = [1]} : vector<16xi32> to vector<1xi32>
        %squeeze3A_1296 = vector.extract %slice3A_1295[0] : i32 from vector<1xi32>
        %ge3A_1297 = arith.constant 4081 : i32
        %ge3A_1298 = arith.cmpi sge, %squeeze3A_1296, %ge3A_1297 : i32
        %convert_element_type3A_1299 = arith.extui %ge3A_1298 : i1 to i32
        %cond3A_1300 = arith.constant 0 : i32
        %cond3A_1301 = arith.cmpi ne, %convert_element_type3A_1299, %cond3A_1300 : i32
        scf.if %cond3A_1301 {
          %sub3A_1379 = arith.constant 4081 : i32
          %sub3A_1380 = arith.subi %squeeze3A_1296, %sub3A_1379 : i32
          %mul3A_1381 = arith.constant 16 : i32
          %mul3A_1382 = arith.muli %add3A_1260, %mul3A_1381 : i32
          %add3A_1383 = arith.addi %mul3A_32, %mul3A_1382 : i32
          %add3A_1384 = arith.constant 4 : i32
          %add3A_1385 = arith.addi %add3A_1383, %add3A_1384 : i32
          "tpu.region"() ({
            %run_scoped3A = tpu.sem_alloc : memref<!tpu.dma_semaphore, #tpu.memory_space<semaphore_mem>>
            %dma_start3A_1386 = arith.constant 0 : i32
            %dma_start3A_1387 = tpu.memref_slice %arg8[%sub3A_1380, %dma_start3A_1386] : memref<16x1024xf32, #tpu.memory_space<vmem>> -> memref<1x1024xf32, #tpu.memory_space<vmem>>
            %dma_start3A_1388 = arith.constant 0 : i32
            %dma_start3A_1389 = tpu.memref_slice %arg5[%select_n3A, %add3A_1385, %dma_start3A_1388] : memref<4x4096x1024xf32, #tpu.memory_space<hbm>> -> memref<1x1x1024xf32, #tpu.memory_space<hbm>>
            %dma_start3A_1390 = tpu.memref_squeeze %dma_start3A_1389 : memref<1x1x1024xf32, #tpu.memory_space<hbm>> -> memref<1x1024xf32, #tpu.memory_space<hbm>>
            %dma_start3A_1391 = arith.constant 0 : i32
            %dma_start3A_1392 = tpu.memref_slice %arg5[%select_n3A, %add3A_1385, %dma_start3A_1391] : memref<4x4096x1024xf32, #tpu.memory_space<hbm>> -> memref<1x1x1024xf32, #tpu.memory_space<hbm>>
            %dma_start3A_1393 = tpu.memref_squeeze %dma_start3A_1392 : memref<1x1x1024xf32, #tpu.memory_space<hbm>> -> memref<1x1024xf32, #tpu.memory_space<hbm>>
            %dma_start3A_1394 = arith.constant 0 : i32
            %dma_start3A_1395 = tpu.memref_slice %arg8[%sub3A_1380, %dma_start3A_1394] : memref<16x1024xf32, #tpu.memory_space<vmem>> -> memref<1x1024xf32, #tpu.memory_space<vmem>>
            tpu.enqueue_dma source(%dma_start3A_1395 : memref<1x1024xf32, #tpu.memory_space<vmem>>) target(%dma_start3A_1393 : memref<1x1024xf32, #tpu.memory_space<hbm>>) target_semaphore(%run_scoped3A : memref<!tpu.dma_semaphore, #tpu.memory_space<semaphore_mem>>)
            %dma_wait3A_1396 = arith.constant 0 : i32
            %dma_wait3A_1397 = tpu.memref_slice %arg8[%sub3A_1380, %dma_wait3A_1396] : memref<16x1024xf32, #tpu.memory_space<vmem>> -> memref<1x1024xf32, #tpu.memory_space<vmem>>
            %dma_wait3A_1398 = arith.constant 0 : i32
            %dma_wait3A_1399 = tpu.memref_slice %arg5[%select_n3A, %add3A_1385, %dma_wait3A_1398] : memref<4x4096x1024xf32, #tpu.memory_space<hbm>> -> memref<1x1x1024xf32, #tpu.memory_space<hbm>>
            %dma_wait3A_1400 = tpu.memref_squeeze %dma_wait3A_1399 : memref<1x1x1024xf32, #tpu.memory_space<hbm>> -> memref<1x1024xf32, #tpu.memory_space<hbm>>
            %dma_wait3A_1401 = arith.constant 0 : i32
            %dma_wait3A_1402 = tpu.memref_slice %arg5[%select_n3A, %add3A_1385, %dma_wait3A_1401] : memref<4x4096x1024xf32, #tpu.memory_space<hbm>> -> memref<1x1x1024xf32, #tpu.memory_space<hbm>>
            %dma_wait3A_1403 = tpu.memref_squeeze %dma_wait3A_1402 : memref<1x1x1024xf32, #tpu.memory_space<hbm>> -> memref<1x1024xf32, #tpu.memory_space<hbm>>
            %dma_wait3A_1404 = arith.constant 0 : i32
            %dma_wait3A_1405 = tpu.memref_slice %arg8[%sub3A_1380, %dma_wait3A_1404] : memref<16x1024xf32, #tpu.memory_space<vmem>> -> memref<1x1024xf32, #tpu.memory_space<vmem>>
            tpu.wait_dma2 semaphore(%run_scoped3A : memref<!tpu.dma_semaphore, #tpu.memory_space<semaphore_mem>>) src(%dma_wait3A_1405 : memref<1x1024xf32, #tpu.memory_space<vmem>>) dst(%dma_wait3A_1403 : memref<1x1024xf32, #tpu.memory_space<hbm>>)
            tpu.yield
          }) : () -> ()
        } else {
        }
        %slice3A_1302 = vector.extract_strided_slice %get3A_1262 {offsets = [5], sizes = [1], strides = [1]} : vector<16xi32> to vector<1xi32>
        %squeeze3A_1303 = vector.extract %slice3A_1302[0] : i32 from vector<1xi32>
        %ge3A_1304 = arith.constant 4081 : i32
        %ge3A_1305 = arith.cmpi sge, %squeeze3A_1303, %ge3A_1304 : i32
        %convert_element_type3A_1306 = arith.extui %ge3A_1305 : i1 to i32
        %cond3A_1307 = arith.constant 0 : i32
        %cond3A_1308 = arith.cmpi ne, %convert_element_type3A_1306, %cond3A_1307 : i32
        scf.if %cond3A_1308 {
          %sub3A_1379 = arith.constant 4081 : i32
          %sub3A_1380 = arith.subi %squeeze3A_1303, %sub3A_1379 : i32
          %mul3A_1381 = arith.constant 16 : i32
          %mul3A_1382 = arith.muli %add3A_1260, %mul3A_1381 : i32
          %add3A_1383 = arith.addi %mul3A_32, %mul3A_1382 : i32
          %add3A_1384 = arith.constant 5 : i32
          %add3A_1385 = arith.addi %add3A_1383, %add3A_1384 : i32
          "tpu.region"() ({
            %run_scoped3A = tpu.sem_alloc : memref<!tpu.dma_semaphore, #tpu.memory_space<semaphore_mem>>
            %dma_start3A_1386 = arith.constant 0 : i32
            %dma_start3A_1387 = tpu.memref_slice %arg8[%sub3A_1380, %dma_start3A_1386] : memref<16x1024xf32, #tpu.memory_space<vmem>> -> memref<1x1024xf32, #tpu.memory_space<vmem>>
            %dma_start3A_1388 = arith.constant 0 : i32
            %dma_start3A_1389 = tpu.memref_slice %arg5[%select_n3A, %add3A_1385, %dma_start3A_1388] : memref<4x4096x1024xf32, #tpu.memory_space<hbm>> -> memref<1x1x1024xf32, #tpu.memory_space<hbm>>
            %dma_start3A_1390 = tpu.memref_squeeze %dma_start3A_1389 : memref<1x1x1024xf32, #tpu.memory_space<hbm>> -> memref<1x1024xf32, #tpu.memory_space<hbm>>
            %dma_start3A_1391 = arith.constant 0 : i32
            %dma_start3A_1392 = tpu.memref_slice %arg5[%select_n3A, %add3A_1385, %dma_start3A_1391] : memref<4x4096x1024xf32, #tpu.memory_space<hbm>> -> memref<1x1x1024xf32, #tpu.memory_space<hbm>>
            %dma_start3A_1393 = tpu.memref_squeeze %dma_start3A_1392 : memref<1x1x1024xf32, #tpu.memory_space<hbm>> -> memref<1x1024xf32, #tpu.memory_space<hbm>>
            %dma_start3A_1394 = arith.constant 0 : i32
            %dma_start3A_1395 = tpu.memref_slice %arg8[%sub3A_1380, %dma_start3A_1394] : memref<16x1024xf32, #tpu.memory_space<vmem>> -> memref<1x1024xf32, #tpu.memory_space<vmem>>
            tpu.enqueue_dma source(%dma_start3A_1395 : memref<1x1024xf32, #tpu.memory_space<vmem>>) target(%dma_start3A_1393 : memref<1x1024xf32, #tpu.memory_space<hbm>>) target_semaphore(%run_scoped3A : memref<!tpu.dma_semaphore, #tpu.memory_space<semaphore_mem>>)
            %dma_wait3A_1396 = arith.constant 0 : i32
            %dma_wait3A_1397 = tpu.memref_slice %arg8[%sub3A_1380, %dma_wait3A_1396] : memref<16x1024xf32, #tpu.memory_space<vmem>> -> memref<1x1024xf32, #tpu.memory_space<vmem>>
            %dma_wait3A_1398 = arith.constant 0 : i32
            %dma_wait3A_1399 = tpu.memref_slice %arg5[%select_n3A, %add3A_1385, %dma_wait3A_1398] : memref<4x4096x1024xf32, #tpu.memory_space<hbm>> -> memref<1x1x1024xf32, #tpu.memory_space<hbm>>
            %dma_wait3A_1400 = tpu.memref_squeeze %dma_wait3A_1399 : memref<1x1x1024xf32, #tpu.memory_space<hbm>> -> memref<1x1024xf32, #tpu.memory_space<hbm>>
            %dma_wait3A_1401 = arith.constant 0 : i32
            %dma_wait3A_1402 = tpu.memref_slice %arg5[%select_n3A, %add3A_1385, %dma_wait3A_1401] : memref<4x4096x1024xf32, #tpu.memory_space<hbm>> -> memref<1x1x1024xf32, #tpu.memory_space<hbm>>
            %dma_wait3A_1403 = tpu.memref_squeeze %dma_wait3A_1402 : memref<1x1x1024xf32, #tpu.memory_space<hbm>> -> memref<1x1024xf32, #tpu.memory_space<hbm>>
            %dma_wait3A_1404 = arith.constant 0 : i32
            %dma_wait3A_1405 = tpu.memref_slice %arg8[%sub3A_1380, %dma_wait3A_1404] : memref<16x1024xf32, #tpu.memory_space<vmem>> -> memref<1x1024xf32, #tpu.memory_space<vmem>>
            tpu.wait_dma2 semaphore(%run_scoped3A : memref<!tpu.dma_semaphore, #tpu.memory_space<semaphore_mem>>) src(%dma_wait3A_1405 : memref<1x1024xf32, #tpu.memory_space<vmem>>) dst(%dma_wait3A_1403 : memref<1x1024xf32, #tpu.memory_space<hbm>>)
            tpu.yield
          }) : () -> ()
        } else {
        }
        %slice3A_1309 = vector.extract_strided_slice %get3A_1262 {offsets = [6], sizes = [1], strides = [1]} : vector<16xi32> to vector<1xi32>
        %squeeze3A_1310 = vector.extract %slice3A_1309[0] : i32 from vector<1xi32>
        %ge3A_1311 = arith.constant 4081 : i32
        %ge3A_1312 = arith.cmpi sge, %squeeze3A_1310, %ge3A_1311 : i32
        %convert_element_type3A_1313 = arith.extui %ge3A_1312 : i1 to i32
        %cond3A_1314 = arith.constant 0 : i32
        %cond3A_1315 = arith.cmpi ne, %convert_element_type3A_1313, %cond3A_1314 : i32
        scf.if %cond3A_1315 {
          %sub3A_1379 = arith.constant 4081 : i32
          %sub3A_1380 = arith.subi %squeeze3A_1310, %sub3A_1379 : i32
          %mul3A_1381 = arith.constant 16 : i32
          %mul3A_1382 = arith.muli %add3A_1260, %mul3A_1381 : i32
          %add3A_1383 = arith.addi %mul3A_32, %mul3A_1382 : i32
          %add3A_1384 = arith.constant 6 : i32
          %add3A_1385 = arith.addi %add3A_1383, %add3A_1384 : i32
          "tpu.region"() ({
            %run_scoped3A = tpu.sem_alloc : memref<!tpu.dma_semaphore, #tpu.memory_space<semaphore_mem>>
            %dma_start3A_1386 = arith.constant 0 : i32
            %dma_start3A_1387 = tpu.memref_slice %arg8[%sub3A_1380, %dma_start3A_1386] : memref<16x1024xf32, #tpu.memory_space<vmem>> -> memref<1x1024xf32, #tpu.memory_space<vmem>>
            %dma_start3A_1388 = arith.constant 0 : i32
            %dma_start3A_1389 = tpu.memref_slice %arg5[%select_n3A, %add3A_1385, %dma_start3A_1388] : memref<4x4096x1024xf32, #tpu.memory_space<hbm>> -> memref<1x1x1024xf32, #tpu.memory_space<hbm>>
            %dma_start3A_1390 = tpu.memref_squeeze %dma_start3A_1389 : memref<1x1x1024xf32, #tpu.memory_space<hbm>> -> memref<1x1024xf32, #tpu.memory_space<hbm>>
            %dma_start3A_1391 = arith.constant 0 : i32
            %dma_start3A_1392 = tpu.memref_slice %arg5[%select_n3A, %add3A_1385, %dma_start3A_1391] : memref<4x4096x1024xf32, #tpu.memory_space<hbm>> -> memref<1x1x1024xf32, #tpu.memory_space<hbm>>
            %dma_start3A_1393 = tpu.memref_squeeze %dma_start3A_1392 : memref<1x1x1024xf32, #tpu.memory_space<hbm>> -> memref<1x1024xf32, #tpu.memory_space<hbm>>
            %dma_start3A_1394 = arith.constant 0 : i32
            %dma_start3A_1395 = tpu.memref_slice %arg8[%sub3A_1380, %dma_start3A_1394] : memref<16x1024xf32, #tpu.memory_space<vmem>> -> memref<1x1024xf32, #tpu.memory_space<vmem>>
            tpu.enqueue_dma source(%dma_start3A_1395 : memref<1x1024xf32, #tpu.memory_space<vmem>>) target(%dma_start3A_1393 : memref<1x1024xf32, #tpu.memory_space<hbm>>) target_semaphore(%run_scoped3A : memref<!tpu.dma_semaphore, #tpu.memory_space<semaphore_mem>>)
            %dma_wait3A_1396 = arith.constant 0 : i32
            %dma_wait3A_1397 = tpu.memref_slice %arg8[%sub3A_1380, %dma_wait3A_1396] : memref<16x1024xf32, #tpu.memory_space<vmem>> -> memref<1x1024xf32, #tpu.memory_space<vmem>>
            %dma_wait3A_1398 = arith.constant 0 : i32
            %dma_wait3A_1399 = tpu.memref_slice %arg5[%select_n3A, %add3A_1385, %dma_wait3A_1398] : memref<4x4096x1024xf32, #tpu.memory_space<hbm>> -> memref<1x1x1024xf32, #tpu.memory_space<hbm>>
            %dma_wait3A_1400 = tpu.memref_squeeze %dma_wait3A_1399 : memref<1x1x1024xf32, #tpu.memory_space<hbm>> -> memref<1x1024xf32, #tpu.memory_space<hbm>>
            %dma_wait3A_1401 = arith.constant 0 : i32
            %dma_wait3A_1402 = tpu.memref_slice %arg5[%select_n3A, %add3A_1385, %dma_wait3A_1401] : memref<4x4096x1024xf32, #tpu.memory_space<hbm>> -> memref<1x1x1024xf32, #tpu.memory_space<hbm>>
            %dma_wait3A_1403 = tpu.memref_squeeze %dma_wait3A_1402 : memref<1x1x1024xf32, #tpu.memory_space<hbm>> -> memref<1x1024xf32, #tpu.memory_space<hbm>>
            %dma_wait3A_1404 = arith.constant 0 : i32
            %dma_wait3A_1405 = tpu.memref_slice %arg8[%sub3A_1380, %dma_wait3A_1404] : memref<16x1024xf32, #tpu.memory_space<vmem>> -> memref<1x1024xf32, #tpu.memory_space<vmem>>
            tpu.wait_dma2 semaphore(%run_scoped3A : memref<!tpu.dma_semaphore, #tpu.memory_space<semaphore_mem>>) src(%dma_wait3A_1405 : memref<1x1024xf32, #tpu.memory_space<vmem>>) dst(%dma_wait3A_1403 : memref<1x1024xf32, #tpu.memory_space<hbm>>)
            tpu.yield
          }) : () -> ()
        } else {
        }
        %slice3A_1316 = vector.extract_strided_slice %get3A_1262 {offsets = [7], sizes = [1], strides = [1]} : vector<16xi32> to vector<1xi32>
        %squeeze3A_1317 = vector.extract %slice3A_1316[0] : i32 from vector<1xi32>
        %ge3A_1318 = arith.constant 4081 : i32
        %ge3A_1319 = arith.cmpi sge, %squeeze3A_1317, %ge3A_1318 : i32
        %convert_element_type3A_1320 = arith.extui %ge3A_1319 : i1 to i32
        %cond3A_1321 = arith.constant 0 : i32
        %cond3A_1322 = arith.cmpi ne, %convert_element_type3A_1320, %cond3A_1321 : i32
        scf.if %cond3A_1322 {
          %sub3A_1379 = arith.constant 4081 : i32
          %sub3A_1380 = arith.subi %squeeze3A_1317, %sub3A_1379 : i32
          %mul3A_1381 = arith.constant 16 : i32
          %mul3A_1382 = arith.muli %add3A_1260, %mul3A_1381 : i32
          %add3A_1383 = arith.addi %mul3A_32, %mul3A_1382 : i32
          %add3A_1384 = arith.constant 7 : i32
          %add3A_1385 = arith.addi %add3A_1383, %add3A_1384 : i32
          "tpu.region"() ({
            %run_scoped3A = tpu.sem_alloc : memref<!tpu.dma_semaphore, #tpu.memory_space<semaphore_mem>>
            %dma_start3A_1386 = arith.constant 0 : i32
            %dma_start3A_1387 = tpu.memref_slice %arg8[%sub3A_1380, %dma_start3A_1386] : memref<16x1024xf32, #tpu.memory_space<vmem>> -> memref<1x1024xf32, #tpu.memory_space<vmem>>
            %dma_start3A_1388 = arith.constant 0 : i32
            %dma_start3A_1389 = tpu.memref_slice %arg5[%select_n3A, %add3A_1385, %dma_start3A_1388] : memref<4x4096x1024xf32, #tpu.memory_space<hbm>> -> memref<1x1x1024xf32, #tpu.memory_space<hbm>>
            %dma_start3A_1390 = tpu.memref_squeeze %dma_start3A_1389 : memref<1x1x1024xf32, #tpu.memory_space<hbm>> -> memref<1x1024xf32, #tpu.memory_space<hbm>>
            %dma_start3A_1391 = arith.constant 0 : i32
            %dma_start3A_1392 = tpu.memref_slice %arg5[%select_n3A, %add3A_1385, %dma_start3A_1391] : memref<4x4096x1024xf32, #tpu.memory_space<hbm>> -> memref<1x1x1024xf32, #tpu.memory_space<hbm>>
            %dma_start3A_1393 = tpu.memref_squeeze %dma_start3A_1392 : memref<1x1x1024xf32, #tpu.memory_space<hbm>> -> memref<1x1024xf32, #tpu.memory_space<hbm>>
            %dma_start3A_1394 = arith.constant 0 : i32
            %dma_start3A_1395 = tpu.memref_slice %arg8[%sub3A_1380, %dma_start3A_1394] : memref<16x1024xf32, #tpu.memory_space<vmem>> -> memref<1x1024xf32, #tpu.memory_space<vmem>>
            tpu.enqueue_dma source(%dma_start3A_1395 : memref<1x1024xf32, #tpu.memory_space<vmem>>) target(%dma_start3A_1393 : memref<1x1024xf32, #tpu.memory_space<hbm>>) target_semaphore(%run_scoped3A : memref<!tpu.dma_semaphore, #tpu.memory_space<semaphore_mem>>)
            %dma_wait3A_1396 = arith.constant 0 : i32
            %dma_wait3A_1397 = tpu.memref_slice %arg8[%sub3A_1380, %dma_wait3A_1396] : memref<16x1024xf32, #tpu.memory_space<vmem>> -> memref<1x1024xf32, #tpu.memory_space<vmem>>
            %dma_wait3A_1398 = arith.constant 0 : i32
            %dma_wait3A_1399 = tpu.memref_slice %arg5[%select_n3A, %add3A_1385, %dma_wait3A_1398] : memref<4x4096x1024xf32, #tpu.memory_space<hbm>> -> memref<1x1x1024xf32, #tpu.memory_space<hbm>>
            %dma_wait3A_1400 = tpu.memref_squeeze %dma_wait3A_1399 : memref<1x1x1024xf32, #tpu.memory_space<hbm>> -> memref<1x1024xf32, #tpu.memory_space<hbm>>
            %dma_wait3A_1401 = arith.constant 0 : i32
            %dma_wait3A_1402 = tpu.memref_slice %arg5[%select_n3A, %add3A_1385, %dma_wait3A_1401] : memref<4x4096x1024xf32, #tpu.memory_space<hbm>> -> memref<1x1x1024xf32, #tpu.memory_space<hbm>>
            %dma_wait3A_1403 = tpu.memref_squeeze %dma_wait3A_1402 : memref<1x1x1024xf32, #tpu.memory_space<hbm>> -> memref<1x1024xf32, #tpu.memory_space<hbm>>
            %dma_wait3A_1404 = arith.constant 0 : i32
            %dma_wait3A_1405 = tpu.memref_slice %arg8[%sub3A_1380, %dma_wait3A_1404] : memref<16x1024xf32, #tpu.memory_space<vmem>> -> memref<1x1024xf32, #tpu.memory_space<vmem>>
            tpu.wait_dma2 semaphore(%run_scoped3A : memref<!tpu.dma_semaphore, #tpu.memory_space<semaphore_mem>>) src(%dma_wait3A_1405 : memref<1x1024xf32, #tpu.memory_space<vmem>>) dst(%dma_wait3A_1403 : memref<1x1024xf32, #tpu.memory_space<hbm>>)
            tpu.yield
          }) : () -> ()
        } else {
        }
        %slice3A_1323 = vector.extract_strided_slice %get3A_1262 {offsets = [8], sizes = [1], strides = [1]} : vector<16xi32> to vector<1xi32>
        %squeeze3A_1324 = vector.extract %slice3A_1323[0] : i32 from vector<1xi32>
        %ge3A_1325 = arith.constant 4081 : i32
        %ge3A_1326 = arith.cmpi sge, %squeeze3A_1324, %ge3A_1325 : i32
        %convert_element_type3A_1327 = arith.extui %ge3A_1326 : i1 to i32
        %cond3A_1328 = arith.constant 0 : i32
        %cond3A_1329 = arith.cmpi ne, %convert_element_type3A_1327, %cond3A_1328 : i32
        scf.if %cond3A_1329 {
          %sub3A_1379 = arith.constant 4081 : i32
          %sub3A_1380 = arith.subi %squeeze3A_1324, %sub3A_1379 : i32
          %mul3A_1381 = arith.constant 16 : i32
          %mul3A_1382 = arith.muli %add3A_1260, %mul3A_1381 : i32
          %add3A_1383 = arith.addi %mul3A_32, %mul3A_1382 : i32
          %add3A_1384 = arith.constant 8 : i32
          %add3A_1385 = arith.addi %add3A_1383, %add3A_1384 : i32
          "tpu.region"() ({
            %run_scoped3A = tpu.sem_alloc : memref<!tpu.dma_semaphore, #tpu.memory_space<semaphore_mem>>
            %dma_start3A_1386 = arith.constant 0 : i32
            %dma_start3A_1387 = tpu.memref_slice %arg8[%sub3A_1380, %dma_start3A_1386] : memref<16x1024xf32, #tpu.memory_space<vmem>> -> memref<1x1024xf32, #tpu.memory_space<vmem>>
            %dma_start3A_1388 = arith.constant 0 : i32
            %dma_start3A_1389 = tpu.memref_slice %arg5[%select_n3A, %add3A_1385, %dma_start3A_1388] : memref<4x4096x1024xf32, #tpu.memory_space<hbm>> -> memref<1x1x1024xf32, #tpu.memory_space<hbm>>
            %dma_start3A_1390 = tpu.memref_squeeze %dma_start3A_1389 : memref<1x1x1024xf32, #tpu.memory_space<hbm>> -> memref<1x1024xf32, #tpu.memory_space<hbm>>
            %dma_start3A_1391 = arith.constant 0 : i32
            %dma_start3A_1392 = tpu.memref_slice %arg5[%select_n3A, %add3A_1385, %dma_start3A_1391] : memref<4x4096x1024xf32, #tpu.memory_space<hbm>> -> memref<1x1x1024xf32, #tpu.memory_space<hbm>>
            %dma_start3A_1393 = tpu.memref_squeeze %dma_start3A_1392 : memref<1x1x1024xf32, #tpu.memory_space<hbm>> -> memref<1x1024xf32, #tpu.memory_space<hbm>>
            %dma_start3A_1394 = arith.constant 0 : i32
            %dma_start3A_1395 = tpu.memref_slice %arg8[%sub3A_1380, %dma_start3A_1394] : memref<16x1024xf32, #tpu.memory_space<vmem>> -> memref<1x1024xf32, #tpu.memory_space<vmem>>
            tpu.enqueue_dma source(%dma_start3A_1395 : memref<1x1024xf32, #tpu.memory_space<vmem>>) target(%dma_start3A_1393 : memref<1x1024xf32, #tpu.memory_space<hbm>>) target_semaphore(%run_scoped3A : memref<!tpu.dma_semaphore, #tpu.memory_space<semaphore_mem>>)
            %dma_wait3A_1396 = arith.constant 0 : i32
            %dma_wait3A_1397 = tpu.memref_slice %arg8[%sub3A_1380, %dma_wait3A_1396] : memref<16x1024xf32, #tpu.memory_space<vmem>> -> memref<1x1024xf32, #tpu.memory_space<vmem>>
            %dma_wait3A_1398 = arith.constant 0 : i32
            %dma_wait3A_1399 = tpu.memref_slice %arg5[%select_n3A, %add3A_1385, %dma_wait3A_1398] : memref<4x4096x1024xf32, #tpu.memory_space<hbm>> -> memref<1x1x1024xf32, #tpu.memory_space<hbm>>
            %dma_wait3A_1400 = tpu.memref_squeeze %dma_wait3A_1399 : memref<1x1x1024xf32, #tpu.memory_space<hbm>> -> memref<1x1024xf32, #tpu.memory_space<hbm>>
            %dma_wait3A_1401 = arith.constant 0 : i32
            %dma_wait3A_1402 = tpu.memref_slice %arg5[%select_n3A, %add3A_1385, %dma_wait3A_1401] : memref<4x4096x1024xf32, #tpu.memory_space<hbm>> -> memref<1x1x1024xf32, #tpu.memory_space<hbm>>
            %dma_wait3A_1403 = tpu.memref_squeeze %dma_wait3A_1402 : memref<1x1x1024xf32, #tpu.memory_space<hbm>> -> memref<1x1024xf32, #tpu.memory_space<hbm>>
            %dma_wait3A_1404 = arith.constant 0 : i32
            %dma_wait3A_1405 = tpu.memref_slice %arg8[%sub3A_1380, %dma_wait3A_1404] : memref<16x1024xf32, #tpu.memory_space<vmem>> -> memref<1x1024xf32, #tpu.memory_space<vmem>>
            tpu.wait_dma2 semaphore(%run_scoped3A : memref<!tpu.dma_semaphore, #tpu.memory_space<semaphore_mem>>) src(%dma_wait3A_1405 : memref<1x1024xf32, #tpu.memory_space<vmem>>) dst(%dma_wait3A_1403 : memref<1x1024xf32, #tpu.memory_space<hbm>>)
            tpu.yield
          }) : () -> ()
        } else {
        }
        %slice3A_1330 = vector.extract_strided_slice %get3A_1262 {offsets = [9], sizes = [1], strides = [1]} : vector<16xi32> to vector<1xi32>
        %squeeze3A_1331 = vector.extract %slice3A_1330[0] : i32 from vector<1xi32>
        %ge3A_1332 = arith.constant 4081 : i32
        %ge3A_1333 = arith.cmpi sge, %squeeze3A_1331, %ge3A_1332 : i32
        %convert_element_type3A_1334 = arith.extui %ge3A_1333 : i1 to i32
        %cond3A_1335 = arith.constant 0 : i32
        %cond3A_1336 = arith.cmpi ne, %convert_element_type3A_1334, %cond3A_1335 : i32
        scf.if %cond3A_1336 {
          %sub3A_1379 = arith.constant 4081 : i32
          %sub3A_1380 = arith.subi %squeeze3A_1331, %sub3A_1379 : i32
          %mul3A_1381 = arith.constant 16 : i32
          %mul3A_1382 = arith.muli %add3A_1260, %mul3A_1381 : i32
          %add3A_1383 = arith.addi %mul3A_32, %mul3A_1382 : i32
          %add3A_1384 = arith.constant 9 : i32
          %add3A_1385 = arith.addi %add3A_1383, %add3A_1384 : i32
          "tpu.region"() ({
            %run_scoped3A = tpu.sem_alloc : memref<!tpu.dma_semaphore, #tpu.memory_space<semaphore_mem>>
            %dma_start3A_1386 = arith.constant 0 : i32
            %dma_start3A_1387 = tpu.memref_slice %arg8[%sub3A_1380, %dma_start3A_1386] : memref<16x1024xf32, #tpu.memory_space<vmem>> -> memref<1x1024xf32, #tpu.memory_space<vmem>>
            %dma_start3A_1388 = arith.constant 0 : i32
            %dma_start3A_1389 = tpu.memref_slice %arg5[%select_n3A, %add3A_1385, %dma_start3A_1388] : memref<4x4096x1024xf32, #tpu.memory_space<hbm>> -> memref<1x1x1024xf32, #tpu.memory_space<hbm>>
            %dma_start3A_1390 = tpu.memref_squeeze %dma_start3A_1389 : memref<1x1x1024xf32, #tpu.memory_space<hbm>> -> memref<1x1024xf32, #tpu.memory_space<hbm>>
            %dma_start3A_1391 = arith.constant 0 : i32
            %dma_start3A_1392 = tpu.memref_slice %arg5[%select_n3A, %add3A_1385, %dma_start3A_1391] : memref<4x4096x1024xf32, #tpu.memory_space<hbm>> -> memref<1x1x1024xf32, #tpu.memory_space<hbm>>
            %dma_start3A_1393 = tpu.memref_squeeze %dma_start3A_1392 : memref<1x1x1024xf32, #tpu.memory_space<hbm>> -> memref<1x1024xf32, #tpu.memory_space<hbm>>
            %dma_start3A_1394 = arith.constant 0 : i32
            %dma_start3A_1395 = tpu.memref_slice %arg8[%sub3A_1380, %dma_start3A_1394] : memref<16x1024xf32, #tpu.memory_space<vmem>> -> memref<1x1024xf32, #tpu.memory_space<vmem>>
            tpu.enqueue_dma source(%dma_start3A_1395 : memref<1x1024xf32, #tpu.memory_space<vmem>>) target(%dma_start3A_1393 : memref<1x1024xf32, #tpu.memory_space<hbm>>) target_semaphore(%run_scoped3A : memref<!tpu.dma_semaphore, #tpu.memory_space<semaphore_mem>>)
            %dma_wait3A_1396 = arith.constant 0 : i32
            %dma_wait3A_1397 = tpu.memref_slice %arg8[%sub3A_1380, %dma_wait3A_1396] : memref<16x1024xf32, #tpu.memory_space<vmem>> -> memref<1x1024xf32, #tpu.memory_space<vmem>>
            %dma_wait3A_1398 = arith.constant 0 : i32
            %dma_wait3A_1399 = tpu.memref_slice %arg5[%select_n3A, %add3A_1385, %dma_wait3A_1398] : memref<4x4096x1024xf32, #tpu.memory_space<hbm>> -> memref<1x1x1024xf32, #tpu.memory_space<hbm>>
            %dma_wait3A_1400 = tpu.memref_squeeze %dma_wait3A_1399 : memref<1x1x1024xf32, #tpu.memory_space<hbm>> -> memref<1x1024xf32, #tpu.memory_space<hbm>>
            %dma_wait3A_1401 = arith.constant 0 : i32
            %dma_wait3A_1402 = tpu.memref_slice %arg5[%select_n3A, %add3A_1385, %dma_wait3A_1401] : memref<4x4096x1024xf32, #tpu.memory_space<hbm>> -> memref<1x1x1024xf32, #tpu.memory_space<hbm>>
            %dma_wait3A_1403 = tpu.memref_squeeze %dma_wait3A_1402 : memref<1x1x1024xf32, #tpu.memory_space<hbm>> -> memref<1x1024xf32, #tpu.memory_space<hbm>>
            %dma_wait3A_1404 = arith.constant 0 : i32
            %dma_wait3A_1405 = tpu.memref_slice %arg8[%sub3A_1380, %dma_wait3A_1404] : memref<16x1024xf32, #tpu.memory_space<vmem>> -> memref<1x1024xf32, #tpu.memory_space<vmem>>
            tpu.wait_dma2 semaphore(%run_scoped3A : memref<!tpu.dma_semaphore, #tpu.memory_space<semaphore_mem>>) src(%dma_wait3A_1405 : memref<1x1024xf32, #tpu.memory_space<vmem>>) dst(%dma_wait3A_1403 : memref<1x1024xf32, #tpu.memory_space<hbm>>)
            tpu.yield
          }) : () -> ()
        } else {
        }
        %slice3A_1337 = vector.extract_strided_slice %get3A_1262 {offsets = [10], sizes = [1], strides = [1]} : vector<16xi32> to vector<1xi32>
        %squeeze3A_1338 = vector.extract %slice3A_1337[0] : i32 from vector<1xi32>
        %ge3A_1339 = arith.constant 4081 : i32
        %ge3A_1340 = arith.cmpi sge, %squeeze3A_1338, %ge3A_1339 : i32
        %convert_element_type3A_1341 = arith.extui %ge3A_1340 : i1 to i32
        %cond3A_1342 = arith.constant 0 : i32
        %cond3A_1343 = arith.cmpi ne, %convert_element_type3A_1341, %cond3A_1342 : i32
        scf.if %cond3A_1343 {
          %sub3A_1379 = arith.constant 4081 : i32
          %sub3A_1380 = arith.subi %squeeze3A_1338, %sub3A_1379 : i32
          %mul3A_1381 = arith.constant 16 : i32
          %mul3A_1382 = arith.muli %add3A_1260, %mul3A_1381 : i32
          %add3A_1383 = arith.addi %mul3A_32, %mul3A_1382 : i32
          %add3A_1384 = arith.constant 10 : i32
          %add3A_1385 = arith.addi %add3A_1383, %add3A_1384 : i32
          "tpu.region"() ({
            %run_scoped3A = tpu.sem_alloc : memref<!tpu.dma_semaphore, #tpu.memory_space<semaphore_mem>>
            %dma_start3A_1386 = arith.constant 0 : i32
            %dma_start3A_1387 = tpu.memref_slice %arg8[%sub3A_1380, %dma_start3A_1386] : memref<16x1024xf32, #tpu.memory_space<vmem>> -> memref<1x1024xf32, #tpu.memory_space<vmem>>
            %dma_start3A_1388 = arith.constant 0 : i32
            %dma_start3A_1389 = tpu.memref_slice %arg5[%select_n3A, %add3A_1385, %dma_start3A_1388] : memref<4x4096x1024xf32, #tpu.memory_space<hbm>> -> memref<1x1x1024xf32, #tpu.memory_space<hbm>>
            %dma_start3A_1390 = tpu.memref_squeeze %dma_start3A_1389 : memref<1x1x1024xf32, #tpu.memory_space<hbm>> -> memref<1x1024xf32, #tpu.memory_space<hbm>>
            %dma_start3A_1391 = arith.constant 0 : i32
            %dma_start3A_1392 = tpu.memref_slice %arg5[%select_n3A, %add3A_1385, %dma_start3A_1391] : memref<4x4096x1024xf32, #tpu.memory_space<hbm>> -> memref<1x1x1024xf32, #tpu.memory_space<hbm>>
            %dma_start3A_1393 = tpu.memref_squeeze %dma_start3A_1392 : memref<1x1x1024xf32, #tpu.memory_space<hbm>> -> memref<1x1024xf32, #tpu.memory_space<hbm>>
            %dma_start3A_1394 = arith.constant 0 : i32
            %dma_start3A_1395 = tpu.memref_slice %arg8[%sub3A_1380, %dma_start3A_1394] : memref<16x1024xf32, #tpu.memory_space<vmem>> -> memref<1x1024xf32, #tpu.memory_space<vmem>>
            tpu.enqueue_dma source(%dma_start3A_1395 : memref<1x1024xf32, #tpu.memory_space<vmem>>) target(%dma_start3A_1393 : memref<1x1024xf32, #tpu.memory_space<hbm>>) target_semaphore(%run_scoped3A : memref<!tpu.dma_semaphore, #tpu.memory_space<semaphore_mem>>)
            %dma_wait3A_1396 = arith.constant 0 : i32
            %dma_wait3A_1397 = tpu.memref_slice %arg8[%sub3A_1380, %dma_wait3A_1396] : memref<16x1024xf32, #tpu.memory_space<vmem>> -> memref<1x1024xf32, #tpu.memory_space<vmem>>
            %dma_wait3A_1398 = arith.constant 0 : i32
            %dma_wait3A_1399 = tpu.memref_slice %arg5[%select_n3A, %add3A_1385, %dma_wait3A_1398] : memref<4x4096x1024xf32, #tpu.memory_space<hbm>> -> memref<1x1x1024xf32, #tpu.memory_space<hbm>>
            %dma_wait3A_1400 = tpu.memref_squeeze %dma_wait3A_1399 : memref<1x1x1024xf32, #tpu.memory_space<hbm>> -> memref<1x1024xf32, #tpu.memory_space<hbm>>
            %dma_wait3A_1401 = arith.constant 0 : i32
            %dma_wait3A_1402 = tpu.memref_slice %arg5[%select_n3A, %add3A_1385, %dma_wait3A_1401] : memref<4x4096x1024xf32, #tpu.memory_space<hbm>> -> memref<1x1x1024xf32, #tpu.memory_space<hbm>>
            %dma_wait3A_1403 = tpu.memref_squeeze %dma_wait3A_1402 : memref<1x1x1024xf32, #tpu.memory_space<hbm>> -> memref<1x1024xf32, #tpu.memory_space<hbm>>
            %dma_wait3A_1404 = arith.constant 0 : i32
            %dma_wait3A_1405 = tpu.memref_slice %arg8[%sub3A_1380, %dma_wait3A_1404] : memref<16x1024xf32, #tpu.memory_space<vmem>> -> memref<1x1024xf32, #tpu.memory_space<vmem>>
            tpu.wait_dma2 semaphore(%run_scoped3A : memref<!tpu.dma_semaphore, #tpu.memory_space<semaphore_mem>>) src(%dma_wait3A_1405 : memref<1x1024xf32, #tpu.memory_space<vmem>>) dst(%dma_wait3A_1403 : memref<1x1024xf32, #tpu.memory_space<hbm>>)
            tpu.yield
          }) : () -> ()
        } else {
        }
        %slice3A_1344 = vector.extract_strided_slice %get3A_1262 {offsets = [11], sizes = [1], strides = [1]} : vector<16xi32> to vector<1xi32>
        %squeeze3A_1345 = vector.extract %slice3A_1344[0] : i32 from vector<1xi32>
        %ge3A_1346 = arith.constant 4081 : i32
        %ge3A_1347 = arith.cmpi sge, %squeeze3A_1345, %ge3A_1346 : i32
        %convert_element_type3A_1348 = arith.extui %ge3A_1347 : i1 to i32
        %cond3A_1349 = arith.constant 0 : i32
        %cond3A_1350 = arith.cmpi ne, %convert_element_type3A_1348, %cond3A_1349 : i32
        scf.if %cond3A_1350 {
          %sub3A_1379 = arith.constant 4081 : i32
          %sub3A_1380 = arith.subi %squeeze3A_1345, %sub3A_1379 : i32
          %mul3A_1381 = arith.constant 16 : i32
          %mul3A_1382 = arith.muli %add3A_1260, %mul3A_1381 : i32
          %add3A_1383 = arith.addi %mul3A_32, %mul3A_1382 : i32
          %add3A_1384 = arith.constant 11 : i32
          %add3A_1385 = arith.addi %add3A_1383, %add3A_1384 : i32
          "tpu.region"() ({
            %run_scoped3A = tpu.sem_alloc : memref<!tpu.dma_semaphore, #tpu.memory_space<semaphore_mem>>
            %dma_start3A_1386 = arith.constant 0 : i32
            %dma_start3A_1387 = tpu.memref_slice %arg8[%sub3A_1380, %dma_start3A_1386] : memref<16x1024xf32, #tpu.memory_space<vmem>> -> memref<1x1024xf32, #tpu.memory_space<vmem>>
            %dma_start3A_1388 = arith.constant 0 : i32
            %dma_start3A_1389 = tpu.memref_slice %arg5[%select_n3A, %add3A_1385, %dma_start3A_1388] : memref<4x4096x1024xf32, #tpu.memory_space<hbm>> -> memref<1x1x1024xf32, #tpu.memory_space<hbm>>
            %dma_start3A_1390 = tpu.memref_squeeze %dma_start3A_1389 : memref<1x1x1024xf32, #tpu.memory_space<hbm>> -> memref<1x1024xf32, #tpu.memory_space<hbm>>
            %dma_start3A_1391 = arith.constant 0 : i32
            %dma_start3A_1392 = tpu.memref_slice %arg5[%select_n3A, %add3A_1385, %dma_start3A_1391] : memref<4x4096x1024xf32, #tpu.memory_space<hbm>> -> memref<1x1x1024xf32, #tpu.memory_space<hbm>>
            %dma_start3A_1393 = tpu.memref_squeeze %dma_start3A_1392 : memref<1x1x1024xf32, #tpu.memory_space<hbm>> -> memref<1x1024xf32, #tpu.memory_space<hbm>>
            %dma_start3A_1394 = arith.constant 0 : i32
            %dma_start3A_1395 = tpu.memref_slice %arg8[%sub3A_1380, %dma_start3A_1394] : memref<16x1024xf32, #tpu.memory_space<vmem>> -> memref<1x1024xf32, #tpu.memory_space<vmem>>
            tpu.enqueue_dma source(%dma_start3A_1395 : memref<1x1024xf32, #tpu.memory_space<vmem>>) target(%dma_start3A_1393 : memref<1x1024xf32, #tpu.memory_space<hbm>>) target_semaphore(%run_scoped3A : memref<!tpu.dma_semaphore, #tpu.memory_space<semaphore_mem>>)
            %dma_wait3A_1396 = arith.constant 0 : i32
            %dma_wait3A_1397 = tpu.memref_slice %arg8[%sub3A_1380, %dma_wait3A_1396] : memref<16x1024xf32, #tpu.memory_space<vmem>> -> memref<1x1024xf32, #tpu.memory_space<vmem>>
            %dma_wait3A_1398 = arith.constant 0 : i32
            %dma_wait3A_1399 = tpu.memref_slice %arg5[%select_n3A, %add3A_1385, %dma_wait3A_1398] : memref<4x4096x1024xf32, #tpu.memory_space<hbm>> -> memref<1x1x1024xf32, #tpu.memory_space<hbm>>
            %dma_wait3A_1400 = tpu.memref_squeeze %dma_wait3A_1399 : memref<1x1x1024xf32, #tpu.memory_space<hbm>> -> memref<1x1024xf32, #tpu.memory_space<hbm>>
            %dma_wait3A_1401 = arith.constant 0 : i32
            %dma_wait3A_1402 = tpu.memref_slice %arg5[%select_n3A, %add3A_1385, %dma_wait3A_1401] : memref<4x4096x1024xf32, #tpu.memory_space<hbm>> -> memref<1x1x1024xf32, #tpu.memory_space<hbm>>
            %dma_wait3A_1403 = tpu.memref_squeeze %dma_wait3A_1402 : memref<1x1x1024xf32, #tpu.memory_space<hbm>> -> memref<1x1024xf32, #tpu.memory_space<hbm>>
            %dma_wait3A_1404 = arith.constant 0 : i32
            %dma_wait3A_1405 = tpu.memref_slice %arg8[%sub3A_1380, %dma_wait3A_1404] : memref<16x1024xf32, #tpu.memory_space<vmem>> -> memref<1x1024xf32, #tpu.memory_space<vmem>>
            tpu.wait_dma2 semaphore(%run_scoped3A : memref<!tpu.dma_semaphore, #tpu.memory_space<semaphore_mem>>) src(%dma_wait3A_1405 : memref<1x1024xf32, #tpu.memory_space<vmem>>) dst(%dma_wait3A_1403 : memref<1x1024xf32, #tpu.memory_space<hbm>>)
            tpu.yield
          }) : () -> ()
        } else {
        }
        %slice3A_1351 = vector.extract_strided_slice %get3A_1262 {offsets = [12], sizes = [1], strides = [1]} : vector<16xi32> to vector<1xi32>
        %squeeze3A_1352 = vector.extract %slice3A_1351[0] : i32 from vector<1xi32>
        %ge3A_1353 = arith.constant 4081 : i32
        %ge3A_1354 = arith.cmpi sge, %squeeze3A_1352, %ge3A_1353 : i32
        %convert_element_type3A_1355 = arith.extui %ge3A_1354 : i1 to i32
        %cond3A_1356 = arith.constant 0 : i32
        %cond3A_1357 = arith.cmpi ne, %convert_element_type3A_1355, %cond3A_1356 : i32
        scf.if %cond3A_1357 {
          %sub3A_1379 = arith.constant 4081 : i32
          %sub3A_1380 = arith.subi %squeeze3A_1352, %sub3A_1379 : i32
          %mul3A_1381 = arith.constant 16 : i32
          %mul3A_1382 = arith.muli %add3A_1260, %mul3A_1381 : i32
          %add3A_1383 = arith.addi %mul3A_32, %mul3A_1382 : i32
          %add3A_1384 = arith.constant 12 : i32
          %add3A_1385 = arith.addi %add3A_1383, %add3A_1384 : i32
          "tpu.region"() ({
            %run_scoped3A = tpu.sem_alloc : memref<!tpu.dma_semaphore, #tpu.memory_space<semaphore_mem>>
            %dma_start3A_1386 = arith.constant 0 : i32
            %dma_start3A_1387 = tpu.memref_slice %arg8[%sub3A_1380, %dma_start3A_1386] : memref<16x1024xf32, #tpu.memory_space<vmem>> -> memref<1x1024xf32, #tpu.memory_space<vmem>>
            %dma_start3A_1388 = arith.constant 0 : i32
            %dma_start3A_1389 = tpu.memref_slice %arg5[%select_n3A, %add3A_1385, %dma_start3A_1388] : memref<4x4096x1024xf32, #tpu.memory_space<hbm>> -> memref<1x1x1024xf32, #tpu.memory_space<hbm>>
            %dma_start3A_1390 = tpu.memref_squeeze %dma_start3A_1389 : memref<1x1x1024xf32, #tpu.memory_space<hbm>> -> memref<1x1024xf32, #tpu.memory_space<hbm>>
            %dma_start3A_1391 = arith.constant 0 : i32
            %dma_start3A_1392 = tpu.memref_slice %arg5[%select_n3A, %add3A_1385, %dma_start3A_1391] : memref<4x4096x1024xf32, #tpu.memory_space<hbm>> -> memref<1x1x1024xf32, #tpu.memory_space<hbm>>
            %dma_start3A_1393 = tpu.memref_squeeze %dma_start3A_1392 : memref<1x1x1024xf32, #tpu.memory_space<hbm>> -> memref<1x1024xf32, #tpu.memory_space<hbm>>
            %dma_start3A_1394 = arith.constant 0 : i32
            %dma_start3A_1395 = tpu.memref_slice %arg8[%sub3A_1380, %dma_start3A_1394] : memref<16x1024xf32, #tpu.memory_space<vmem>> -> memref<1x1024xf32, #tpu.memory_space<vmem>>
            tpu.enqueue_dma source(%dma_start3A_1395 : memref<1x1024xf32, #tpu.memory_space<vmem>>) target(%dma_start3A_1393 : memref<1x1024xf32, #tpu.memory_space<hbm>>) target_semaphore(%run_scoped3A : memref<!tpu.dma_semaphore, #tpu.memory_space<semaphore_mem>>)
            %dma_wait3A_1396 = arith.constant 0 : i32
            %dma_wait3A_1397 = tpu.memref_slice %arg8[%sub3A_1380, %dma_wait3A_1396] : memref<16x1024xf32, #tpu.memory_space<vmem>> -> memref<1x1024xf32, #tpu.memory_space<vmem>>
            %dma_wait3A_1398 = arith.constant 0 : i32
            %dma_wait3A_1399 = tpu.memref_slice %arg5[%select_n3A, %add3A_1385, %dma_wait3A_1398] : memref<4x4096x1024xf32, #tpu.memory_space<hbm>> -> memref<1x1x1024xf32, #tpu.memory_space<hbm>>
            %dma_wait3A_1400 = tpu.memref_squeeze %dma_wait3A_1399 : memref<1x1x1024xf32, #tpu.memory_space<hbm>> -> memref<1x1024xf32, #tpu.memory_space<hbm>>
            %dma_wait3A_1401 = arith.constant 0 : i32
            %dma_wait3A_1402 = tpu.memref_slice %arg5[%select_n3A, %add3A_1385, %dma_wait3A_1401] : memref<4x4096x1024xf32, #tpu.memory_space<hbm>> -> memref<1x1x1024xf32, #tpu.memory_space<hbm>>
            %dma_wait3A_1403 = tpu.memref_squeeze %dma_wait3A_1402 : memref<1x1x1024xf32, #tpu.memory_space<hbm>> -> memref<1x1024xf32, #tpu.memory_space<hbm>>
            %dma_wait3A_1404 = arith.constant 0 : i32
            %dma_wait3A_1405 = tpu.memref_slice %arg8[%sub3A_1380, %dma_wait3A_1404] : memref<16x1024xf32, #tpu.memory_space<vmem>> -> memref<1x1024xf32, #tpu.memory_space<vmem>>
            tpu.wait_dma2 semaphore(%run_scoped3A : memref<!tpu.dma_semaphore, #tpu.memory_space<semaphore_mem>>) src(%dma_wait3A_1405 : memref<1x1024xf32, #tpu.memory_space<vmem>>) dst(%dma_wait3A_1403 : memref<1x1024xf32, #tpu.memory_space<hbm>>)
            tpu.yield
          }) : () -> ()
        } else {
        }
        %slice3A_1358 = vector.extract_strided_slice %get3A_1262 {offsets = [13], sizes = [1], strides = [1]} : vector<16xi32> to vector<1xi32>
        %squeeze3A_1359 = vector.extract %slice3A_1358[0] : i32 from vector<1xi32>
        %ge3A_1360 = arith.constant 4081 : i32
        %ge3A_1361 = arith.cmpi sge, %squeeze3A_1359, %ge3A_1360 : i32
        %convert_element_type3A_1362 = arith.extui %ge3A_1361 : i1 to i32
        %cond3A_1363 = arith.constant 0 : i32
        %cond3A_1364 = arith.cmpi ne, %convert_element_type3A_1362, %cond3A_1363 : i32
        scf.if %cond3A_1364 {
          %sub3A_1379 = arith.constant 4081 : i32
          %sub3A_1380 = arith.subi %squeeze3A_1359, %sub3A_1379 : i32
          %mul3A_1381 = arith.constant 16 : i32
          %mul3A_1382 = arith.muli %add3A_1260, %mul3A_1381 : i32
          %add3A_1383 = arith.addi %mul3A_32, %mul3A_1382 : i32
          %add3A_1384 = arith.constant 13 : i32
          %add3A_1385 = arith.addi %add3A_1383, %add3A_1384 : i32
          "tpu.region"() ({
            %run_scoped3A = tpu.sem_alloc : memref<!tpu.dma_semaphore, #tpu.memory_space<semaphore_mem>>
            %dma_start3A_1386 = arith.constant 0 : i32
            %dma_start3A_1387 = tpu.memref_slice %arg8[%sub3A_1380, %dma_start3A_1386] : memref<16x1024xf32, #tpu.memory_space<vmem>> -> memref<1x1024xf32, #tpu.memory_space<vmem>>
            %dma_start3A_1388 = arith.constant 0 : i32
            %dma_start3A_1389 = tpu.memref_slice %arg5[%select_n3A, %add3A_1385, %dma_start3A_1388] : memref<4x4096x1024xf32, #tpu.memory_space<hbm>> -> memref<1x1x1024xf32, #tpu.memory_space<hbm>>
            %dma_start3A_1390 = tpu.memref_squeeze %dma_start3A_1389 : memref<1x1x1024xf32, #tpu.memory_space<hbm>> -> memref<1x1024xf32, #tpu.memory_space<hbm>>
            %dma_start3A_1391 = arith.constant 0 : i32
            %dma_start3A_1392 = tpu.memref_slice %arg5[%select_n3A, %add3A_1385, %dma_start3A_1391] : memref<4x4096x1024xf32, #tpu.memory_space<hbm>> -> memref<1x1x1024xf32, #tpu.memory_space<hbm>>
            %dma_start3A_1393 = tpu.memref_squeeze %dma_start3A_1392 : memref<1x1x1024xf32, #tpu.memory_space<hbm>> -> memref<1x1024xf32, #tpu.memory_space<hbm>>
            %dma_start3A_1394 = arith.constant 0 : i32
            %dma_start3A_1395 = tpu.memref_slice %arg8[%sub3A_1380, %dma_start3A_1394] : memref<16x1024xf32, #tpu.memory_space<vmem>> -> memref<1x1024xf32, #tpu.memory_space<vmem>>
            tpu.enqueue_dma source(%dma_start3A_1395 : memref<1x1024xf32, #tpu.memory_space<vmem>>) target(%dma_start3A_1393 : memref<1x1024xf32, #tpu.memory_space<hbm>>) target_semaphore(%run_scoped3A : memref<!tpu.dma_semaphore, #tpu.memory_space<semaphore_mem>>)
            %dma_wait3A_1396 = arith.constant 0 : i32
            %dma_wait3A_1397 = tpu.memref_slice %arg8[%sub3A_1380, %dma_wait3A_1396] : memref<16x1024xf32, #tpu.memory_space<vmem>> -> memref<1x1024xf32, #tpu.memory_space<vmem>>
            %dma_wait3A_1398 = arith.constant 0 : i32
            %dma_wait3A_1399 = tpu.memref_slice %arg5[%select_n3A, %add3A_1385, %dma_wait3A_1398] : memref<4x4096x1024xf32, #tpu.memory_space<hbm>> -> memref<1x1x1024xf32, #tpu.memory_space<hbm>>
            %dma_wait3A_1400 = tpu.memref_squeeze %dma_wait3A_1399 : memref<1x1x1024xf32, #tpu.memory_space<hbm>> -> memref<1x1024xf32, #tpu.memory_space<hbm>>
            %dma_wait3A_1401 = arith.constant 0 : i32
            %dma_wait3A_1402 = tpu.memref_slice %arg5[%select_n3A, %add3A_1385, %dma_wait3A_1401] : memref<4x4096x1024xf32, #tpu.memory_space<hbm>> -> memref<1x1x1024xf32, #tpu.memory_space<hbm>>
            %dma_wait3A_1403 = tpu.memref_squeeze %dma_wait3A_1402 : memref<1x1x1024xf32, #tpu.memory_space<hbm>> -> memref<1x1024xf32, #tpu.memory_space<hbm>>
            %dma_wait3A_1404 = arith.constant 0 : i32
            %dma_wait3A_1405 = tpu.memref_slice %arg8[%sub3A_1380, %dma_wait3A_1404] : memref<16x1024xf32, #tpu.memory_space<vmem>> -> memref<1x1024xf32, #tpu.memory_space<vmem>>
            tpu.wait_dma2 semaphore(%run_scoped3A : memref<!tpu.dma_semaphore, #tpu.memory_space<semaphore_mem>>) src(%dma_wait3A_1405 : memref<1x1024xf32, #tpu.memory_space<vmem>>) dst(%dma_wait3A_1403 : memref<1x1024xf32, #tpu.memory_space<hbm>>)
            tpu.yield
          }) : () -> ()
        } else {
        }
        %slice3A_1365 = vector.extract_strided_slice %get3A_1262 {offsets = [14], sizes = [1], strides = [1]} : vector<16xi32> to vector<1xi32>
        %squeeze3A_1366 = vector.extract %slice3A_1365[0] : i32 from vector<1xi32>
        %ge3A_1367 = arith.constant 4081 : i32
        %ge3A_1368 = arith.cmpi sge, %squeeze3A_1366, %ge3A_1367 : i32
        %convert_element_type3A_1369 = arith.extui %ge3A_1368 : i1 to i32
        %cond3A_1370 = arith.constant 0 : i32
        %cond3A_1371 = arith.cmpi ne, %convert_element_type3A_1369, %cond3A_1370 : i32
        scf.if %cond3A_1371 {
          %sub3A_1379 = arith.constant 4081 : i32
          %sub3A_1380 = arith.subi %squeeze3A_1366, %sub3A_1379 : i32
          %mul3A_1381 = arith.constant 16 : i32
          %mul3A_1382 = arith.muli %add3A_1260, %mul3A_1381 : i32
          %add3A_1383 = arith.addi %mul3A_32, %mul3A_1382 : i32
          %add3A_1384 = arith.constant 14 : i32
          %add3A_1385 = arith.addi %add3A_1383, %add3A_1384 : i32
          "tpu.region"() ({
            %run_scoped3A = tpu.sem_alloc : memref<!tpu.dma_semaphore, #tpu.memory_space<semaphore_mem>>
            %dma_start3A_1386 = arith.constant 0 : i32
            %dma_start3A_1387 = tpu.memref_slice %arg8[%sub3A_1380, %dma_start3A_1386] : memref<16x1024xf32, #tpu.memory_space<vmem>> -> memref<1x1024xf32, #tpu.memory_space<vmem>>
            %dma_start3A_1388 = arith.constant 0 : i32
            %dma_start3A_1389 = tpu.memref_slice %arg5[%select_n3A, %add3A_1385, %dma_start3A_1388] : memref<4x4096x1024xf32, #tpu.memory_space<hbm>> -> memref<1x1x1024xf32, #tpu.memory_space<hbm>>
            %dma_start3A_1390 = tpu.memref_squeeze %dma_start3A_1389 : memref<1x1x1024xf32, #tpu.memory_space<hbm>> -> memref<1x1024xf32, #tpu.memory_space<hbm>>
            %dma_start3A_1391 = arith.constant 0 : i32
            %dma_start3A_1392 = tpu.memref_slice %arg5[%select_n3A, %add3A_1385, %dma_start3A_1391] : memref<4x4096x1024xf32, #tpu.memory_space<hbm>> -> memref<1x1x1024xf32, #tpu.memory_space<hbm>>
            %dma_start3A_1393 = tpu.memref_squeeze %dma_start3A_1392 : memref<1x1x1024xf32, #tpu.memory_space<hbm>> -> memref<1x1024xf32, #tpu.memory_space<hbm>>
            %dma_start3A_1394 = arith.constant 0 : i32
            %dma_start3A_1395 = tpu.memref_slice %arg8[%sub3A_1380, %dma_start3A_1394] : memref<16x1024xf32, #tpu.memory_space<vmem>> -> memref<1x1024xf32, #tpu.memory_space<vmem>>
            tpu.enqueue_dma source(%dma_start3A_1395 : memref<1x1024xf32, #tpu.memory_space<vmem>>) target(%dma_start3A_1393 : memref<1x1024xf32, #tpu.memory_space<hbm>>) target_semaphore(%run_scoped3A : memref<!tpu.dma_semaphore, #tpu.memory_space<semaphore_mem>>)
            %dma_wait3A_1396 = arith.constant 0 : i32
            %dma_wait3A_1397 = tpu.memref_slice %arg8[%sub3A_1380, %dma_wait3A_1396] : memref<16x1024xf32, #tpu.memory_space<vmem>> -> memref<1x1024xf32, #tpu.memory_space<vmem>>
            %dma_wait3A_1398 = arith.constant 0 : i32
            %dma_wait3A_1399 = tpu.memref_slice %arg5[%select_n3A, %add3A_1385, %dma_wait3A_1398] : memref<4x4096x1024xf32, #tpu.memory_space<hbm>> -> memref<1x1x1024xf32, #tpu.memory_space<hbm>>
            %dma_wait3A_1400 = tpu.memref_squeeze %dma_wait3A_1399 : memref<1x1x1024xf32, #tpu.memory_space<hbm>> -> memref<1x1024xf32, #tpu.memory_space<hbm>>
            %dma_wait3A_1401 = arith.constant 0 : i32
            %dma_wait3A_1402 = tpu.memref_slice %arg5[%select_n3A, %add3A_1385, %dma_wait3A_1401] : memref<4x4096x1024xf32, #tpu.memory_space<hbm>> -> memref<1x1x1024xf32, #tpu.memory_space<hbm>>
            %dma_wait3A_1403 = tpu.memref_squeeze %dma_wait3A_1402 : memref<1x1x1024xf32, #tpu.memory_space<hbm>> -> memref<1x1024xf32, #tpu.memory_space<hbm>>
            %dma_wait3A_1404 = arith.constant 0 : i32
            %dma_wait3A_1405 = tpu.memref_slice %arg8[%sub3A_1380, %dma_wait3A_1404] : memref<16x1024xf32, #tpu.memory_space<vmem>> -> memref<1x1024xf32, #tpu.memory_space<vmem>>
            tpu.wait_dma2 semaphore(%run_scoped3A : memref<!tpu.dma_semaphore, #tpu.memory_space<semaphore_mem>>) src(%dma_wait3A_1405 : memref<1x1024xf32, #tpu.memory_space<vmem>>) dst(%dma_wait3A_1403 : memref<1x1024xf32, #tpu.memory_space<hbm>>)
            tpu.yield
          }) : () -> ()
        } else {
        }
        %slice3A_1372 = vector.extract_strided_slice %get3A_1262 {offsets = [15], sizes = [1], strides = [1]} : vector<16xi32> to vector<1xi32>
        %squeeze3A_1373 = vector.extract %slice3A_1372[0] : i32 from vector<1xi32>
        %ge3A_1374 = arith.constant 4081 : i32
        %ge3A_1375 = arith.cmpi sge, %squeeze3A_1373, %ge3A_1374 : i32
        %convert_element_type3A_1376 = arith.extui %ge3A_1375 : i1 to i32
        %cond3A_1377 = arith.constant 0 : i32
        %cond3A_1378 = arith.cmpi ne, %convert_element_type3A_1376, %cond3A_1377 : i32
        scf.if %cond3A_1378 {
          %sub3A_1379 = arith.constant 4081 : i32
          %sub3A_1380 = arith.subi %squeeze3A_1373, %sub3A_1379 : i32
          %mul3A_1381 = arith.constant 16 : i32
          %mul3A_1382 = arith.muli %add3A_1260, %mul3A_1381 : i32
          %add3A_1383 = arith.addi %mul3A_32, %mul3A_1382 : i32
          %add3A_1384 = arith.constant 15 : i32
          %add3A_1385 = arith.addi %add3A_1383, %add3A_1384 : i32
          "tpu.region"() ({
            %run_scoped3A = tpu.sem_alloc : memref<!tpu.dma_semaphore, #tpu.memory_space<semaphore_mem>>
            %dma_start3A_1386 = arith.constant 0 : i32
            %dma_start3A_1387 = tpu.memref_slice %arg8[%sub3A_1380, %dma_start3A_1386] : memref<16x1024xf32, #tpu.memory_space<vmem>> -> memref<1x1024xf32, #tpu.memory_space<vmem>>
            %dma_start3A_1388 = arith.constant 0 : i32
            %dma_start3A_1389 = tpu.memref_slice %arg5[%select_n3A, %add3A_1385, %dma_start3A_1388] : memref<4x4096x1024xf32, #tpu.memory_space<hbm>> -> memref<1x1x1024xf32, #tpu.memory_space<hbm>>
            %dma_start3A_1390 = tpu.memref_squeeze %dma_start3A_1389 : memref<1x1x1024xf32, #tpu.memory_space<hbm>> -> memref<1x1024xf32, #tpu.memory_space<hbm>>
            %dma_start3A_1391 = arith.constant 0 : i32
            %dma_start3A_1392 = tpu.memref_slice %arg5[%select_n3A, %add3A_1385, %dma_start3A_1391] : memref<4x4096x1024xf32, #tpu.memory_space<hbm>> -> memref<1x1x1024xf32, #tpu.memory_space<hbm>>
            %dma_start3A_1393 = tpu.memref_squeeze %dma_start3A_1392 : memref<1x1x1024xf32, #tpu.memory_space<hbm>> -> memref<1x1024xf32, #tpu.memory_space<hbm>>
            %dma_start3A_1394 = arith.constant 0 : i32
            %dma_start3A_1395 = tpu.memref_slice %arg8[%sub3A_1380, %dma_start3A_1394] : memref<16x1024xf32, #tpu.memory_space<vmem>> -> memref<1x1024xf32, #tpu.memory_space<vmem>>
            tpu.enqueue_dma source(%dma_start3A_1395 : memref<1x1024xf32, #tpu.memory_space<vmem>>) target(%dma_start3A_1393 : memref<1x1024xf32, #tpu.memory_space<hbm>>) target_semaphore(%run_scoped3A : memref<!tpu.dma_semaphore, #tpu.memory_space<semaphore_mem>>)
            %dma_wait3A_1396 = arith.constant 0 : i32
            %dma_wait3A_1397 = tpu.memref_slice %arg8[%sub3A_1380, %dma_wait3A_1396] : memref<16x1024xf32, #tpu.memory_space<vmem>> -> memref<1x1024xf32, #tpu.memory_space<vmem>>
            %dma_wait3A_1398 = arith.constant 0 : i32
            %dma_wait3A_1399 = tpu.memref_slice %arg5[%select_n3A, %add3A_1385, %dma_wait3A_1398] : memref<4x4096x1024xf32, #tpu.memory_space<hbm>> -> memref<1x1x1024xf32, #tpu.memory_space<hbm>>
            %dma_wait3A_1400 = tpu.memref_squeeze %dma_wait3A_1399 : memref<1x1x1024xf32, #tpu.memory_space<hbm>> -> memref<1x1024xf32, #tpu.memory_space<hbm>>
            %dma_wait3A_1401 = arith.constant 0 : i32
            %dma_wait3A_1402 = tpu.memref_slice %arg5[%select_n3A, %add3A_1385, %dma_wait3A_1401] : memref<4x4096x1024xf32, #tpu.memory_space<hbm>> -> memref<1x1x1024xf32, #tpu.memory_space<hbm>>
            %dma_wait3A_1403 = tpu.memref_squeeze %dma_wait3A_1402 : memref<1x1x1024xf32, #tpu.memory_space<hbm>> -> memref<1x1024xf32, #tpu.memory_space<hbm>>
            %dma_wait3A_1404 = arith.constant 0 : i32
            %dma_wait3A_1405 = tpu.memref_slice %arg8[%sub3A_1380, %dma_wait3A_1404] : memref<16x1024xf32, #tpu.memory_space<vmem>> -> memref<1x1024xf32, #tpu.memory_space<vmem>>
            tpu.wait_dma2 semaphore(%run_scoped3A : memref<!tpu.dma_semaphore, #tpu.memory_space<semaphore_mem>>) src(%dma_wait3A_1405 : memref<1x1024xf32, #tpu.memory_space<vmem>>) dst(%dma_wait3A_1403 : memref<1x1024xf32, #tpu.memory_space<hbm>>)
            tpu.yield
          }) : () -> ()
        } else {
        }
      } else {
      }
    }
    %scan3A_1255 = arith.constant 32 : i32
    return
  }
}

</mosaic_0001>

<sc_bundles>
// kernel: kernel.3.cloned.1.call-start
scs
__scs_entry_jumppad:
0x0: {  	(pc) =	sbr.rel $0x88, $3  }
0x1: {  	(tag) =	ssettag $0x0;
	lr =	simm.s32 $0x1  }
0x2: {  	[smem:$0x3F9F] =	sst lr;
	_ =	strace $0xD0000000  }
0x3: {  	_ = 	snop  }
0x4: {  	_ = 	snop  }
0x5: {  	_ = 	snop  }
0x6: {  	_ = 	snop  }
0x7: {  	_ = 	snop  }
__scs_overlays_trampoline_lowered:
0x8: {  	[smem:$0x3FAE] =	sst s0  }
0x9: {  	[smem:$0x3FAF] =	sst s1  }
0xa: {  	[smem:$0x3FB0] =	sst s2  }
0xb: {  	[smem:$0x3FB1] =	sst s3  }
0xc: {  	[smem:$0x3FB2] =	sst s4  }
0xd: {  	[smem:$0x3FB3] =	sst s5  }
0xe: {  	[smem:$0x3FB4] =	sst s6  }
0xf: {  	[smem:$0x3FB5] =	sst s7  }
0x10: {  	[smem:$0x3FB6] =	sst s8  }
0x11: {  	[smem:$0x3FB7] =	sst s9;
	s0 =	simm.s32 @!p0 $0x0  }
0x12: {  	s1 =	sld [smem:$0x3F9D];
	s0 =	simm.s32 @p0 $0x1  }
0x13: {  	[smem:$0x3FB8] =	sst s0;
	s0 =	simm.s32 @!p1 $0x0  }
0x14: {  	s2 =	sld [smem:$0x3F9C];
	s0 =	simm.s32 @p1 $0x1  }
0x15: {  	[smem:$0x3FB9] =	sst s0;
	s0 =	simm.s32 @!p2 $0x0  }
0x16: {  	s3 =	sld [smem:$0x3FDB];
	s0 =	simm.s32 @p2 $0x1  }
0x17: {  	s4 =	simm.s32 $0x1BF5;
	[smem:$0x3FBB] =	sst s0  }
0x18: {  	s0 =	sld [smem:$0x3F9E];
	_ =	swait.ge [sflag:s4], $0x0  }
0x19: {  	s7 =	sld [smem:$0x3F9F]  }
0x1a: {  	s8 =	sadd.s32 $0xFFFFE003, lr  }
0x1b: {  	s9 =	sadd.s32 $0xFFFFFEF7, lr;
	s5 =	simm.s32 $0xFFFFFFFF;
	p2 =	slt.u32 s8, $0xFFFFF086  }
0x1c: {  	p1 =	slt.u32 s9, $0xF7A;
	s5 =	simm.s32 @!p2 $0x0  }
0x1d: {  	s5 =	simm.s32 @p1 $0x1;
	p0 =	seq.s32 s7, s2  }
0x1e: {  	s7 =	smul.u32 @!p0 $0xF7A, s2;
	p2 =	seq.s32 @!p0 s5, $0x0  }
0x1f: {  	s9 =	smul.u32 $0xF7A, s1;
	s8 =	simm.s32 @!p0 $0x1BF5;
	p2 =	por !p2, p0  }
0x20: {  	[sflag:s8] =	ssyncset.s32 @!p0 $0xFFFFF086;
	s6 =	sadd.s32 @!p0 s3, s7;
	s7 =	simm.s32 @!p0 $0x108  }
0x21: {  	s3 =	sadd.s32 s3, s9;
	s6 =	sadd.s32 @!p0 $0x88, s6;
	s7 =	simm.s32 @p2 $0x1082  }
0x22: {  	[simem:s7], [sflag:s8] =	dma.local @!p0 [hbm:s6], $0xF7A  }
0x23: {  	s9 =	sor.u32 $0xD0000000, s2;
	s6 =	simm.s32 $0x108;
	_ =	swait.ge @!p0 [sflag:s8], $0x0  }
0x24: {  	s3 =	sadd.s32 $0x88, s3;
	s6 =	simm.s32 @!p1 $0x1082;
	[sflag:s4] =	ssyncset.s32 $0xFFFFF086  }
0x25: {  	[simem:s6], [sflag:s4] =	dma.local [hbm:s3], $0xF7A  }
0x26: {  	[smem:$0x3F9F] =	sst s1;
	(tag) =	ssettag s2;
	_ =	strace s9  }
0x27: {  	s1 =	sld [smem:$0x3FAF]  }
0x28: {  	s2 =	sld [smem:$0x3FB0]  }
0x29: {  	s4 =	sld [smem:$0x3FB2]  }
0x2a: {  	p0 =	seq.s32 s5, $0x0;
	s5 =	sld [smem:$0x3FB3]  }
0x2b: {  	s6 =	sld [smem:$0x3FB4]  }
0x2c: {  	s7 =	sld [smem:$0x3FB5]  }
0x2d: {  	s3 =	simm.s32 $0x108;
	s8 =	sld [smem:$0x3FB6]  }
0x2e: {  	s3 =	simm.s32 @!p0 $0x1082;
	s9 =	sld [smem:$0x3FB7]  }
0x2f: {  	lr =	sadd.s32 s0, s3;
	s0 =	sld [smem:$0x3FAE]  }
0x30: {  	s3 =	sld [smem:$0x3FB1]  }
0x31: {  	[smem:$0x3FBA] =	sst s10  }
0x32: {  	s10 =	sld [smem:$0x3FB8];
	_ =	sdelay $0x3  }
0x33: {  	p0 =	seq.s32 s10, $0x1;
	s10 =	sld [smem:$0x3FBA];
	_ =	sdelay $0x3  }
0x34: {  	[smem:$0x3FBA] =	sst s10  }
0x35: {  	s10 =	sld [smem:$0x3FB9];
	_ =	sdelay $0x3  }
0x36: {  	p1 =	seq.s32 s10, $0x1;
	s10 =	sld [smem:$0x3FBA];
	_ =	sdelay $0x3  }
0x37: {  	[smem:$0x3FBA] =	sst s10  }
0x38: {  	s10 =	sld [smem:$0x3FBB]  }
0x39: {  	_ = 	snop;
	(pc) =	sbr.ind lr, $3  }
0x3a: {  	_ = 	snop  }
0x3b: {  	_ = 	snop  }
0x3c: {  	p2 =	seq.s32 s10, $0x1;
	s10 =	sld [smem:$0x3FBA]  }
0x3d: {  	_ =	shalt  }
0x3e: {  	_ =	shalt  }
0x3f: {  	_ =	shalt  }
0x40: {  	_ =	shalt  }
0x41: {  	_ =	shalt  }
0x42: {  	_ =	shalt  }
0x43: {  	_ =	shalt  }
0x44: {  	_ =	shalt  }
0x45: {  	_ =	shalt  }
0x46: {  	_ =	shalt  }
0x47: {  	_ =	shalt  }
0x48: {  	_ =	shalt  }
0x49: {  	_ =	shalt  }
0x4a: {  	_ =	shalt  }
0x4b: {  	_ =	shalt  }
0x4c: {  	_ =	shalt  }
0x4d: {  	_ =	shalt  }
0x4e: {  	_ =	shalt  }
0x4f: {  	_ =	shalt  }
0x50: {  	_ =	shalt  }
0x51: {  	_ =	shalt  }
0x52: {  	_ =	shalt  }
0x53: {  	_ =	shalt  }
0x54: {  	_ =	shalt  }
0x55: {  	_ =	shalt  }
0x56: {  	_ =	shalt  }
0x57: {  	_ =	shalt  }
0x58: {  	_ =	shalt  }
0x59: {  	_ =	shalt  }
0x5a: {  	_ =	shalt  }
0x5b: {  	_ =	shalt  }
0x5c: {  	_ =	shalt  }
0x5d: {  	_ =	shalt  }
0x5e: {  	_ =	shalt  }
0x5f: {  	_ =	shalt  }
0x60: {  	_ =	shalt  }
0x61: {  	_ =	shalt  }
0x62: {  	_ =	shalt  }
0x63: {  	_ =	shalt  }
0x64: {  	_ =	shalt  }
0x65: {  	_ =	shalt  }
0x66: {  	_ =	shalt  }
0x67: {  	_ =	shalt  }
0x68: {  	_ =	shalt  }
0x69: {  	_ =	shalt  }
0x6a: {  	_ =	shalt  }
0x6b: {  	_ =	shalt  }
0x6c: {  	_ =	shalt  }
0x6d: {  	_ =	shalt  }
0x6e: {  	_ =	shalt  }
0x6f: {  	_ =	shalt  }
0x70: {  	_ =	shalt  }
0x71: {  	_ =	shalt  }
0x72: {  	_ =	shalt  }
0x73: {  	_ =	shalt  }
0x74: {  	_ =	shalt  }
0x75: {  	_ =	shalt  }
0x76: {  	_ =	shalt  }
0x77: {  	_ =	shalt  }
0x78: {  	_ =	shalt  }
0x79: {  	_ =	shalt  }
0x7a: {  	_ =	shalt  }
0x7b: {  	_ =	shalt  }
0x7c: {  	_ =	shalt  }
0x7d: {  	_ =	shalt  }
0x7e: {  	_ =	shalt  }
0x7f: {  	_ =	shalt  }
0x80: {  	_ =	shalt  }
0x81: {  	_ =	shalt  }
0x82: {  	_ =	shalt  }
0x83: {  	_ =	shalt  }
0x84: {  	_ =	shalt  }
0x85: {  	_ =	shalt  }
0x86: {  	_ =	shalt  }
0x87: {  	_ =	shalt  }
.Lfunc_end0:
.L_simem_size_0:
called_computation_lowered:
.L_overlay_start_0:
0x88: {  	s2 =	sld [smem:$0x3FD9]  }
0x89: {  	s3 =	sld [smem:$0x3FFE];
	_ =	sdelay $0x1  }
0x8a: {  	s1 =	srdreg.scid  }
0x8b: {  	s0 =	sand.u32 $0x1, s1  }
0x8c: {  	s17 =	sshll.u32 s0, $0xA;
	s2 =	sadd.s32 s3, s2  }
0x8d: {  	s2 =	sadd.s32 s2, s17  }
0x8e: {  	[smem:$0x3FC6] =	sst s2  }
0x8f: {  	_ = 	snop  }
0x90: {  	s2 =	sld [smem:$0x3FD0];
	(tm) =	ssettm $0x1  }
0x91: {  	s18 =	sld [smem:$0x3FFB];
	_ =	sdelay $0x3  }
0x92: {  	_ =	strace s18  }
0x93: {  	s3 =	sld [smem:$0x3FFC];
	_ =	sdelay $0x3  }
0x94: {  	_ =	strace s3  }
0x95: {  	s3 =	sld [smem:$0x3FFD];
	_ =	sdelay $0x3  }
0x96: {  	_ =	strace s3  }
0x97: {  	_ =	strace $0x8FFFFFFF  }
0x98: {  	s19 =	sld [smem:$0x3FDB];
	_ =	sdelay $0x1  }
0x99: {  	s4 =	simm.s32 $_scs_section_size  }
0x9a: {  	s5 =	simm.s32 $_size__tile_overlayer_lowered;
	s6 =	simm.s32 $_tile_overlayer_lowered  }
0x9b: {  	s22 =	simm.s32 $0x1BFF;
	s21 =	sshll.u32 s6, $0x1;
	s3 =	sadd.s32 s4, s19  }
0x9c: {  	s7 =	simm.s32 $0x0;
	s20 =	sshll.u32 s5, $0x1;
	s5 =	sadd.s32 s21, s3  }
0x9d: {  	[timem:s7], [sflag:s22] =	dma.local [hbm:s5], s20  }
0x9e: {  	_ =	swait.ge [sflag:s22], s20  }
0x9f: {  	s4 =	ssub.s32 $0x0, s20;
	[sflag:s22] =	ssyncset.done $0x0  }
0xa0: {  	[sflag:s22] =	ssyncadd.s32 s4;
	_ =	sdelay $0x1  }
0xa1: {  	s23 =	simm.s32 $0x1B8B  }
0xa2: {  	_ =	swait.ge [sflag:s23], $0x1  }
0xa3: {  	[sflag:s23] =	ssyncset.done $0x0  }
0xa4: {  	s25 =	simm.s32 $0x1B8E;
	s24 =	sld [smem:$0x3FFE];
	[sflag:s23] =	ssyncadd.s32 $0xFFFFFFFF  }
0xa5: {  	s26 =	simm.s32 $execute0_lowered;
	[smem:$0x3FD2] =	sst s25  }
0xa6: {  	s5 =	sshll.u32 s26, $0x1;
	_ =	strace $0x80000046;
	[dreg:$0x1] =	wrdreg $0xFFFFFFFF  }
0xa7: {  	s28 =	simm.s32 $_size_execute0_lowered;
	s3 =	sadd.s32 s3, s5;
	[dreg:$0x0] =	wrdreg $0x0  }
0xa8: {  	s5 =	sshll.u32 s28, $0x1;
	[dreg:$0x2] =	wrdreg s3  }
0xa9: {  	[dreg:$0x3] =	wrdreg s5  }
0xaa: {  	[dreg:$0x4] =	wrdreg $0xC0  }
0xab: {  	_ =	task [dreg:s7], $0x5FFFF  }
0xac: {  	[dreg:$0x1] =	wrdreg $0xFFFFFFFF  }
0xad: {  	[dreg:$0x0] =	wrdreg $0x60  }
0xae: {  	[dreg:$0x2] =	wrdreg s24  }
0xaf: {  	[dreg:$0x3] =	wrdreg s2  }
0xb0: {  	[dreg:$0x4] =	wrdreg $0x9  }
0xb1: {  	_ =	task.clear_ibuf [dreg:s7], $0x5FFFF;
	_ =	strace $0x90000046  }
0xb2: {  	s29 =	simm.s32 $0x9;
	_ =	strace $0x80000048  }
0xb3: {  	_ =	swait.ge [sflag:s29], $0x1  }
0xb4: {  	[sflag:s29] =	ssyncadd.s32 $0xFFFFFFFF  }
0xb5: {  	_ =	strace $0x90000048  }
0xb6: {  	_ =	sfence  }
0xb7: {  	s30 =	sld [smem:$0x0];
	_ =	sdelay $0x2  }
0xb8: {  	s31 =	sshll.u32 s1, $0xD;
	s1 =	sshrl.u32 s1, $0x2  }
0xb9: {  	s3 =	sand.u32 $0x4000, s31;
	s1 =	sadd.s32 s1, s30  }
0xba: {  	s0 =	sor.u32 s3, s0;
	s1 =	sshll.u32 s1, $0x11  }
0xbb: {  	s0 =	sor.u32 s1, s0  }
0xbc: {  	s0 =	sadd.s32 $0x8F2B, s0  }
0xbd: {  	[sflag:s0] =	ssyncadd.remote.s32 $0x1  }
0xbe: {  	_ =	sfence.sel $0xFFFF  }
0xbf: {  	[dreg:$0x0] =	wrdreg $0xFFFFFFFF;
	(pc) =	sbr.abs _section_cstart, $3  }
0xc0: {  	[dreg:$0x1] =	wrdreg $0xFFFFFFFF  }
0xc1: {  	_ =	task.clear_ibuf [dreg:s7], $0x2FFFF;
	_ =	strace $0x9FFFFFFF  }
0xc2: {  	(tm) =	ssettm $0x7FFFFFFF  }
0xc3: {  	_ =	shalt  }
tec
execute0_lowered:
.L_overlay_start_1:
0x0: {  	(tag) =	ssettag $0x1  }
0x1: {  	s0 =	rddreg [dreg:$0x0]  }
0x2: {  	s1 =	rddreg [dreg:$0x1]  }
0x3: {  	s2 =	simm.s32 $0x0;
	s12 =	srdreg.scid;
	s6 =	stileid.u32  }
0x4: {  	[smem:$0x7FF] =	sst s2;
	s2 =	sand.u32 $0x1, s12;
	s4 =	sshll.u32 s6, $0x1  }
0x5: {  	s5 =	sadd.s32 $0x84600, s0;
	s8 =	sshll.u32 s6, $0x14;
	_ =	strace $0x80000047  }
0x6: {  	[dreg:$0x3] =	wrdreg s5;
	s4 =	sor.u32 s2, s4;
	s14 =	ssub.s32 $0x2, s2  }
0x7: {  	s10 =	sand.u32 $0xC00000, s8;
	s13 =	sshll.u32 s4, $0x9;
	s4 =	sshll.u32 s4, $0x13  }
0x8: {  	s7 =	sshrl.u32 s14, $0x1;
	s4 =	sand.u32 $0x380000, s4;
	s5 =	sadd.s32 s13, s0  }
0x9: {  	s11 =	ssub.s32 s14, s7;
	s4 =	sor.u32 s10, s4;
	s5 =	sadd.s32 $0x200, s5  }
0xa: {  	[dreg:$0x4] =	wrdreg s5;
	s4 =	sshrl.u32 s4, $0x3;
	s5 =	smax.u32 s11, $0x1  }
0xb: {  	s4 =	sadd.s32 s1, s4;
	[dreg:$0x13] =	wrdreg s5  }
0xc: {  	s15 =	sadd.s32 $0x800, s4;
	[dreg:$0x5] =	wrdreg s4  }
0xd: {  	s17 =	sadd.s32 $0x1000, s4;
	[dreg:$0x6] =	wrdreg s15  }
0xe: {  	s18 =	sadd.s32 $0x1800, s4;
	[dreg:$0x7] =	wrdreg s17  }
0xf: {  	s19 =	sadd.s32 $0x2000, s4;
	[dreg:$0x8] =	wrdreg s18  }
0x10: {  	s20 =	sadd.s32 $0x2800, s4;
	[dreg:$0x9] =	wrdreg s19  }
0x11: {  	s21 =	sadd.s32 $0x3000, s4;
	[dreg:$0xa] =	wrdreg s20  }
0x12: {  	s3 =	sadd.s32 $0x4200, s0;
	s22 =	sadd.s32 $0x3800, s4;
	[dreg:$0xb] =	wrdreg s21  }
0x13: {  	s6 =	sadd.s32 $0x4300, s0;
	s23 =	sadd.s32 $0x4000, s4;
	[dreg:$0xc] =	wrdreg s22  }
0x14: {  	s9 =	sadd.s32 $0x4500, s0;
	s24 =	sadd.s32 $0x4800, s4;
	[dreg:$0xd] =	wrdreg s23  }
0x15: {  	s16 =	sshll.u32 s2, $0x13;
	s26 =	sadd.s32 $0x5000, s4;
	[dreg:$0xe] =	wrdreg s24  }
0x16: {  	s7 =	sadd.s32 $0x4400, s0;
	s28 =	sadd.s32 $0x5800, s4;
	[dreg:$0xf] =	wrdreg s26  }
0x17: {  	s0 =	sor.u32 s16, s8;
	s29 =	sadd.s32 $0x6000, s4;
	[dreg:$0x10] =	wrdreg s28  }
0x18: {  	s0 =	sand.u32 $0x380000, s0;
	s8 =	sadd.s32 $0x7000, s4;
	[dreg:$0x11] =	wrdreg s29  }
0x19: {  	s0 =	sor.u32 s0, s10;
	s10 =	sadd.s32 $0x7800, s4;
	[dreg:$0x14] =	wrdreg s8  }
0x1a: {  	s11 =	sadd.s32 $0x8000, s4;
	[dreg:$0x15] =	wrdreg s10  }
0x1b: {  	s12 =	sadd.s32 $0x8800, s4;
	[dreg:$0x16] =	wrdreg s11  }
0x1c: {  	s13 =	sadd.s32 $0x9000, s4;
	[dreg:$0x17] =	wrdreg s12  }
0x1d: {  	s14 =	sadd.s32 $0x9800, s4;
	[dreg:$0x18] =	wrdreg s13  }
0x1e: {  	s25 =	sor.u32 $0x2000, s0;
	s16 =	sadd.s32 $0xA800, s4;
	[dreg:$0x19] =	wrdreg s14  }
0x1f: {  	s2 =	sshrl.u32 s25, $0x3;
	s25 =	sadd.s32 $0xE000, s4;
	[dreg:$0x1b] =	wrdreg s16  }
0x20: {  	s22 =	sadd.s32 s2, s1;
	s2 =	sadd.s32 $0x6800, s4;
	[smem:$0x7FA] =	sst s25  }
0x21: {  	s15 =	sadd.s32 $0xA000, s4;
	[dreg:$0x12] =	wrdreg s2  }
0x22: {  	s17 =	sadd.s32 $0xB000, s4;
	[dreg:$0x1a] =	wrdreg s15  }
0x23: {  	s30 =	simm.s32 $0x6000;
	s18 =	sadd.s32 $0xB800, s4;
	[dreg:$0x1c] =	wrdreg s17  }
0x24: {  	s31 =	simm.s32 $0xA000;
	s19 =	sadd.s32 $0xC000, s4;
	[dreg:$0x1d] =	wrdreg s18  }
0x25: {  	s0 =	sshrl.u32 s0, $0x3;
	s20 =	sadd.s32 $0xC800, s4;
	[dreg:$0x1e] =	wrdreg s19  }
0x26: {  	s23 =	sadd.s32 s0, s1;
	s21 =	sadd.s32 $0xD000, s4;
	[dreg:$0x1f] =	wrdreg s20  }
0x27: {  	s24 =	sadd.s32 $0xD800, s4;
	s26 =	sadd.s32 $0xE800, s4;
	[smem:$0x7F8] =	sst s21  }
.Ltmp0:
0x28: {  	s28 =	sadd.s32 $0xF000, s4;
	[smem:$0x7F9] =	sst s24;
	(pc) =	sbr.rel .LBB2_1-.Ltmp0, $4  }
0x29: {  	s29 =	sadd.s32 $0xF800, s4;
	s1 =	simm.s32 $0x0;
	[smem:$0x7FB] =	sst s26  }
0x2a: {  	v2 =	vlaneseq.u32;
	s16 =	simm.s32 $0x12000;
	s13 =	simm.s32 $0x1;
	[smem:$0x7FC] =	sst s28  }
0x2b: {  	vm0 =	vmmov $0xffff;
	v1 =	vshrl.u32 v2, $0x3;
	[smem:$0x7FD] =	sst s29;
	s19 =	simm.s32 $0x16000;
	s17 =	simm.s32 $0x2  }
0x2c: {  	v0 =	vand.u32 $0x7, v2;
	v2 =	vor.u32 $0x8, v2;
	v1 =	vmul.u32 $0x8, v1;
	s18 =	simm.s32 $0x1A000;
	s21 =	simm.s32 $0x3;
	s20 =	simm.s32 $0x7  }
.LBB2_7:
0x2d: {  	s1 =	sld [smem:$0x7F7];
	_ =	sdelay $0x2  }
0x2e: {  	s0 =	rddreg [dreg:$0x13];
	s1 =	sadd.s32 $0x1, s1  }
0x2f: {  	p0 =	sne.s32 s1, s0  }
.Ltmp1:
0x30: {  	_ = 	snop;
	(pc) =	sbr.rel @!p0 .LBB2_8-.Ltmp1, $1  }
0x31: {  	_ =	sdelay $0x3  }
.LBB2_1:
0x32: {  	[smem:$0x7F7] =	sst s1  }
0x33: {  	s0 =	simm.s32 $0x0;
	s28 =	rddreg [dreg:$0x4];
	s2 =	simm.s32 $0xD  }
0x34: {  	[tilespmem:s0], [sflag:$0xD] =	stream.linear.gather [hbm4b:s28+s0], $0x1000, $0x38;
	[tilespmem:$0x1E000] =	vst v63  }
0x35: {  	_ =	swait.ge [sflag:s2], $0x1000  }
0x36: {  	[sflag:s2] =	ssyncset.done $0x0  }
0x37: {  	s4 =	simm.s32 $0x2000;
	s29 =	rddreg [dreg:$0x3];
	[sflag:s2] =	ssyncadd.s32 $0xFFFFF000  }
0x38: {  	[tilespmem:s4], [sflag:$0xD] =	stream.linear.gather [hbm4b:s29+s0], $0x4000, $0x38;
	[tilespmem:$0x1E000] =	vst v63  }
0x39: {  	_ =	swait.ge [sflag:s2], $0x4000  }
0x3a: {  	[sflag:s2] =	ssyncset.done $0x0  }
0x3b: {  	s0 =	simm.s32 $0x0;
	[sflag:s2] =	ssyncadd.s32 $0xFFFFC000  }
0x3c: {  	v3 =	vld [tilespmem:s0+$0x0]  }
0x3d: {  	s1 =	simm.s32 $0x200  }
.LBB2_2:
0x3e: {  	p0 =	sne.s32 s1, $0x3E00  }
.Ltmp2:
0x3f: {  	_ = 	snop;
	(pc) =	sbr.rel @p0 .LBB2_2-.Ltmp2, $4  }
0x40: {  	_ = 	snop  }
0x41: {  	s2 =	sshra.s32 s1, $0x2;
	s1 =	sadd.s32 $0x200, s1;
	vm1 =	vlt.s32 v3, $0xFF0  }
0x42: {  	v4 =	vnsel vm1, $0xFF0, v3;
	v3 =	vld [tilespmem:s2+$0x0]  }
0x43: {  	[tilespmem:s0+$0x1000] =	vst v4;
	s0 =	smov.u32 s2  }
0x44: {  	_ =	sdelay $0x2  }
0x45: {  	vm1 =	vlt.s32 v3, $0xFF0  }
0x46: {  	v3 =	vnsel vm1, $0xFF0, v3  }
0x47: {  	[tilespmem:s0+$0x1000] =	vst v3  }
0x48: {  	v3 =	vld [tilespmem:$0x1000];
	_ =	sdelay $0x4  }
0x49: {  	v4 =	vshll.u32 v3, $0x3  }
0x4a: {  	v3 =	vand.u32 $0x7, v3;
	v4 =	vand.u32 $0xFFFFFFC0, v4  }
0x4b: {  	v3 =	vor.u32 v3, v4  }
0x4c: {  	v4 =	vperm.xlane v3, v0;
	_ =	sdelay $0x1  }
0x4d: {  	v4 =	vadd.s32 v1, v4;
	_ =	sdelay $0x3  }
0x4e: {  	s0 =	simm.s32 $0x0  }
0x4f: {  	[tilespmem:s30], [sflag:$0x1] =	stream.indirect_vreg.gather [hbm4b:s3+s0], $0x80, v4, vm0, $0xb8;
	[tilespmem:$0x1E000] =	vst v63  }
0x50: {  	s1 =	simm.s32 $0x6800;
	v3 =	vperm.xlane v3, v2  }
0x51: {  	[tilespmem:s1], [sflag:$0x1] =	stream.indirect_vreg.gather [hbm4b:s6+s0], $0x80, v4, vm0, $0xb8;
	[tilespmem:$0x1E000] =	vst v63  }
0x52: {  	s2 =	simm.s32 $0x7000;
	v3 =	vadd.s32 v1, v3  }
0x53: {  	[tilespmem:s2], [sflag:$0x1] =	stream.indirect_vreg.gather [hbm4b:s7+s0], $0x80, v4, vm0, $0xb8;
	[tilespmem:$0x1E000] =	vst v63  }
0x54: {  	s5 =	simm.s32 $0x7800  }
0x55: {  	[tilespmem:s5], [sflag:$0x1] =	stream.indirect_vreg.gather [hbm4b:s9+s0], $0x80, v4, vm0, $0xb8;
	[tilespmem:$0x1E000] =	vst v63  }
0x56: {  	s8 =	simm.s32 $0x8000  }
0x57: {  	[tilespmem:s8], [sflag:$0x1] =	stream.indirect_vreg.gather [hbm4b:s3+s0], $0x80, v3, vm0, $0xb8;
	[tilespmem:$0x1E000] =	vst v63  }
0x58: {  	s10 =	simm.s32 $0x8800  }
0x59: {  	[tilespmem:s10], [sflag:$0x1] =	stream.indirect_vreg.gather [hbm4b:s6+s0], $0x80, v3, vm0, $0xb8;
	[tilespmem:$0x1E000] =	vst v63  }
0x5a: {  	s11 =	simm.s32 $0x9000  }
0x5b: {  	[tilespmem:s11], [sflag:$0x1] =	stream.indirect_vreg.gather [hbm4b:s7+s0], $0x80, v3, vm0, $0xb8;
	[tilespmem:$0x1E000] =	vst v63  }
0x5c: {  	s12 =	simm.s32 $0x9800  }
0x5d: {  	[tilespmem:s12], [sflag:$0x1] =	stream.indirect_vreg.gather [hbm4b:s9+s0], $0x80, v3, vm0, $0xb8;
	[tilespmem:$0x1E000] =	vst v63  }
0x5e: {  	v3 =	vld [tilespmem:$0x1080];
	_ =	sdelay $0x4  }
0x5f: {  	v33 =	vshll.u32 v3, $0x3  }
0x60: {  	v3 =	vand.u32 $0x7, v3;
	v4 =	vand.u32 $0xFFFFFFC0, v33  }
0x61: {  	v3 =	vor.u32 v3, v4  }
0x62: {  	v4 =	vperm.xlane v3, v0;
	_ =	sdelay $0x1  }
0x63: {  	v4 =	vadd.s32 v1, v4;
	_ =	sdelay $0x4  }
0x64: {  	[tilespmem:s31], [sflag:$0x2] =	stream.indirect_vreg.gather [hbm4b:s3+s0], $0x80, v4, vm0, $0xb8;
	[tilespmem:$0x1E000] =	vst v63  }
0x65: {  	s15 =	simm.s32 $0xA800;
	v3 =	vperm.xlane v3, v2  }
0x66: {  	[tilespmem:s15], [sflag:$0x2] =	stream.indirect_vreg.gather [hbm4b:s6+s0], $0x80, v4, vm0, $0xb8;
	[tilespmem:$0x1E000] =	vst v63  }
0x67: {  	s25 =	simm.s32 $0xB000;
	v3 =	vadd.s32 v1, v3  }
0x68: {  	[tilespmem:s25], [sflag:$0x2] =	stream.indirect_vreg.gather [hbm4b:s7+s0], $0x80, v4, vm0, $0xb8;
	[tilespmem:$0x1E000] =	vst v63  }
0x69: {  	s26 =	simm.s32 $0xB800  }
0x6a: {  	[tilespmem:s26], [sflag:$0x2] =	stream.indirect_vreg.gather [hbm4b:s9+s0], $0x80, v4, vm0, $0xb8;
	[tilespmem:$0x1E000] =	vst v63  }
0x6b: {  	s28 =	simm.s32 $0xC000  }
0x6c: {  	[tilespmem:s28], [sflag:$0x2] =	stream.indirect_vreg.gather [hbm4b:s3+s0], $0x80, v3, vm0, $0xb8;
	[tilespmem:$0x1E000] =	vst v63  }
0x6d: {  	s2 =	simm.s32 $0xC800  }
0x6e: {  	[tilespmem:s2], [sflag:$0x2] =	stream.indirect_vreg.gather [hbm4b:s6+s0], $0x80, v3, vm0, $0xb8;
	[tilespmem:$0x1E000] =	vst v63  }
0x6f: {  	s15 =	simm.s32 $0xD000  }
0x70: {  	[tilespmem:s15], [sflag:$0x2] =	stream.indirect_vreg.gather [hbm4b:s7+s0], $0x80, v3, vm0, $0xb8;
	[tilespmem:$0x1E000] =	vst v63  }
0x71: {  	s2 =	simm.s32 $0xD800  }
0x72: {  	[tilespmem:s2], [sflag:$0x2] =	stream.indirect_vreg.gather [hbm4b:s9+s0], $0x80, v3, vm0, $0xb8;
	[tilespmem:$0x1E000] =	vst v63  }
0x73: {  	v3 =	vld [tilespmem:$0x1100];
	_ =	sdelay $0x4  }
0x74: {  	v34 =	vshll.u32 v3, $0x3  }
0x75: {  	v3 =	vand.u32 $0x7, v3;
	v4 =	vand.u32 $0xFFFFFFC0, v34  }
0x76: {  	v3 =	vor.u32 v3, v4  }
0x77: {  	v4 =	vperm.xlane v3, v0;
	_ =	sdelay $0x1  }
0x78: {  	v4 =	vadd.s32 v1, v4;
	_ =	sdelay $0x3  }
0x79: {  	s2 =	simm.s32 $0xE000  }
0x7a: {  	[tilespmem:s2], [sflag:$0x3] =	stream.indirect_vreg.gather [hbm4b:s3+s0], $0x80, v4, vm0, $0xb8;
	[tilespmem:$0x1E000] =	vst v63  }
0x7b: {  	s1 =	simm.s32 $0xE800;
	v3 =	vperm.xlane v3, v2  }
0x7c: {  	[tilespmem:s1], [sflag:$0x3] =	stream.indirect_vreg.gather [hbm4b:s6+s0], $0x80, v4, vm0, $0xb8;
	[tilespmem:$0x1E000] =	vst v63  }
0x7d: {  	v3 =	vadd.s32 v1, v3;
	s1 =	simm.s32 $0xF000  }
0x7e: {  	[tilespmem:s1], [sflag:$0x3] =	stream.indirect_vreg.gather [hbm4b:s7+s0], $0x80, v4, vm0, $0xb8;
	[tilespmem:$0x1E000] =	vst v63  }
0x7f: {  	s1 =	simm.s32 $0xF800  }
0x80: {  	[tilespmem:s1], [sflag:$0x3] =	stream.indirect_vreg.gather [hbm4b:s9+s0], $0x80, v4, vm0, $0xb8;
	[tilespmem:$0x1E000] =	vst v63  }
0x81: {  	s1 =	simm.s32 $0x10000  }
0x82: {  	[tilespmem:s1], [sflag:$0x3] =	stream.indirect_vreg.gather [hbm4b:s3+s0], $0x80, v3, vm0, $0xb8;
	[tilespmem:$0x1E000] =	vst v63  }
0x83: {  	s1 =	simm.s32 $0x10800  }
0x84: {  	[tilespmem:s1], [sflag:$0x3] =	stream.indirect_vreg.gather [hbm4b:s6+s0], $0x80, v3, vm0, $0xb8;
	[tilespmem:$0x1E000] =	vst v63  }
0x85: {  	s1 =	simm.s32 $0x11000  }
0x86: {  	[tilespmem:s1], [sflag:$0x3] =	stream.indirect_vreg.gather [hbm4b:s7+s0], $0x80, v3, vm0, $0xb8;
	[tilespmem:$0x1E000] =	vst v63  }
0x87: {  	s1 =	simm.s32 $0x11800  }
0x88: {  	[tilespmem:s1], [sflag:$0x3] =	stream.indirect_vreg.gather [hbm4b:s9+s0], $0x80, v3, vm0, $0xb8;
	[tilespmem:$0x1E000] =	vst v63  }
0x89: {  	v3 =	vld [tilespmem:$0x1180];
	_ =	sdelay $0x4  }
0x8a: {  	v35 =	vshll.u32 v3, $0x3  }
0x8b: {  	v3 =	vand.u32 $0x7, v3;
	v4 =	vand.u32 $0xFFFFFFC0, v35  }
0x8c: {  	v3 =	vor.u32 v3, v4  }
0x8d: {  	v4 =	vperm.xlane v3, v0;
	_ =	sdelay $0x1  }
0x8e: {  	v4 =	vadd.s32 v1, v4;
	_ =	sdelay $0x4  }
0x8f: {  	[tilespmem:s16], [sflag:$0x4] =	stream.indirect_vreg.gather [hbm4b:s3+s0], $0x80, v4, vm0, $0xb8;
	[tilespmem:$0x1E000] =	vst v63  }
0x90: {  	s1 =	simm.s32 $0x12800;
	v3 =	vperm.xlane v3, v2  }
0x91: {  	[tilespmem:s1], [sflag:$0x4] =	stream.indirect_vreg.gather [hbm4b:s6+s0], $0x80, v4, vm0, $0xb8;
	[tilespmem:$0x1E000] =	vst v63  }
0x92: {  	v3 =	vadd.s32 v1, v3;
	s1 =	simm.s32 $0x13000  }
0x93: {  	[tilespmem:s1], [sflag:$0x4] =	stream.indirect_vreg.gather [hbm4b:s7+s0], $0x80, v4, vm0, $0xb8;
	[tilespmem:$0x1E000] =	vst v63  }
0x94: {  	s1 =	simm.s32 $0x13800  }
0x95: {  	[tilespmem:s1], [sflag:$0x4] =	stream.indirect_vreg.gather [hbm4b:s9+s0], $0x80, v4, vm0, $0xb8;
	[tilespmem:$0x1E000] =	vst v63  }
0x96: {  	s1 =	simm.s32 $0x14000  }
0x97: {  	[tilespmem:s1], [sflag:$0x4] =	stream.indirect_vreg.gather [hbm4b:s3+s0], $0x80, v3, vm0, $0xb8;
	[tilespmem:$0x1E000] =	vst v63  }
0x98: {  	s1 =	simm.s32 $0x14800  }
0x99: {  	[tilespmem:s1], [sflag:$0x4] =	stream.indirect_vreg.gather [hbm4b:s6+s0], $0x80, v3, vm0, $0xb8;
	[tilespmem:$0x1E000] =	vst v63  }
0x9a: {  	s1 =	simm.s32 $0x15000  }
0x9b: {  	[tilespmem:s1], [sflag:$0x4] =	stream.indirect_vreg.gather [hbm4b:s7+s0], $0x80, v3, vm0, $0xb8;
	[tilespmem:$0x1E000] =	vst v63  }
0x9c: {  	s1 =	simm.s32 $0x15800  }
0x9d: {  	[tilespmem:s1], [sflag:$0x4] =	stream.indirect_vreg.gather [hbm4b:s9+s0], $0x80, v3, vm0, $0xb8;
	[tilespmem:$0x1E000] =	vst v63  }
0x9e: {  	_ =	swait.ge [sflag:s13], $0x4000  }
0x9f: {  	[sflag:s13] =	ssyncset.done $0x0  }
0xa0: {  	s1 =	rddreg [dreg:$0x5];
	[sflag:s13] =	ssyncadd.s32 $0xFFFFC000  }
0xa1: {  	[hbm4b:s1+s0] =	stream.linear.scatter [tilespmem:s30], [sflag:$0x7], $0x4000, $0x38;
	[tilespmem:$0x1E000] =	vst v63  }
0xa2: {  	v3 =	vld [tilespmem:$0x1200];
	_ =	sdelay $0x4  }
0xa3: {  	v36 =	vshll.u32 v3, $0x3  }
0xa4: {  	v3 =	vand.u32 $0x7, v3;
	v4 =	vand.u32 $0xFFFFFFC0, v36  }
0xa5: {  	v3 =	vor.u32 v3, v4  }
0xa6: {  	v4 =	vperm.xlane v3, v0;
	_ =	sdelay $0x1  }
0xa7: {  	v4 =	vadd.s32 v1, v4;
	_ =	sdelay $0x4  }
0xa8: {  	[tilespmem:s19], [sflag:$0x5] =	stream.indirect_vreg.gather [hbm4b:s3+s0], $0x80, v4, vm0, $0xb8;
	[tilespmem:$0x1E000] =	vst v63  }
0xa9: {  	s1 =	simm.s32 $0x16800;
	v3 =	vperm.xlane v3, v2  }
0xaa: {  	[tilespmem:s1], [sflag:$0x5] =	stream.indirect_vreg.gather [hbm4b:s6+s0], $0x80, v4, vm0, $0xb8;
	[tilespmem:$0x1E000] =	vst v63  }
0xab: {  	v3 =	vadd.s32 v1, v3;
	s1 =	simm.s32 $0x17000  }
0xac: {  	[tilespmem:s1], [sflag:$0x5] =	stream.indirect_vreg.gather [hbm4b:s7+s0], $0x80, v4, vm0, $0xb8;
	[tilespmem:$0x1E000] =	vst v63  }
0xad: {  	s1 =	simm.s32 $0x17800  }
0xae: {  	[tilespmem:s1], [sflag:$0x5] =	stream.indirect_vreg.gather [hbm4b:s9+s0], $0x80, v4, vm0, $0xb8;
	[tilespmem:$0x1E000] =	vst v63  }
0xaf: {  	s1 =	simm.s32 $0x18000  }
0xb0: {  	[tilespmem:s1], [sflag:$0x5] =	stream.indirect_vreg.gather [hbm4b:s3+s0], $0x80, v3, vm0, $0xb8;
	[tilespmem:$0x1E000] =	vst v63  }
0xb1: {  	s1 =	simm.s32 $0x18800  }
0xb2: {  	[tilespmem:s1], [sflag:$0x5] =	stream.indirect_vreg.gather [hbm4b:s6+s0], $0x80, v3, vm0, $0xb8;
	[tilespmem:$0x1E000] =	vst v63  }
0xb3: {  	s1 =	simm.s32 $0x19000  }
0xb4: {  	[tilespmem:s1], [sflag:$0x5] =	stream.indirect_vreg.gather [hbm4b:s7+s0], $0x80, v3, vm0, $0xb8;
	[tilespmem:$0x1E000] =	vst v63  }
0xb5: {  	s1 =	simm.s32 $0x19800  }
0xb6: {  	[tilespmem:s1], [sflag:$0x5] =	stream.indirect_vreg.gather [hbm4b:s9+s0], $0x80, v3, vm0, $0xb8;
	[tilespmem:$0x1E000] =	vst v63  }
0xb7: {  	_ =	swait.ge [sflag:s17], $0x4000  }
0xb8: {  	[sflag:s17] =	ssyncset.done $0x0  }
0xb9: {  	s1 =	rddreg [dreg:$0x6];
	[sflag:s17] =	ssyncadd.s32 $0xFFFFC000  }
0xba: {  	[hbm4b:s1+s0] =	stream.linear.scatter [tilespmem:s31], [sflag:$0x8], $0x4000, $0x38;
	[tilespmem:$0x1E000] =	vst v63  }
0xbb: {  	v3 =	vld [tilespmem:$0x1280];
	_ =	sdelay $0x4  }
0xbc: {  	v37 =	vshll.u32 v3, $0x3  }
0xbd: {  	v3 =	vand.u32 $0x7, v3;
	v4 =	vand.u32 $0xFFFFFFC0, v37  }
0xbe: {  	v3 =	vor.u32 v3, v4  }
0xbf: {  	v4 =	vperm.xlane v3, v0;
	_ =	sdelay $0x1  }
0xc0: {  	v4 =	vadd.s32 v1, v4;
	_ =	sdelay $0x4  }
0xc1: {  	[tilespmem:s18], [sflag:$0x6] =	stream.indirect_vreg.gather [hbm4b:s3+s0], $0x80, v4, vm0, $0xb8;
	[tilespmem:$0x1E000] =	vst v63  }
0xc2: {  	s1 =	simm.s32 $0x1A800;
	v3 =	vperm.xlane v3, v2  }
0xc3: {  	[tilespmem:s1], [sflag:$0x6] =	stream.indirect_vreg.gather [hbm4b:s6+s0], $0x80, v4, vm0, $0xb8;
	[tilespmem:$0x1E000] =	vst v63  }
0xc4: {  	v3 =	vadd.s32 v1, v3;
	s1 =	simm.s32 $0x1B000  }
0xc5: {  	[tilespmem:s1], [sflag:$0x6] =	stream.indirect_vreg.gather [hbm4b:s7+s0], $0x80, v4, vm0, $0xb8;
	[tilespmem:$0x1E000] =	vst v63  }
0xc6: {  	s1 =	simm.s32 $0x1B800  }
0xc7: {  	[tilespmem:s1], [sflag:$0x6] =	stream.indirect_vreg.gather [hbm4b:s9+s0], $0x80, v4, vm0, $0xb8;
	[tilespmem:$0x1E000] =	vst v63  }
0xc8: {  	s1 =	simm.s32 $0x1C000  }
0xc9: {  	[tilespmem:s1], [sflag:$0x6] =	stream.indirect_vreg.gather [hbm4b:s3+s0], $0x80, v3, vm0, $0xb8;
	[tilespmem:$0x1E000] =	vst v63  }
0xca: {  	s1 =	simm.s32 $0x1C800  }
0xcb: {  	[tilespmem:s1], [sflag:$0x6] =	stream.indirect_vreg.gather [hbm4b:s6+s0], $0x80, v3, vm0, $0xb8;
	[tilespmem:$0x1E000] =	vst v63  }
0xcc: {  	s1 =	simm.s32 $0x1D000  }
0xcd: {  	[tilespmem:s1], [sflag:$0x6] =	stream.indirect_vreg.gather [hbm4b:s7+s0], $0x80, v3, vm0, $0xb8;
	[tilespmem:$0x1E000] =	vst v63  }
0xce: {  	s1 =	simm.s32 $0x1D800  }
0xcf: {  	[tilespmem:s1], [sflag:$0x6] =	stream.indirect_vreg.gather [hbm4b:s9+s0], $0x80, v3, vm0, $0xb8;
	[tilespmem:$0x1E000] =	vst v63  }
0xd0: {  	_ =	swait.ge [sflag:s21], $0x4000  }
0xd1: {  	[sflag:s21] =	ssyncset.done $0x0  }
0xd2: {  	s1 =	rddreg [dreg:$0x7];
	[sflag:s21] =	ssyncadd.s32 $0xFFFFC000  }
0xd3: {  	[hbm4b:s1+s0] =	stream.linear.scatter [tilespmem:s2], [sflag:$0x9], $0x4000, $0x38;
	[tilespmem:$0x1E000] =	vst v63  }
0xd4: {  	_ =	swait.ge [sflag:s20], $0x4000  }
0xd5: {  	[sflag:s20] =	ssyncset.done $0x0  }
0xd6: {  	[sflag:s20] =	ssyncadd.s32 $0xFFFFC000  }
0xd7: {  	v3 =	vld [tilespmem:$0x1300];
	_ =	sdelay $0x4  }
0xd8: {  	v38 =	vshll.u32 v3, $0x3  }
0xd9: {  	v3 =	vand.u32 $0x7, v3;
	v4 =	vand.u32 $0xFFFFFFC0, v38  }
0xda: {  	v3 =	vor.u32 v3, v4  }
0xdb: {  	v4 =	vperm.xlane v3, v0;
	_ =	sdelay $0x1  }
0xdc: {  	v4 =	vadd.s32 v1, v4;
	_ =	sdelay $0x4  }
0xdd: {  	[tilespmem:s30], [sflag:$0x1] =	stream.indirect_vreg.gather [hbm4b:s3+s0], $0x80, v4, vm0, $0xb8;
	[tilespmem:$0x1E000] =	vst v63  }
0xde: {  	s4 =	simm.s32 $0x6800;
	v3 =	vperm.xlane v3, v2  }
0xdf: {  	[tilespmem:s4], [sflag:$0x1] =	stream.indirect_vreg.gather [hbm4b:s6+s0], $0x80, v4, vm0, $0xb8;
	[tilespmem:$0x1E000] =	vst v63  }
0xe0: {  	s24 =	simm.s32 $0x7000;
	v3 =	vadd.s32 v1, v3  }
0xe1: {  	[tilespmem:s24], [sflag:$0x1] =	stream.indirect_vreg.gather [hbm4b:s7+s0], $0x80, v4, vm0, $0xb8;
	[tilespmem:$0x1E000] =	vst v63  }
0xe2: {  	s29 =	simm.s32 $0x7800  }
0xe3: {  	[tilespmem:s29], [sflag:$0x1] =	stream.indirect_vreg.gather [hbm4b:s9+s0], $0x80, v4, vm0, $0xb8;
	[tilespmem:$0x1E000] =	vst v63  }
0xe4: {  	s14 =	simm.s32 $0x8000  }
0xe5: {  	[tilespmem:s14], [sflag:$0x1] =	stream.indirect_vreg.gather [hbm4b:s3+s0], $0x80, v3, vm0, $0xb8;
	[tilespmem:$0x1E000] =	vst v63  }
0xe6: {  	s8 =	simm.s32 $0x8800  }
0xe7: {  	[tilespmem:s8], [sflag:$0x1] =	stream.indirect_vreg.gather [hbm4b:s6+s0], $0x80, v3, vm0, $0xb8;
	[tilespmem:$0x1E000] =	vst v63  }
0xe8: {  	s10 =	simm.s32 $0x9000  }
0xe9: {  	[tilespmem:s10], [sflag:$0x1] =	stream.indirect_vreg.gather [hbm4b:s7+s0], $0x80, v3, vm0, $0xb8;
	[tilespmem:$0x1E000] =	vst v63  }
0xea: {  	s5 =	simm.s32 $0x9800;
	s24 =	simm.s32 $0x4  }
0xeb: {  	[tilespmem:s5], [sflag:$0x1] =	stream.indirect_vreg.gather [hbm4b:s9+s0], $0x80, v3, vm0, $0xb8;
	[tilespmem:$0x1E000] =	vst v63  }
0xec: {  	_ =	swait.ge [sflag:s24], $0x4000  }
0xed: {  	[sflag:s24] =	ssyncset.done $0x0  }
0xee: {  	s14 =	simm.s32 $0x8;
	s5 =	rddreg [dreg:$0x8];
	[sflag:s24] =	ssyncadd.s32 $0xFFFFC000  }
0xef: {  	[hbm4b:s5+s0] =	stream.linear.scatter [tilespmem:s16], [sflag:$0xA], $0x4000, $0x38;
	[tilespmem:$0x1E000] =	vst v63  }
0xf0: {  	_ =	swait.ge [sflag:s14], $0x4000  }
0xf1: {  	[sflag:s14] =	ssyncset.done $0x0  }
0xf2: {  	[sflag:s14] =	ssyncadd.s32 $0xFFFFC000  }
0xf3: {  	v3 =	vld [tilespmem:$0x1380];
	_ =	sdelay $0x4  }
0xf4: {  	v39 =	vshll.u32 v3, $0x3  }
0xf5: {  	v3 =	vand.u32 $0x7, v3;
	v4 =	vand.u32 $0xFFFFFFC0, v39  }
0xf6: {  	v3 =	vor.u32 v3, v4  }
0xf7: {  	v4 =	vperm.xlane v3, v0;
	_ =	sdelay $0x1  }
0xf8: {  	v4 =	vadd.s32 v1, v4;
	_ =	sdelay $0x4  }
0xf9: {  	[tilespmem:s31], [sflag:$0x2] =	stream.indirect_vreg.gather [hbm4b:s3+s0], $0x80, v4, vm0, $0xb8;
	[tilespmem:$0x1E000] =	vst v63  }
0xfa: {  	s12 =	simm.s32 $0xA800;
	v3 =	vperm.xlane v3, v2  }
0xfb: {  	[tilespmem:s12], [sflag:$0x2] =	stream.indirect_vreg.gather [hbm4b:s6+s0], $0x80, v4, vm0, $0xb8;
	[tilespmem:$0x1E000] =	vst v63  }
0xfc: {  	s11 =	simm.s32 $0xB000;
	v3 =	vadd.s32 v1, v3  }
0xfd: {  	[tilespmem:s11], [sflag:$0x2] =	stream.indirect_vreg.gather [hbm4b:s7+s0], $0x80, v4, vm0, $0xb8;
	[tilespmem:$0x1E000] =	vst v63  }
0xfe: {  	s25 =	simm.s32 $0xB800  }
0xff: {  	[tilespmem:s25], [sflag:$0x2] =	stream.indirect_vreg.gather [hbm4b:s9+s0], $0x80, v4, vm0, $0xb8;
	[tilespmem:$0x1E000] =	vst v63  }
0x100: {  	s26 =	simm.s32 $0xC000  }
0x101: {  	[tilespmem:s26], [sflag:$0x2] =	stream.indirect_vreg.gather [hbm4b:s3+s0], $0x80, v3, vm0, $0xb8;
	[tilespmem:$0x1E000] =	vst v63  }
0x102: {  	s28 =	simm.s32 $0xC800  }
0x103: {  	[tilespmem:s28], [sflag:$0x2] =	stream.indirect_vreg.gather [hbm4b:s6+s0], $0x80, v3, vm0, $0xb8;
	[tilespmem:$0x1E000] =	vst v63  }
0x104: {  	s8 =	simm.s32 $0xD000  }
0x105: {  	[tilespmem:s8], [sflag:$0x2] =	stream.indirect_vreg.gather [hbm4b:s7+s0], $0x80, v3, vm0, $0xb8;
	[tilespmem:$0x1E000] =	vst v63  }
0x106: {  	s15 =	simm.s32 $0xD800;
	s25 =	simm.s32 $0x5  }
0x107: {  	[tilespmem:s15], [sflag:$0x2] =	stream.indirect_vreg.gather [hbm4b:s9+s0], $0x80, v3, vm0, $0xb8;
	[tilespmem:$0x1E000] =	vst v63  }
0x108: {  	_ =	swait.ge [sflag:s25], $0x4000  }
0x109: {  	[sflag:s25] =	ssyncset.done $0x0  }
0x10a: {  	s26 =	simm.s32 $0x9;
	s12 =	rddreg [dreg:$0x9];
	[sflag:s25] =	ssyncadd.s32 $0xFFFFC000  }
0x10b: {  	[hbm4b:s12+s0] =	stream.linear.scatter [tilespmem:s19], [sflag:$0xB], $0x4000, $0x38;
	[tilespmem:$0x1E000] =	vst v63  }
0x10c: {  	_ =	swait.ge [sflag:s26], $0x4000  }
0x10d: {  	[sflag:s26] =	ssyncset.done $0x0  }
0x10e: {  	[sflag:s26] =	ssyncadd.s32 $0xFFFFC000  }
0x10f: {  	v3 =	vld [tilespmem:$0x1400];
	_ =	sdelay $0x4  }
0x110: {  	v40 =	vshll.u32 v3, $0x3  }
0x111: {  	v3 =	vand.u32 $0x7, v3;
	v4 =	vand.u32 $0xFFFFFFC0, v40  }
0x112: {  	v3 =	vor.u32 v3, v4  }
0x113: {  	v4 =	vperm.xlane v3, v0;
	_ =	sdelay $0x1  }
0x114: {  	v4 =	vadd.s32 v1, v4;
	_ =	sdelay $0x4  }
0x115: {  	[tilespmem:s2], [sflag:$0x3] =	stream.indirect_vreg.gather [hbm4b:s3+s0], $0x80, v4, vm0, $0xb8;
	[tilespmem:$0x1E000] =	vst v63  }
0x116: {  	s15 =	simm.s32 $0xE800;
	v3 =	vperm.xlane v3, v2  }
0x117: {  	[tilespmem:s15], [sflag:$0x3] =	stream.indirect_vreg.gather [hbm4b:s6+s0], $0x80, v4, vm0, $0xb8;
	[tilespmem:$0x1E000] =	vst v63  }
0x118: {  	s28 =	simm.s32 $0xF000;
	v3 =	vadd.s32 v1, v3  }
0x119: {  	[tilespmem:s28], [sflag:$0x3] =	stream.indirect_vreg.gather [hbm4b:s7+s0], $0x80, v4, vm0, $0xb8;
	[tilespmem:$0x1E000] =	vst v63  }
0x11a: {  	s8 =	simm.s32 $0xF800  }
0x11b: {  	[tilespmem:s8], [sflag:$0x3] =	stream.indirect_vreg.gather [hbm4b:s9+s0], $0x80, v4, vm0, $0xb8;
	[tilespmem:$0x1E000] =	vst v63  }
0x11c: {  	s12 =	simm.s32 $0x10000  }
0x11d: {  	[tilespmem:s12], [sflag:$0x3] =	stream.indirect_vreg.gather [hbm4b:s3+s0], $0x80, v3, vm0, $0xb8;
	[tilespmem:$0x1E000] =	vst v63  }
0x11e: {  	s15 =	simm.s32 $0x10800  }
0x11f: {  	[tilespmem:s15], [sflag:$0x3] =	stream.indirect_vreg.gather [hbm4b:s6+s0], $0x80, v3, vm0, $0xb8;
	[tilespmem:$0x1E000] =	vst v63  }
0x120: {  	s28 =	simm.s32 $0x11000  }
0x121: {  	[tilespmem:s28], [sflag:$0x3] =	stream.indirect_vreg.gather [hbm4b:s7+s0], $0x80, v3, vm0, $0xb8;
	[tilespmem:$0x1E000] =	vst v63  }
0x122: {  	s8 =	simm.s32 $0x11800;
	s28 =	simm.s32 $0x6  }
0x123: {  	[tilespmem:s8], [sflag:$0x3] =	stream.indirect_vreg.gather [hbm4b:s9+s0], $0x80, v3, vm0, $0xb8;
	[tilespmem:$0x1E000] =	vst v63  }
0x124: {  	_ =	swait.ge [sflag:s28], $0x4000  }
0x125: {  	[sflag:s28] =	ssyncset.done $0x0  }
0x126: {  	s8 =	simm.s32 $0xA;
	s12 =	rddreg [dreg:$0xa];
	[sflag:s28] =	ssyncadd.s32 $0xFFFFC000  }
0x127: {  	[hbm4b:s12+s0] =	stream.linear.scatter [tilespmem:s18], [sflag:$0xC], $0x4000, $0x38;
	[tilespmem:$0x1E000] =	vst v63  }
0x128: {  	_ =	swait.ge [sflag:s8], $0x4000  }
0x129: {  	[sflag:s8] =	ssyncset.done $0x0  }
0x12a: {  	[sflag:s8] =	ssyncadd.s32 $0xFFFFC000  }
0x12b: {  	v3 =	vld [tilespmem:$0x1480];
	_ =	sdelay $0x4  }
0x12c: {  	v41 =	vshll.u32 v3, $0x3  }
0x12d: {  	v3 =	vand.u32 $0x7, v3;
	v4 =	vand.u32 $0xFFFFFFC0, v41  }
0x12e: {  	v3 =	vor.u32 v3, v4  }
0x12f: {  	v4 =	vperm.xlane v3, v0;
	_ =	sdelay $0x1  }
0x130: {  	v4 =	vadd.s32 v1, v4;
	_ =	sdelay $0x4  }
0x131: {  	[tilespmem:s16], [sflag:$0x4] =	stream.indirect_vreg.gather [hbm4b:s3+s0], $0x80, v4, vm0, $0xb8;
	[tilespmem:$0x1E000] =	vst v63  }
0x132: {  	s15 =	simm.s32 $0x12800;
	v3 =	vperm.xlane v3, v2  }
0x133: {  	[tilespmem:s15], [sflag:$0x4] =	stream.indirect_vreg.gather [hbm4b:s6+s0], $0x80, v4, vm0, $0xb8;
	[tilespmem:$0x1E000] =	vst v63  }
0x134: {  	s12 =	simm.s32 $0x13000;
	v3 =	vadd.s32 v1, v3  }
0x135: {  	[tilespmem:s12], [sflag:$0x4] =	stream.indirect_vreg.gather [hbm4b:s7+s0], $0x80, v4, vm0, $0xb8;
	[tilespmem:$0x1E000] =	vst v63  }
0x136: {  	s15 =	simm.s32 $0x13800  }
0x137: {  	[tilespmem:s15], [sflag:$0x4] =	stream.indirect_vreg.gather [hbm4b:s9+s0], $0x80, v4, vm0, $0xb8;
	[tilespmem:$0x1E000] =	vst v63  }
0x138: {  	s12 =	simm.s32 $0x14000  }
0x139: {  	[tilespmem:s12], [sflag:$0x4] =	stream.indirect_vreg.gather [hbm4b:s3+s0], $0x80, v3, vm0, $0xb8;
	[tilespmem:$0x1E000] =	vst v63  }
0x13a: {  	s15 =	simm.s32 $0x14800  }
0x13b: {  	[tilespmem:s15], [sflag:$0x4] =	stream.indirect_vreg.gather [hbm4b:s6+s0], $0x80, v3, vm0, $0xb8;
	[tilespmem:$0x1E000] =	vst v63  }
0x13c: {  	s12 =	simm.s32 $0x15000  }
0x13d: {  	[tilespmem:s12], [sflag:$0x4] =	stream.indirect_vreg.gather [hbm4b:s7+s0], $0x80, v3, vm0, $0xb8;
	[tilespmem:$0x1E000] =	vst v63  }
0x13e: {  	s15 =	simm.s32 $0x15800  }
0x13f: {  	[tilespmem:s15], [sflag:$0x4] =	stream.indirect_vreg.gather [hbm4b:s9+s0], $0x80, v3, vm0, $0xb8;
	[tilespmem:$0x1E000] =	vst v63  }
0x140: {  	_ =	swait.ge [sflag:s13], $0x4000  }
0x141: {  	[sflag:s13] =	ssyncset.done $0x0  }
0x142: {  	s12 =	rddreg [dreg:$0xb];
	[sflag:s13] =	ssyncadd.s32 $0xFFFFC000  }
0x143: {  	[hbm4b:s12+s0] =	stream.linear.scatter [tilespmem:s30], [sflag:$0x7], $0x4000, $0x38;
	[tilespmem:$0x1E000] =	vst v63  }
0x144: {  	s12 =	simm.s32 $0xB  }
0x145: {  	_ =	swait.ge [sflag:s12], $0x4000  }
0x146: {  	[sflag:s12] =	ssyncset.done $0x0  }
0x147: {  	[sflag:s12] =	ssyncadd.s32 $0xFFFFC000  }
0x148: {  	v3 =	vld [tilespmem:$0x1500];
	_ =	sdelay $0x4  }
0x149: {  	v42 =	vshll.u32 v3, $0x3  }
0x14a: {  	v3 =	vand.u32 $0x7, v3;
	v4 =	vand.u32 $0xFFFFFFC0, v42  }
0x14b: {  	v3 =	vor.u32 v3, v4  }
0x14c: {  	v4 =	vperm.xlane v3, v0;
	_ =	sdelay $0x1  }
0x14d: {  	v4 =	vadd.s32 v1, v4;
	_ =	sdelay $0x4  }
0x14e: {  	[tilespmem:s19], [sflag:$0x5] =	stream.indirect_vreg.gather [hbm4b:s3+s0], $0x80, v4, vm0, $0xb8;
	[tilespmem:$0x1E000] =	vst v63  }
0x14f: {  	s15 =	simm.s32 $0x16800;
	v3 =	vperm.xlane v3, v2  }
0x150: {  	[tilespmem:s15], [sflag:$0x5] =	stream.indirect_vreg.gather [hbm4b:s6+s0], $0x80, v4, vm0, $0xb8;
	[tilespmem:$0x1E000] =	vst v63  }
0x151: {  	v3 =	vadd.s32 v1, v3;
	s15 =	simm.s32 $0x17000  }
0x152: {  	[tilespmem:s15], [sflag:$0x5] =	stream.indirect_vreg.gather [hbm4b:s7+s0], $0x80, v4, vm0, $0xb8;
	[tilespmem:$0x1E000] =	vst v63  }
0x153: {  	s15 =	simm.s32 $0x17800  }
0x154: {  	[tilespmem:s15], [sflag:$0x5] =	stream.indirect_vreg.gather [hbm4b:s9+s0], $0x80, v4, vm0, $0xb8;
	[tilespmem:$0x1E000] =	vst v63  }
0x155: {  	s15 =	simm.s32 $0x18000  }
0x156: {  	[tilespmem:s15], [sflag:$0x5] =	stream.indirect_vreg.gather [hbm4b:s3+s0], $0x80, v3, vm0, $0xb8;
	[tilespmem:$0x1E000] =	vst v63  }
0x157: {  	s15 =	simm.s32 $0x18800  }
0x158: {  	[tilespmem:s15], [sflag:$0x5] =	stream.indirect_vreg.gather [hbm4b:s6+s0], $0x80, v3, vm0, $0xb8;
	[tilespmem:$0x1E000] =	vst v63  }
0x159: {  	s15 =	simm.s32 $0x19000  }
0x15a: {  	[tilespmem:s15], [sflag:$0x5] =	stream.indirect_vreg.gather [hbm4b:s7+s0], $0x80, v3, vm0, $0xb8;
	[tilespmem:$0x1E000] =	vst v63  }
0x15b: {  	s15 =	simm.s32 $0x19800  }
0x15c: {  	[tilespmem:s15], [sflag:$0x5] =	stream.indirect_vreg.gather [hbm4b:s9+s0], $0x80, v3, vm0, $0xb8;
	[tilespmem:$0x1E000] =	vst v63  }
0x15d: {  	_ =	swait.ge [sflag:s17], $0x4000  }
0x15e: {  	[sflag:s17] =	ssyncset.done $0x0  }
0x15f: {  	s15 =	rddreg [dreg:$0xc];
	[sflag:s17] =	ssyncadd.s32 $0xFFFFC000  }
0x160: {  	[hbm4b:s15+s0] =	stream.linear.scatter [tilespmem:s31], [sflag:$0x8], $0x4000, $0x38;
	[tilespmem:$0x1E000] =	vst v63  }
0x161: {  	s15 =	simm.s32 $0xC  }
0x162: {  	_ =	swait.ge [sflag:s15], $0x4000  }
0x163: {  	[sflag:s15] =	ssyncset.done $0x0  }
0x164: {  	[sflag:s15] =	ssyncadd.s32 $0xFFFFC000  }
0x165: {  	v3 =	vld [tilespmem:$0x1580];
	_ =	sdelay $0x4  }
0x166: {  	v43 =	vshll.u32 v3, $0x3  }
0x167: {  	v3 =	vand.u32 $0x7, v3;
	v4 =	vand.u32 $0xFFFFFFC0, v43  }
0x168: {  	v3 =	vor.u32 v3, v4  }
0x169: {  	v4 =	vperm.xlane v3, v0;
	_ =	sdelay $0x1  }
0x16a: {  	v4 =	vadd.s32 v1, v4;
	_ =	sdelay $0x4  }
0x16b: {  	[tilespmem:s18], [sflag:$0x6] =	stream.indirect_vreg.gather [hbm4b:s3+s0], $0x80, v4, vm0, $0xb8;
	[tilespmem:$0x1E000] =	vst v63  }
0x16c: {  	s1 =	simm.s32 $0x1A800;
	v3 =	vperm.xlane v3, v2  }
0x16d: {  	[tilespmem:s1], [sflag:$0x6] =	stream.indirect_vreg.gather [hbm4b:s6+s0], $0x80, v4, vm0, $0xb8;
	[tilespmem:$0x1E000] =	vst v63  }
0x16e: {  	v3 =	vadd.s32 v1, v3;
	s1 =	simm.s32 $0x1B000  }
0x16f: {  	[tilespmem:s1], [sflag:$0x6] =	stream.indirect_vreg.gather [hbm4b:s7+s0], $0x80, v4, vm0, $0xb8;
	[tilespmem:$0x1E000] =	vst v63  }
0x170: {  	s1 =	simm.s32 $0x1B800  }
0x171: {  	[tilespmem:s1], [sflag:$0x6] =	stream.indirect_vreg.gather [hbm4b:s9+s0], $0x80, v4, vm0, $0xb8;
	[tilespmem:$0x1E000] =	vst v63  }
0x172: {  	s1 =	simm.s32 $0x1C000  }
0x173: {  	[tilespmem:s1], [sflag:$0x6] =	stream.indirect_vreg.gather [hbm4b:s3+s0], $0x80, v3, vm0, $0xb8;
	[tilespmem:$0x1E000] =	vst v63  }
0x174: {  	s1 =	simm.s32 $0x1C800  }
0x175: {  	[tilespmem:s1], [sflag:$0x6] =	stream.indirect_vreg.gather [hbm4b:s6+s0], $0x80, v3, vm0, $0xb8;
	[tilespmem:$0x1E000] =	vst v63  }
0x176: {  	s1 =	simm.s32 $0x1D000  }
0x177: {  	[tilespmem:s1], [sflag:$0x6] =	stream.indirect_vreg.gather [hbm4b:s7+s0], $0x80, v3, vm0, $0xb8;
	[tilespmem:$0x1E000] =	vst v63  }
0x178: {  	s1 =	simm.s32 $0x1D800  }
0x179: {  	[tilespmem:s1], [sflag:$0x6] =	stream.indirect_vreg.gather [hbm4b:s9+s0], $0x80, v3, vm0, $0xb8;
	[tilespmem:$0x1E000] =	vst v63  }
0x17a: {  	_ =	swait.ge [sflag:s21], $0x4000  }
0x17b: {  	[sflag:s21] =	ssyncset.done $0x0  }
0x17c: {  	s1 =	rddreg [dreg:$0xd];
	[sflag:s21] =	ssyncadd.s32 $0xFFFFC000  }
0x17d: {  	[hbm4b:s1+s0] =	stream.linear.scatter [tilespmem:s2], [sflag:$0x9], $0x4000, $0x38;
	[tilespmem:$0x1E000] =	vst v63  }
0x17e: {  	_ =	swait.ge [sflag:s20], $0x4000  }
0x17f: {  	[sflag:s20] =	ssyncset.done $0x0  }
0x180: {  	[sflag:s20] =	ssyncadd.s32 $0xFFFFC000  }
0x181: {  	v3 =	vld [tilespmem:$0x1600];
	_ =	sdelay $0x4  }
0x182: {  	v44 =	vshll.u32 v3, $0x3  }
0x183: {  	v3 =	vand.u32 $0x7, v3;
	v4 =	vand.u32 $0xFFFFFFC0, v44  }
0x184: {  	v3 =	vor.u32 v3, v4  }
0x185: {  	v4 =	vperm.xlane v3, v0;
	_ =	sdelay $0x1  }
0x186: {  	v4 =	vadd.s32 v1, v4;
	_ =	sdelay $0x4  }
0x187: {  	[tilespmem:s30], [sflag:$0x1] =	stream.indirect_vreg.gather [hbm4b:s3+s0], $0x80, v4, vm0, $0xb8;
	[tilespmem:$0x1E000] =	vst v63  }
0x188: {  	s1 =	simm.s32 $0x6800;
	v3 =	vperm.xlane v3, v2  }
0x189: {  	[tilespmem:s1], [sflag:$0x1] =	stream.indirect_vreg.gather [hbm4b:s6+s0], $0x80, v4, vm0, $0xb8;
	[tilespmem:$0x1E000] =	vst v63  }
0x18a: {  	v3 =	vadd.s32 v1, v3;
	s1 =	simm.s32 $0x7000  }
0x18b: {  	[tilespmem:s1], [sflag:$0x1] =	stream.indirect_vreg.gather [hbm4b:s7+s0], $0x80, v4, vm0, $0xb8;
	[tilespmem:$0x1E000] =	vst v63  }
0x18c: {  	s1 =	simm.s32 $0x7800  }
0x18d: {  	[tilespmem:s1], [sflag:$0x1] =	stream.indirect_vreg.gather [hbm4b:s9+s0], $0x80, v4, vm0, $0xb8;
	[tilespmem:$0x1E000] =	vst v63  }
0x18e: {  	s1 =	simm.s32 $0x8000  }
0x18f: {  	[tilespmem:s1], [sflag:$0x1] =	stream.indirect_vreg.gather [hbm4b:s3+s0], $0x80, v3, vm0, $0xb8;
	[tilespmem:$0x1E000] =	vst v63  }
0x190: {  	s1 =	simm.s32 $0x8800  }
0x191: {  	[tilespmem:s1], [sflag:$0x1] =	stream.indirect_vreg.gather [hbm4b:s6+s0], $0x80, v3, vm0, $0xb8;
	[tilespmem:$0x1E000] =	vst v63  }
0x192: {  	s1 =	simm.s32 $0x9000  }
0x193: {  	[tilespmem:s1], [sflag:$0x1] =	stream.indirect_vreg.gather [hbm4b:s7+s0], $0x80, v3, vm0, $0xb8;
	[tilespmem:$0x1E000] =	vst v63  }
0x194: {  	s1 =	simm.s32 $0x9800  }
0x195: {  	[tilespmem:s1], [sflag:$0x1] =	stream.indirect_vreg.gather [hbm4b:s9+s0], $0x80, v3, vm0, $0xb8;
	[tilespmem:$0x1E000] =	vst v63  }
0x196: {  	_ =	swait.ge [sflag:s24], $0x4000  }
0x197: {  	[sflag:s24] =	ssyncset.done $0x0  }
0x198: {  	s1 =	rddreg [dreg:$0xe];
	[sflag:s24] =	ssyncadd.s32 $0xFFFFC000  }
0x199: {  	[hbm4b:s1+s0] =	stream.linear.scatter [tilespmem:s16], [sflag:$0xA], $0x4000, $0x38;
	[tilespmem:$0x1E000] =	vst v63  }
0x19a: {  	_ =	swait.ge [sflag:s14], $0x4000  }
0x19b: {  	[sflag:s14] =	ssyncset.done $0x0  }
0x19c: {  	[sflag:s14] =	ssyncadd.s32 $0xFFFFC000  }
0x19d: {  	v3 =	vld [tilespmem:$0x1680];
	_ =	sdelay $0x4  }
0x19e: {  	v45 =	vshll.u32 v3, $0x3  }
0x19f: {  	v3 =	vand.u32 $0x7, v3;
	v4 =	vand.u32 $0xFFFFFFC0, v45  }
0x1a0: {  	v3 =	vor.u32 v3, v4  }
0x1a1: {  	v4 =	vperm.xlane v3, v0;
	_ =	sdelay $0x1  }
0x1a2: {  	v4 =	vadd.s32 v1, v4;
	_ =	sdelay $0x4  }
0x1a3: {  	[tilespmem:s31], [sflag:$0x2] =	stream.indirect_vreg.gather [hbm4b:s3+s0], $0x80, v4, vm0, $0xb8;
	[tilespmem:$0x1E000] =	vst v63  }
0x1a4: {  	s1 =	simm.s32 $0xA800;
	v3 =	vperm.xlane v3, v2  }
0x1a5: {  	[tilespmem:s1], [sflag:$0x2] =	stream.indirect_vreg.gather [hbm4b:s6+s0], $0x80, v4, vm0, $0xb8;
	[tilespmem:$0x1E000] =	vst v63  }
0x1a6: {  	s4 =	simm.s32 $0xB000;
	v3 =	vadd.s32 v1, v3  }
0x1a7: {  	[tilespmem:s4], [sflag:$0x2] =	stream.indirect_vreg.gather [hbm4b:s7+s0], $0x80, v4, vm0, $0xb8;
	[tilespmem:$0x1E000] =	vst v63  }
0x1a8: {  	s5 =	simm.s32 $0xB800  }
0x1a9: {  	[tilespmem:s5], [sflag:$0x2] =	stream.indirect_vreg.gather [hbm4b:s9+s0], $0x80, v4, vm0, $0xb8;
	[tilespmem:$0x1E000] =	vst v63  }
0x1aa: {  	s10 =	simm.s32 $0xC000  }
0x1ab: {  	[tilespmem:s10], [sflag:$0x2] =	stream.indirect_vreg.gather [hbm4b:s3+s0], $0x80, v3, vm0, $0xb8;
	[tilespmem:$0x1E000] =	vst v63  }
0x1ac: {  	s11 =	simm.s32 $0xC800  }
0x1ad: {  	[tilespmem:s11], [sflag:$0x2] =	stream.indirect_vreg.gather [hbm4b:s6+s0], $0x80, v3, vm0, $0xb8;
	[tilespmem:$0x1E000] =	vst v63  }
0x1ae: {  	s29 =	simm.s32 $0xD000  }
0x1af: {  	[tilespmem:s29], [sflag:$0x2] =	stream.indirect_vreg.gather [hbm4b:s7+s0], $0x80, v3, vm0, $0xb8;
	[tilespmem:$0x1E000] =	vst v63  }
0x1b0: {  	s11 =	simm.s32 $0xD800  }
0x1b1: {  	[tilespmem:s11], [sflag:$0x2] =	stream.indirect_vreg.gather [hbm4b:s9+s0], $0x80, v3, vm0, $0xb8;
	[tilespmem:$0x1E000] =	vst v63  }
0x1b2: {  	_ =	swait.ge [sflag:s25], $0x4000  }
0x1b3: {  	[sflag:s25] =	ssyncset.done $0x0  }
0x1b4: {  	s1 =	rddreg [dreg:$0xf];
	[sflag:s25] =	ssyncadd.s32 $0xFFFFC000  }
0x1b5: {  	[hbm4b:s1+s0] =	stream.linear.scatter [tilespmem:s19], [sflag:$0xB], $0x4000, $0x38;
	[tilespmem:$0x1E000] =	vst v63  }
0x1b6: {  	_ =	swait.ge [sflag:s26], $0x4000  }
0x1b7: {  	[sflag:s26] =	ssyncset.done $0x0  }
0x1b8: {  	[sflag:s26] =	ssyncadd.s32 $0xFFFFC000  }
0x1b9: {  	v3 =	vld [tilespmem:$0x1700];
	_ =	sdelay $0x4  }
0x1ba: {  	v46 =	vshll.u32 v3, $0x3  }
0x1bb: {  	v3 =	vand.u32 $0x7, v3;
	v4 =	vand.u32 $0xFFFFFFC0, v46  }
0x1bc: {  	v3 =	vor.u32 v3, v4  }
0x1bd: {  	v4 =	vperm.xlane v3, v0;
	_ =	sdelay $0x1  }
0x1be: {  	v4 =	vadd.s32 v1, v4;
	_ =	sdelay $0x4  }
0x1bf: {  	[tilespmem:s2], [sflag:$0x3] =	stream.indirect_vreg.gather [hbm4b:s3+s0], $0x80, v4, vm0, $0xb8;
	[tilespmem:$0x1E000] =	vst v63  }
0x1c0: {  	s1 =	simm.s32 $0xE800;
	v3 =	vperm.xlane v3, v2  }
0x1c1: {  	[tilespmem:s1], [sflag:$0x3] =	stream.indirect_vreg.gather [hbm4b:s6+s0], $0x80, v4, vm0, $0xb8;
	[tilespmem:$0x1E000] =	vst v63  }
0x1c2: {  	v3 =	vadd.s32 v1, v3;
	s1 =	simm.s32 $0xF000  }
0x1c3: {  	[tilespmem:s1], [sflag:$0x3] =	stream.indirect_vreg.gather [hbm4b:s7+s0], $0x80, v4, vm0, $0xb8;
	[tilespmem:$0x1E000] =	vst v63  }
0x1c4: {  	s1 =	simm.s32 $0xF800  }
0x1c5: {  	[tilespmem:s1], [sflag:$0x3] =	stream.indirect_vreg.gather [hbm4b:s9+s0], $0x80, v4, vm0, $0xb8;
	[tilespmem:$0x1E000] =	vst v63  }
0x1c6: {  	s1 =	simm.s32 $0x10000  }
0x1c7: {  	[tilespmem:s1], [sflag:$0x3] =	stream.indirect_vreg.gather [hbm4b:s3+s0], $0x80, v3, vm0, $0xb8;
	[tilespmem:$0x1E000] =	vst v63  }
0x1c8: {  	s1 =	simm.s32 $0x10800  }
0x1c9: {  	[tilespmem:s1], [sflag:$0x3] =	stream.indirect_vreg.gather [hbm4b:s6+s0], $0x80, v3, vm0, $0xb8;
	[tilespmem:$0x1E000] =	vst v63  }
0x1ca: {  	s1 =	simm.s32 $0x11000  }
0x1cb: {  	[tilespmem:s1], [sflag:$0x3] =	stream.indirect_vreg.gather [hbm4b:s7+s0], $0x80, v3, vm0, $0xb8;
	[tilespmem:$0x1E000] =	vst v63  }
0x1cc: {  	s1 =	simm.s32 $0x11800  }
0x1cd: {  	[tilespmem:s1], [sflag:$0x3] =	stream.indirect_vreg.gather [hbm4b:s9+s0], $0x80, v3, vm0, $0xb8;
	[tilespmem:$0x1E000] =	vst v63  }
0x1ce: {  	_ =	swait.ge [sflag:s28], $0x4000  }
0x1cf: {  	[sflag:s28] =	ssyncset.done $0x0  }
0x1d0: {  	s1 =	rddreg [dreg:$0x10];
	[sflag:s28] =	ssyncadd.s32 $0xFFFFC000  }
0x1d1: {  	[hbm4b:s1+s0] =	stream.linear.scatter [tilespmem:s18], [sflag:$0xC], $0x4000, $0x38;
	[tilespmem:$0x1E000] =	vst v63  }
0x1d2: {  	_ =	swait.ge [sflag:s8], $0x4000  }
0x1d3: {  	[sflag:s8] =	ssyncset.done $0x0  }
0x1d4: {  	[sflag:s8] =	ssyncadd.s32 $0xFFFFC000  }
0x1d5: {  	v3 =	vld [tilespmem:$0x1780];
	_ =	sdelay $0x4  }
0x1d6: {  	v47 =	vshll.u32 v3, $0x3  }
0x1d7: {  	v3 =	vand.u32 $0x7, v3;
	v4 =	vand.u32 $0xFFFFFFC0, v47  }
0x1d8: {  	v3 =	vor.u32 v3, v4  }
0x1d9: {  	v4 =	vperm.xlane v3, v0;
	_ =	sdelay $0x1  }
0x1da: {  	v4 =	vadd.s32 v1, v4;
	_ =	sdelay $0x4  }
0x1db: {  	[tilespmem:s16], [sflag:$0x4] =	stream.indirect_vreg.gather [hbm4b:s3+s0], $0x80, v4, vm0, $0xb8;
	[tilespmem:$0x1E000] =	vst v63  }
0x1dc: {  	s1 =	simm.s32 $0x12800;
	v3 =	vperm.xlane v3, v2  }
0x1dd: {  	[tilespmem:s1], [sflag:$0x4] =	stream.indirect_vreg.gather [hbm4b:s6+s0], $0x80, v4, vm0, $0xb8;
	[tilespmem:$0x1E000] =	vst v63  }
0x1de: {  	v3 =	vadd.s32 v1, v3;
	s1 =	simm.s32 $0x13000  }
0x1df: {  	[tilespmem:s1], [sflag:$0x4] =	stream.indirect_vreg.gather [hbm4b:s7+s0], $0x80, v4, vm0, $0xb8;
	[tilespmem:$0x1E000] =	vst v63  }
0x1e0: {  	s1 =	simm.s32 $0x13800  }
0x1e1: {  	[tilespmem:s1], [sflag:$0x4] =	stream.indirect_vreg.gather [hbm4b:s9+s0], $0x80, v4, vm0, $0xb8;
	[tilespmem:$0x1E000] =	vst v63  }
0x1e2: {  	s1 =	simm.s32 $0x14000  }
0x1e3: {  	[tilespmem:s1], [sflag:$0x4] =	stream.indirect_vreg.gather [hbm4b:s3+s0], $0x80, v3, vm0, $0xb8;
	[tilespmem:$0x1E000] =	vst v63  }
0x1e4: {  	s1 =	simm.s32 $0x14800  }
0x1e5: {  	[tilespmem:s1], [sflag:$0x4] =	stream.indirect_vreg.gather [hbm4b:s6+s0], $0x80, v3, vm0, $0xb8;
	[tilespmem:$0x1E000] =	vst v63  }
0x1e6: {  	s1 =	simm.s32 $0x15000  }
0x1e7: {  	[tilespmem:s1], [sflag:$0x4] =	stream.indirect_vreg.gather [hbm4b:s7+s0], $0x80, v3, vm0, $0xb8;
	[tilespmem:$0x1E000] =	vst v63  }
0x1e8: {  	s1 =	simm.s32 $0x15800  }
0x1e9: {  	[tilespmem:s1], [sflag:$0x4] =	stream.indirect_vreg.gather [hbm4b:s9+s0], $0x80, v3, vm0, $0xb8;
	[tilespmem:$0x1E000] =	vst v63  }
0x1ea: {  	_ =	swait.ge [sflag:s13], $0x4000  }
0x1eb: {  	[sflag:s13] =	ssyncset.done $0x0  }
0x1ec: {  	s1 =	rddreg [dreg:$0x11];
	[sflag:s13] =	ssyncadd.s32 $0xFFFFC000  }
0x1ed: {  	[hbm4b:s1+s0] =	stream.linear.scatter [tilespmem:s30], [sflag:$0x7], $0x4000, $0x38;
	[tilespmem:$0x1E000] =	vst v63  }
0x1ee: {  	_ =	swait.ge [sflag:s12], $0x4000  }
0x1ef: {  	[sflag:s12] =	ssyncset.done $0x0  }
0x1f0: {  	[sflag:s12] =	ssyncadd.s32 $0xFFFFC000  }
0x1f1: {  	v3 =	vld [tilespmem:$0x1800];
	_ =	sdelay $0x4  }
0x1f2: {  	v48 =	vshll.u32 v3, $0x3  }
0x1f3: {  	v3 =	vand.u32 $0x7, v3;
	v4 =	vand.u32 $0xFFFFFFC0, v48  }
0x1f4: {  	v3 =	vor.u32 v3, v4  }
0x1f5: {  	v4 =	vperm.xlane v3, v0;
	_ =	sdelay $0x1  }
0x1f6: {  	v4 =	vadd.s32 v1, v4;
	_ =	sdelay $0x4  }
0x1f7: {  	[tilespmem:s19], [sflag:$0x5] =	stream.indirect_vreg.gather [hbm4b:s3+s0], $0x80, v4, vm0, $0xb8;
	[tilespmem:$0x1E000] =	vst v63  }
0x1f8: {  	s1 =	simm.s32 $0x16800;
	v3 =	vperm.xlane v3, v2  }
0x1f9: {  	[tilespmem:s1], [sflag:$0x5] =	stream.indirect_vreg.gather [hbm4b:s6+s0], $0x80, v4, vm0, $0xb8;
	[tilespmem:$0x1E000] =	vst v63  }
0x1fa: {  	v3 =	vadd.s32 v1, v3;
	s1 =	simm.s32 $0x17000  }
0x1fb: {  	[tilespmem:s1], [sflag:$0x5] =	stream.indirect_vreg.gather [hbm4b:s7+s0], $0x80, v4, vm0, $0xb8;
	[tilespmem:$0x1E000] =	vst v63  }
0x1fc: {  	s1 =	simm.s32 $0x17800  }
0x1fd: {  	[tilespmem:s1], [sflag:$0x5] =	stream.indirect_vreg.gather [hbm4b:s9+s0], $0x80, v4, vm0, $0xb8;
	[tilespmem:$0x1E000] =	vst v63  }
0x1fe: {  	s1 =	simm.s32 $0x18000  }
0x1ff: {  	[tilespmem:s1], [sflag:$0x5] =	stream.indirect_vreg.gather [hbm4b:s3+s0], $0x80, v3, vm0, $0xb8;
	[tilespmem:$0x1E000] =	vst v63  }
0x200: {  	s1 =	simm.s32 $0x18800  }
0x201: {  	[tilespmem:s1], [sflag:$0x5] =	stream.indirect_vreg.gather [hbm4b:s6+s0], $0x80, v3, vm0, $0xb8;
	[tilespmem:$0x1E000] =	vst v63  }
0x202: {  	s1 =	simm.s32 $0x19000  }
0x203: {  	[tilespmem:s1], [sflag:$0x5] =	stream.indirect_vreg.gather [hbm4b:s7+s0], $0x80, v3, vm0, $0xb8;
	[tilespmem:$0x1E000] =	vst v63  }
0x204: {  	s1 =	simm.s32 $0x19800  }
0x205: {  	[tilespmem:s1], [sflag:$0x5] =	stream.indirect_vreg.gather [hbm4b:s9+s0], $0x80, v3, vm0, $0xb8;
	[tilespmem:$0x1E000] =	vst v63  }
0x206: {  	_ =	swait.ge [sflag:s17], $0x4000  }
0x207: {  	[sflag:s17] =	ssyncset.done $0x0  }
0x208: {  	s1 =	rddreg [dreg:$0x12];
	[sflag:s17] =	ssyncadd.s32 $0xFFFFC000  }
0x209: {  	[hbm4b:s1+s0] =	stream.linear.scatter [tilespmem:s31], [sflag:$0x8], $0x4000, $0x38;
	[tilespmem:$0x1E000] =	vst v63  }
0x20a: {  	_ =	swait.ge [sflag:s15], $0x4000  }
0x20b: {  	[sflag:s15] =	ssyncset.done $0x0  }
0x20c: {  	[sflag:s15] =	ssyncadd.s32 $0xFFFFC000  }
0x20d: {  	v3 =	vld [tilespmem:$0x1880];
	_ =	sdelay $0x4  }
0x20e: {  	v49 =	vshll.u32 v3, $0x3  }
0x20f: {  	v3 =	vand.u32 $0x7, v3;
	v4 =	vand.u32 $0xFFFFFFC0, v49  }
0x210: {  	v3 =	vor.u32 v3, v4  }
0x211: {  	v4 =	vperm.xlane v3, v0;
	_ =	sdelay $0x1  }
0x212: {  	v4 =	vadd.s32 v1, v4;
	_ =	sdelay $0x4  }
0x213: {  	[tilespmem:s18], [sflag:$0x6] =	stream.indirect_vreg.gather [hbm4b:s3+s0], $0x80, v4, vm0, $0xb8;
	[tilespmem:$0x1E000] =	vst v63  }
0x214: {  	s1 =	simm.s32 $0x1A800;
	v3 =	vperm.xlane v3, v2  }
0x215: {  	[tilespmem:s1], [sflag:$0x6] =	stream.indirect_vreg.gather [hbm4b:s6+s0], $0x80, v4, vm0, $0xb8;
	[tilespmem:$0x1E000] =	vst v63  }
0x216: {  	v3 =	vadd.s32 v1, v3;
	s1 =	simm.s32 $0x1B000  }
0x217: {  	[tilespmem:s1], [sflag:$0x6] =	stream.indirect_vreg.gather [hbm4b:s7+s0], $0x80, v4, vm0, $0xb8;
	[tilespmem:$0x1E000] =	vst v63  }
0x218: {  	s1 =	simm.s32 $0x1B800  }
0x219: {  	[tilespmem:s1], [sflag:$0x6] =	stream.indirect_vreg.gather [hbm4b:s9+s0], $0x80, v4, vm0, $0xb8;
	[tilespmem:$0x1E000] =	vst v63  }
0x21a: {  	s1 =	simm.s32 $0x1C000  }
0x21b: {  	[tilespmem:s1], [sflag:$0x6] =	stream.indirect_vreg.gather [hbm4b:s3+s0], $0x80, v3, vm0, $0xb8;
	[tilespmem:$0x1E000] =	vst v63  }
0x21c: {  	s1 =	simm.s32 $0x1C800  }
0x21d: {  	[tilespmem:s1], [sflag:$0x6] =	stream.indirect_vreg.gather [hbm4b:s6+s0], $0x80, v3, vm0, $0xb8;
	[tilespmem:$0x1E000] =	vst v63  }
0x21e: {  	s1 =	simm.s32 $0x1D000  }
0x21f: {  	[tilespmem:s1], [sflag:$0x6] =	stream.indirect_vreg.gather [hbm4b:s7+s0], $0x80, v3, vm0, $0xb8;
	[tilespmem:$0x1E000] =	vst v63  }
0x220: {  	s1 =	simm.s32 $0x1D800  }
0x221: {  	[tilespmem:s1], [sflag:$0x6] =	stream.indirect_vreg.gather [hbm4b:s9+s0], $0x80, v3, vm0, $0xb8;
	[tilespmem:$0x1E000] =	vst v63  }
0x222: {  	_ =	swait.ge [sflag:s21], $0x4000  }
0x223: {  	[sflag:s21] =	ssyncset.done $0x0  }
0x224: {  	s1 =	rddreg [dreg:$0x14];
	[sflag:s21] =	ssyncadd.s32 $0xFFFFC000  }
0x225: {  	[hbm4b:s1+s0] =	stream.linear.scatter [tilespmem:s2], [sflag:$0x9], $0x4000, $0x38;
	[tilespmem:$0x1E000] =	vst v63  }
0x226: {  	_ =	swait.ge [sflag:s20], $0x4000  }
0x227: {  	[sflag:s20] =	ssyncset.done $0x0  }
0x228: {  	[sflag:s20] =	ssyncadd.s32 $0xFFFFC000  }
0x229: {  	v3 =	vld [tilespmem:$0x1900];
	_ =	sdelay $0x4  }
0x22a: {  	v50 =	vshll.u32 v3, $0x3  }
0x22b: {  	v3 =	vand.u32 $0x7, v3;
	v4 =	vand.u32 $0xFFFFFFC0, v50  }
0x22c: {  	v3 =	vor.u32 v3, v4  }
0x22d: {  	v4 =	vperm.xlane v3, v0;
	_ =	sdelay $0x1  }
0x22e: {  	v4 =	vadd.s32 v1, v4;
	_ =	sdelay $0x4  }
0x22f: {  	[tilespmem:s30], [sflag:$0x1] =	stream.indirect_vreg.gather [hbm4b:s3+s0], $0x80, v4, vm0, $0xb8;
	[tilespmem:$0x1E000] =	vst v63  }
0x230: {  	s1 =	simm.s32 $0x6800;
	v3 =	vperm.xlane v3, v2  }
0x231: {  	[tilespmem:s1], [sflag:$0x1] =	stream.indirect_vreg.gather [hbm4b:s6+s0], $0x80, v4, vm0, $0xb8;
	[tilespmem:$0x1E000] =	vst v63  }
0x232: {  	v3 =	vadd.s32 v1, v3;
	s1 =	simm.s32 $0x7000  }
0x233: {  	[tilespmem:s1], [sflag:$0x1] =	stream.indirect_vreg.gather [hbm4b:s7+s0], $0x80, v4, vm0, $0xb8;
	[tilespmem:$0x1E000] =	vst v63  }
0x234: {  	s1 =	simm.s32 $0x7800  }
0x235: {  	[tilespmem:s1], [sflag:$0x1] =	stream.indirect_vreg.gather [hbm4b:s9+s0], $0x80, v4, vm0, $0xb8;
	[tilespmem:$0x1E000] =	vst v63  }
0x236: {  	s1 =	simm.s32 $0x8000  }
0x237: {  	[tilespmem:s1], [sflag:$0x1] =	stream.indirect_vreg.gather [hbm4b:s3+s0], $0x80, v3, vm0, $0xb8;
	[tilespmem:$0x1E000] =	vst v63  }
0x238: {  	s1 =	simm.s32 $0x8800  }
0x239: {  	[tilespmem:s1], [sflag:$0x1] =	stream.indirect_vreg.gather [hbm4b:s6+s0], $0x80, v3, vm0, $0xb8;
	[tilespmem:$0x1E000] =	vst v63  }
0x23a: {  	s1 =	simm.s32 $0x9000  }
0x23b: {  	[tilespmem:s1], [sflag:$0x1] =	stream.indirect_vreg.gather [hbm4b:s7+s0], $0x80, v3, vm0, $0xb8;
	[tilespmem:$0x1E000] =	vst v63  }
0x23c: {  	s1 =	simm.s32 $0x9800  }
0x23d: {  	[tilespmem:s1], [sflag:$0x1] =	stream.indirect_vreg.gather [hbm4b:s9+s0], $0x80, v3, vm0, $0xb8;
	[tilespmem:$0x1E000] =	vst v63  }
0x23e: {  	_ =	swait.ge [sflag:s24], $0x4000  }
0x23f: {  	[sflag:s24] =	ssyncset.done $0x0  }
0x240: {  	s1 =	rddreg [dreg:$0x15];
	[sflag:s24] =	ssyncadd.s32 $0xFFFFC000  }
0x241: {  	[hbm4b:s1+s0] =	stream.linear.scatter [tilespmem:s16], [sflag:$0xA], $0x4000, $0x38;
	[tilespmem:$0x1E000] =	vst v63  }
0x242: {  	_ =	swait.ge [sflag:s14], $0x4000  }
0x243: {  	[sflag:s14] =	ssyncset.done $0x0  }
0x244: {  	[sflag:s14] =	ssyncadd.s32 $0xFFFFC000  }
0x245: {  	v3 =	vld [tilespmem:$0x1980];
	_ =	sdelay $0x4  }
0x246: {  	v51 =	vshll.u32 v3, $0x3  }
0x247: {  	v3 =	vand.u32 $0x7, v3;
	v4 =	vand.u32 $0xFFFFFFC0, v51  }
0x248: {  	v3 =	vor.u32 v3, v4  }
0x249: {  	v4 =	vperm.xlane v3, v0;
	_ =	sdelay $0x1  }
0x24a: {  	v4 =	vadd.s32 v1, v4;
	_ =	sdelay $0x4  }
0x24b: {  	[tilespmem:s31], [sflag:$0x2] =	stream.indirect_vreg.gather [hbm4b:s3+s0], $0x80, v4, vm0, $0xb8;
	[tilespmem:$0x1E000] =	vst v63  }
0x24c: {  	s1 =	simm.s32 $0xA800;
	v3 =	vperm.xlane v3, v2  }
0x24d: {  	[tilespmem:s1], [sflag:$0x2] =	stream.indirect_vreg.gather [hbm4b:s6+s0], $0x80, v4, vm0, $0xb8;
	[tilespmem:$0x1E000] =	vst v63  }
0x24e: {  	s4 =	simm.s32 $0xB000;
	v3 =	vadd.s32 v1, v3  }
0x24f: {  	[tilespmem:s4], [sflag:$0x2] =	stream.indirect_vreg.gather [hbm4b:s7+s0], $0x80, v4, vm0, $0xb8;
	[tilespmem:$0x1E000] =	vst v63  }
0x250: {  	s5 =	simm.s32 $0xB800  }
0x251: {  	[tilespmem:s5], [sflag:$0x2] =	stream.indirect_vreg.gather [hbm4b:s9+s0], $0x80, v4, vm0, $0xb8;
	[tilespmem:$0x1E000] =	vst v63  }
0x252: {  	s10 =	simm.s32 $0xC000  }
0x253: {  	[tilespmem:s10], [sflag:$0x2] =	stream.indirect_vreg.gather [hbm4b:s3+s0], $0x80, v3, vm0, $0xb8;
	[tilespmem:$0x1E000] =	vst v63  }
0x254: {  	s10 =	simm.s32 $0xC800  }
0x255: {  	[tilespmem:s10], [sflag:$0x2] =	stream.indirect_vreg.gather [hbm4b:s6+s0], $0x80, v3, vm0, $0xb8;
	[tilespmem:$0x1E000] =	vst v63  }
0x256: {  	s29 =	simm.s32 $0xD000  }
0x257: {  	[tilespmem:s29], [sflag:$0x2] =	stream.indirect_vreg.gather [hbm4b:s7+s0], $0x80, v3, vm0, $0xb8;
	[tilespmem:$0x1E000] =	vst v63  }
0x258: {  	s11 =	simm.s32 $0xD800  }
0x259: {  	[tilespmem:s11], [sflag:$0x2] =	stream.indirect_vreg.gather [hbm4b:s9+s0], $0x80, v3, vm0, $0xb8;
	[tilespmem:$0x1E000] =	vst v63  }
0x25a: {  	_ =	swait.ge [sflag:s25], $0x4000  }
0x25b: {  	[sflag:s25] =	ssyncset.done $0x0  }
0x25c: {  	s4 =	rddreg [dreg:$0x16];
	[sflag:s25] =	ssyncadd.s32 $0xFFFFC000  }
0x25d: {  	[hbm4b:s4+s0] =	stream.linear.scatter [tilespmem:s19], [sflag:$0xB], $0x4000, $0x38;
	[tilespmem:$0x1E000] =	vst v63  }
0x25e: {  	_ =	swait.ge [sflag:s26], $0x4000  }
0x25f: {  	[sflag:s26] =	ssyncset.done $0x0  }
0x260: {  	[sflag:s26] =	ssyncadd.s32 $0xFFFFC000  }
0x261: {  	v3 =	vld [tilespmem:$0x1A00];
	_ =	sdelay $0x4  }
0x262: {  	v52 =	vshll.u32 v3, $0x3  }
0x263: {  	v3 =	vand.u32 $0x7, v3;
	v4 =	vand.u32 $0xFFFFFFC0, v52  }
0x264: {  	v3 =	vor.u32 v3, v4  }
0x265: {  	v4 =	vperm.xlane v3, v0;
	_ =	sdelay $0x1  }
0x266: {  	v4 =	vadd.s32 v1, v4;
	_ =	sdelay $0x4  }
0x267: {  	[tilespmem:s2], [sflag:$0x3] =	stream.indirect_vreg.gather [hbm4b:s3+s0], $0x80, v4, vm0, $0xb8;
	[tilespmem:$0x1E000] =	vst v63  }
0x268: {  	s5 =	simm.s32 $0xE800;
	v3 =	vperm.xlane v3, v2  }
0x269: {  	[tilespmem:s5], [sflag:$0x3] =	stream.indirect_vreg.gather [hbm4b:s6+s0], $0x80, v4, vm0, $0xb8;
	[tilespmem:$0x1E000] =	vst v63  }
0x26a: {  	s10 =	simm.s32 $0xF000;
	v3 =	vadd.s32 v1, v3  }
0x26b: {  	[tilespmem:s10], [sflag:$0x3] =	stream.indirect_vreg.gather [hbm4b:s7+s0], $0x80, v4, vm0, $0xb8;
	[tilespmem:$0x1E000] =	vst v63  }
0x26c: {  	s11 =	simm.s32 $0xF800  }
0x26d: {  	[tilespmem:s11], [sflag:$0x3] =	stream.indirect_vreg.gather [hbm4b:s9+s0], $0x80, v4, vm0, $0xb8;
	[tilespmem:$0x1E000] =	vst v63  }
0x26e: {  	s29 =	simm.s32 $0x10000  }
0x26f: {  	[tilespmem:s29], [sflag:$0x3] =	stream.indirect_vreg.gather [hbm4b:s3+s0], $0x80, v3, vm0, $0xb8;
	[tilespmem:$0x1E000] =	vst v63  }
0x270: {  	s4 =	simm.s32 $0x10800  }
0x271: {  	[tilespmem:s4], [sflag:$0x3] =	stream.indirect_vreg.gather [hbm4b:s6+s0], $0x80, v3, vm0, $0xb8;
	[tilespmem:$0x1E000] =	vst v63  }
0x272: {  	s5 =	simm.s32 $0x11000  }
0x273: {  	[tilespmem:s5], [sflag:$0x3] =	stream.indirect_vreg.gather [hbm4b:s7+s0], $0x80, v3, vm0, $0xb8;
	[tilespmem:$0x1E000] =	vst v63  }
0x274: {  	s10 =	simm.s32 $0x11800  }
0x275: {  	[tilespmem:s10], [sflag:$0x3] =	stream.indirect_vreg.gather [hbm4b:s9+s0], $0x80, v3, vm0, $0xb8;
	[tilespmem:$0x1E000] =	vst v63  }
0x276: {  	_ =	swait.ge [sflag:s28], $0x4000  }
0x277: {  	[sflag:s28] =	ssyncset.done $0x0  }
0x278: {  	s11 =	rddreg [dreg:$0x17];
	[sflag:s28] =	ssyncadd.s32 $0xFFFFC000  }
0x279: {  	[hbm4b:s11+s0] =	stream.linear.scatter [tilespmem:s18], [sflag:$0xC], $0x4000, $0x38;
	[tilespmem:$0x1E000] =	vst v63  }
0x27a: {  	_ =	swait.ge [sflag:s8], $0x4000  }
0x27b: {  	[sflag:s8] =	ssyncset.done $0x0  }
0x27c: {  	[sflag:s8] =	ssyncadd.s32 $0xFFFFC000  }
0x27d: {  	v3 =	vld [tilespmem:$0x1A80];
	_ =	sdelay $0x4  }
0x27e: {  	v53 =	vshll.u32 v3, $0x3  }
0x27f: {  	v3 =	vand.u32 $0x7, v3;
	v4 =	vand.u32 $0xFFFFFFC0, v53  }
0x280: {  	v3 =	vor.u32 v3, v4  }
0x281: {  	v4 =	vperm.xlane v3, v0;
	_ =	sdelay $0x1  }
0x282: {  	v4 =	vadd.s32 v1, v4;
	_ =	sdelay $0x4  }
0x283: {  	[tilespmem:s16], [sflag:$0x4] =	stream.indirect_vreg.gather [hbm4b:s3+s0], $0x80, v4, vm0, $0xb8;
	[tilespmem:$0x1E000] =	vst v63  }
0x284: {  	s4 =	simm.s32 $0x12800;
	v3 =	vperm.xlane v3, v2  }
0x285: {  	[tilespmem:s4], [sflag:$0x4] =	stream.indirect_vreg.gather [hbm4b:s6+s0], $0x80, v4, vm0, $0xb8;
	[tilespmem:$0x1E000] =	vst v63  }
0x286: {  	s5 =	simm.s32 $0x13000;
	v3 =	vadd.s32 v1, v3  }
0x287: {  	[tilespmem:s5], [sflag:$0x4] =	stream.indirect_vreg.gather [hbm4b:s7+s0], $0x80, v4, vm0, $0xb8;
	[tilespmem:$0x1E000] =	vst v63  }
0x288: {  	s10 =	simm.s32 $0x13800  }
0x289: {  	[tilespmem:s10], [sflag:$0x4] =	stream.indirect_vreg.gather [hbm4b:s9+s0], $0x80, v4, vm0, $0xb8;
	[tilespmem:$0x1E000] =	vst v63  }
0x28a: {  	s11 =	simm.s32 $0x14000  }
0x28b: {  	[tilespmem:s11], [sflag:$0x4] =	stream.indirect_vreg.gather [hbm4b:s3+s0], $0x80, v3, vm0, $0xb8;
	[tilespmem:$0x1E000] =	vst v63  }
0x28c: {  	s4 =	simm.s32 $0x14800  }
0x28d: {  	[tilespmem:s4], [sflag:$0x4] =	stream.indirect_vreg.gather [hbm4b:s6+s0], $0x80, v3, vm0, $0xb8;
	[tilespmem:$0x1E000] =	vst v63  }
0x28e: {  	s5 =	simm.s32 $0x15000  }
0x28f: {  	[tilespmem:s5], [sflag:$0x4] =	stream.indirect_vreg.gather [hbm4b:s7+s0], $0x80, v3, vm0, $0xb8;
	[tilespmem:$0x1E000] =	vst v63  }
0x290: {  	s10 =	simm.s32 $0x15800  }
0x291: {  	[tilespmem:s10], [sflag:$0x4] =	stream.indirect_vreg.gather [hbm4b:s9+s0], $0x80, v3, vm0, $0xb8;
	[tilespmem:$0x1E000] =	vst v63  }
0x292: {  	_ =	swait.ge [sflag:s13], $0x4000  }
0x293: {  	[sflag:s13] =	ssyncset.done $0x0  }
0x294: {  	s11 =	rddreg [dreg:$0x18];
	[sflag:s13] =	ssyncadd.s32 $0xFFFFC000  }
0x295: {  	[hbm4b:s11+s0] =	stream.linear.scatter [tilespmem:s30], [sflag:$0x7], $0x4000, $0x38;
	[tilespmem:$0x1E000] =	vst v63  }
0x296: {  	_ =	swait.ge [sflag:s12], $0x4000  }
0x297: {  	[sflag:s12] =	ssyncset.done $0x0  }
0x298: {  	[sflag:s12] =	ssyncadd.s32 $0xFFFFC000  }
0x299: {  	v3 =	vld [tilespmem:$0x1B00];
	_ =	sdelay $0x4  }
0x29a: {  	v54 =	vshll.u32 v3, $0x3  }
0x29b: {  	v3 =	vand.u32 $0x7, v3;
	v4 =	vand.u32 $0xFFFFFFC0, v54  }
0x29c: {  	v3 =	vor.u32 v3, v4  }
0x29d: {  	v4 =	vperm.xlane v3, v0;
	_ =	sdelay $0x1  }
0x29e: {  	v4 =	vadd.s32 v1, v4;
	_ =	sdelay $0x4  }
0x29f: {  	[tilespmem:s19], [sflag:$0x5] =	stream.indirect_vreg.gather [hbm4b:s3+s0], $0x80, v4, vm0, $0xb8;
	[tilespmem:$0x1E000] =	vst v63  }
0x2a0: {  	s4 =	simm.s32 $0x16800;
	v3 =	vperm.xlane v3, v2  }
0x2a1: {  	[tilespmem:s4], [sflag:$0x5] =	stream.indirect_vreg.gather [hbm4b:s6+s0], $0x80, v4, vm0, $0xb8;
	[tilespmem:$0x1E000] =	vst v63  }
0x2a2: {  	s5 =	simm.s32 $0x17000;
	v3 =	vadd.s32 v1, v3  }
0x2a3: {  	[tilespmem:s5], [sflag:$0x5] =	stream.indirect_vreg.gather [hbm4b:s7+s0], $0x80, v4, vm0, $0xb8;
	[tilespmem:$0x1E000] =	vst v63  }
0x2a4: {  	s10 =	simm.s32 $0x17800  }
0x2a5: {  	[tilespmem:s10], [sflag:$0x5] =	stream.indirect_vreg.gather [hbm4b:s9+s0], $0x80, v4, vm0, $0xb8;
	[tilespmem:$0x1E000] =	vst v63  }
0x2a6: {  	s11 =	simm.s32 $0x18000  }
0x2a7: {  	[tilespmem:s11], [sflag:$0x5] =	stream.indirect_vreg.gather [hbm4b:s3+s0], $0x80, v3, vm0, $0xb8;
	[tilespmem:$0x1E000] =	vst v63  }
0x2a8: {  	s4 =	simm.s32 $0x18800  }
0x2a9: {  	[tilespmem:s4], [sflag:$0x5] =	stream.indirect_vreg.gather [hbm4b:s6+s0], $0x80, v3, vm0, $0xb8;
	[tilespmem:$0x1E000] =	vst v63  }
0x2aa: {  	s5 =	simm.s32 $0x19000  }
0x2ab: {  	[tilespmem:s5], [sflag:$0x5] =	stream.indirect_vreg.gather [hbm4b:s7+s0], $0x80, v3, vm0, $0xb8;
	[tilespmem:$0x1E000] =	vst v63  }
0x2ac: {  	s10 =	simm.s32 $0x19800  }
0x2ad: {  	[tilespmem:s10], [sflag:$0x5] =	stream.indirect_vreg.gather [hbm4b:s9+s0], $0x80, v3, vm0, $0xb8;
	[tilespmem:$0x1E000] =	vst v63  }
0x2ae: {  	_ =	swait.ge [sflag:s17], $0x4000  }
0x2af: {  	[sflag:s17] =	ssyncset.done $0x0  }
0x2b0: {  	s11 =	rddreg [dreg:$0x19];
	[sflag:s17] =	ssyncadd.s32 $0xFFFFC000  }
0x2b1: {  	[hbm4b:s11+s0] =	stream.linear.scatter [tilespmem:s31], [sflag:$0x8], $0x4000, $0x38;
	[tilespmem:$0x1E000] =	vst v63  }
0x2b2: {  	_ =	swait.ge [sflag:s15], $0x4000  }
0x2b3: {  	[sflag:s15] =	ssyncset.done $0x0  }
0x2b4: {  	[sflag:s15] =	ssyncadd.s32 $0xFFFFC000  }
0x2b5: {  	v3 =	vld [tilespmem:$0x1B80];
	_ =	sdelay $0x4  }
0x2b6: {  	v55 =	vshll.u32 v3, $0x3  }
0x2b7: {  	v3 =	vand.u32 $0x7, v3;
	v4 =	vand.u32 $0xFFFFFFC0, v55  }
0x2b8: {  	v3 =	vor.u32 v3, v4  }
0x2b9: {  	v4 =	vperm.xlane v3, v0;
	_ =	sdelay $0x1  }
0x2ba: {  	v4 =	vadd.s32 v1, v4;
	_ =	sdelay $0x4  }
0x2bb: {  	[tilespmem:s18], [sflag:$0x6] =	stream.indirect_vreg.gather [hbm4b:s3+s0], $0x80, v4, vm0, $0xb8;
	[tilespmem:$0x1E000] =	vst v63  }
0x2bc: {  	s4 =	simm.s32 $0x1A800;
	v3 =	vperm.xlane v3, v2  }
0x2bd: {  	[tilespmem:s4], [sflag:$0x6] =	stream.indirect_vreg.gather [hbm4b:s6+s0], $0x80, v4, vm0, $0xb8;
	[tilespmem:$0x1E000] =	vst v63  }
0x2be: {  	s5 =	simm.s32 $0x1B000;
	v3 =	vadd.s32 v1, v3  }
0x2bf: {  	[tilespmem:s5], [sflag:$0x6] =	stream.indirect_vreg.gather [hbm4b:s7+s0], $0x80, v4, vm0, $0xb8;
	[tilespmem:$0x1E000] =	vst v63  }
0x2c0: {  	s10 =	simm.s32 $0x1B800  }
0x2c1: {  	[tilespmem:s10], [sflag:$0x6] =	stream.indirect_vreg.gather [hbm4b:s9+s0], $0x80, v4, vm0, $0xb8;
	[tilespmem:$0x1E000] =	vst v63  }
0x2c2: {  	s11 =	simm.s32 $0x1C000  }
0x2c3: {  	[tilespmem:s11], [sflag:$0x6] =	stream.indirect_vreg.gather [hbm4b:s3+s0], $0x80, v3, vm0, $0xb8;
	[tilespmem:$0x1E000] =	vst v63  }
0x2c4: {  	s10 =	simm.s32 $0x1C800  }
0x2c5: {  	[tilespmem:s10], [sflag:$0x6] =	stream.indirect_vreg.gather [hbm4b:s6+s0], $0x80, v3, vm0, $0xb8;
	[tilespmem:$0x1E000] =	vst v63  }
0x2c6: {  	s10 =	simm.s32 $0x1D000  }
0x2c7: {  	[tilespmem:s10], [sflag:$0x6] =	stream.indirect_vreg.gather [hbm4b:s7+s0], $0x80, v3, vm0, $0xb8;
	[tilespmem:$0x1E000] =	vst v63  }
0x2c8: {  	s10 =	simm.s32 $0x1D800  }
0x2c9: {  	[tilespmem:s10], [sflag:$0x6] =	stream.indirect_vreg.gather [hbm4b:s9+s0], $0x80, v3, vm0, $0xb8;
	[tilespmem:$0x1E000] =	vst v63  }
0x2ca: {  	_ =	swait.ge [sflag:s21], $0x4000  }
0x2cb: {  	[sflag:s21] =	ssyncset.done $0x0  }
0x2cc: {  	s10 =	rddreg [dreg:$0x1a];
	[sflag:s21] =	ssyncadd.s32 $0xFFFFC000  }
0x2cd: {  	[hbm4b:s10+s0] =	stream.linear.scatter [tilespmem:s2], [sflag:$0x9], $0x4000, $0x38;
	[tilespmem:$0x1E000] =	vst v63  }
0x2ce: {  	_ =	swait.ge [sflag:s20], $0x4000  }
0x2cf: {  	[sflag:s20] =	ssyncset.done $0x0  }
0x2d0: {  	[sflag:s20] =	ssyncadd.s32 $0xFFFFC000  }
0x2d1: {  	v3 =	vld [tilespmem:$0x1C00];
	_ =	sdelay $0x4  }
0x2d2: {  	v56 =	vshll.u32 v3, $0x3  }
0x2d3: {  	v3 =	vand.u32 $0x7, v3;
	v4 =	vand.u32 $0xFFFFFFC0, v56  }
0x2d4: {  	v3 =	vor.u32 v3, v4  }
0x2d5: {  	v4 =	vperm.xlane v3, v0;
	_ =	sdelay $0x1  }
0x2d6: {  	v4 =	vadd.s32 v1, v4;
	_ =	sdelay $0x4  }
0x2d7: {  	[tilespmem:s30], [sflag:$0x1] =	stream.indirect_vreg.gather [hbm4b:s3+s0], $0x80, v4, vm0, $0xb8;
	[tilespmem:$0x1E000] =	vst v63  }
0x2d8: {  	s10 =	simm.s32 $0x6800;
	v3 =	vperm.xlane v3, v2  }
0x2d9: {  	[tilespmem:s10], [sflag:$0x1] =	stream.indirect_vreg.gather [hbm4b:s6+s0], $0x80, v4, vm0, $0xb8;
	[tilespmem:$0x1E000] =	vst v63  }
0x2da: {  	v3 =	vadd.s32 v1, v3;
	s10 =	simm.s32 $0x7000  }
0x2db: {  	[tilespmem:s10], [sflag:$0x1] =	stream.indirect_vreg.gather [hbm4b:s7+s0], $0x80, v4, vm0, $0xb8;
	[tilespmem:$0x1E000] =	vst v63  }
0x2dc: {  	s10 =	simm.s32 $0x7800  }
0x2dd: {  	[tilespmem:s10], [sflag:$0x1] =	stream.indirect_vreg.gather [hbm4b:s9+s0], $0x80, v4, vm0, $0xb8;
	[tilespmem:$0x1E000] =	vst v63  }
0x2de: {  	s10 =	simm.s32 $0x8000  }
0x2df: {  	[tilespmem:s10], [sflag:$0x1] =	stream.indirect_vreg.gather [hbm4b:s3+s0], $0x80, v3, vm0, $0xb8;
	[tilespmem:$0x1E000] =	vst v63  }
0x2e0: {  	s10 =	simm.s32 $0x8800  }
0x2e1: {  	[tilespmem:s10], [sflag:$0x1] =	stream.indirect_vreg.gather [hbm4b:s6+s0], $0x80, v3, vm0, $0xb8;
	[tilespmem:$0x1E000] =	vst v63  }
0x2e2: {  	s10 =	simm.s32 $0x9000  }
0x2e3: {  	[tilespmem:s10], [sflag:$0x1] =	stream.indirect_vreg.gather [hbm4b:s7+s0], $0x80, v3, vm0, $0xb8;
	[tilespmem:$0x1E000] =	vst v63  }
0x2e4: {  	s10 =	simm.s32 $0x9800  }
0x2e5: {  	[tilespmem:s10], [sflag:$0x1] =	stream.indirect_vreg.gather [hbm4b:s9+s0], $0x80, v3, vm0, $0xb8;
	[tilespmem:$0x1E000] =	vst v63  }
0x2e6: {  	_ =	swait.ge [sflag:s24], $0x4000  }
0x2e7: {  	[sflag:s24] =	ssyncset.done $0x0  }
0x2e8: {  	s1 =	rddreg [dreg:$0x1b];
	[sflag:s24] =	ssyncadd.s32 $0xFFFFC000  }
0x2e9: {  	[hbm4b:s1+s0] =	stream.linear.scatter [tilespmem:s16], [sflag:$0xA], $0x4000, $0x38;
	[tilespmem:$0x1E000] =	vst v63  }
0x2ea: {  	_ =	swait.ge [sflag:s14], $0x4000  }
0x2eb: {  	[sflag:s14] =	ssyncset.done $0x0  }
0x2ec: {  	[sflag:s14] =	ssyncadd.s32 $0xFFFFC000  }
0x2ed: {  	v3 =	vld [tilespmem:$0x1C80];
	_ =	sdelay $0x4  }
0x2ee: {  	v57 =	vshll.u32 v3, $0x3  }
0x2ef: {  	v3 =	vand.u32 $0x7, v3;
	v4 =	vand.u32 $0xFFFFFFC0, v57  }
0x2f0: {  	v3 =	vor.u32 v3, v4  }
0x2f1: {  	v4 =	vperm.xlane v3, v0;
	_ =	sdelay $0x1  }
0x2f2: {  	v4 =	vadd.s32 v1, v4;
	_ =	sdelay $0x4  }
0x2f3: {  	[tilespmem:s31], [sflag:$0x2] =	stream.indirect_vreg.gather [hbm4b:s3+s0], $0x80, v4, vm0, $0xb8;
	[tilespmem:$0x1E000] =	vst v63  }
0x2f4: {  	s1 =	simm.s32 $0xA800;
	v3 =	vperm.xlane v3, v2  }
0x2f5: {  	[tilespmem:s1], [sflag:$0x2] =	stream.indirect_vreg.gather [hbm4b:s6+s0], $0x80, v4, vm0, $0xb8;
	[tilespmem:$0x1E000] =	vst v63  }
0x2f6: {  	v3 =	vadd.s32 v1, v3;
	s1 =	simm.s32 $0xB000  }
0x2f7: {  	[tilespmem:s1], [sflag:$0x2] =	stream.indirect_vreg.gather [hbm4b:s7+s0], $0x80, v4, vm0, $0xb8;
	[tilespmem:$0x1E000] =	vst v63  }
0x2f8: {  	s1 =	simm.s32 $0xB800  }
0x2f9: {  	[tilespmem:s1], [sflag:$0x2] =	stream.indirect_vreg.gather [hbm4b:s9+s0], $0x80, v4, vm0, $0xb8;
	[tilespmem:$0x1E000] =	vst v63  }
0x2fa: {  	s1 =	simm.s32 $0xC000  }
0x2fb: {  	[tilespmem:s1], [sflag:$0x2] =	stream.indirect_vreg.gather [hbm4b:s3+s0], $0x80, v3, vm0, $0xb8;
	[tilespmem:$0x1E000] =	vst v63  }
0x2fc: {  	s1 =	simm.s32 $0xC800  }
0x2fd: {  	[tilespmem:s1], [sflag:$0x2] =	stream.indirect_vreg.gather [hbm4b:s6+s0], $0x80, v3, vm0, $0xb8;
	[tilespmem:$0x1E000] =	vst v63  }
0x2fe: {  	s1 =	simm.s32 $0xD000  }
0x2ff: {  	[tilespmem:s1], [sflag:$0x2] =	stream.indirect_vreg.gather [hbm4b:s7+s0], $0x80, v3, vm0, $0xb8;
	[tilespmem:$0x1E000] =	vst v63  }
0x300: {  	s1 =	simm.s32 $0xD800  }
0x301: {  	[tilespmem:s1], [sflag:$0x2] =	stream.indirect_vreg.gather [hbm4b:s9+s0], $0x80, v3, vm0, $0xb8;
	[tilespmem:$0x1E000] =	vst v63  }
0x302: {  	_ =	swait.ge [sflag:s25], $0x4000  }
0x303: {  	[sflag:s25] =	ssyncset.done $0x0  }
0x304: {  	s1 =	rddreg [dreg:$0x1c];
	[sflag:s25] =	ssyncadd.s32 $0xFFFFC000  }
0x305: {  	[hbm4b:s1+s0] =	stream.linear.scatter [tilespmem:s19], [sflag:$0xB], $0x4000, $0x38;
	[tilespmem:$0x1E000] =	vst v63  }
0x306: {  	_ =	swait.ge [sflag:s26], $0x4000  }
0x307: {  	[sflag:s26] =	ssyncset.done $0x0  }
0x308: {  	[sflag:s26] =	ssyncadd.s32 $0xFFFFC000  }
0x309: {  	v3 =	vld [tilespmem:$0x1D00];
	_ =	sdelay $0x4  }
0x30a: {  	v58 =	vshll.u32 v3, $0x3  }
0x30b: {  	v3 =	vand.u32 $0x7, v3;
	v4 =	vand.u32 $0xFFFFFFC0, v58  }
0x30c: {  	v3 =	vor.u32 v3, v4  }
0x30d: {  	v4 =	vperm.xlane v3, v0;
	_ =	sdelay $0x1  }
0x30e: {  	v4 =	vadd.s32 v1, v4;
	_ =	sdelay $0x4  }
0x30f: {  	[tilespmem:s2], [sflag:$0x3] =	stream.indirect_vreg.gather [hbm4b:s3+s0], $0x80, v4, vm0, $0xb8;
	[tilespmem:$0x1E000] =	vst v63  }
0x310: {  	s1 =	simm.s32 $0xE800;
	v3 =	vperm.xlane v3, v2  }
0x311: {  	[tilespmem:s1], [sflag:$0x3] =	stream.indirect_vreg.gather [hbm4b:s6+s0], $0x80, v4, vm0, $0xb8;
	[tilespmem:$0x1E000] =	vst v63  }
0x312: {  	v3 =	vadd.s32 v1, v3;
	s1 =	simm.s32 $0xF000  }
0x313: {  	[tilespmem:s1], [sflag:$0x3] =	stream.indirect_vreg.gather [hbm4b:s7+s0], $0x80, v4, vm0, $0xb8;
	[tilespmem:$0x1E000] =	vst v63  }
0x314: {  	s1 =	simm.s32 $0xF800  }
0x315: {  	[tilespmem:s1], [sflag:$0x3] =	stream.indirect_vreg.gather [hbm4b:s9+s0], $0x80, v4, vm0, $0xb8;
	[tilespmem:$0x1E000] =	vst v63  }
0x316: {  	s1 =	simm.s32 $0x10000  }
0x317: {  	[tilespmem:s1], [sflag:$0x3] =	stream.indirect_vreg.gather [hbm4b:s3+s0], $0x80, v3, vm0, $0xb8;
	[tilespmem:$0x1E000] =	vst v63  }
0x318: {  	s1 =	simm.s32 $0x10800  }
0x319: {  	[tilespmem:s1], [sflag:$0x3] =	stream.indirect_vreg.gather [hbm4b:s6+s0], $0x80, v3, vm0, $0xb8;
	[tilespmem:$0x1E000] =	vst v63  }
0x31a: {  	s1 =	simm.s32 $0x11000  }
0x31b: {  	[tilespmem:s1], [sflag:$0x3] =	stream.indirect_vreg.gather [hbm4b:s7+s0], $0x80, v3, vm0, $0xb8;
	[tilespmem:$0x1E000] =	vst v63  }
0x31c: {  	s29 =	simm.s32 $0x11800  }
0x31d: {  	[tilespmem:s29], [sflag:$0x3] =	stream.indirect_vreg.gather [hbm4b:s9+s0], $0x80, v3, vm0, $0xb8;
	[tilespmem:$0x1E000] =	vst v63  }
0x31e: {  	_ =	swait.ge [sflag:s28], $0x4000  }
0x31f: {  	[sflag:s28] =	ssyncset.done $0x0  }
0x320: {  	s29 =	rddreg [dreg:$0x1d];
	[sflag:s28] =	ssyncadd.s32 $0xFFFFC000  }
0x321: {  	[hbm4b:s29+s0] =	stream.linear.scatter [tilespmem:s18], [sflag:$0xC], $0x4000, $0x38;
	[tilespmem:$0x1E000] =	vst v63  }
0x322: {  	_ =	swait.ge [sflag:s8], $0x4000  }
0x323: {  	[sflag:s8] =	ssyncset.done $0x0  }
0x324: {  	[sflag:s8] =	ssyncadd.s32 $0xFFFFC000  }
0x325: {  	v3 =	vld [tilespmem:$0x1D80];
	_ =	sdelay $0x4  }
0x326: {  	v59 =	vshll.u32 v3, $0x3  }
0x327: {  	v3 =	vand.u32 $0x7, v3;
	v4 =	vand.u32 $0xFFFFFFC0, v59  }
0x328: {  	v3 =	vor.u32 v3, v4  }
0x329: {  	v4 =	vperm.xlane v3, v0;
	_ =	sdelay $0x1  }
0x32a: {  	v4 =	vadd.s32 v1, v4;
	_ =	sdelay $0x4  }
0x32b: {  	[tilespmem:s16], [sflag:$0x4] =	stream.indirect_vreg.gather [hbm4b:s3+s0], $0x80, v4, vm0, $0xb8;
	[tilespmem:$0x1E000] =	vst v63  }
0x32c: {  	s29 =	simm.s32 $0x12800;
	v3 =	vperm.xlane v3, v2  }
0x32d: {  	[tilespmem:s29], [sflag:$0x4] =	stream.indirect_vreg.gather [hbm4b:s6+s0], $0x80, v4, vm0, $0xb8;
	[tilespmem:$0x1E000] =	vst v63  }
0x32e: {  	v3 =	vadd.s32 v1, v3;
	s29 =	simm.s32 $0x13000  }
0x32f: {  	[tilespmem:s29], [sflag:$0x4] =	stream.indirect_vreg.gather [hbm4b:s7+s0], $0x80, v4, vm0, $0xb8;
	[tilespmem:$0x1E000] =	vst v63  }
0x330: {  	s29 =	simm.s32 $0x13800  }
0x331: {  	[tilespmem:s29], [sflag:$0x4] =	stream.indirect_vreg.gather [hbm4b:s9+s0], $0x80, v4, vm0, $0xb8;
	[tilespmem:$0x1E000] =	vst v63  }
0x332: {  	s29 =	simm.s32 $0x14000  }
0x333: {  	[tilespmem:s29], [sflag:$0x4] =	stream.indirect_vreg.gather [hbm4b:s3+s0], $0x80, v3, vm0, $0xb8;
	[tilespmem:$0x1E000] =	vst v63  }
0x334: {  	s29 =	simm.s32 $0x14800  }
0x335: {  	[tilespmem:s29], [sflag:$0x4] =	stream.indirect_vreg.gather [hbm4b:s6+s0], $0x80, v3, vm0, $0xb8;
	[tilespmem:$0x1E000] =	vst v63  }
0x336: {  	s29 =	simm.s32 $0x15000  }
0x337: {  	[tilespmem:s29], [sflag:$0x4] =	stream.indirect_vreg.gather [hbm4b:s7+s0], $0x80, v3, vm0, $0xb8;
	[tilespmem:$0x1E000] =	vst v63  }
0x338: {  	s29 =	simm.s32 $0x15800  }
0x339: {  	[tilespmem:s29], [sflag:$0x4] =	stream.indirect_vreg.gather [hbm4b:s9+s0], $0x80, v3, vm0, $0xb8;
	[tilespmem:$0x1E000] =	vst v63  }
0x33a: {  	_ =	swait.ge [sflag:s13], $0x4000  }
0x33b: {  	[sflag:s13] =	ssyncset.done $0x0  }
0x33c: {  	s29 =	rddreg [dreg:$0x1e];
	[sflag:s13] =	ssyncadd.s32 $0xFFFFC000  }
0x33d: {  	[hbm4b:s29+s0] =	stream.linear.scatter [tilespmem:s30], [sflag:$0x7], $0x4000, $0x38;
	[tilespmem:$0x1E000] =	vst v63  }
0x33e: {  	_ =	swait.ge [sflag:s12], $0x4000  }
0x33f: {  	[sflag:s12] =	ssyncset.done $0x0  }
0x340: {  	[sflag:s12] =	ssyncadd.s32 $0xFFFFC000  }
0x341: {  	v3 =	vld [tilespmem:$0x1E00];
	_ =	sdelay $0x4  }
0x342: {  	v60 =	vshll.u32 v3, $0x3  }
0x343: {  	v3 =	vand.u32 $0x7, v3;
	v4 =	vand.u32 $0xFFFFFFC0, v60  }
0x344: {  	v3 =	vor.u32 v3, v4  }
0x345: {  	v4 =	vperm.xlane v3, v0;
	_ =	sdelay $0x1  }
0x346: {  	v4 =	vadd.s32 v1, v4;
	_ =	sdelay $0x4  }
0x347: {  	[tilespmem:s19], [sflag:$0x5] =	stream.indirect_vreg.gather [hbm4b:s3+s0], $0x80, v4, vm0, $0xb8;
	[tilespmem:$0x1E000] =	vst v63  }
0x348: {  	s29 =	simm.s32 $0x16800;
	v3 =	vperm.xlane v3, v2  }
0x349: {  	[tilespmem:s29], [sflag:$0x5] =	stream.indirect_vreg.gather [hbm4b:s6+s0], $0x80, v4, vm0, $0xb8;
	[tilespmem:$0x1E000] =	vst v63  }
0x34a: {  	v3 =	vadd.s32 v1, v3;
	s29 =	simm.s32 $0x17000  }
0x34b: {  	[tilespmem:s29], [sflag:$0x5] =	stream.indirect_vreg.gather [hbm4b:s7+s0], $0x80, v4, vm0, $0xb8;
	[tilespmem:$0x1E000] =	vst v63  }
0x34c: {  	s29 =	simm.s32 $0x17800  }
0x34d: {  	[tilespmem:s29], [sflag:$0x5] =	stream.indirect_vreg.gather [hbm4b:s9+s0], $0x80, v4, vm0, $0xb8;
	[tilespmem:$0x1E000] =	vst v63  }
0x34e: {  	s29 =	simm.s32 $0x18000  }
0x34f: {  	[tilespmem:s29], [sflag:$0x5] =	stream.indirect_vreg.gather [hbm4b:s3+s0], $0x80, v3, vm0, $0xb8;
	[tilespmem:$0x1E000] =	vst v63  }
0x350: {  	s29 =	simm.s32 $0x18800  }
0x351: {  	[tilespmem:s29], [sflag:$0x5] =	stream.indirect_vreg.gather [hbm4b:s6+s0], $0x80, v3, vm0, $0xb8;
	[tilespmem:$0x1E000] =	vst v63  }
0x352: {  	s29 =	simm.s32 $0x19000  }
0x353: {  	[tilespmem:s29], [sflag:$0x5] =	stream.indirect_vreg.gather [hbm4b:s7+s0], $0x80, v3, vm0, $0xb8;
	[tilespmem:$0x1E000] =	vst v63  }
0x354: {  	s29 =	simm.s32 $0x19800  }
0x355: {  	[tilespmem:s29], [sflag:$0x5] =	stream.indirect_vreg.gather [hbm4b:s9+s0], $0x80, v3, vm0, $0xb8;
	[tilespmem:$0x1E000] =	vst v63  }
0x356: {  	_ =	swait.ge [sflag:s17], $0x4000  }
0x357: {  	[sflag:s17] =	ssyncset.done $0x0  }
0x358: {  	s29 =	rddreg [dreg:$0x1f];
	[sflag:s17] =	ssyncadd.s32 $0xFFFFC000  }
0x359: {  	[hbm4b:s29+s0] =	stream.linear.scatter [tilespmem:s31], [sflag:$0x8], $0x4000, $0x38;
	[tilespmem:$0x1E000] =	vst v63  }
0x35a: {  	_ =	swait.ge [sflag:s15], $0x4000  }
0x35b: {  	[sflag:s15] =	ssyncset.done $0x0  }
0x35c: {  	[sflag:s15] =	ssyncadd.s32 $0xFFFFC000  }
0x35d: {  	v3 =	vld [tilespmem:$0x1E80];
	_ =	sdelay $0x4  }
0x35e: {  	v61 =	vshll.u32 v3, $0x3  }
0x35f: {  	v3 =	vand.u32 $0x7, v3;
	v4 =	vand.u32 $0xFFFFFFC0, v61  }
0x360: {  	v3 =	vor.u32 v3, v4  }
0x361: {  	v4 =	vperm.xlane v3, v0;
	_ =	sdelay $0x1  }
0x362: {  	v4 =	vadd.s32 v1, v4;
	_ =	sdelay $0x4  }
0x363: {  	[tilespmem:s18], [sflag:$0x6] =	stream.indirect_vreg.gather [hbm4b:s3+s0], $0x80, v4, vm0, $0xb8;
	[tilespmem:$0x1E000] =	vst v63  }
0x364: {  	s29 =	simm.s32 $0x1A800;
	v3 =	vperm.xlane v3, v2  }
0x365: {  	[tilespmem:s29], [sflag:$0x6] =	stream.indirect_vreg.gather [hbm4b:s6+s0], $0x80, v4, vm0, $0xb8;
	[tilespmem:$0x1E000] =	vst v63  }
0x366: {  	s4 =	simm.s32 $0x1B000;
	v3 =	vadd.s32 v1, v3  }
0x367: {  	[tilespmem:s4], [sflag:$0x6] =	stream.indirect_vreg.gather [hbm4b:s7+s0], $0x80, v4, vm0, $0xb8;
	[tilespmem:$0x1E000] =	vst v63  }
0x368: {  	s5 =	simm.s32 $0x1B800  }
0x369: {  	[tilespmem:s5], [sflag:$0x6] =	stream.indirect_vreg.gather [hbm4b:s9+s0], $0x80, v4, vm0, $0xb8;
	[tilespmem:$0x1E000] =	vst v63  }
0x36a: {  	s11 =	simm.s32 $0x1C000  }
0x36b: {  	[tilespmem:s11], [sflag:$0x6] =	stream.indirect_vreg.gather [hbm4b:s3+s0], $0x80, v3, vm0, $0xb8;
	[tilespmem:$0x1E000] =	vst v63  }
0x36c: {  	s5 =	simm.s32 $0x1C800  }
0x36d: {  	[tilespmem:s5], [sflag:$0x6] =	stream.indirect_vreg.gather [hbm4b:s6+s0], $0x80, v3, vm0, $0xb8;
	[tilespmem:$0x1E000] =	vst v63  }
0x36e: {  	s11 =	simm.s32 $0x1D000  }
0x36f: {  	[tilespmem:s11], [sflag:$0x6] =	stream.indirect_vreg.gather [hbm4b:s7+s0], $0x80, v3, vm0, $0xb8;
	[tilespmem:$0x1E000] =	vst v63  }
0x370: {  	s29 =	simm.s32 $0x1D800  }
0x371: {  	[tilespmem:s29], [sflag:$0x6] =	stream.indirect_vreg.gather [hbm4b:s9+s0], $0x80, v3, vm0, $0xb8;
	[tilespmem:$0x1E000] =	vst v63  }
0x372: {  	_ =	swait.ge [sflag:s21], $0x4000  }
0x373: {  	s4 =	sld [smem:$0x7F8]  }
0x374: {  	[sflag:s21] =	ssyncset.done $0x0  }
0x375: {  	[sflag:s21] =	ssyncadd.s32 $0xFFFFC000  }
0x376: {  	[hbm4b:s4+s0] =	stream.linear.scatter [tilespmem:s2], [sflag:$0x9], $0x4000, $0x38;
	[tilespmem:$0x1E000] =	vst v63  }
0x377: {  	_ =	swait.ge [sflag:s20], $0x4000  }
0x378: {  	[sflag:s20] =	ssyncset.done $0x0  }
0x379: {  	[sflag:s20] =	ssyncadd.s32 $0xFFFFC000  }
0x37a: {  	v3 =	vld [tilespmem:$0x1F00];
	_ =	sdelay $0x4  }
0x37b: {  	v62 =	vshll.u32 v3, $0x3  }
0x37c: {  	v3 =	vand.u32 $0x7, v3;
	v4 =	vand.u32 $0xFFFFFFC0, v62  }
0x37d: {  	v3 =	vor.u32 v3, v4  }
0x37e: {  	v4 =	vperm.xlane v3, v0;
	_ =	sdelay $0x1  }
0x37f: {  	v4 =	vadd.s32 v1, v4;
	_ =	sdelay $0x4  }
0x380: {  	[tilespmem:s30], [sflag:$0x1] =	stream.indirect_vreg.gather [hbm4b:s3+s0], $0x80, v4, vm0, $0xb8;
	[tilespmem:$0x1E000] =	vst v63  }
0x381: {  	s5 =	simm.s32 $0x6800;
	v3 =	vperm.xlane v3, v2  }
0x382: {  	[tilespmem:s5], [sflag:$0x1] =	stream.indirect_vreg.gather [hbm4b:s6+s0], $0x80, v4, vm0, $0xb8;
	[tilespmem:$0x1E000] =	vst v63  }
0x383: {  	s11 =	simm.s32 $0x7000;
	v3 =	vadd.s32 v1, v3  }
0x384: {  	[tilespmem:s11], [sflag:$0x1] =	stream.indirect_vreg.gather [hbm4b:s7+s0], $0x80, v4, vm0, $0xb8;
	[tilespmem:$0x1E000] =	vst v63  }
0x385: {  	s29 =	simm.s32 $0x7800  }
0x386: {  	[tilespmem:s29], [sflag:$0x1] =	stream.indirect_vreg.gather [hbm4b:s9+s0], $0x80, v4, vm0, $0xb8;
	[tilespmem:$0x1E000] =	vst v63  }
0x387: {  	s2 =	simm.s32 $0x8000  }
0x388: {  	[tilespmem:s2], [sflag:$0x1] =	stream.indirect_vreg.gather [hbm4b:s3+s0], $0x80, v3, vm0, $0xb8;
	[tilespmem:$0x1E000] =	vst v63  }
0x389: {  	s4 =	simm.s32 $0x8800  }
0x38a: {  	[tilespmem:s4], [sflag:$0x1] =	stream.indirect_vreg.gather [hbm4b:s6+s0], $0x80, v3, vm0, $0xb8;
	[tilespmem:$0x1E000] =	vst v63  }
0x38b: {  	s5 =	simm.s32 $0x9000  }
0x38c: {  	[tilespmem:s5], [sflag:$0x1] =	stream.indirect_vreg.gather [hbm4b:s7+s0], $0x80, v3, vm0, $0xb8;
	[tilespmem:$0x1E000] =	vst v63  }
0x38d: {  	s10 =	simm.s32 $0x9800  }
0x38e: {  	[tilespmem:s10], [sflag:$0x1] =	stream.indirect_vreg.gather [hbm4b:s9+s0], $0x80, v3, vm0, $0xb8;
	[tilespmem:$0x1E000] =	vst v63  }
0x38f: {  	_ =	swait.ge [sflag:s24], $0x4000  }
0x390: {  	s11 =	sld [smem:$0x7F9]  }
0x391: {  	[sflag:s24] =	ssyncset.done $0x0  }
0x392: {  	[sflag:s24] =	ssyncadd.s32 $0xFFFFC000  }
0x393: {  	[hbm4b:s11+s0] =	stream.linear.scatter [tilespmem:s16], [sflag:$0xA], $0x4000, $0x38;
	[tilespmem:$0x1E000] =	vst v63  }
0x394: {  	_ =	swait.ge [sflag:s14], $0x4000  }
0x395: {  	[sflag:s14] =	ssyncset.done $0x0  }
0x396: {  	[sflag:s14] =	ssyncadd.s32 $0xFFFFC000  }
0x397: {  	v3 =	vld [tilespmem:$0x1F80];
	_ =	sdelay $0x4  }
0x398: {  	v63 =	vshll.u32 v3, $0x3  }
0x399: {  	v3 =	vand.u32 $0x7, v3;
	v4 =	vand.u32 $0xFFFFFFC0, v63  }
0x39a: {  	v3 =	vor.u32 v3, v4  }
0x39b: {  	v4 =	vperm.xlane v3, v0;
	_ =	sdelay $0x1  }
0x39c: {  	v4 =	vadd.s32 v1, v4;
	_ =	sdelay $0x4  }
0x39d: {  	[tilespmem:s31], [sflag:$0x2] =	stream.indirect_vreg.gather [hbm4b:s3+s0], $0x80, v4, vm0, $0xb8;
	[tilespmem:$0x1E000] =	vst v63  }
0x39e: {  	s24 =	simm.s32 $0xA800;
	v3 =	vperm.xlane v3, v2  }
0x39f: {  	[tilespmem:s24], [sflag:$0x2] =	stream.indirect_vreg.gather [hbm4b:s6+s0], $0x80, v4, vm0, $0xb8;
	[tilespmem:$0x1E000] =	vst v63  }
0x3a0: {  	s29 =	simm.s32 $0xB000;
	v3 =	vadd.s32 v1, v3  }
0x3a1: {  	[tilespmem:s29], [sflag:$0x2] =	stream.indirect_vreg.gather [hbm4b:s7+s0], $0x80, v4, vm0, $0xb8;
	[tilespmem:$0x1E000] =	vst v63  }
0x3a2: {  	s2 =	simm.s32 $0xB800  }
0x3a3: {  	[tilespmem:s2], [sflag:$0x2] =	stream.indirect_vreg.gather [hbm4b:s9+s0], $0x80, v4, vm0, $0xb8;
	[tilespmem:$0x1E000] =	vst v63  }
0x3a4: {  	s4 =	simm.s32 $0xC000  }
0x3a5: {  	[tilespmem:s4], [sflag:$0x2] =	stream.indirect_vreg.gather [hbm4b:s3+s0], $0x80, v3, vm0, $0xb8;
	[tilespmem:$0x1E000] =	vst v63  }
0x3a6: {  	s5 =	simm.s32 $0xC800  }
0x3a7: {  	[tilespmem:s5], [sflag:$0x2] =	stream.indirect_vreg.gather [hbm4b:s6+s0], $0x80, v3, vm0, $0xb8;
	[tilespmem:$0x1E000] =	vst v63  }
0x3a8: {  	s10 =	simm.s32 $0xD000  }
0x3a9: {  	[tilespmem:s10], [sflag:$0x2] =	stream.indirect_vreg.gather [hbm4b:s7+s0], $0x80, v3, vm0, $0xb8;
	[tilespmem:$0x1E000] =	vst v63  }
0x3aa: {  	s11 =	simm.s32 $0xD800  }
0x3ab: {  	[tilespmem:s11], [sflag:$0x2] =	stream.indirect_vreg.gather [hbm4b:s9+s0], $0x80, v3, vm0, $0xb8;
	[tilespmem:$0x1E000] =	vst v63  }
0x3ac: {  	_ =	swait.ge [sflag:s25], $0x4000  }
0x3ad: {  	s24 =	sld [smem:$0x7FA]  }
0x3ae: {  	[sflag:s25] =	ssyncset.done $0x0  }
0x3af: {  	[sflag:s25] =	ssyncadd.s32 $0xFFFFC000  }
0x3b0: {  	[hbm4b:s24+s0] =	stream.linear.scatter [tilespmem:s19], [sflag:$0xB], $0x4000, $0x38;
	[tilespmem:$0x1E000] =	vst v63  }
0x3b1: {  	_ =	swait.ge [sflag:s28], $0x4000  }
0x3b2: {  	s25 =	sld [smem:$0x7FB]  }
0x3b3: {  	[sflag:s28] =	ssyncset.done $0x0  }
0x3b4: {  	[sflag:s28] =	ssyncadd.s32 $0xFFFFC000  }
0x3b5: {  	[hbm4b:s25+s0] =	stream.linear.scatter [tilespmem:s18], [sflag:$0xC], $0x4000, $0x38;
	[tilespmem:$0x1E000] =	vst v63  }
0x3b6: {  	_ =	swait.ge [sflag:s13], $0x4000  }
0x3b7: {  	s28 =	sld [smem:$0x7FC]  }
0x3b8: {  	[sflag:s13] =	ssyncset.done $0x0  }
0x3b9: {  	[sflag:s13] =	ssyncadd.s32 $0xFFFFC000  }
0x3ba: {  	[hbm4b:s28+s0] =	stream.linear.scatter [tilespmem:s30], [sflag:$0x7], $0x4000, $0x38;
	[tilespmem:$0x1E000] =	vst v63  }
0x3bb: {  	_ =	swait.ge [sflag:s17], $0x4000  }
0x3bc: {  	s29 =	sld [smem:$0x7FD]  }
0x3bd: {  	[sflag:s17] =	ssyncset.done $0x0  }
0x3be: {  	[sflag:s17] =	ssyncadd.s32 $0xFFFFC000  }
0x3bf: {  	[hbm4b:s29+s0] =	stream.linear.scatter [tilespmem:s31], [sflag:$0x8], $0x4000, $0x38;
	[tilespmem:$0x1E000] =	vst v63  }
0x3c0: {  	_ =	swait.ge [sflag:s26], $0x4000  }
0x3c1: {  	[sflag:s26] =	ssyncset.done $0x0  }
0x3c2: {  	[sflag:s26] =	ssyncadd.s32 $0xFFFFC000  }
0x3c3: {  	_ =	swait.ge [sflag:s8], $0x4000  }
0x3c4: {  	[sflag:s8] =	ssyncset.done $0x0  }
0x3c5: {  	[sflag:s8] =	ssyncadd.s32 $0xFFFFC000  }
0x3c6: {  	_ =	swait.ge [sflag:s12], $0x4000  }
0x3c7: {  	[sflag:s12] =	ssyncset.done $0x0  }
0x3c8: {  	[sflag:s12] =	ssyncadd.s32 $0xFFFFC000  }
0x3c9: {  	_ =	swait.ge [sflag:s15], $0x4000  }
0x3ca: {  	[sflag:s15] =	ssyncset.done $0x0  }
0x3cb: {  	[sflag:s15] =	ssyncadd.s32 $0xFFFFC000  }
0x3cc: {  	_ =	swait.ge [sflag:s20], $0x4000  }
.Ltmp3:
0x3cd: {  	[sflag:s20] =	ssyncset.done $0x0;
	(pc) =	sbr.rel .LBB2_4-.Ltmp3, $4  }
0x3ce: {  	[sflag:s20] =	ssyncadd.s32 $0xFFFFC000  }
0x3cf: {  	_ =	swait.ge [sflag:s14], $0x4000  }
0x3d0: {  	[sflag:s14] =	ssyncset.done $0x0  }
0x3d1: {  	s1 =	simm.s32 $0x0;
	[sflag:s14] =	ssyncadd.s32 $0xFFFFC000  }
.LBB2_6:
0x3d2: {  	s1 =	sadd.s32 $0x800, s1  }
0x3d3: {  	p0 =	sne.s32 s1, $0x10000  }
.Ltmp4:
0x3d4: {  	_ = 	snop;
	(pc) =	sbr.rel @!p0 .LBB2_7-.Ltmp4, $2  }
0x3d5: {  	_ =	sdelay $0x2  }
0x3d6: {  	s0 =	sadd.s32 $0x80, s0  }
.LBB2_4:
0x3d7: {  	v3 =	vld [tilespmem:s0+$0x0];
	_ =	sdelay $0x4  }
0x3d8: {  	vm1 =	vgt.s32 v3, $0xFF0  }
0x3d9: {  	v4 =	vmpcnt.ones.xlane vm1;
	_ =	sdelay $0x1  }
0x3da: {  	(v2sf) =	vpush v4, $0x0;
	_ =	sdelay $0xe  }
0x3db: {  	s2 =	spop (v2sf)  }
0x3dc: {  	p0 =	slt.s32 s2, $0x1  }
.Ltmp5:
0x3dd: {  	_ = 	snop;
	(pc) =	sbr.rel @p0 .LBB2_6-.Ltmp5, $1  }
0x3de: {  	_ =	sdelay $0x3  }
0x3df: {  	(v2sf) =	vpush v3, $0x0;
	_ =	sdelay $0xe  }
0x3e0: {  	s2 =	spop (v2sf)  }
0x3e1: {  	p1 =	slt.s32 s2, $0xFF1  }
0x3e2: {  	s2 =	sadd.s32 @!p1 $0xFFFFF00F, s2  }
0x3e3: {  	s4 =	sshll.u32 @!p1 s2, $0xA;
	s2 =	sshll.u32 @!p1 s2, $0x7  }
0x3e4: {  	s4 =	sand.u32 @!p1 $0xFFFFE000, s4;
	s2 =	sand.u32 @!p1 $0x380, s2  }
0x3e5: {  	s2 =	sor.u32 @!p1 s2, s4  }
0x3e6: {  	s10 =	simm.s32 @!p1 $0x0;
	s4 =	sadd.s32 @!p1 s1, s23;
	s5 =	sadd.s32 @!p1 $0x2000, s2  }
0x3e7: {  	[hbm4b:s4+s10] =	stream.linear.scatter @!p1 [tilespmem:s5], [sflag:$0xE], $0x80, $0x38;
	[tilespmem:$0x1E000] =	vst v63  }
0x3e8: {  	s11 =	sadd.s32 @!p1 $0x80, s4;
	s5 =	sadd.s32 @!p1 $0x2400, s2  }
0x3e9: {  	[hbm4b:s11+s10] =	stream.linear.scatter @!p1 [tilespmem:s5], [sflag:$0xE], $0x80, $0x38;
	[tilespmem:$0x1E000] =	vst v63  }
0x3ea: {  	s5 =	sadd.s32 @!p1 $0x2800, s2;
	s11 =	sadd.s32 @!p1 $0x100, s4  }
0x3eb: {  	[hbm4b:s11+s10] =	stream.linear.scatter @!p1 [tilespmem:s5], [sflag:$0xE], $0x80, $0x38;
	[tilespmem:$0x1E000] =	vst v63  }
0x3ec: {  	s5 =	sadd.s32 @!p1 $0x2C00, s2;
	s11 =	sadd.s32 @!p1 $0x180, s4  }
0x3ed: {  	[hbm4b:s11+s10] =	stream.linear.scatter @!p1 [tilespmem:s5], [sflag:$0xE], $0x80, $0x38;
	[tilespmem:$0x1E000] =	vst v63  }
0x3ee: {  	s5 =	sadd.s32 @!p1 $0x3000, s2;
	s11 =	sadd.s32 @!p1 $0x200, s4  }
0x3ef: {  	[hbm4b:s11+s10] =	stream.linear.scatter @!p1 [tilespmem:s5], [sflag:$0xE], $0x80, $0x38;
	[tilespmem:$0x1E000] =	vst v63  }
0x3f0: {  	s5 =	sadd.s32 @!p1 $0x3400, s2;
	s11 =	sadd.s32 @!p1 $0x280, s4  }
0x3f1: {  	[hbm4b:s11+s10] =	stream.linear.scatter @!p1 [tilespmem:s5], [sflag:$0xE], $0x80, $0x38;
	[tilespmem:$0x1E000] =	vst v63  }
0x3f2: {  	s5 =	sadd.s32 @!p1 $0x3800, s2;
	s11 =	sadd.s32 @!p1 $0x300, s4  }
0x3f3: {  	[hbm4b:s11+s10] =	stream.linear.scatter @!p1 [tilespmem:s5], [sflag:$0xE], $0x80, $0x38;
	[tilespmem:$0x1E000] =	vst v63  }
0x3f4: {  	s2 =	sadd.s32 @!p1 $0x3C00, s2;
	s4 =	sadd.s32 @!p1 $0x380, s4  }
0x3f5: {  	[hbm4b:s4+s10] =	stream.linear.scatter @!p1 [tilespmem:s2], [sflag:$0xE], $0x80, $0x38;
	[tilespmem:$0x1E000] =	vst v63  }
0x3f6: {  	s2 =	simm.s32 @!p1 $0xE  }
0x3f7: {  	_ =	swait.ge @!p1 [sflag:s2], $0x400  }
0x3f8: {  	(v2sf) =	vpush v3, $0x1;
	_ =	sdelay $0xe  }
0x3f9: {  	s4 =	spop (v2sf)  }
0x3fa: {  	p0 =	slt.s32 s4, $0xFF1  }
0x3fb: {  	s4 =	sadd.s32 @!p0 $0xFFFFF00F, s4  }
0x3fc: {  	s5 =	sshll.u32 @!p0 s4, $0xA;
	s4 =	sshll.u32 @!p0 s4, $0x7  }
0x3fd: {  	[sflag:s2] =	ssyncset.done @!p1 $0x0;
	s5 =	sand.u32 @!p0 $0xFFFFE000, s5;
	s4 =	sand.u32 @!p0 $0x380, s4  }
0x3fe: {  	[sflag:s2] =	ssyncadd.s32 @!p1 $0xFFFFFC00;
	s2 =	sadd.s32 @!p0 s1, s23;
	s4 =	sor.u32 @!p0 s4, s5  }
0x3ff: {  	s11 =	simm.s32 @!p0 $0x0;
	s5 =	sadd.s32 @!p0 $0x10, s2;
	s10 =	sadd.s32 @!p0 $0x2000, s4  }
0x400: {  	[hbm4b:s5+s11] =	stream.linear.scatter @!p0 [tilespmem:s10], [sflag:$0xE], $0x80, $0x38;
	[tilespmem:$0x1E000] =	vst v63  }
0x401: {  	s5 =	sadd.s32 @!p0 $0x2400, s4;
	s10 =	sadd.s32 @!p0 $0x90, s2  }
0x402: {  	[hbm4b:s10+s11] =	stream.linear.scatter @!p0 [tilespmem:s5], [sflag:$0xE], $0x80, $0x38;
	[tilespmem:$0x1E000] =	vst v63  }
0x403: {  	s5 =	sadd.s32 @!p0 $0x2800, s4;
	s10 =	sadd.s32 @!p0 $0x110, s2  }
0x404: {  	[hbm4b:s10+s11] =	stream.linear.scatter @!p0 [tilespmem:s5], [sflag:$0xE], $0x80, $0x38;
	[tilespmem:$0x1E000] =	vst v63  }
0x405: {  	s5 =	sadd.s32 @!p0 $0x2C00, s4;
	s10 =	sadd.s32 @!p0 $0x190, s2  }
0x406: {  	[hbm4b:s10+s11] =	stream.linear.scatter @!p0 [tilespmem:s5], [sflag:$0xE], $0x80, $0x38;
	[tilespmem:$0x1E000] =	vst v63  }
0x407: {  	s5 =	sadd.s32 @!p0 $0x3000, s4;
	s10 =	sadd.s32 @!p0 $0x210, s2  }
0x408: {  	[hbm4b:s10+s11] =	stream.linear.scatter @!p0 [tilespmem:s5], [sflag:$0xE], $0x80, $0x38;
	[tilespmem:$0x1E000] =	vst v63  }
0x409: {  	s5 =	sadd.s32 @!p0 $0x3400, s4;
	s10 =	sadd.s32 @!p0 $0x290, s2  }
0x40a: {  	[hbm4b:s10+s11] =	stream.linear.scatter @!p0 [tilespmem:s5], [sflag:$0xE], $0x80, $0x38;
	[tilespmem:$0x1E000] =	vst v63  }
0x40b: {  	s5 =	sadd.s32 @!p0 $0x3800, s4;
	s10 =	sadd.s32 @!p0 $0x310, s2  }
0x40c: {  	[hbm4b:s10+s11] =	stream.linear.scatter @!p0 [tilespmem:s5], [sflag:$0xE], $0x80, $0x38;
	[tilespmem:$0x1E000] =	vst v63  }
0x40d: {  	s4 =	sadd.s32 @!p0 $0x3C00, s4;
	s2 =	sadd.s32 @!p0 $0x390, s2  }
0x40e: {  	[hbm4b:s2+s11] =	stream.linear.scatter @!p0 [tilespmem:s4], [sflag:$0xE], $0x80, $0x38;
	[tilespmem:$0x1E000] =	vst v63  }
0x40f: {  	s2 =	simm.s32 @!p0 $0xE  }
0x410: {  	_ =	swait.ge @!p0 [sflag:s2], $0x400  }
0x411: {  	(v2sf) =	vpush v3, $0x2;
	_ =	sdelay $0xe  }
0x412: {  	s4 =	spop (v2sf)  }
0x413: {  	p1 =	slt.s32 s4, $0xFF1  }
0x414: {  	s4 =	sadd.s32 @!p1 $0xFFFFF00F, s4  }
0x415: {  	s5 =	sshll.u32 @!p1 s4, $0xA;
	s4 =	sshll.u32 @!p1 s4, $0x7  }
0x416: {  	[sflag:s2] =	ssyncset.done @!p0 $0x0;
	s5 =	sand.u32 @!p1 $0xFFFFE000, s5;
	s4 =	sand.u32 @!p1 $0x380, s4  }
0x417: {  	[sflag:s2] =	ssyncadd.s32 @!p0 $0xFFFFFC00;
	s2 =	sadd.s32 @!p1 s1, s23;
	s4 =	sor.u32 @!p1 s4, s5  }
0x418: {  	s11 =	simm.s32 @!p1 $0x0;
	s5 =	sadd.s32 @!p1 $0x20, s2;
	s10 =	sadd.s32 @!p1 $0x2000, s4  }
0x419: {  	[hbm4b:s5+s11] =	stream.linear.scatter @!p1 [tilespmem:s10], [sflag:$0xE], $0x80, $0x38;
	[tilespmem:$0x1E000] =	vst v63  }
0x41a: {  	s5 =	sadd.s32 @!p1 $0x2400, s4;
	s10 =	sadd.s32 @!p1 $0xA0, s2  }
0x41b: {  	[hbm4b:s10+s11] =	stream.linear.scatter @!p1 [tilespmem:s5], [sflag:$0xE], $0x80, $0x38;
	[tilespmem:$0x1E000] =	vst v63  }
0x41c: {  	s5 =	sadd.s32 @!p1 $0x2800, s4;
	s10 =	sadd.s32 @!p1 $0x120, s2  }
0x41d: {  	[hbm4b:s10+s11] =	stream.linear.scatter @!p1 [tilespmem:s5], [sflag:$0xE], $0x80, $0x38;
	[tilespmem:$0x1E000] =	vst v63  }
0x41e: {  	s5 =	sadd.s32 @!p1 $0x2C00, s4;
	s10 =	sadd.s32 @!p1 $0x1A0, s2  }
0x41f: {  	[hbm4b:s10+s11] =	stream.linear.scatter @!p1 [tilespmem:s5], [sflag:$0xE], $0x80, $0x38;
	[tilespmem:$0x1E000] =	vst v63  }
0x420: {  	s5 =	sadd.s32 @!p1 $0x3000, s4;
	s10 =	sadd.s32 @!p1 $0x220, s2  }
0x421: {  	[hbm4b:s10+s11] =	stream.linear.scatter @!p1 [tilespmem:s5], [sflag:$0xE], $0x80, $0x38;
	[tilespmem:$0x1E000] =	vst v63  }
0x422: {  	s5 =	sadd.s32 @!p1 $0x3400, s4;
	s10 =	sadd.s32 @!p1 $0x2A0, s2  }
0x423: {  	[hbm4b:s10+s11] =	stream.linear.scatter @!p1 [tilespmem:s5], [sflag:$0xE], $0x80, $0x38;
	[tilespmem:$0x1E000] =	vst v63  }
0x424: {  	s5 =	sadd.s32 @!p1 $0x3800, s4;
	s10 =	sadd.s32 @!p1 $0x320, s2  }
0x425: {  	[hbm4b:s10+s11] =	stream.linear.scatter @!p1 [tilespmem:s5], [sflag:$0xE], $0x80, $0x38;
	[tilespmem:$0x1E000] =	vst v63  }
0x426: {  	s4 =	sadd.s32 @!p1 $0x3C00, s4;
	s2 =	sadd.s32 @!p1 $0x3A0, s2  }
0x427: {  	[hbm4b:s2+s11] =	stream.linear.scatter @!p1 [tilespmem:s4], [sflag:$0xE], $0x80, $0x38;
	[tilespmem:$0x1E000] =	vst v63  }
0x428: {  	s2 =	simm.s32 @!p1 $0xE  }
0x429: {  	_ =	swait.ge @!p1 [sflag:s2], $0x400  }
0x42a: {  	(v2sf) =	vpush v3, $0x3;
	_ =	sdelay $0xe  }
0x42b: {  	s4 =	spop (v2sf)  }
0x42c: {  	p0 =	slt.s32 s4, $0xFF1  }
0x42d: {  	s4 =	sadd.s32 @!p0 $0xFFFFF00F, s4  }
0x42e: {  	s5 =	sshll.u32 @!p0 s4, $0xA;
	s4 =	sshll.u32 @!p0 s4, $0x7  }
0x42f: {  	[sflag:s2] =	ssyncset.done @!p1 $0x0;
	s5 =	sand.u32 @!p0 $0xFFFFE000, s5;
	s4 =	sand.u32 @!p0 $0x380, s4  }
0x430: {  	[sflag:s2] =	ssyncadd.s32 @!p1 $0xFFFFFC00;
	s2 =	sadd.s32 @!p0 s1, s23;
	s4 =	sor.u32 @!p0 s4, s5  }
0x431: {  	s11 =	simm.s32 @!p0 $0x0;
	s5 =	sadd.s32 @!p0 $0x30, s2;
	s10 =	sadd.s32 @!p0 $0x2000, s4  }
0x432: {  	[hbm4b:s5+s11] =	stream.linear.scatter @!p0 [tilespmem:s10], [sflag:$0xE], $0x80, $0x38;
	[tilespmem:$0x1E000] =	vst v63  }
0x433: {  	s5 =	sadd.s32 @!p0 $0x2400, s4;
	s10 =	sadd.s32 @!p0 $0xB0, s2  }
0x434: {  	[hbm4b:s10+s11] =	stream.linear.scatter @!p0 [tilespmem:s5], [sflag:$0xE], $0x80, $0x38;
	[tilespmem:$0x1E000] =	vst v63  }
0x435: {  	s5 =	sadd.s32 @!p0 $0x2800, s4;
	s10 =	sadd.s32 @!p0 $0x130, s2  }
0x436: {  	[hbm4b:s10+s11] =	stream.linear.scatter @!p0 [tilespmem:s5], [sflag:$0xE], $0x80, $0x38;
	[tilespmem:$0x1E000] =	vst v63  }
0x437: {  	s5 =	sadd.s32 @!p0 $0x2C00, s4;
	s10 =	sadd.s32 @!p0 $0x1B0, s2  }
0x438: {  	[hbm4b:s10+s11] =	stream.linear.scatter @!p0 [tilespmem:s5], [sflag:$0xE], $0x80, $0x38;
	[tilespmem:$0x1E000] =	vst v63  }
0x439: {  	s5 =	sadd.s32 @!p0 $0x3000, s4;
	s10 =	sadd.s32 @!p0 $0x230, s2  }
0x43a: {  	[hbm4b:s10+s11] =	stream.linear.scatter @!p0 [tilespmem:s5], [sflag:$0xE], $0x80, $0x38;
	[tilespmem:$0x1E000] =	vst v63  }
0x43b: {  	s5 =	sadd.s32 @!p0 $0x3400, s4;
	s10 =	sadd.s32 @!p0 $0x2B0, s2  }
0x43c: {  	[hbm4b:s10+s11] =	stream.linear.scatter @!p0 [tilespmem:s5], [sflag:$0xE], $0x80, $0x38;
	[tilespmem:$0x1E000] =	vst v63  }
0x43d: {  	s5 =	sadd.s32 @!p0 $0x3800, s4;
	s10 =	sadd.s32 @!p0 $0x330, s2  }
0x43e: {  	[hbm4b:s10+s11] =	stream.linear.scatter @!p0 [tilespmem:s5], [sflag:$0xE], $0x80, $0x38;
	[tilespmem:$0x1E000] =	vst v63  }
0x43f: {  	s4 =	sadd.s32 @!p0 $0x3C00, s4;
	s2 =	sadd.s32 @!p0 $0x3B0, s2  }
0x440: {  	[hbm4b:s2+s11] =	stream.linear.scatter @!p0 [tilespmem:s4], [sflag:$0xE], $0x80, $0x38;
	[tilespmem:$0x1E000] =	vst v63  }
0x441: {  	s2 =	simm.s32 @!p0 $0xE  }
0x442: {  	_ =	swait.ge @!p0 [sflag:s2], $0x400  }
0x443: {  	(v2sf) =	vpush v3, $0x4;
	_ =	sdelay $0xe  }
0x444: {  	s4 =	spop (v2sf)  }
0x445: {  	p1 =	slt.s32 s4, $0xFF1  }
0x446: {  	s4 =	sadd.s32 @!p1 $0xFFFFF00F, s4  }
0x447: {  	s5 =	sshll.u32 @!p1 s4, $0xA;
	s4 =	sshll.u32 @!p1 s4, $0x7  }
0x448: {  	[sflag:s2] =	ssyncset.done @!p0 $0x0;
	s5 =	sand.u32 @!p1 $0xFFFFE000, s5;
	s4 =	sand.u32 @!p1 $0x380, s4  }
0x449: {  	[sflag:s2] =	ssyncadd.s32 @!p0 $0xFFFFFC00;
	s2 =	sadd.s32 @!p1 s1, s23;
	s4 =	sor.u32 @!p1 s4, s5  }
0x44a: {  	s11 =	simm.s32 @!p1 $0x0;
	s5 =	sadd.s32 @!p1 $0x40, s2;
	s10 =	sadd.s32 @!p1 $0x2000, s4  }
0x44b: {  	[hbm4b:s5+s11] =	stream.linear.scatter @!p1 [tilespmem:s10], [sflag:$0xE], $0x80, $0x38;
	[tilespmem:$0x1E000] =	vst v63  }
0x44c: {  	s5 =	sadd.s32 @!p1 $0x2400, s4;
	s10 =	sadd.s32 @!p1 $0xC0, s2  }
0x44d: {  	[hbm4b:s10+s11] =	stream.linear.scatter @!p1 [tilespmem:s5], [sflag:$0xE], $0x80, $0x38;
	[tilespmem:$0x1E000] =	vst v63  }
0x44e: {  	s5 =	sadd.s32 @!p1 $0x2800, s4;
	s10 =	sadd.s32 @!p1 $0x140, s2  }
0x44f: {  	[hbm4b:s10+s11] =	stream.linear.scatter @!p1 [tilespmem:s5], [sflag:$0xE], $0x80, $0x38;
	[tilespmem:$0x1E000] =	vst v63  }
0x450: {  	s5 =	sadd.s32 @!p1 $0x2C00, s4;
	s10 =	sadd.s32 @!p1 $0x1C0, s2  }
0x451: {  	[hbm4b:s10+s11] =	stream.linear.scatter @!p1 [tilespmem:s5], [sflag:$0xE], $0x80, $0x38;
	[tilespmem:$0x1E000] =	vst v63  }
0x452: {  	s5 =	sadd.s32 @!p1 $0x3000, s4;
	s10 =	sadd.s32 @!p1 $0x240, s2  }
0x453: {  	[hbm4b:s10+s11] =	stream.linear.scatter @!p1 [tilespmem:s5], [sflag:$0xE], $0x80, $0x38;
	[tilespmem:$0x1E000] =	vst v63  }
0x454: {  	s5 =	sadd.s32 @!p1 $0x3400, s4;
	s10 =	sadd.s32 @!p1 $0x2C0, s2  }
0x455: {  	[hbm4b:s10+s11] =	stream.linear.scatter @!p1 [tilespmem:s5], [sflag:$0xE], $0x80, $0x38;
	[tilespmem:$0x1E000] =	vst v63  }
0x456: {  	s5 =	sadd.s32 @!p1 $0x3800, s4;
	s10 =	sadd.s32 @!p1 $0x340, s2  }
0x457: {  	[hbm4b:s10+s11] =	stream.linear.scatter @!p1 [tilespmem:s5], [sflag:$0xE], $0x80, $0x38;
	[tilespmem:$0x1E000] =	vst v63  }
0x458: {  	s4 =	sadd.s32 @!p1 $0x3C00, s4;
	s2 =	sadd.s32 @!p1 $0x3C0, s2  }
0x459: {  	[hbm4b:s2+s11] =	stream.linear.scatter @!p1 [tilespmem:s4], [sflag:$0xE], $0x80, $0x38;
	[tilespmem:$0x1E000] =	vst v63  }
0x45a: {  	s2 =	simm.s32 @!p1 $0xE  }
0x45b: {  	_ =	swait.ge @!p1 [sflag:s2], $0x400  }
0x45c: {  	(v2sf) =	vpush v3, $0x5;
	_ =	sdelay $0xe  }
0x45d: {  	s4 =	spop (v2sf)  }
0x45e: {  	p0 =	slt.s32 s4, $0xFF1  }
0x45f: {  	s4 =	sadd.s32 @!p0 $0xFFFFF00F, s4  }
0x460: {  	s5 =	sshll.u32 @!p0 s4, $0xA;
	s4 =	sshll.u32 @!p0 s4, $0x7  }
0x461: {  	[sflag:s2] =	ssyncset.done @!p1 $0x0;
	s5 =	sand.u32 @!p0 $0xFFFFE000, s5;
	s4 =	sand.u32 @!p0 $0x380, s4  }
0x462: {  	[sflag:s2] =	ssyncadd.s32 @!p1 $0xFFFFFC00;
	s2 =	sadd.s32 @!p0 s1, s23;
	s4 =	sor.u32 @!p0 s4, s5  }
0x463: {  	s11 =	simm.s32 @!p0 $0x0;
	s5 =	sadd.s32 @!p0 $0x50, s2;
	s10 =	sadd.s32 @!p0 $0x2000, s4  }
0x464: {  	[hbm4b:s5+s11] =	stream.linear.scatter @!p0 [tilespmem:s10], [sflag:$0xE], $0x80, $0x38;
	[tilespmem:$0x1E000] =	vst v63  }
0x465: {  	s5 =	sadd.s32 @!p0 $0x2400, s4;
	s10 =	sadd.s32 @!p0 $0xD0, s2  }
0x466: {  	[hbm4b:s10+s11] =	stream.linear.scatter @!p0 [tilespmem:s5], [sflag:$0xE], $0x80, $0x38;
	[tilespmem:$0x1E000] =	vst v63  }
0x467: {  	s5 =	sadd.s32 @!p0 $0x2800, s4;
	s10 =	sadd.s32 @!p0 $0x150, s2  }
0x468: {  	[hbm4b:s10+s11] =	stream.linear.scatter @!p0 [tilespmem:s5], [sflag:$0xE], $0x80, $0x38;
	[tilespmem:$0x1E000] =	vst v63  }
0x469: {  	s5 =	sadd.s32 @!p0 $0x2C00, s4;
	s10 =	sadd.s32 @!p0 $0x1D0, s2  }
0x46a: {  	[hbm4b:s10+s11] =	stream.linear.scatter @!p0 [tilespmem:s5], [sflag:$0xE], $0x80, $0x38;
	[tilespmem:$0x1E000] =	vst v63  }
0x46b: {  	s5 =	sadd.s32 @!p0 $0x3000, s4;
	s10 =	sadd.s32 @!p0 $0x250, s2  }
0x46c: {  	[hbm4b:s10+s11] =	stream.linear.scatter @!p0 [tilespmem:s5], [sflag:$0xE], $0x80, $0x38;
	[tilespmem:$0x1E000] =	vst v63  }
0x46d: {  	s5 =	sadd.s32 @!p0 $0x3400, s4;
	s10 =	sadd.s32 @!p0 $0x2D0, s2  }
0x46e: {  	[hbm4b:s10+s11] =	stream.linear.scatter @!p0 [tilespmem:s5], [sflag:$0xE], $0x80, $0x38;
	[tilespmem:$0x1E000] =	vst v63  }
0x46f: {  	s5 =	sadd.s32 @!p0 $0x3800, s4;
	s10 =	sadd.s32 @!p0 $0x350, s2  }
0x470: {  	[hbm4b:s10+s11] =	stream.linear.scatter @!p0 [tilespmem:s5], [sflag:$0xE], $0x80, $0x38;
	[tilespmem:$0x1E000] =	vst v63  }
0x471: {  	s4 =	sadd.s32 @!p0 $0x3C00, s4;
	s2 =	sadd.s32 @!p0 $0x3D0, s2  }
0x472: {  	[hbm4b:s2+s11] =	stream.linear.scatter @!p0 [tilespmem:s4], [sflag:$0xE], $0x80, $0x38;
	[tilespmem:$0x1E000] =	vst v63  }
0x473: {  	s2 =	simm.s32 @!p0 $0xE  }
0x474: {  	_ =	swait.ge @!p0 [sflag:s2], $0x400  }
0x475: {  	(v2sf) =	vpush v3, $0x6;
	_ =	sdelay $0xe  }
0x476: {  	s4 =	spop (v2sf)  }
0x477: {  	p1 =	slt.s32 s4, $0xFF1  }
0x478: {  	s4 =	sadd.s32 @!p1 $0xFFFFF00F, s4  }
0x479: {  	s5 =	sshll.u32 @!p1 s4, $0xA;
	s4 =	sshll.u32 @!p1 s4, $0x7  }
0x47a: {  	[sflag:s2] =	ssyncset.done @!p0 $0x0;
	s5 =	sand.u32 @!p1 $0xFFFFE000, s5;
	s4 =	sand.u32 @!p1 $0x380, s4  }
0x47b: {  	[sflag:s2] =	ssyncadd.s32 @!p0 $0xFFFFFC00;
	s2 =	sadd.s32 @!p1 s1, s23;
	s4 =	sor.u32 @!p1 s4, s5  }
0x47c: {  	s11 =	simm.s32 @!p1 $0x0;
	s5 =	sadd.s32 @!p1 $0x60, s2;
	s10 =	sadd.s32 @!p1 $0x2000, s4  }
0x47d: {  	[hbm4b:s5+s11] =	stream.linear.scatter @!p1 [tilespmem:s10], [sflag:$0xE], $0x80, $0x38;
	[tilespmem:$0x1E000] =	vst v63  }
0x47e: {  	s5 =	sadd.s32 @!p1 $0x2400, s4;
	s10 =	sadd.s32 @!p1 $0xE0, s2  }
0x47f: {  	[hbm4b:s10+s11] =	stream.linear.scatter @!p1 [tilespmem:s5], [sflag:$0xE], $0x80, $0x38;
	[tilespmem:$0x1E000] =	vst v63  }
0x480: {  	s5 =	sadd.s32 @!p1 $0x2800, s4;
	s10 =	sadd.s32 @!p1 $0x160, s2  }
0x481: {  	[hbm4b:s10+s11] =	stream.linear.scatter @!p1 [tilespmem:s5], [sflag:$0xE], $0x80, $0x38;
	[tilespmem:$0x1E000] =	vst v63  }
0x482: {  	s5 =	sadd.s32 @!p1 $0x2C00, s4;
	s10 =	sadd.s32 @!p1 $0x1E0, s2  }
0x483: {  	[hbm4b:s10+s11] =	stream.linear.scatter @!p1 [tilespmem:s5], [sflag:$0xE], $0x80, $0x38;
	[tilespmem:$0x1E000] =	vst v63  }
0x484: {  	s5 =	sadd.s32 @!p1 $0x3000, s4;
	s10 =	sadd.s32 @!p1 $0x260, s2  }
0x485: {  	[hbm4b:s10+s11] =	stream.linear.scatter @!p1 [tilespmem:s5], [sflag:$0xE], $0x80, $0x38;
	[tilespmem:$0x1E000] =	vst v63  }
0x486: {  	s5 =	sadd.s32 @!p1 $0x3400, s4;
	s10 =	sadd.s32 @!p1 $0x2E0, s2  }
0x487: {  	[hbm4b:s10+s11] =	stream.linear.scatter @!p1 [tilespmem:s5], [sflag:$0xE], $0x80, $0x38;
	[tilespmem:$0x1E000] =	vst v63  }
0x488: {  	s5 =	sadd.s32 @!p1 $0x3800, s4;
	s10 =	sadd.s32 @!p1 $0x360, s2  }
0x489: {  	[hbm4b:s10+s11] =	stream.linear.scatter @!p1 [tilespmem:s5], [sflag:$0xE], $0x80, $0x38;
	[tilespmem:$0x1E000] =	vst v63  }
0x48a: {  	s4 =	sadd.s32 @!p1 $0x3C00, s4;
	s2 =	sadd.s32 @!p1 $0x3E0, s2  }
0x48b: {  	[hbm4b:s2+s11] =	stream.linear.scatter @!p1 [tilespmem:s4], [sflag:$0xE], $0x80, $0x38;
	[tilespmem:$0x1E000] =	vst v63  }
0x48c: {  	s2 =	simm.s32 @!p1 $0xE  }
0x48d: {  	_ =	swait.ge @!p1 [sflag:s2], $0x400  }
0x48e: {  	(v2sf) =	vpush v3, $0x7;
	_ =	sdelay $0xe  }
0x48f: {  	s4 =	spop (v2sf)  }
0x490: {  	p0 =	slt.s32 s4, $0xFF1  }
0x491: {  	s4 =	sadd.s32 @!p0 $0xFFFFF00F, s4  }
0x492: {  	s5 =	sshll.u32 @!p0 s4, $0xA;
	s4 =	sshll.u32 @!p0 s4, $0x7  }
0x493: {  	[sflag:s2] =	ssyncset.done @!p1 $0x0;
	s5 =	sand.u32 @!p0 $0xFFFFE000, s5;
	s4 =	sand.u32 @!p0 $0x380, s4  }
0x494: {  	[sflag:s2] =	ssyncadd.s32 @!p1 $0xFFFFFC00;
	s2 =	sadd.s32 @!p0 s1, s23;
	s4 =	sor.u32 @!p0 s4, s5  }
0x495: {  	s11 =	simm.s32 @!p0 $0x0;
	s5 =	sadd.s32 @!p0 $0x70, s2;
	s10 =	sadd.s32 @!p0 $0x2000, s4  }
0x496: {  	[hbm4b:s5+s11] =	stream.linear.scatter @!p0 [tilespmem:s10], [sflag:$0xE], $0x80, $0x38;
	[tilespmem:$0x1E000] =	vst v63  }
0x497: {  	s5 =	sadd.s32 @!p0 $0x2400, s4;
	s10 =	sadd.s32 @!p0 $0xF0, s2  }
0x498: {  	[hbm4b:s10+s11] =	stream.linear.scatter @!p0 [tilespmem:s5], [sflag:$0xE], $0x80, $0x38;
	[tilespmem:$0x1E000] =	vst v63  }
0x499: {  	s5 =	sadd.s32 @!p0 $0x2800, s4;
	s10 =	sadd.s32 @!p0 $0x170, s2  }
0x49a: {  	[hbm4b:s10+s11] =	stream.linear.scatter @!p0 [tilespmem:s5], [sflag:$0xE], $0x80, $0x38;
	[tilespmem:$0x1E000] =	vst v63  }
0x49b: {  	s5 =	sadd.s32 @!p0 $0x2C00, s4;
	s10 =	sadd.s32 @!p0 $0x1F0, s2  }
0x49c: {  	[hbm4b:s10+s11] =	stream.linear.scatter @!p0 [tilespmem:s5], [sflag:$0xE], $0x80, $0x38;
	[tilespmem:$0x1E000] =	vst v63  }
0x49d: {  	s5 =	sadd.s32 @!p0 $0x3000, s4;
	s10 =	sadd.s32 @!p0 $0x270, s2  }
0x49e: {  	[hbm4b:s10+s11] =	stream.linear.scatter @!p0 [tilespmem:s5], [sflag:$0xE], $0x80, $0x38;
	[tilespmem:$0x1E000] =	vst v63  }
0x49f: {  	s5 =	sadd.s32 @!p0 $0x3400, s4;
	s10 =	sadd.s32 @!p0 $0x2F0, s2  }
0x4a0: {  	[hbm4b:s10+s11] =	stream.linear.scatter @!p0 [tilespmem:s5], [sflag:$0xE], $0x80, $0x38;
	[tilespmem:$0x1E000] =	vst v63  }
0x4a1: {  	s5 =	sadd.s32 @!p0 $0x3800, s4;
	s10 =	sadd.s32 @!p0 $0x370, s2  }
0x4a2: {  	[hbm4b:s10+s11] =	stream.linear.scatter @!p0 [tilespmem:s5], [sflag:$0xE], $0x80, $0x38;
	[tilespmem:$0x1E000] =	vst v63  }
0x4a3: {  	s4 =	sadd.s32 @!p0 $0x3C00, s4;
	s2 =	sadd.s32 @!p0 $0x3F0, s2  }
0x4a4: {  	[hbm4b:s2+s11] =	stream.linear.scatter @!p0 [tilespmem:s4], [sflag:$0xE], $0x80, $0x38;
	[tilespmem:$0x1E000] =	vst v63  }
0x4a5: {  	s2 =	simm.s32 @!p0 $0xE  }
0x4a6: {  	_ =	swait.ge @!p0 [sflag:s2], $0x400  }
0x4a7: {  	(v2sf) =	vpush v3, $0x8;
	_ =	sdelay $0xe  }
0x4a8: {  	s4 =	spop (v2sf)  }
0x4a9: {  	p1 =	slt.s32 s4, $0xFF1  }
0x4aa: {  	s4 =	sadd.s32 @!p1 $0xFFFFF00F, s4  }
0x4ab: {  	s5 =	sshll.u32 @!p1 s4, $0xA;
	s4 =	sshll.u32 @!p1 s4, $0x7  }
0x4ac: {  	[sflag:s2] =	ssyncset.done @!p0 $0x0;
	s5 =	sand.u32 @!p1 $0xFFFFE000, s5;
	s4 =	sand.u32 @!p1 $0x380, s4  }
0x4ad: {  	[sflag:s2] =	ssyncadd.s32 @!p0 $0xFFFFFC00;
	s2 =	sor.u32 @!p1 s4, s5  }
0x4ae: {  	s10 =	simm.s32 @!p1 $0x0;
	s4 =	sadd.s32 @!p1 s1, s22;
	s5 =	sadd.s32 @!p1 $0x2000, s2  }
0x4af: {  	[hbm4b:s4+s10] =	stream.linear.scatter @!p1 [tilespmem:s5], [sflag:$0xE], $0x80, $0x38;
	[tilespmem:$0x1E000] =	vst v63  }
0x4b0: {  	s11 =	sadd.s32 @!p1 $0x80, s4;
	s5 =	sadd.s32 @!p1 $0x2400, s2  }
0x4b1: {  	[hbm4b:s11+s10] =	stream.linear.scatter @!p1 [tilespmem:s5], [sflag:$0xE], $0x80, $0x38;
	[tilespmem:$0x1E000] =	vst v63  }
0x4b2: {  	s5 =	sadd.s32 @!p1 $0x2800, s2;
	s11 =	sadd.s32 @!p1 $0x100, s4  }
0x4b3: {  	[hbm4b:s11+s10] =	stream.linear.scatter @!p1 [tilespmem:s5], [sflag:$0xE], $0x80, $0x38;
	[tilespmem:$0x1E000] =	vst v63  }
0x4b4: {  	s5 =	sadd.s32 @!p1 $0x2C00, s2;
	s11 =	sadd.s32 @!p1 $0x180, s4  }
0x4b5: {  	[hbm4b:s11+s10] =	stream.linear.scatter @!p1 [tilespmem:s5], [sflag:$0xE], $0x80, $0x38;
	[tilespmem:$0x1E000] =	vst v63  }
0x4b6: {  	s5 =	sadd.s32 @!p1 $0x3000, s2;
	s11 =	sadd.s32 @!p1 $0x200, s4  }
0x4b7: {  	[hbm4b:s11+s10] =	stream.linear.scatter @!p1 [tilespmem:s5], [sflag:$0xE], $0x80, $0x38;
	[tilespmem:$0x1E000] =	vst v63  }
0x4b8: {  	s5 =	sadd.s32 @!p1 $0x3400, s2;
	s11 =	sadd.s32 @!p1 $0x280, s4  }
0x4b9: {  	[hbm4b:s11+s10] =	stream.linear.scatter @!p1 [tilespmem:s5], [sflag:$0xE], $0x80, $0x38;
	[tilespmem:$0x1E000] =	vst v63  }
0x4ba: {  	s5 =	sadd.s32 @!p1 $0x3800, s2;
	s11 =	sadd.s32 @!p1 $0x300, s4  }
0x4bb: {  	[hbm4b:s11+s10] =	stream.linear.scatter @!p1 [tilespmem:s5], [sflag:$0xE], $0x80, $0x38;
	[tilespmem:$0x1E000] =	vst v63  }
0x4bc: {  	s2 =	sadd.s32 @!p1 $0x3C00, s2;
	s4 =	sadd.s32 @!p1 $0x380, s4  }
0x4bd: {  	[hbm4b:s4+s10] =	stream.linear.scatter @!p1 [tilespmem:s2], [sflag:$0xE], $0x80, $0x38;
	[tilespmem:$0x1E000] =	vst v63  }
0x4be: {  	s2 =	simm.s32 @!p1 $0xE  }
0x4bf: {  	_ =	swait.ge @!p1 [sflag:s2], $0x400  }
0x4c0: {  	(v2sf) =	vpush v3, $0x9;
	_ =	sdelay $0xe  }
0x4c1: {  	s4 =	spop (v2sf)  }
0x4c2: {  	p0 =	slt.s32 s4, $0xFF1  }
0x4c3: {  	s4 =	sadd.s32 @!p0 $0xFFFFF00F, s4  }
0x4c4: {  	s5 =	sshll.u32 @!p0 s4, $0xA;
	s4 =	sshll.u32 @!p0 s4, $0x7  }
0x4c5: {  	[sflag:s2] =	ssyncset.done @!p1 $0x0;
	s5 =	sand.u32 @!p0 $0xFFFFE000, s5;
	s4 =	sand.u32 @!p0 $0x380, s4  }
0x4c6: {  	[sflag:s2] =	ssyncadd.s32 @!p1 $0xFFFFFC00;
	s2 =	sadd.s32 @!p0 s1, s22;
	s4 =	sor.u32 @!p0 s4, s5  }
0x4c7: {  	s11 =	simm.s32 @!p0 $0x0;
	s5 =	sadd.s32 @!p0 $0x10, s2;
	s10 =	sadd.s32 @!p0 $0x2000, s4  }
0x4c8: {  	[hbm4b:s5+s11] =	stream.linear.scatter @!p0 [tilespmem:s10], [sflag:$0xE], $0x80, $0x38;
	[tilespmem:$0x1E000] =	vst v63  }
0x4c9: {  	s5 =	sadd.s32 @!p0 $0x2400, s4;
	s10 =	sadd.s32 @!p0 $0x90, s2  }
0x4ca: {  	[hbm4b:s10+s11] =	stream.linear.scatter @!p0 [tilespmem:s5], [sflag:$0xE], $0x80, $0x38;
	[tilespmem:$0x1E000] =	vst v63  }
0x4cb: {  	s5 =	sadd.s32 @!p0 $0x2800, s4;
	s10 =	sadd.s32 @!p0 $0x110, s2  }
0x4cc: {  	[hbm4b:s10+s11] =	stream.linear.scatter @!p0 [tilespmem:s5], [sflag:$0xE], $0x80, $0x38;
	[tilespmem:$0x1E000] =	vst v63  }
0x4cd: {  	s5 =	sadd.s32 @!p0 $0x2C00, s4;
	s10 =	sadd.s32 @!p0 $0x190, s2  }
0x4ce: {  	[hbm4b:s10+s11] =	stream.linear.scatter @!p0 [tilespmem:s5], [sflag:$0xE], $0x80, $0x38;
	[tilespmem:$0x1E000] =	vst v63  }
0x4cf: {  	s5 =	sadd.s32 @!p0 $0x3000, s4;
	s10 =	sadd.s32 @!p0 $0x210, s2  }
0x4d0: {  	[hbm4b:s10+s11] =	stream.linear.scatter @!p0 [tilespmem:s5], [sflag:$0xE], $0x80, $0x38;
	[tilespmem:$0x1E000] =	vst v63  }
0x4d1: {  	s5 =	sadd.s32 @!p0 $0x3400, s4;
	s10 =	sadd.s32 @!p0 $0x290, s2  }
0x4d2: {  	[hbm4b:s10+s11] =	stream.linear.scatter @!p0 [tilespmem:s5], [sflag:$0xE], $0x80, $0x38;
	[tilespmem:$0x1E000] =	vst v63  }
0x4d3: {  	s5 =	sadd.s32 @!p0 $0x3800, s4;
	s10 =	sadd.s32 @!p0 $0x310, s2  }
0x4d4: {  	[hbm4b:s10+s11] =	stream.linear.scatter @!p0 [tilespmem:s5], [sflag:$0xE], $0x80, $0x38;
	[tilespmem:$0x1E000] =	vst v63  }
0x4d5: {  	s4 =	sadd.s32 @!p0 $0x3C00, s4;
	s2 =	sadd.s32 @!p0 $0x390, s2  }
0x4d6: {  	[hbm4b:s2+s11] =	stream.linear.scatter @!p0 [tilespmem:s4], [sflag:$0xE], $0x80, $0x38;
	[tilespmem:$0x1E000] =	vst v63  }
0x4d7: {  	s2 =	simm.s32 @!p0 $0xE  }
0x4d8: {  	_ =	swait.ge @!p0 [sflag:s2], $0x400  }
0x4d9: {  	(v2sf) =	vpush v3, $0xA;
	_ =	sdelay $0xe  }
0x4da: {  	s4 =	spop (v2sf)  }
0x4db: {  	p1 =	slt.s32 s4, $0xFF1  }
0x4dc: {  	s4 =	sadd.s32 @!p1 $0xFFFFF00F, s4  }
0x4dd: {  	s5 =	sshll.u32 @!p1 s4, $0xA;
	s4 =	sshll.u32 @!p1 s4, $0x7  }
0x4de: {  	[sflag:s2] =	ssyncset.done @!p0 $0x0;
	s5 =	sand.u32 @!p1 $0xFFFFE000, s5;
	s4 =	sand.u32 @!p1 $0x380, s4  }
0x4df: {  	[sflag:s2] =	ssyncadd.s32 @!p0 $0xFFFFFC00;
	s2 =	sadd.s32 @!p1 s1, s22;
	s4 =	sor.u32 @!p1 s4, s5  }
0x4e0: {  	s11 =	simm.s32 @!p1 $0x0;
	s5 =	sadd.s32 @!p1 $0x20, s2;
	s10 =	sadd.s32 @!p1 $0x2000, s4  }
0x4e1: {  	[hbm4b:s5+s11] =	stream.linear.scatter @!p1 [tilespmem:s10], [sflag:$0xE], $0x80, $0x38;
	[tilespmem:$0x1E000] =	vst v63  }
0x4e2: {  	s5 =	sadd.s32 @!p1 $0x2400, s4;
	s10 =	sadd.s32 @!p1 $0xA0, s2  }
0x4e3: {  	[hbm4b:s10+s11] =	stream.linear.scatter @!p1 [tilespmem:s5], [sflag:$0xE], $0x80, $0x38;
	[tilespmem:$0x1E000] =	vst v63  }
0x4e4: {  	s5 =	sadd.s32 @!p1 $0x2800, s4;
	s10 =	sadd.s32 @!p1 $0x120, s2  }
0x4e5: {  	[hbm4b:s10+s11] =	stream.linear.scatter @!p1 [tilespmem:s5], [sflag:$0xE], $0x80, $0x38;
	[tilespmem:$0x1E000] =	vst v63  }
0x4e6: {  	s5 =	sadd.s32 @!p1 $0x2C00, s4;
	s10 =	sadd.s32 @!p1 $0x1A0, s2  }
0x4e7: {  	[hbm4b:s10+s11] =	stream.linear.scatter @!p1 [tilespmem:s5], [sflag:$0xE], $0x80, $0x38;
	[tilespmem:$0x1E000] =	vst v63  }
0x4e8: {  	s5 =	sadd.s32 @!p1 $0x3000, s4;
	s10 =	sadd.s32 @!p1 $0x220, s2  }
0x4e9: {  	[hbm4b:s10+s11] =	stream.linear.scatter @!p1 [tilespmem:s5], [sflag:$0xE], $0x80, $0x38;
	[tilespmem:$0x1E000] =	vst v63  }
0x4ea: {  	s5 =	sadd.s32 @!p1 $0x3400, s4;
	s10 =	sadd.s32 @!p1 $0x2A0, s2  }
0x4eb: {  	[hbm4b:s10+s11] =	stream.linear.scatter @!p1 [tilespmem:s5], [sflag:$0xE], $0x80, $0x38;
	[tilespmem:$0x1E000] =	vst v63  }
0x4ec: {  	s5 =	sadd.s32 @!p1 $0x3800, s4;
	s10 =	sadd.s32 @!p1 $0x320, s2  }
0x4ed: {  	[hbm4b:s10+s11] =	stream.linear.scatter @!p1 [tilespmem:s5], [sflag:$0xE], $0x80, $0x38;
	[tilespmem:$0x1E000] =	vst v63  }
0x4ee: {  	s4 =	sadd.s32 @!p1 $0x3C00, s4;
	s2 =	sadd.s32 @!p1 $0x3A0, s2  }
0x4ef: {  	[hbm4b:s2+s11] =	stream.linear.scatter @!p1 [tilespmem:s4], [sflag:$0xE], $0x80, $0x38;
	[tilespmem:$0x1E000] =	vst v63  }
0x4f0: {  	s2 =	simm.s32 @!p1 $0xE  }
0x4f1: {  	_ =	swait.ge @!p1 [sflag:s2], $0x400  }
0x4f2: {  	(v2sf) =	vpush v3, $0xB;
	_ =	sdelay $0xe  }
0x4f3: {  	s4 =	spop (v2sf)  }
0x4f4: {  	p0 =	slt.s32 s4, $0xFF1  }
0x4f5: {  	s4 =	sadd.s32 @!p0 $0xFFFFF00F, s4  }
0x4f6: {  	s5 =	sshll.u32 @!p0 s4, $0xA;
	s4 =	sshll.u32 @!p0 s4, $0x7  }
0x4f7: {  	[sflag:s2] =	ssyncset.done @!p1 $0x0;
	s5 =	sand.u32 @!p0 $0xFFFFE000, s5;
	s4 =	sand.u32 @!p0 $0x380, s4  }
0x4f8: {  	[sflag:s2] =	ssyncadd.s32 @!p1 $0xFFFFFC00;
	s2 =	sadd.s32 @!p0 s1, s22;
	s4 =	sor.u32 @!p0 s4, s5  }
0x4f9: {  	s11 =	simm.s32 @!p0 $0x0;
	s5 =	sadd.s32 @!p0 $0x30, s2;
	s10 =	sadd.s32 @!p0 $0x2000, s4  }
0x4fa: {  	[hbm4b:s5+s11] =	stream.linear.scatter @!p0 [tilespmem:s10], [sflag:$0xE], $0x80, $0x38;
	[tilespmem:$0x1E000] =	vst v63  }
0x4fb: {  	s5 =	sadd.s32 @!p0 $0x2400, s4;
	s10 =	sadd.s32 @!p0 $0xB0, s2  }
0x4fc: {  	[hbm4b:s10+s11] =	stream.linear.scatter @!p0 [tilespmem:s5], [sflag:$0xE], $0x80, $0x38;
	[tilespmem:$0x1E000] =	vst v63  }
0x4fd: {  	s5 =	sadd.s32 @!p0 $0x2800, s4;
	s10 =	sadd.s32 @!p0 $0x130, s2  }
0x4fe: {  	[hbm4b:s10+s11] =	stream.linear.scatter @!p0 [tilespmem:s5], [sflag:$0xE], $0x80, $0x38;
	[tilespmem:$0x1E000] =	vst v63  }
0x4ff: {  	s5 =	sadd.s32 @!p0 $0x2C00, s4;
	s10 =	sadd.s32 @!p0 $0x1B0, s2  }
0x500: {  	[hbm4b:s10+s11] =	stream.linear.scatter @!p0 [tilespmem:s5], [sflag:$0xE], $0x80, $0x38;
	[tilespmem:$0x1E000] =	vst v63  }
0x501: {  	s5 =	sadd.s32 @!p0 $0x3000, s4;
	s10 =	sadd.s32 @!p0 $0x230, s2  }
0x502: {  	[hbm4b:s10+s11] =	stream.linear.scatter @!p0 [tilespmem:s5], [sflag:$0xE], $0x80, $0x38;
	[tilespmem:$0x1E000] =	vst v63  }
0x503: {  	s5 =	sadd.s32 @!p0 $0x3400, s4;
	s10 =	sadd.s32 @!p0 $0x2B0, s2  }
0x504: {  	[hbm4b:s10+s11] =	stream.linear.scatter @!p0 [tilespmem:s5], [sflag:$0xE], $0x80, $0x38;
	[tilespmem:$0x1E000] =	vst v63  }
0x505: {  	s5 =	sadd.s32 @!p0 $0x3800, s4;
	s10 =	sadd.s32 @!p0 $0x330, s2  }
0x506: {  	[hbm4b:s10+s11] =	stream.linear.scatter @!p0 [tilespmem:s5], [sflag:$0xE], $0x80, $0x38;
	[tilespmem:$0x1E000] =	vst v63  }
0x507: {  	s4 =	sadd.s32 @!p0 $0x3C00, s4;
	s2 =	sadd.s32 @!p0 $0x3B0, s2  }
0x508: {  	[hbm4b:s2+s11] =	stream.linear.scatter @!p0 [tilespmem:s4], [sflag:$0xE], $0x80, $0x38;
	[tilespmem:$0x1E000] =	vst v63  }
0x509: {  	s2 =	simm.s32 @!p0 $0xE  }
0x50a: {  	_ =	swait.ge @!p0 [sflag:s2], $0x400  }
0x50b: {  	(v2sf) =	vpush v3, $0xC;
	_ =	sdelay $0xe  }
0x50c: {  	s4 =	spop (v2sf)  }
0x50d: {  	p1 =	slt.s32 s4, $0xFF1  }
0x50e: {  	s4 =	sadd.s32 @!p1 $0xFFFFF00F, s4  }
0x50f: {  	s5 =	sshll.u32 @!p1 s4, $0xA;
	s4 =	sshll.u32 @!p1 s4, $0x7  }
0x510: {  	[sflag:s2] =	ssyncset.done @!p0 $0x0;
	s5 =	sand.u32 @!p1 $0xFFFFE000, s5;
	s4 =	sand.u32 @!p1 $0x380, s4  }
0x511: {  	[sflag:s2] =	ssyncadd.s32 @!p0 $0xFFFFFC00;
	s2 =	sadd.s32 @!p1 s1, s22;
	s4 =	sor.u32 @!p1 s4, s5  }
0x512: {  	s11 =	simm.s32 @!p1 $0x0;
	s5 =	sadd.s32 @!p1 $0x40, s2;
	s10 =	sadd.s32 @!p1 $0x2000, s4  }
0x513: {  	[hbm4b:s5+s11] =	stream.linear.scatter @!p1 [tilespmem:s10], [sflag:$0xE], $0x80, $0x38;
	[tilespmem:$0x1E000] =	vst v63  }
0x514: {  	s5 =	sadd.s32 @!p1 $0x2400, s4;
	s10 =	sadd.s32 @!p1 $0xC0, s2  }
0x515: {  	[hbm4b:s10+s11] =	stream.linear.scatter @!p1 [tilespmem:s5], [sflag:$0xE], $0x80, $0x38;
	[tilespmem:$0x1E000] =	vst v63  }
0x516: {  	s5 =	sadd.s32 @!p1 $0x2800, s4;
	s10 =	sadd.s32 @!p1 $0x140, s2  }
0x517: {  	[hbm4b:s10+s11] =	stream.linear.scatter @!p1 [tilespmem:s5], [sflag:$0xE], $0x80, $0x38;
	[tilespmem:$0x1E000] =	vst v63  }
0x518: {  	s5 =	sadd.s32 @!p1 $0x2C00, s4;
	s10 =	sadd.s32 @!p1 $0x1C0, s2  }
0x519: {  	[hbm4b:s10+s11] =	stream.linear.scatter @!p1 [tilespmem:s5], [sflag:$0xE], $0x80, $0x38;
	[tilespmem:$0x1E000] =	vst v63  }
0x51a: {  	s5 =	sadd.s32 @!p1 $0x3000, s4;
	s10 =	sadd.s32 @!p1 $0x240, s2  }
0x51b: {  	[hbm4b:s10+s11] =	stream.linear.scatter @!p1 [tilespmem:s5], [sflag:$0xE], $0x80, $0x38;
	[tilespmem:$0x1E000] =	vst v63  }
0x51c: {  	s5 =	sadd.s32 @!p1 $0x3400, s4;
	s10 =	sadd.s32 @!p1 $0x2C0, s2  }
0x51d: {  	[hbm4b:s10+s11] =	stream.linear.scatter @!p1 [tilespmem:s5], [sflag:$0xE], $0x80, $0x38;
	[tilespmem:$0x1E000] =	vst v63  }
0x51e: {  	s5 =	sadd.s32 @!p1 $0x3800, s4;
	s10 =	sadd.s32 @!p1 $0x340, s2  }
0x51f: {  	[hbm4b:s10+s11] =	stream.linear.scatter @!p1 [tilespmem:s5], [sflag:$0xE], $0x80, $0x38;
	[tilespmem:$0x1E000] =	vst v63  }
0x520: {  	s4 =	sadd.s32 @!p1 $0x3C00, s4;
	s2 =	sadd.s32 @!p1 $0x3C0, s2  }
0x521: {  	[hbm4b:s2+s11] =	stream.linear.scatter @!p1 [tilespmem:s4], [sflag:$0xE], $0x80, $0x38;
	[tilespmem:$0x1E000] =	vst v63  }
0x522: {  	s2 =	simm.s32 @!p1 $0xE  }
0x523: {  	_ =	swait.ge @!p1 [sflag:s2], $0x400  }
0x524: {  	(v2sf) =	vpush v3, $0xD;
	_ =	sdelay $0xe  }
0x525: {  	s4 =	spop (v2sf)  }
0x526: {  	p0 =	slt.s32 s4, $0xFF1  }
0x527: {  	s4 =	sadd.s32 @!p0 $0xFFFFF00F, s4  }
0x528: {  	s5 =	sshll.u32 @!p0 s4, $0xA;
	s4 =	sshll.u32 @!p0 s4, $0x7  }
0x529: {  	[sflag:s2] =	ssyncset.done @!p1 $0x0;
	s5 =	sand.u32 @!p0 $0xFFFFE000, s5;
	s4 =	sand.u32 @!p0 $0x380, s4  }
0x52a: {  	[sflag:s2] =	ssyncadd.s32 @!p1 $0xFFFFFC00;
	s2 =	sadd.s32 @!p0 s1, s22;
	s4 =	sor.u32 @!p0 s4, s5  }
0x52b: {  	s11 =	simm.s32 @!p0 $0x0;
	s5 =	sadd.s32 @!p0 $0x50, s2;
	s10 =	sadd.s32 @!p0 $0x2000, s4  }
0x52c: {  	[hbm4b:s5+s11] =	stream.linear.scatter @!p0 [tilespmem:s10], [sflag:$0xE], $0x80, $0x38;
	[tilespmem:$0x1E000] =	vst v63  }
0x52d: {  	s5 =	sadd.s32 @!p0 $0x2400, s4;
	s10 =	sadd.s32 @!p0 $0xD0, s2  }
0x52e: {  	[hbm4b:s10+s11] =	stream.linear.scatter @!p0 [tilespmem:s5], [sflag:$0xE], $0x80, $0x38;
	[tilespmem:$0x1E000] =	vst v63  }
0x52f: {  	s5 =	sadd.s32 @!p0 $0x2800, s4;
	s10 =	sadd.s32 @!p0 $0x150, s2  }
0x530: {  	[hbm4b:s10+s11] =	stream.linear.scatter @!p0 [tilespmem:s5], [sflag:$0xE], $0x80, $0x38;
	[tilespmem:$0x1E000] =	vst v63  }
0x531: {  	s5 =	sadd.s32 @!p0 $0x2C00, s4;
	s10 =	sadd.s32 @!p0 $0x1D0, s2  }
0x532: {  	[hbm4b:s10+s11] =	stream.linear.scatter @!p0 [tilespmem:s5], [sflag:$0xE], $0x80, $0x38;
	[tilespmem:$0x1E000] =	vst v63  }
0x533: {  	s5 =	sadd.s32 @!p0 $0x3000, s4;
	s10 =	sadd.s32 @!p0 $0x250, s2  }
0x534: {  	[hbm4b:s10+s11] =	stream.linear.scatter @!p0 [tilespmem:s5], [sflag:$0xE], $0x80, $0x38;
	[tilespmem:$0x1E000] =	vst v63  }
0x535: {  	s5 =	sadd.s32 @!p0 $0x3400, s4;
	s10 =	sadd.s32 @!p0 $0x2D0, s2  }
0x536: {  	[hbm4b:s10+s11] =	stream.linear.scatter @!p0 [tilespmem:s5], [sflag:$0xE], $0x80, $0x38;
	[tilespmem:$0x1E000] =	vst v63  }
0x537: {  	s5 =	sadd.s32 @!p0 $0x3800, s4;
	s10 =	sadd.s32 @!p0 $0x350, s2  }
0x538: {  	[hbm4b:s10+s11] =	stream.linear.scatter @!p0 [tilespmem:s5], [sflag:$0xE], $0x80, $0x38;
	[tilespmem:$0x1E000] =	vst v63  }
0x539: {  	s4 =	sadd.s32 @!p0 $0x3C00, s4;
	s2 =	sadd.s32 @!p0 $0x3D0, s2  }
0x53a: {  	[hbm4b:s2+s11] =	stream.linear.scatter @!p0 [tilespmem:s4], [sflag:$0xE], $0x80, $0x38;
	[tilespmem:$0x1E000] =	vst v63  }
0x53b: {  	s2 =	simm.s32 @!p0 $0xE  }
0x53c: {  	_ =	swait.ge @!p0 [sflag:s2], $0x400  }
0x53d: {  	(v2sf) =	vpush v3, $0xE;
	_ =	sdelay $0xe  }
0x53e: {  	s4 =	spop (v2sf)  }
0x53f: {  	p1 =	slt.s32 s4, $0xFF1  }
0x540: {  	s4 =	sadd.s32 @!p1 $0xFFFFF00F, s4  }
0x541: {  	s5 =	sshll.u32 @!p1 s4, $0xA;
	s4 =	sshll.u32 @!p1 s4, $0x7  }
0x542: {  	[sflag:s2] =	ssyncset.done @!p0 $0x0;
	s5 =	sand.u32 @!p1 $0xFFFFE000, s5;
	s4 =	sand.u32 @!p1 $0x380, s4  }
0x543: {  	[sflag:s2] =	ssyncadd.s32 @!p0 $0xFFFFFC00;
	s2 =	sadd.s32 @!p1 s1, s22;
	s4 =	sor.u32 @!p1 s4, s5  }
0x544: {  	s11 =	simm.s32 @!p1 $0x0;
	s5 =	sadd.s32 @!p1 $0x60, s2;
	s10 =	sadd.s32 @!p1 $0x2000, s4  }
0x545: {  	[hbm4b:s5+s11] =	stream.linear.scatter @!p1 [tilespmem:s10], [sflag:$0xE], $0x80, $0x38;
	[tilespmem:$0x1E000] =	vst v63  }
0x546: {  	s5 =	sadd.s32 @!p1 $0x2400, s4;
	s10 =	sadd.s32 @!p1 $0xE0, s2  }
0x547: {  	[hbm4b:s10+s11] =	stream.linear.scatter @!p1 [tilespmem:s5], [sflag:$0xE], $0x80, $0x38;
	[tilespmem:$0x1E000] =	vst v63  }
0x548: {  	s5 =	sadd.s32 @!p1 $0x2800, s4;
	s10 =	sadd.s32 @!p1 $0x160, s2  }
0x549: {  	[hbm4b:s10+s11] =	stream.linear.scatter @!p1 [tilespmem:s5], [sflag:$0xE], $0x80, $0x38;
	[tilespmem:$0x1E000] =	vst v63  }
0x54a: {  	s5 =	sadd.s32 @!p1 $0x2C00, s4;
	s10 =	sadd.s32 @!p1 $0x1E0, s2  }
0x54b: {  	[hbm4b:s10+s11] =	stream.linear.scatter @!p1 [tilespmem:s5], [sflag:$0xE], $0x80, $0x38;
	[tilespmem:$0x1E000] =	vst v63  }
0x54c: {  	s5 =	sadd.s32 @!p1 $0x3000, s4;
	s10 =	sadd.s32 @!p1 $0x260, s2  }
0x54d: {  	[hbm4b:s10+s11] =	stream.linear.scatter @!p1 [tilespmem:s5], [sflag:$0xE], $0x80, $0x38;
	[tilespmem:$0x1E000] =	vst v63  }
0x54e: {  	s5 =	sadd.s32 @!p1 $0x3400, s4;
	s10 =	sadd.s32 @!p1 $0x2E0, s2  }
0x54f: {  	[hbm4b:s10+s11] =	stream.linear.scatter @!p1 [tilespmem:s5], [sflag:$0xE], $0x80, $0x38;
	[tilespmem:$0x1E000] =	vst v63  }
0x550: {  	s5 =	sadd.s32 @!p1 $0x3800, s4;
	s10 =	sadd.s32 @!p1 $0x360, s2  }
0x551: {  	[hbm4b:s10+s11] =	stream.linear.scatter @!p1 [tilespmem:s5], [sflag:$0xE], $0x80, $0x38;
	[tilespmem:$0x1E000] =	vst v63  }
0x552: {  	s4 =	sadd.s32 @!p1 $0x3C00, s4;
	s2 =	sadd.s32 @!p1 $0x3E0, s2  }
0x553: {  	[hbm4b:s2+s11] =	stream.linear.scatter @!p1 [tilespmem:s4], [sflag:$0xE], $0x80, $0x38;
	[tilespmem:$0x1E000] =	vst v63  }
0x554: {  	s2 =	simm.s32 @!p1 $0xE  }
0x555: {  	_ =	swait.ge @!p1 [sflag:s2], $0x400  }
0x556: {  	(v2sf) =	vpush v3, $0xF;
	_ =	sdelay $0xe  }
0x557: {  	s4 =	spop (v2sf)  }
0x558: {  	p0 =	slt.s32 s4, $0xFF1  }
0x559: {  	s4 =	sadd.s32 @!p0 $0xFFFFF00F, s4  }
0x55a: {  	s5 =	sshll.u32 @!p0 s4, $0xA;
	s4 =	sshll.u32 @!p0 s4, $0x7  }
0x55b: {  	[sflag:s2] =	ssyncset.done @!p1 $0x0;
	s5 =	sand.u32 @!p0 $0xFFFFE000, s5;
	s4 =	sand.u32 @!p0 $0x380, s4  }
0x55c: {  	[sflag:s2] =	ssyncadd.s32 @!p1 $0xFFFFFC00;
	s2 =	sadd.s32 @!p0 s1, s22;
	s4 =	sor.u32 @!p0 s4, s5  }
0x55d: {  	s11 =	simm.s32 @!p0 $0x0;
	s5 =	sadd.s32 @!p0 $0x70, s2;
	s10 =	sadd.s32 @!p0 $0x2000, s4  }
0x55e: {  	[hbm4b:s5+s11] =	stream.linear.scatter @!p0 [tilespmem:s10], [sflag:$0xD], $0x80, $0x38;
	[tilespmem:$0x1E000] =	vst v63  }
0x55f: {  	s5 =	sadd.s32 @!p0 $0x2400, s4;
	s10 =	sadd.s32 @!p0 $0xF0, s2  }
0x560: {  	[hbm4b:s10+s11] =	stream.linear.scatter @!p0 [tilespmem:s5], [sflag:$0xD], $0x80, $0x38;
	[tilespmem:$0x1E000] =	vst v63  }
0x561: {  	s5 =	sadd.s32 @!p0 $0x2800, s4;
	s10 =	sadd.s32 @!p0 $0x170, s2  }
0x562: {  	[hbm4b:s10+s11] =	stream.linear.scatter @!p0 [tilespmem:s5], [sflag:$0xD], $0x80, $0x38;
	[tilespmem:$0x1E000] =	vst v63  }
0x563: {  	s5 =	sadd.s32 @!p0 $0x2C00, s4;
	s10 =	sadd.s32 @!p0 $0x1F0, s2  }
0x564: {  	[hbm4b:s10+s11] =	stream.linear.scatter @!p0 [tilespmem:s5], [sflag:$0xD], $0x80, $0x38;
	[tilespmem:$0x1E000] =	vst v63  }
0x565: {  	s5 =	sadd.s32 @!p0 $0x3000, s4;
	s10 =	sadd.s32 @!p0 $0x270, s2  }
0x566: {  	[hbm4b:s10+s11] =	stream.linear.scatter @!p0 [tilespmem:s5], [sflag:$0xD], $0x80, $0x38;
	[tilespmem:$0x1E000] =	vst v63  }
0x567: {  	s5 =	sadd.s32 @!p0 $0x3400, s4;
	s10 =	sadd.s32 @!p0 $0x2F0, s2  }
0x568: {  	[hbm4b:s10+s11] =	stream.linear.scatter @!p0 [tilespmem:s5], [sflag:$0xD], $0x80, $0x38;
	[tilespmem:$0x1E000] =	vst v63  }
0x569: {  	s5 =	sadd.s32 @!p0 $0x3800, s4;
	s10 =	sadd.s32 @!p0 $0x370, s2  }
0x56a: {  	[hbm4b:s10+s11] =	stream.linear.scatter @!p0 [tilespmem:s5], [sflag:$0xD], $0x80, $0x38;
	[tilespmem:$0x1E000] =	vst v63  }
0x56b: {  	s4 =	sadd.s32 @!p0 $0x3C00, s4;
	s2 =	sadd.s32 @!p0 $0x3F0, s2  }
0x56c: {  	[hbm4b:s2+s11] =	stream.linear.scatter @!p0 [tilespmem:s4], [sflag:$0xD], $0x80, $0x38;
	[tilespmem:$0x1E000] =	vst v63  }
.Ltmp6:
0x56d: {  	_ = 	snop;
	(pc) =	sbr.rel .LBB2_6-.Ltmp6, $4  }
0x56e: {  	s2 =	simm.s32 @!p0 $0xD  }
0x56f: {  	_ =	swait.ge @!p0 [sflag:s2], $0x400  }
0x570: {  	[sflag:s2] =	ssyncset.done @!p0 $0x0  }
0x571: {  	[sflag:s2] =	ssyncadd.s32 @!p0 $0xFFFFFC00  }
.LBB2_8:
0x572: {  	_ =	sfence.sel $0x180000  }
0x573: {  	[bflag:$0x0] =	sbarrier.arrive $0xFFFF  }
0x574: {  	_ =	strace $0x90000047  }
0x575: {  	s0 =	stileid.u32;
	[bflag:$0x2] =	sbarrier.arrive $0xFFFF  }
0x576: {  	p0 =	sne.s32 s0, $0x0;
	s0 =	rddreg [dreg:$0x2]  }
0x577: {  	s0 =	sadd.s32 @!p0 $0x100000, s0  }
0x578: {  	[sflag:s0] =	ssyncadd.tile.s32 @!p0 $0x1;
	_ =	shalt  }
.Lfunc_end2:
_tile_overlayer_lowered:
.L_overlay_start_2:
0x579: {  	(tag) =	ssettag $0x2  }
0x57a: {  	s0 =	rddreg [dreg:$0x0];
	s2 =	stileid.u32  }
0x57b: {  	s1 =	rddreg [dreg:$0x1];
	p0 =	sne.s32 s2, $0x0  }
0x57c: {  	s3 =	rddreg [dreg:$0x2];
	[bflag:$0x3] =	sbarrier.arrive $0xFFFF;
	s2 =	simm.s32 @!p0 $0x1C0D  }
0x57d: {  	[timem:s3], [sflag:s2] =	dma.local @!p0 [hbm:s0], s1  }
0x57e: {  	s0 =	simm.s32 @!p0 $0xD  }
0x57f: {  	_ =	swait.ge @!p0 [sflag:s0], s1  }
0x580: {  	s1 =	ssub.s32 @!p0 $0x0, s1;
	[sflag:s0] =	ssyncset.done @!p0 $0x0  }
0x581: {  	[sflag:s0] =	ssyncadd.s32 @!p0 s1  }
0x582: {  	[bflag:$0x3] =	sbarrier.arrive $0xFFFF  }
0x583: {  	_ =	shalt  }

</sc_bundles>
